<compile_context>
chip_gen: v7x
topology: tpu7x:2x2x1
jax: 0.10.2.dev20260603
libtpu: 0.0.44.dev20260713+nightly
codegen_flags: <defaults>
</compile_context>

<pallas_src>
import functools

import jax
import jax.numpy as jnp
from jax import lax
from jax.experimental import pallas as pl
from jax.experimental.pallas import tpu as pltpu, tpu_sc as plsc

N = 10000
NPAD = 10240
E = 160000
EPAD = 161280
D = 256
H = 128
TRASH = 10016
CK = 112
EPT = EPAD // 16
NCH = EPT // CK
RPT = NPAD // 16
XPT = NPAD // 32
XCK = 80
DCK = 80
ACC_R = 10112
RPA = ACC_R // 16

_mesh = plsc.VectorSubcoreMesh(core_axis_name="c", subcore_axis_name="s")
f32 = jnp.float32


def _prep_body(xp, emb, dstp, zeros1, h0, deg, deg_sh, rows_a, rows_b, xi,
               da, db, ones_v, sem_a, sem_b, ta, tb):
    c = lax.axis_index("c")
    s = lax.axis_index("s")
    wid = s * 2 + c
    for i in range(DCK // 16):
        ones_v[pl.ds(i * 16, 16)] = jnp.ones((16,), f32)
    pltpu.sync_copy(xp.at[pl.ds(wid * XPT, XPT)], xi)
    rbufs = (rows_a, rows_b)
    rsems = (sem_a, sem_b)
    nx = XPT // XCK
    for j in range(min(2, nx)):
        pltpu.async_copy(emb.at[xi.at[pl.ds(j * XCK, XCK)]],
                         rbufs[j % 2], rsems[j % 2])
    for j in range(nx):
        off = wid * XPT + j * XCK
        pltpu.make_async_copy(emb.at[xi.at[pl.ds(0, XCK)]], rbufs[j % 2],
                              rsems[j % 2]).wait()
        pltpu.sync_copy(rbufs[j % 2], h0.at[pl.ds(off, XCK)])
        if j + 2 < nx:
            pltpu.async_copy(emb.at[xi.at[pl.ds((j + 2) * XCK, XCK)]],
                             rbufs[j % 2], rsems[j % 2])

    pltpu.sync_copy(zeros1.at[pl.ds(0, RPT)], deg_sh.at[pl.ds(s * RPT, RPT)])
    plsc.subcore_barrier()
    ehalf = EPAD // 2
    base = c * ehalf + s * (ehalf // 16)
    nd = ehalf // 16 // DCK
    dbufs = (da, db)
    dsems = (ta, tb)

    def dload(j, b):
        pltpu.async_copy(dstp.at[pl.ds(base + j * DCK, DCK)], dbufs[b],
                         dsems[b])

    def dwait(b):
        pltpu.make_async_copy(dstp.at[pl.ds(0, DCK)], dbufs[b],
                              dsems[b]).wait()

    dload(0, 0)
    dload(1, 1)

    def body(gi, carry):
        j0 = 2 * gi
        for b in range(2):
            dwait(b)
            pltpu.sync_copy(ones_v, deg_sh.at[dbufs[b]], add=True)
            jn = j0 + b + 2

            @pl.when(jn < nd)
            def _():
                dload(jn, b)
        return carry
    lax.fori_loop(0, nd // 2, body, 0)
    if nd % 2 == 1:
        dwait(0)
        pltpu.sync_copy(ones_v, deg_sh.at[dbufs[0]], add=True)
    plsc.subcore_barrier()
    pltpu.sync_copy(deg_sh.at[pl.ds(s * RPT, RPT)],
                    deg.at[pl.ds(c * NPAD + s * RPT, RPT)])


_prep = pl.kernel(
    _prep_body,
    out_type=(jax.ShapeDtypeStruct((NPAD, D), f32),
              jax.ShapeDtypeStruct((2 * NPAD,), f32)),
    mesh=_mesh,
    scratch_types=[pltpu.VMEM_SHARED((NPAD,), f32),
                   pltpu.VMEM((XCK, D), f32),
                   pltpu.VMEM((XCK, D), f32),
                   pltpu.VMEM((XPT,), jnp.int32),
                   pltpu.VMEM((DCK,), jnp.int32),
                   pltpu.VMEM((DCK,), jnp.int32),
                   pltpu.VMEM((DCK,), f32),
                   pltpu.SemaphoreType.DMA,
                   pltpu.SemaphoreType.DMA,
                   pltpu.SemaphoreType.DMA,
                   pltpu.SemaphoreType.DMA],
)


NB = 2


def _msg_body(hw_flat, src4, dst4, zeros_h, acc2, acc_sh, r0, r1,
              sidx, didx, g0, g1, s0, s1):
    c = lax.axis_index("c")
    s = lax.axis_index("s")
    w = c * 16 + s
    pltpu.sync_copy(src4.at[pl.ds(w * EPT, EPT)], sidx)
    pltpu.sync_copy(dst4.at[pl.ds(s * EPT, EPT)], didx)
    pltpu.sync_copy(zeros_h, acc_sh.at[pl.ds(s * RPA, RPA)])
    plsc.subcore_barrier()

    bufs = (r0, r1)
    gsems = (g0, g1)
    ssems = (s0, s1)

    def gather(j, b):
        pltpu.async_copy(hw_flat.at[sidx.at[pl.ds(j * CK, CK)]], bufs[b],
                         gsems[b])

    def gather_wait(b):
        pltpu.make_async_copy(hw_flat.at[sidx.at[pl.ds(0, CK)]], bufs[b],
                              gsems[b]).wait()

    def scat(j, b):
        pltpu.async_copy(bufs[b], acc_sh.at[didx.at[pl.ds(j * CK, CK)]],
                         ssems[b], add=True)

    def scat_wait(b):
        pltpu.make_async_copy(bufs[b], acc_sh.at[didx.at[pl.ds(0, CK)]],
                              ssems[b]).wait()

    for b in range(NB):
        gather(b, b)

    def body(gi, carry):
        j0 = NB * gi
        for b in range(NB):
            gather_wait(b)
            scat(j0 + b, b)
        for b in range(NB):
            jn = j0 + b + NB
            scat_wait(b)

            @pl.when(jn < NCH)
            def _():
                gather(jn, b)
        return carry
    lax.fori_loop(0, NCH // NB, body, 0)
    plsc.subcore_barrier()
    pltpu.sync_copy(acc_sh.at[pl.ds(s * RPA, RPA)],
                    acc2.at[pl.ds(c * NPAD + s * RPA, RPA)])


_msg = pl.kernel(
    _msg_body,
    out_type=jax.ShapeDtypeStruct((2 * NPAD, H), f32),
    mesh=_mesh,
    scratch_types=[pltpu.VMEM_SHARED((ACC_R, H), f32)]
                  + [pltpu.VMEM((CK, H), f32)] * NB
                  + [pltpu.VMEM((EPT,), jnp.int32)] * 2
                  + [pltpu.SemaphoreType.DMA] * (2 * NB),
)


def _msg2_body(hwm_flat, hwl_flat, src4, dst4, zeros_h, accm2, accl2,
               acc_sh, r0, r1, sidx, didx, g0, g1, s0, s1):
    c = lax.axis_index("c")
    s = lax.axis_index("s")
    w = c * 16 + s
    pltpu.sync_copy(src4.at[pl.ds(w * EPT, EPT)], sidx)
    pltpu.sync_copy(dst4.at[pl.ds(s * EPT, EPT)], didx)

    bufs = (r0, r1)
    gsems = (g0, g1)
    ssems = (s0, s1)

    for hw_flat, acc2 in ((hwm_flat, accm2), (hwl_flat, accl2)):
        pltpu.sync_copy(zeros_h, acc_sh.at[pl.ds(s * RPA, RPA)])
        plsc.subcore_barrier()

        def gather(j, b):
            pltpu.async_copy(hw_flat.at[sidx.at[pl.ds(j * CK, CK)]],
                             bufs[b], gsems[b])

        def gather_wait(b):
            pltpu.make_async_copy(hw_flat.at[sidx.at[pl.ds(0, CK)]],
                                  bufs[b], gsems[b]).wait()

        def scat(j, b):
            pltpu.async_copy(bufs[b], acc_sh.at[didx.at[pl.ds(j * CK, CK)]],
                             ssems[b], add=True)

        def scat_wait(b):
            pltpu.make_async_copy(bufs[b], acc_sh.at[didx.at[pl.ds(0, CK)]],
                                  ssems[b]).wait()

        for b in range(NB):
            gather(b, b)

        def body(gi, carry):
            j0 = NB * gi
            for b in range(NB):
                gather_wait(b)
                scat(j0 + b, b)
            for b in range(NB):
                jn = j0 + b + NB
                scat_wait(b)

                @pl.when(jn < NCH)
                def _():
                    gather(jn, b)
            return carry
        lax.fori_loop(0, NCH // NB, body, 0)
        plsc.subcore_barrier()
        pltpu.sync_copy(acc_sh.at[pl.ds(s * RPA, RPA)],
                        acc2.at[pl.ds(c * NPAD + s * RPA, RPA)])
        plsc.subcore_barrier()


_msg2 = pl.kernel(
    _msg2_body,
    out_type=(jax.ShapeDtypeStruct((2 * NPAD, H), f32),) * 2,
    mesh=_mesh,
    scratch_types=[pltpu.VMEM_SHARED((ACC_R, H), f32)]
                  + [pltpu.VMEM((CK, H), f32)] * NB
                  + [pltpu.VMEM((EPT,), jnp.int32)] * 2
                  + [pltpu.SemaphoreType.DMA] * (2 * NB),
)


_GRID = NPAD // 256


def _k1_first_body(h_ref, w_ref, deg_ref, hw_ref, dv_ref):
    dinv = lax.rsqrt(deg_ref[...] + 1.0)
    hw = jnp.dot(h_ref[...].astype(jnp.bfloat16), w_ref[...].astype(jnp.bfloat16),
                 preferred_element_type=f32)
    dinvb = jnp.concatenate([dinv, dinv], axis=1)
    hw_ref[...] = (hw * dinvb).reshape(256, 2, H)
    dv_ref[...] = dinv


def _k1_first(h0, W0, degb):
    return pl.pallas_call(
        _k1_first_body,
        grid=(_GRID,),
        in_specs=[pl.BlockSpec((256, D), lambda i: (i, 0)),
                  pl.BlockSpec((D, D), lambda i: (0, 0)),
                  pl.BlockSpec((256, H), lambda i: (i, 0))],
        out_specs=[pl.BlockSpec((256, 2, H), lambda i: (i, 0, 0)),
                   pl.BlockSpec((256, H), lambda i: (i, 0))],
        out_shape=[jax.ShapeDtypeStruct((NPAD, 2, H), f32),
                   jax.ShapeDtypeStruct((NPAD, H), f32)],
    )(h0, W0, degb)


def _k2_body(aL, aR, h3, dv, b, z_ref, st_ref):
    pid = pl.program_id(0)
    dinv = dv[...]
    hw = h3[...]
    zL = dinv * (aL[...] + hw[:, 0, :])
    zR = dinv * (aR[...] + hw[:, 1, :])
    z = jnp.concatenate([zL, zR], axis=1) + b[...]
    z_ref[...] = z
    rows = pid * 256 + lax.broadcasted_iota(jnp.int32, (256, 1), 0)
    zm = jnp.where(rows < N, z, 0.0)
    s1 = jnp.sum(zm, axis=0, keepdims=True)
    s2 = jnp.sum(zm * zm, axis=0, keepdims=True)
    part = jnp.concatenate([jnp.broadcast_to(s1, (4, D)),
                            jnp.broadcast_to(s2, (4, D))], axis=0)

    @pl.when(pid == 0)
    def _():
        st_ref[...] = jnp.zeros((8, D), f32)
    st_ref[...] += part


def _k2(acc2, hw3, dv, b):
    return pl.pallas_call(
        _k2_body,
        grid=(_GRID,),
        in_specs=[pl.BlockSpec((256, H), lambda i: (i, 0)),
                  pl.BlockSpec((256, H), lambda i: (i + _GRID, 0)),
                  pl.BlockSpec((256, 2, H), lambda i: (i, 0, 0)),
                  pl.BlockSpec((256, H), lambda i: (i, 0)),
                  pl.BlockSpec((1, D), lambda i: (0, 0))],
        out_specs=[pl.BlockSpec((256, D), lambda i: (i, 0)),
                   pl.BlockSpec((8, D), lambda i: (0, 0))],
        out_shape=[jax.ShapeDtypeStruct((NPAD, D), f32),
                   jax.ShapeDtypeStruct((8, D), f32)],
        compiler_params=pltpu.CompilerParams(
            dimension_semantics=("arbitrary",)),
    )(acc2, acc2, hw3, dv, b)


def _bn_relu(z_ref, st_ref, g_ref, be_ref):
    st = st_ref[...]
    mu = st[0:1, :] * (1.0 / N)
    ex2 = st[4:5, :] * (1.0 / N)
    var = ex2 - mu * mu
    scale = g_ref[...] * lax.rsqrt(var + 1e-5)
    return jnp.maximum(scale * (z_ref[...] - mu) + be_ref[...], 0.0)


def _k1_body(z_ref, st_ref, g_ref, be_ref, w_ref, dv_ref, hw_ref):
    h = _bn_relu(z_ref, st_ref, g_ref, be_ref)
    hw = jnp.dot(h, w_ref[...], preferred_element_type=f32)
    dinv = dv_ref[...]
    dinvb = jnp.concatenate([dinv, dinv], axis=1)
    hw_ref[...] = (hw * dinvb).reshape(256, 2, H)


def _k1(z, st, g, be, W, dv):
    return pl.pallas_call(
        _k1_body,
        grid=(_GRID,),
        in_specs=[pl.BlockSpec((256, D), lambda i: (i, 0)),
                  pl.BlockSpec((8, D), lambda i: (0, 0)),
                  pl.BlockSpec((1, D), lambda i: (0, 0)),
                  pl.BlockSpec((1, D), lambda i: (0, 0)),
                  pl.BlockSpec((D, D), lambda i: (0, 0)),
                  pl.BlockSpec((256, H), lambda i: (i, 0))],
        out_specs=[pl.BlockSpec((256, 2, H), lambda i: (i, 0, 0))],
        out_shape=[jax.ShapeDtypeStruct((NPAD, 2, H), f32)],
    )(z, st, g, be, W, dv)[0]


def _k1_final_body(z_ref, st_ref, g_ref, be_ref, w_ref, dv_ref,
                   hm_ref, hl_ref):
    h = _bn_relu(z_ref, st_ref, g_ref, be_ref)
    hw = jnp.dot(h, w_ref[...], preferred_element_type=f32)
    dinv = dv_ref[...]
    dinvb = jnp.concatenate([dinv, dinv], axis=1)
    hm_ref[...] = (hw[:, :D] * dinvb).reshape(256, 2, H)
    hl_ref[...] = (hw[:, D:] * dinvb).reshape(256, 2, H)


def _k1_final(z, st, g, be, Wml, dv):
    return pl.pallas_call(
        _k1_final_body,
        grid=(_GRID,),
        in_specs=[pl.BlockSpec((256, D), lambda i: (i, 0)),
                  pl.BlockSpec((8, D), lambda i: (0, 0)),
                  pl.BlockSpec((1, D), lambda i: (0, 0)),
                  pl.BlockSpec((1, D), lambda i: (0, 0)),
                  pl.BlockSpec((D, 2 * D), lambda i: (0, 0)),
                  pl.BlockSpec((256, H), lambda i: (i, 0))],
        out_specs=[pl.BlockSpec((256, 2, H), lambda i: (i, 0, 0))] * 2,
        out_shape=[jax.ShapeDtypeStruct((NPAD, 2, H), f32)] * 2,
    )(z, st, g, be, Wml, dv)




def _fused_body(aL, aR, h3, dv, b, g, be, w_ref, *rest):
    outs = rest[:-2]
    z_sc, st_sc = rest[-2:]
    t = pl.program_id(0)
    i = pl.program_id(1)

    @pl.when(t == 0)
    def _():
        dinv = dv[...]
        hw = h3[...]
        zL = dinv * (aL[...] + hw[:, 0, :])
        zR = dinv * (aR[...] + hw[:, 1, :])
        z = jnp.concatenate([zL, zR], axis=1) + b[...]
        z_sc[pl.ds(i * 256, 256), :] = z
        rows = i * 256 + lax.broadcasted_iota(jnp.int32, (256, 1), 0)
        zm = jnp.where(rows < N, z, 0.0)
        s1 = jnp.sum(zm, axis=0, keepdims=True)
        s2 = jnp.sum(zm * zm, axis=0, keepdims=True)
        part = jnp.concatenate([jnp.broadcast_to(s1, (4, D)),
                                jnp.broadcast_to(s2, (4, D))], axis=0)

        @pl.when(i == 0)
        def _():
            st_sc[...] = jnp.zeros((8, D), f32)
        st_sc[...] += part

    @pl.when(t == 1)
    def _():
        st = st_sc[...]
        mu = st[0:1, :] * (1.0 / N)
        ex2 = st[4:5, :] * (1.0 / N)
        var = ex2 - mu * mu
        scale = g[...] * lax.rsqrt(var + 1e-5)
        z = z_sc[pl.ds(i * 256, 256), :]
        h = jnp.maximum(scale * (z - mu) + be[...], 0.0)
        hw = jnp.dot(h.astype(jnp.bfloat16), w_ref[...].astype(jnp.bfloat16),
                     preferred_element_type=f32)
        dinv = dv[...]
        dinvb = jnp.concatenate([dinv, dinv], axis=1)
        nw = w_ref.shape[1] // D
        for k in range(nw):
            outs[k][...] = (hw[:, k * D:(k + 1) * D] * dinvb).reshape(256, 2, H)


def _fused(acc2, hw3, dv, b, g, be, W):
    nw = W.shape[1] // D
    bi = lambda t, i: ((1 - t) * i, 0)
    bi3 = lambda t, i: ((1 - t) * i, 0, 0)
    ba = lambda t, i: (i, 0)
    bc = lambda t, i: (0, 0)
    return pl.pallas_call(
        _fused_body,
        grid=(2, _GRID),
        in_specs=[pl.BlockSpec((256, H), bi),
                  pl.BlockSpec((256, H), lambda t, i: ((1 - t) * i + _GRID, 0)),
                  pl.BlockSpec((256, 2, H), bi3),
                  pl.BlockSpec((256, H), ba),
                  pl.BlockSpec((1, D), bc),
                  pl.BlockSpec((1, D), bc),
                  pl.BlockSpec((1, D), bc),
                  pl.BlockSpec((D, nw * D), bc)],
        out_specs=[pl.BlockSpec((256, 2, H), lambda t, i: (i, 0, 0))] * nw,
        out_shape=[jax.ShapeDtypeStruct((NPAD, 2, H), f32)] * nw,
        scratch_shapes=[pltpu.VMEM((NPAD, D), f32),
                        pltpu.VMEM((8, D), f32)],
        compiler_params=pltpu.CompilerParams(
            dimension_semantics=("arbitrary", "arbitrary")),
    )(acc2, acc2, hw3, dv, b, g, be, W)


def _k2_final_body(amL, amR, alL, alR, hm3, hl3, dv, bm, bl, mu_ref, ls_ref):
    dinv = dv[...]
    hm = hm3[...]
    hl = hl3[...]
    muL = dinv * (amL[...] + hm[:, 0, :])
    muR = dinv * (amR[...] + hm[:, 1, :])
    lsL = dinv * (alL[...] + hl[:, 0, :])
    lsR = dinv * (alR[...] + hl[:, 1, :])
    mu_ref[...] = jnp.concatenate([muL, muR], axis=1) + bm[...]
    ls_ref[...] = jnp.concatenate([lsL, lsR], axis=1) + bl[...]


def _k2_final(accm2, accl2, hm3, hl3, dv, bm, bl):
    bsl = pl.BlockSpec((256, H), lambda i: (i, 0))
    bsr = pl.BlockSpec((256, H), lambda i: (i + _GRID, 0))
    bs3 = pl.BlockSpec((256, 2, H), lambda i: (i, 0, 0))
    bb = pl.BlockSpec((1, D), lambda i: (0, 0))
    return pl.pallas_call(
        _k2_final_body,
        grid=(_GRID,),
        in_specs=[bsl, bsr, bsl, bsr, bs3, bs3, bsl, bb, bb],
        out_specs=[pl.BlockSpec((256, D), lambda i: (i, 0))] * 2,
        out_shape=[jax.ShapeDtypeStruct((NPAD, D), f32)] * 2,
    )(accm2, accm2, accl2, accl2, hm3, hl3, dv, bm, bl)


def kernel(x, edge_index, emb, convW, convB, bnG, bnB, Wmu, bmu, Wls, bls):
    src, dst = edge_index[0], edge_index[1]
    srcp = jnp.concatenate([src, jnp.zeros((EPAD - E,), jnp.int32)])
    dstp = jnp.concatenate([dst, jnp.full((EPAD - E,), TRASH, jnp.int32)])
    src4 = jnp.concatenate([2 * srcp, 2 * srcp + 1])
    xp = jnp.concatenate([x, jnp.zeros((NPAD - N,), jnp.int32)])
    zeros1 = jnp.zeros((RPT,), f32)
    zeros_h = jnp.zeros((RPA, H), f32)

    h0, deg2 = _prep(xp, emb, dstp, zeros1)
    degb = jnp.broadcast_to((deg2[:NPAD] + deg2[NPAD:])[:, None], (NPAD, H))

    hw3, dv = _k1_first(h0, convW[0], degb)
    Wml = jnp.concatenate([Wmu, Wls], axis=1)
    for i in range(4):
        acc2 = _msg(hw3.reshape(2 * NPAD, H), src4, dstp, zeros_h)
        W_next = convW[i + 1] if i < 3 else Wml
        outs = _fused(acc2, hw3, dv, convB[i][None, :], bnG[i][None, :],
                      bnB[i][None, :], W_next)
        if i < 3:
            hw3 = outs[0]
        else:
            hm3, hl3 = outs
    accm2, accl2 = _msg2(hm3.reshape(2 * NPAD, H), hl3.reshape(2 * NPAD, H),
                         src4, dstp, zeros_h)
    mu_out, ls_out = _k2_final(accm2, accl2, hm3, hl3, dv,
                               bmu[None, :], bls[None, :])
    return mu_out[:N], ls_out[:N]

# --- scband reference (transcript-rebuilt; emitter-appended) ---
"""Pipeline reference for scband-g3-median-gcnconv-20469814133061 (READ-ONLY COPY).

The authoritative reference and input builder live on the scoring server;
editing this copy changes nothing except your own understanding.
"""

import jax, jax.numpy as jnp
import numpy as np

N = 10000
E = 160000
D_IN = 256
D_OUT = 256

def setup_inputs(seed: int = 0):
    key = jax.random.key(seed)
    ks = jax.random.split(key, 12)
    x = jax.random.randint(ks[0], (N,), 0, 10000, dtype=jnp.int32)
    edge_index = jax.random.randint(ks[1], (2, E), 0, N, dtype=jnp.int32)
    emb = jax.random.normal(ks[2], (10000, D_IN), dtype=jnp.float32) * 0.05
    convW = jax.random.normal(ks[3], (4, D_IN, D_IN), dtype=jnp.float32) * (1.0 / np.sqrt(D_IN))
    convB = jnp.zeros((4, D_IN), dtype=jnp.float32)
    bnG = jnp.ones((4, D_IN), dtype=jnp.float32)
    bnB = jnp.zeros((4, D_IN), dtype=jnp.float32)
    Wmu = jax.random.normal(ks[4], (D_IN, D_OUT), dtype=jnp.float32) * (1.0 / np.sqrt(D_IN))
    bmu = jnp.zeros((D_OUT,), dtype=jnp.float32)
    Wls = jax.random.normal(ks[5], (D_IN, D_OUT), dtype=jnp.float32) * (1.0 / np.sqrt(D_IN))
    bls = jnp.zeros((D_OUT,), dtype=jnp.float32)
    return {"x": x, "edge_index": edge_index, "emb": emb, "convW": convW, "convB": convB, "bnG": bnG, "bnB": bnB, "Wmu": Wmu, "bmu": bmu, "Wls": Wls, "bls": bls}

def _gcn_conv(h, src, dst, W, b):
    # GCNConv with added self-loops and symmetric D^{-1/2} (A+I) D^{-1/2} normalization
    deg = jnp.zeros((N,), h.dtype).at[dst].add(1.0)
    dinv = jnp.where(deg > 0, 1.0 / jnp.sqrt(deg), 0.0)
    norm = dinv[src] * dinv[dst]
    hw = h @ W
    out = jnp.zeros((N, W.shape[1]), h.dtype).at[dst].add(hw[src] * norm[:, None])
    return out + b

def _batch_norm(h, g, be):
    # torch_geometric BatchNorm over the node dimension (training-mode batch stats)
    mu = h.mean(axis=0)
    var = h.var(axis=0)
    return g * (h - mu) / jnp.sqrt(var + 1e-5) + be

def reference(x, edge_index, emb, convW, convB, bnG, bnB, Wmu, bmu, Wls, bls):
    loop = jnp.arange(N, dtype=edge_index.dtype)
    src = jnp.concatenate([edge_index[0], loop])
    dst = jnp.concatenate([edge_index[1], loop])
    h = emb[x]
    for i in range(4):
        h = jax.nn.relu(_batch_norm(_gcn_conv(h, src, dst, convW[i], convB[i]), bnG[i], bnB[i]))
    mu_out = _gcn_conv(h, src, dst, Wmu, bmu)
    logstd_out = _gcn_conv(h, src, dst, Wls, bls)
    return (mu_out, logstd_out)

if __name__ == "__main__":
    import jax
    _d = setup_inputs()
    print(jax.jit(kernel)(*tuple(_d.values())))

</pallas_src>

<mosaic_0001>
#map = affine_map<(d0, d1) -> (0, 0)>
#map1 = affine_map<(d0, d1) -> (0)>
module attributes {stable_mosaic.version = 14 : i64} {
  func.func @_msg_body(%arg0: i32, %arg1: i32, %arg2: memref<20480x128xf32, #tpu.memory_space<hbm>>, %arg3: memref<322560xi32, #tpu.memory_space<hbm>>, %arg4: memref<161280xi32, #tpu.memory_space<hbm>>, %arg5: memref<632x128xf32, #tpu.memory_space<hbm>>, %arg6: memref<20480x128xf32, #tpu.memory_space<hbm>>, %arg7: memref<10112x128xf32, #tpu.memory_space<vmem_shared>>, %arg8: memref<112x128xf32, #tpu.memory_space<vmem>>, %arg9: memref<112x128xf32, #tpu.memory_space<vmem>>, %arg10: memref<10080xi32, #tpu.memory_space<vmem>>, %arg11: memref<10080xi32, #tpu.memory_space<vmem>>, %arg12: memref<!tpu.dma_semaphore, #tpu.memory_space<semaphore_mem>>, %arg13: memref<!tpu.dma_semaphore, #tpu.memory_space<semaphore_mem>>, %arg14: memref<!tpu.dma_semaphore, #tpu.memory_space<semaphore_mem>>, %arg15: memref<!tpu.dma_semaphore, #tpu.memory_space<semaphore_mem>>) attributes {dimension_semantics = [#tpu.dimension_semantics<core_parallel>, #tpu.dimension_semantics<subcore_parallel>], iteration_bounds = array<i64: 2, 16>, scalar_prefetch = 0 : i64, scratch_operands = 9 : i64, tpu.core_type = #tpu.core_type<sc_vector_subcore>, window_params = [{transform_indices = #map}, {transform_indices = #map1}, {transform_indices = #map1}, {transform_indices = #map}, {transform_indices = #map}]} {
    %mul3A = arith.constant 16 : i32
    %mul3A_0 = arith.muli %arg0, %mul3A : i32
    %add3A = arith.addi %mul3A_0, %arg1 : i32
    %mul3A_1 = arith.constant 10080 : i32
    %mul3A_2 = arith.muli %add3A, %mul3A_1 : i32
    "tpu.region"() ({
      %run_scoped3A = tpu.sem_alloc : memref<!tpu.dma_semaphore, #tpu.memory_space<semaphore_mem>>
      %dma_start3A_29 = tpu.memref_slice %arg3[%mul3A_2] : memref<322560xi32, #tpu.memory_space<hbm>> -> memref<10080xi32, #tpu.memory_space<hbm>>
      %dma_start3A_30 = tpu.memref_slice %arg3[%mul3A_2] : memref<322560xi32, #tpu.memory_space<hbm>> -> memref<10080xi32, #tpu.memory_space<hbm>>
      tpu.enqueue_dma source(%dma_start3A_30 : memref<10080xi32, #tpu.memory_space<hbm>>) target(%arg10 : memref<10080xi32, #tpu.memory_space<vmem>>) target_semaphore(%run_scoped3A : memref<!tpu.dma_semaphore, #tpu.memory_space<semaphore_mem>>)
      %dma_wait3A = tpu.memref_slice %arg3[%mul3A_2] : memref<322560xi32, #tpu.memory_space<hbm>> -> memref<10080xi32, #tpu.memory_space<hbm>>
      %dma_wait3A_31 = tpu.memref_slice %arg3[%mul3A_2] : memref<322560xi32, #tpu.memory_space<hbm>> -> memref<10080xi32, #tpu.memory_space<hbm>>
      tpu.wait_dma2 semaphore(%run_scoped3A : memref<!tpu.dma_semaphore, #tpu.memory_space<semaphore_mem>>) src(%dma_wait3A_31 : memref<10080xi32, #tpu.memory_space<hbm>>) dst(%arg10 : memref<10080xi32, #tpu.memory_space<vmem>>)
      tpu.yield
    }) : () -> ()
    %mul3A_3 = arith.constant 10080 : i32
    %mul3A_4 = arith.muli %arg1, %mul3A_3 : i32
    "tpu.region"() ({
      %run_scoped3A = tpu.sem_alloc : memref<!tpu.dma_semaphore, #tpu.memory_space<semaphore_mem>>
      %dma_start3A_29 = tpu.memref_slice %arg4[%mul3A_4] : memref<161280xi32, #tpu.memory_space<hbm>> -> memref<10080xi32, #tpu.memory_space<hbm>>
      %dma_start3A_30 = tpu.memref_slice %arg4[%mul3A_4] : memref<161280xi32, #tpu.memory_space<hbm>> -> memref<10080xi32, #tpu.memory_space<hbm>>
      tpu.enqueue_dma source(%dma_start3A_30 : memref<10080xi32, #tpu.memory_space<hbm>>) target(%arg11 : memref<10080xi32, #tpu.memory_space<vmem>>) target_semaphore(%run_scoped3A : memref<!tpu.dma_semaphore, #tpu.memory_space<semaphore_mem>>)
      %dma_wait3A = tpu.memref_slice %arg4[%mul3A_4] : memref<161280xi32, #tpu.memory_space<hbm>> -> memref<10080xi32, #tpu.memory_space<hbm>>
      %dma_wait3A_31 = tpu.memref_slice %arg4[%mul3A_4] : memref<161280xi32, #tpu.memory_space<hbm>> -> memref<10080xi32, #tpu.memory_space<hbm>>
      tpu.wait_dma2 semaphore(%run_scoped3A : memref<!tpu.dma_semaphore, #tpu.memory_space<semaphore_mem>>) src(%dma_wait3A_31 : memref<10080xi32, #tpu.memory_space<hbm>>) dst(%arg11 : memref<10080xi32, #tpu.memory_space<vmem>>)
      tpu.yield
    }) : () -> ()
    %mul3A_5 = arith.constant 632 : i32
    %mul3A_6 = arith.muli %arg1, %mul3A_5 : i32
    "tpu.region"() ({
      %run_scoped3A = tpu.sem_alloc : memref<!tpu.dma_semaphore, #tpu.memory_space<semaphore_mem>>
      %dma_start3A_29 = arith.constant 0 : i32
      %dma_start3A_30 = tpu.memref_slice %arg7[%mul3A_6, %dma_start3A_29] : memref<10112x128xf32, #tpu.memory_space<vmem_shared>> -> memref<632x128xf32, #tpu.memory_space<vmem_shared>>
      tpu.enqueue_dma source(%arg5 : memref<632x128xf32, #tpu.memory_space<hbm>>) target(%dma_start3A_30 : memref<632x128xf32, #tpu.memory_space<vmem_shared>>) target_semaphore(%run_scoped3A : memref<!tpu.dma_semaphore, #tpu.memory_space<semaphore_mem>>)
      %dma_wait3A = arith.constant 0 : i32
      %dma_wait3A_31 = tpu.memref_slice %arg7[%mul3A_6, %dma_wait3A] : memref<10112x128xf32, #tpu.memory_space<vmem_shared>> -> memref<632x128xf32, #tpu.memory_space<vmem_shared>>
      tpu.wait_dma2 semaphore(%run_scoped3A : memref<!tpu.dma_semaphore, #tpu.memory_space<semaphore_mem>>) src(%arg5 : memref<632x128xf32, #tpu.memory_space<hbm>>) dst(%dma_wait3A_31 : memref<632x128xf32, #tpu.memory_space<vmem_shared>>)
      tpu.yield
    }) : () -> ()
    %barrier3A = arith.constant 0 : index
    tpu.barrier barrier_id(%barrier3A)
    %dma_start3A = arith.constant 0 : i32
    %dma_start3A_7 = tpu.memref_slice %arg10[%dma_start3A] : memref<10080xi32, #tpu.memory_space<vmem>> -> memref<112xi32, #tpu.memory_space<vmem>>
    %dma_start3A_8 = arith.constant 0 : i32
    %dma_start3A_9 = arith.constant 0 : i32
    %dma_start3A_10 = tpu.memref_slice %arg2[%dma_start3A_8, %dma_start3A_9] : memref<20480x128xf32, #tpu.memory_space<hbm>> -> memref<20480x128xf32, #tpu.memory_space<hbm>>
    tpu.enqueue_indirect_dma source(%dma_start3A_10 : memref<20480x128xf32, #tpu.memory_space<hbm>>) target(%arg8 : memref<112x128xf32, #tpu.memory_space<vmem>>) offsets(%dma_start3A_7 : memref<112xi32, #tpu.memory_space<vmem>>) semaphore(%arg12 : memref<!tpu.dma_semaphore, #tpu.memory_space<semaphore_mem>>)
    %dma_start3A_11 = arith.constant 112 : i32
    %dma_start3A_12 = tpu.memref_slice %arg10[%dma_start3A_11] : memref<10080xi32, #tpu.memory_space<vmem>> -> memref<112xi32, #tpu.memory_space<vmem>>
    %dma_start3A_13 = arith.constant 0 : i32
    %dma_start3A_14 = arith.constant 0 : i32
    %dma_start3A_15 = tpu.memref_slice %arg2[%dma_start3A_13, %dma_start3A_14] : memref<20480x128xf32, #tpu.memory_space<hbm>> -> memref<20480x128xf32, #tpu.memory_space<hbm>>
    tpu.enqueue_indirect_dma source(%dma_start3A_15 : memref<20480x128xf32, #tpu.memory_space<hbm>>) target(%arg9 : memref<112x128xf32, #tpu.memory_space<vmem>>) offsets(%dma_start3A_12 : memref<112xi32, #tpu.memory_space<vmem>>) semaphore(%arg13 : memref<!tpu.dma_semaphore, #tpu.memory_space<semaphore_mem>>)
    %scan3A = arith.constant 0 : i32
    %scan3A_16 = arith.constant 0 : i32
    %scan3A_17 = arith.constant 45 : i32
    %scan3A_18 = arith.addi %scan3A_16, %scan3A_17 : i32
    %scan3A_19 = arith.constant 1 : i32
    scf.for %scan3A_29 = %scan3A_16 to %scan3A_18 step %scan3A_19  : i32 {
      %mul3A_30 = arith.constant 2 : i32
      %mul3A_31 = arith.muli %mul3A_30, %scan3A_29 : i32
      %dma_wait3A = arith.constant 0 : i32
      %dma_wait3A_32 = tpu.memref_slice %arg10[%dma_wait3A] : memref<10080xi32, #tpu.memory_space<vmem>> -> memref<112xi32, #tpu.memory_space<vmem>>
      %dma_wait3A_33 = arith.constant 0 : i32
      %dma_wait3A_34 = arith.constant 0 : i32
      %dma_wait3A_35 = tpu.memref_slice %arg2[%dma_wait3A_33, %dma_wait3A_34] : memref<20480x128xf32, #tpu.memory_space<hbm>> -> memref<20480x128xf32, #tpu.memory_space<hbm>>
      tpu.wait_indirect_dma semaphore(%arg12 : memref<!tpu.dma_semaphore, #tpu.memory_space<semaphore_mem>>) src(%dma_wait3A_35 : memref<20480x128xf32, #tpu.memory_space<hbm>>) dst(%arg8 : memref<112x128xf32, #tpu.memory_space<vmem>>)
      %add3A_36 = arith.constant 0 : i32
      %add3A_37 = arith.addi %mul3A_31, %add3A_36 : i32
      %mul3A_38 = arith.constant 112 : i32
      %mul3A_39 = arith.muli %add3A_37, %mul3A_38 : i32
      %dma_start3A_40 = tpu.memref_slice %arg11[%mul3A_39] : memref<10080xi32, #tpu.memory_space<vmem>> -> memref<112xi32, #tpu.memory_space<vmem>>
      %dma_start3A_41 = arith.constant 0 : i32
      %dma_start3A_42 = arith.constant 0 : i32
      %dma_start3A_43 = tpu.memref_slice %arg7[%dma_start3A_41, %dma_start3A_42] : memref<10112x128xf32, #tpu.memory_space<vmem_shared>> -> memref<10112x128xf32, #tpu.memory_space<vmem_shared>>
      tpu.enqueue_indirect_dma source(%arg8 : memref<112x128xf32, #tpu.memory_space<vmem>>) target(%dma_start3A_43 : memref<10112x128xf32, #tpu.memory_space<vmem_shared>>) offsets(%dma_start3A_40 : memref<112xi32, #tpu.memory_space<vmem>>) semaphore(%arg14 : memref<!tpu.dma_semaphore, #tpu.memory_space<semaphore_mem>>) {add = true}
      %dma_wait3A_44 = arith.constant 0 : i32
      %dma_wait3A_45 = tpu.memref_slice %arg10[%dma_wait3A_44] : memref<10080xi32, #tpu.memory_space<vmem>> -> memref<112xi32, #tpu.memory_space<vmem>>
      %dma_wait3A_46 = arith.constant 0 : i32
      %dma_wait3A_47 = arith.constant 0 : i32
      %dma_wait3A_48 = tpu.memref_slice %arg2[%dma_wait3A_46, %dma_wait3A_47] : memref<20480x128xf32, #tpu.memory_space<hbm>> -> memref<20480x128xf32, #tpu.memory_space<hbm>>
      tpu.wait_indirect_dma semaphore(%arg13 : memref<!tpu.dma_semaphore, #tpu.memory_space<semaphore_mem>>) src(%dma_wait3A_48 : memref<20480x128xf32, #tpu.memory_space<hbm>>) dst(%arg9 : memref<112x128xf32, #tpu.memory_space<vmem>>)
      %add3A_49 = arith.constant 1 : i32
      %add3A_50 = arith.addi %mul3A_31, %add3A_49 : i32
      %mul3A_51 = arith.constant 112 : i32
      %mul3A_52 = arith.muli %add3A_50, %mul3A_51 : i32
      %dma_start3A_53 = tpu.memref_slice %arg11[%mul3A_52] : memref<10080xi32, #tpu.memory_space<vmem>> -> memref<112xi32, #tpu.memory_space<vmem>>
      %dma_start3A_54 = arith.constant 0 : i32
      %dma_start3A_55 = arith.constant 0 : i32
      %dma_start3A_56 = tpu.memref_slice %arg7[%dma_start3A_54, %dma_start3A_55] : memref<10112x128xf32, #tpu.memory_space<vmem_shared>> -> memref<10112x128xf32, #tpu.memory_space<vmem_shared>>
      tpu.enqueue_indirect_dma source(%arg9 : memref<112x128xf32, #tpu.memory_space<vmem>>) target(%dma_start3A_56 : memref<10112x128xf32, #tpu.memory_space<vmem_shared>>) offsets(%dma_start3A_53 : memref<112xi32, #tpu.memory_space<vmem>>) semaphore(%arg15 : memref<!tpu.dma_semaphore, #tpu.memory_space<semaphore_mem>>) {add = true}
      %add3A_57 = arith.constant 0 : i32
      %add3A_58 = arith.addi %mul3A_31, %add3A_57 : i32
      %add3A_59 = arith.constant 2 : i32
      %add3A_60 = arith.addi %add3A_58, %add3A_59 : i32
      %dma_wait3A_61 = arith.constant 0 : i32
      %dma_wait3A_62 = tpu.memref_slice %arg11[%dma_wait3A_61] : memref<10080xi32, #tpu.memory_space<vmem>> -> memref<112xi32, #tpu.memory_space<vmem>>
      %dma_wait3A_63 = arith.constant 0 : i32
      %dma_wait3A_64 = arith.constant 0 : i32
      %dma_wait3A_65 = tpu.memref_slice %arg7[%dma_wait3A_63, %dma_wait3A_64] : memref<10112x128xf32, #tpu.memory_space<vmem_shared>> -> memref<10112x128xf32, #tpu.memory_space<vmem_shared>>
      tpu.wait_indirect_dma semaphore(%arg14 : memref<!tpu.dma_semaphore, #tpu.memory_space<semaphore_mem>>) src(%arg8 : memref<112x128xf32, #tpu.memory_space<vmem>>) dst(%dma_wait3A_65 : memref<10112x128xf32, #tpu.memory_space<vmem_shared>>)
      %lt3A = arith.constant 90 : i32
      %lt3A_66 = arith.cmpi slt, %add3A_60, %lt3A : i32
      %convert_element_type3A = arith.extui %lt3A_66 : i1 to i32
      %cond3A = arith.constant 0 : i32
      %cond3A_67 = arith.cmpi ne, %convert_element_type3A, %cond3A : i32
      scf.if %cond3A_67 {
        %mul3A_82 = arith.constant 112 : i32
        %mul3A_83 = arith.muli %add3A_60, %mul3A_82 : i32
        %dma_start3A_84 = tpu.memref_slice %arg10[%mul3A_83] : memref<10080xi32, #tpu.memory_space<vmem>> -> memref<112xi32, #tpu.memory_space<vmem>>
        %dma_start3A_85 = arith.constant 0 : i32
        %dma_start3A_86 = arith.constant 0 : i32
        %dma_start3A_87 = tpu.memref_slice %arg2[%dma_start3A_85, %dma_start3A_86] : memref<20480x128xf32, #tpu.memory_space<hbm>> -> memref<20480x128xf32, #tpu.memory_space<hbm>>
        tpu.enqueue_indirect_dma source(%dma_start3A_87 : memref<20480x128xf32, #tpu.memory_space<hbm>>) target(%arg8 : memref<112x128xf32, #tpu.memory_space<vmem>>) offsets(%dma_start3A_84 : memref<112xi32, #tpu.memory_space<vmem>>) semaphore(%arg12 : memref<!tpu.dma_semaphore, #tpu.memory_space<semaphore_mem>>)
      } else {
      }
      %add3A_68 = arith.constant 1 : i32
      %add3A_69 = arith.addi %mul3A_31, %add3A_68 : i32
      %add3A_70 = arith.constant 2 : i32
      %add3A_71 = arith.addi %add3A_69, %add3A_70 : i32
      %dma_wait3A_72 = arith.constant 0 : i32
      %dma_wait3A_73 = tpu.memref_slice %arg11[%dma_wait3A_72] : memref<10080xi32, #tpu.memory_space<vmem>> -> memref<112xi32, #tpu.memory_space<vmem>>
      %dma_wait3A_74 = arith.constant 0 : i32
      %dma_wait3A_75 = arith.constant 0 : i32
      %dma_wait3A_76 = tpu.memref_slice %arg7[%dma_wait3A_74, %dma_wait3A_75] : memref<10112x128xf32, #tpu.memory_space<vmem_shared>> -> memref<10112x128xf32, #tpu.memory_space<vmem_shared>>
      tpu.wait_indirect_dma semaphore(%arg15 : memref<!tpu.dma_semaphore, #tpu.memory_space<semaphore_mem>>) src(%arg9 : memref<112x128xf32, #tpu.memory_space<vmem>>) dst(%dma_wait3A_76 : memref<10112x128xf32, #tpu.memory_space<vmem_shared>>)
      %lt3A_77 = arith.constant 90 : i32
      %lt3A_78 = arith.cmpi slt, %add3A_71, %lt3A_77 : i32
      %convert_element_type3A_79 = arith.extui %lt3A_78 : i1 to i32
      %cond3A_80 = arith.constant 0 : i32
      %cond3A_81 = arith.cmpi ne, %convert_element_type3A_79, %cond3A_80 : i32
      scf.if %cond3A_81 {
        %mul3A_82 = arith.constant 112 : i32
        %mul3A_83 = arith.muli %add3A_71, %mul3A_82 : i32
        %dma_start3A_84 = tpu.memref_slice %arg10[%mul3A_83] : memref<10080xi32, #tpu.memory_space<vmem>> -> memref<112xi32, #tpu.memory_space<vmem>>
        %dma_start3A_85 = arith.constant 0 : i32
        %dma_start3A_86 = arith.constant 0 : i32
        %dma_start3A_87 = tpu.memref_slice %arg2[%dma_start3A_85, %dma_start3A_86] : memref<20480x128xf32, #tpu.memory_space<hbm>> -> memref<20480x128xf32, #tpu.memory_space<hbm>>
        tpu.enqueue_indirect_dma source(%dma_start3A_87 : memref<20480x128xf32, #tpu.memory_space<hbm>>) target(%arg9 : memref<112x128xf32, #tpu.memory_space<vmem>>) offsets(%dma_start3A_84 : memref<112xi32, #tpu.memory_space<vmem>>) semaphore(%arg13 : memref<!tpu.dma_semaphore, #tpu.memory_space<semaphore_mem>>)
      } else {
      }
    }
    %scan3A_20 = arith.constant 45 : i32
    %barrier3A_21 = arith.constant 0 : index
    tpu.barrier barrier_id(%barrier3A_21)
    %mul3A_22 = arith.constant 632 : i32
    %mul3A_23 = arith.muli %arg1, %mul3A_22 : i32
    %mul3A_24 = arith.constant 10240 : i32
    %mul3A_25 = arith.muli %arg0, %mul3A_24 : i32
    %mul3A_26 = arith.constant 632 : i32
    %mul3A_27 = arith.muli %arg1, %mul3A_26 : i32
    %add3A_28 = arith.addi %mul3A_25, %mul3A_27 : i32
    "tpu.region"() ({
      %run_scoped3A = tpu.sem_alloc : memref<!tpu.dma_semaphore, #tpu.memory_space<semaphore_mem>>
      %dma_start3A_29 = arith.constant 0 : i32
      %dma_start3A_30 = tpu.memref_slice %arg6[%add3A_28, %dma_start3A_29] : memref<20480x128xf32, #tpu.memory_space<hbm>> -> memref<632x128xf32, #tpu.memory_space<hbm>>
      %dma_start3A_31 = arith.constant 0 : i32
      %dma_start3A_32 = tpu.memref_slice %arg7[%mul3A_23, %dma_start3A_31] : memref<10112x128xf32, #tpu.memory_space<vmem_shared>> -> memref<632x128xf32, #tpu.memory_space<vmem_shared>>
      tpu.enqueue_dma source(%dma_start3A_32 : memref<632x128xf32, #tpu.memory_space<vmem_shared>>) target(%dma_start3A_30 : memref<632x128xf32, #tpu.memory_space<hbm>>) target_semaphore(%run_scoped3A : memref<!tpu.dma_semaphore, #tpu.memory_space<semaphore_mem>>)
      %dma_wait3A = arith.constant 0 : i32
      %dma_wait3A_33 = tpu.memref_slice %arg6[%add3A_28, %dma_wait3A] : memref<20480x128xf32, #tpu.memory_space<hbm>> -> memref<632x128xf32, #tpu.memory_space<hbm>>
      %dma_wait3A_34 = arith.constant 0 : i32
      %dma_wait3A_35 = tpu.memref_slice %arg7[%mul3A_23, %dma_wait3A_34] : memref<10112x128xf32, #tpu.memory_space<vmem_shared>> -> memref<632x128xf32, #tpu.memory_space<vmem_shared>>
      tpu.wait_dma2 semaphore(%run_scoped3A : memref<!tpu.dma_semaphore, #tpu.memory_space<semaphore_mem>>) src(%dma_wait3A_35 : memref<632x128xf32, #tpu.memory_space<vmem_shared>>) dst(%dma_wait3A_33 : memref<632x128xf32, #tpu.memory_space<hbm>>)
      tpu.yield
    }) : () -> ()
    return
  }
}

#map = affine_map<(d0, d1) -> (0)>
#map1 = affine_map<(d0, d1) -> (0, 0)>
module attributes {stable_mosaic.version = 14 : i64} {
  func.func @_prep_body(%arg0: i32, %arg1: i32, %arg2: memref<10240xi32, #tpu.memory_space<hbm>>, %arg3: memref<10000x256xf32, #tpu.memory_space<hbm>>, %arg4: memref<161280xi32, #tpu.memory_space<hbm>>, %arg5: memref<640xf32, #tpu.memory_space<hbm>>, %arg6: memref<10240x256xf32, #tpu.memory_space<hbm>>, %arg7: memref<20480xf32, #tpu.memory_space<hbm>>, %arg8: memref<10240xf32, #tpu.memory_space<vmem_shared>>, %arg9: memref<80x256xf32, #tpu.memory_space<vmem>>, %arg10: memref<80x256xf32, #tpu.memory_space<vmem>>, %arg11: memref<320xi32, #tpu.memory_space<vmem>>, %arg12: memref<80xi32, #tpu.memory_space<vmem>>, %arg13: memref<80xi32, #tpu.memory_space<vmem>>, %arg14: memref<80xf32, #tpu.memory_space<vmem>>, %arg15: memref<!tpu.dma_semaphore, #tpu.memory_space<semaphore_mem>>, %arg16: memref<!tpu.dma_semaphore, #tpu.memory_space<semaphore_mem>>, %arg17: memref<!tpu.dma_semaphore, #tpu.memory_space<semaphore_mem>>, %arg18: memref<!tpu.dma_semaphore, #tpu.memory_space<semaphore_mem>>) attributes {dimension_semantics = [#tpu.dimension_semantics<core_parallel>, #tpu.dimension_semantics<subcore_parallel>], iteration_bounds = array<i64: 2, 16>, scalar_prefetch = 0 : i64, scratch_operands = 11 : i64, tpu.core_type = #tpu.core_type<sc_vector_subcore>, window_params = [{transform_indices = #map}, {transform_indices = #map1}, {transform_indices = #map}, {transform_indices = #map}, {transform_indices = #map1}, {transform_indices = #map}]} {
    %mul3A = arith.constant 2 : i32
    %mul3A_0 = arith.muli %arg1, %mul3A : i32
    %add3A = arith.addi %mul3A_0, %arg0 : i32
    %broadcast_in_dim3A = arith.constant 1.000000e+00 : f32
    %broadcast_in_dim3A_1 = vector.broadcast %broadcast_in_dim3A : f32 to vector<16xf32>
    %swap3A = arith.constant 0 : index
    %swap3A_2 = tpu.vector_load %arg14[%swap3A] {strides = array<i32>} : memref<80xf32, #tpu.memory_space<vmem>>, vector<16xf32>,
    %swap3A_3 = vector.shape_cast %swap3A_2 : vector<16xf32> to vector<16xf32>
    %swap3A_4 = vector.shape_cast %broadcast_in_dim3A_1 : vector<16xf32> to vector<16xf32>
    tpu.vector_store %arg14[%swap3A], %swap3A_4 {strides = array<i32>} : memref<80xf32, #tpu.memory_space<vmem>>, vector<16xf32>,
    %broadcast_in_dim3A_5 = arith.constant 1.000000e+00 : f32
    %broadcast_in_dim3A_6 = vector.broadcast %broadcast_in_dim3A_5 : f32 to vector<16xf32>
    %swap3A_7 = arith.constant 16 : index
    %swap3A_8 = tpu.vector_load %arg14[%swap3A_7] {strides = array<i32>} : memref<80xf32, #tpu.memory_space<vmem>>, vector<16xf32>,
    %swap3A_9 = vector.shape_cast %swap3A_8 : vector<16xf32> to vector<16xf32>
    %swap3A_10 = vector.shape_cast %broadcast_in_dim3A_6 : vector<16xf32> to vector<16xf32>
    tpu.vector_store %arg14[%swap3A_7], %swap3A_10 {strides = array<i32>} : memref<80xf32, #tpu.memory_space<vmem>>, vector<16xf32>,
    %broadcast_in_dim3A_11 = arith.constant 1.000000e+00 : f32
    %broadcast_in_dim3A_12 = vector.broadcast %broadcast_in_dim3A_11 : f32 to vector<16xf32>
    %swap3A_13 = arith.constant 32 : index
    %swap3A_14 = tpu.vector_load %arg14[%swap3A_13] {strides = array<i32>} : memref<80xf32, #tpu.memory_space<vmem>>, vector<16xf32>,
    %swap3A_15 = vector.shape_cast %swap3A_14 : vector<16xf32> to vector<16xf32>
    %swap3A_16 = vector.shape_cast %broadcast_in_dim3A_12 : vector<16xf32> to vector<16xf32>
    tpu.vector_store %arg14[%swap3A_13], %swap3A_16 {strides = array<i32>} : memref<80xf32, #tpu.memory_space<vmem>>, vector<16xf32>,
    %broadcast_in_dim3A_17 = arith.constant 1.000000e+00 : f32
    %broadcast_in_dim3A_18 = vector.broadcast %broadcast_in_dim3A_17 : f32 to vector<16xf32>
    %swap3A_19 = arith.constant 48 : index
    %swap3A_20 = tpu.vector_load %arg14[%swap3A_19] {strides = array<i32>} : memref<80xf32, #tpu.memory_space<vmem>>, vector<16xf32>,
    %swap3A_21 = vector.shape_cast %swap3A_20 : vector<16xf32> to vector<16xf32>
    %swap3A_22 = vector.shape_cast %broadcast_in_dim3A_18 : vector<16xf32> to vector<16xf32>
    tpu.vector_store %arg14[%swap3A_19], %swap3A_22 {strides = array<i32>} : memref<80xf32, #tpu.memory_space<vmem>>, vector<16xf32>,
    %broadcast_in_dim3A_23 = arith.constant 1.000000e+00 : f32
    %broadcast_in_dim3A_24 = vector.broadcast %broadcast_in_dim3A_23 : f32 to vector<16xf32>
    %swap3A_25 = arith.constant 64 : index
    %swap3A_26 = tpu.vector_load %arg14[%swap3A_25] {strides = array<i32>} : memref<80xf32, #tpu.memory_space<vmem>>, vector<16xf32>,
    %swap3A_27 = vector.shape_cast %swap3A_26 : vector<16xf32> to vector<16xf32>
    %swap3A_28 = vector.shape_cast %broadcast_in_dim3A_24 : vector<16xf32> to vector<16xf32>
    tpu.vector_store %arg14[%swap3A_25], %swap3A_28 {strides = array<i32>} : memref<80xf32, #tpu.memory_space<vmem>>, vector<16xf32>,
    %mul3A_29 = arith.constant 320 : i32
    %mul3A_30 = arith.muli %add3A, %mul3A_29 : i32
    "tpu.region"() ({
      %run_scoped3A = tpu.sem_alloc : memref<!tpu.dma_semaphore, #tpu.memory_space<semaphore_mem>>
      %dma_start3A_117 = tpu.memref_slice %arg2[%mul3A_30] : memref<10240xi32, #tpu.memory_space<hbm>> -> memref<320xi32, #tpu.memory_space<hbm>>
      %dma_start3A_118 = tpu.memref_slice %arg2[%mul3A_30] : memref<10240xi32, #tpu.memory_space<hbm>> -> memref<320xi32, #tpu.memory_space<hbm>>
      tpu.enqueue_dma source(%dma_start3A_118 : memref<320xi32, #tpu.memory_space<hbm>>) target(%arg11 : memref<320xi32, #tpu.memory_space<vmem>>) target_semaphore(%run_scoped3A : memref<!tpu.dma_semaphore, #tpu.memory_space<semaphore_mem>>)
      %dma_wait3A_119 = tpu.memref_slice %arg2[%mul3A_30] : memref<10240xi32, #tpu.memory_space<hbm>> -> memref<320xi32, #tpu.memory_space<hbm>>
      %dma_wait3A_120 = tpu.memref_slice %arg2[%mul3A_30] : memref<10240xi32, #tpu.memory_space<hbm>> -> memref<320xi32, #tpu.memory_space<hbm>>
      tpu.wait_dma2 semaphore(%run_scoped3A : memref<!tpu.dma_semaphore, #tpu.memory_space<semaphore_mem>>) src(%dma_wait3A_120 : memref<320xi32, #tpu.memory_space<hbm>>) dst(%arg11 : memref<320xi32, #tpu.memory_space<vmem>>)
      tpu.yield
    }) : () -> ()
    %dma_start3A = arith.constant 0 : i32
    %dma_start3A_31 = tpu.memref_slice %arg11[%dma_start3A] : memref<320xi32, #tpu.memory_space<vmem>> -> memref<80xi32, #tpu.memory_space<vmem>>
    %dma_start3A_32 = arith.constant 0 : i32
    %dma_start3A_33 = arith.constant 0 : i32
    %dma_start3A_34 = tpu.memref_slice %arg3[%dma_start3A_32, %dma_start3A_33] : memref<10000x256xf32, #tpu.memory_space<hbm>> -> memref<10000x256xf32, #tpu.memory_space<hbm>>
    tpu.enqueue_indirect_dma source(%dma_start3A_34 : memref<10000x256xf32, #tpu.memory_space<hbm>>) target(%arg9 : memref<80x256xf32, #tpu.memory_space<vmem>>) offsets(%dma_start3A_31 : memref<80xi32, #tpu.memory_space<vmem>>) semaphore(%arg15 : memref<!tpu.dma_semaphore, #tpu.memory_space<semaphore_mem>>)
    %dma_start3A_35 = arith.constant 80 : i32
    %dma_start3A_36 = tpu.memref_slice %arg11[%dma_start3A_35] : memref<320xi32, #tpu.memory_space<vmem>> -> memref<80xi32, #tpu.memory_space<vmem>>
    %dma_start3A_37 = arith.constant 0 : i32
    %dma_start3A_38 = arith.constant 0 : i32
    %dma_start3A_39 = tpu.memref_slice %arg3[%dma_start3A_37, %dma_start3A_38] : memref<10000x256xf32, #tpu.memory_space<hbm>> -> memref<10000x256xf32, #tpu.memory_space<hbm>>
    tpu.enqueue_indirect_dma source(%dma_start3A_39 : memref<10000x256xf32, #tpu.memory_space<hbm>>) target(%arg10 : memref<80x256xf32, #tpu.memory_space<vmem>>) offsets(%dma_start3A_36 : memref<80xi32, #tpu.memory_space<vmem>>) semaphore(%arg16 : memref<!tpu.dma_semaphore, #tpu.memory_space<semaphore_mem>>)
    %mul3A_40 = arith.constant 320 : i32
    %mul3A_41 = arith.muli %add3A, %mul3A_40 : i32
    %add3A_42 = arith.constant 0 : i32
    %add3A_43 = arith.addi %mul3A_41, %add3A_42 : i32
    %dma_wait3A = arith.constant 0 : i32
    %dma_wait3A_44 = tpu.memref_slice %arg11[%dma_wait3A] : memref<320xi32, #tpu.memory_space<vmem>> -> memref<80xi32, #tpu.memory_space<vmem>>
    %dma_wait3A_45 = arith.constant 0 : i32
    %dma_wait3A_46 = arith.constant 0 : i32
    %dma_wait3A_47 = tpu.memref_slice %arg3[%dma_wait3A_45, %dma_wait3A_46] : memref<10000x256xf32, #tpu.memory_space<hbm>> -> memref<10000x256xf32, #tpu.memory_space<hbm>>
    tpu.wait_indirect_dma semaphore(%arg15 : memref<!tpu.dma_semaphore, #tpu.memory_space<semaphore_mem>>) src(%dma_wait3A_47 : memref<10000x256xf32, #tpu.memory_space<hbm>>) dst(%arg9 : memref<80x256xf32, #tpu.memory_space<vmem>>)
    "tpu.region"() ({
      %run_scoped3A = tpu.sem_alloc : memref<!tpu.dma_semaphore, #tpu.memory_space<semaphore_mem>>
      %dma_start3A_117 = arith.constant 0 : i32
      %dma_start3A_118 = tpu.memref_slice %arg6[%add3A_43, %dma_start3A_117] : memref<10240x256xf32, #tpu.memory_space<hbm>> -> memref<80x256xf32, #tpu.memory_space<hbm>>
      %dma_start3A_119 = arith.constant 0 : i32
      %dma_start3A_120 = tpu.memref_slice %arg6[%add3A_43, %dma_start3A_119] : memref<10240x256xf32, #tpu.memory_space<hbm>> -> memref<80x256xf32, #tpu.memory_space<hbm>>
      tpu.enqueue_dma source(%arg9 : memref<80x256xf32, #tpu.memory_space<vmem>>) target(%dma_start3A_120 : memref<80x256xf32, #tpu.memory_space<hbm>>) target_semaphore(%run_scoped3A : memref<!tpu.dma_semaphore, #tpu.memory_space<semaphore_mem>>)
      %dma_wait3A_121 = arith.constant 0 : i32
      %dma_wait3A_122 = tpu.memref_slice %arg6[%add3A_43, %dma_wait3A_121] : memref<10240x256xf32, #tpu.memory_space<hbm>> -> memref<80x256xf32, #tpu.memory_space<hbm>>
      %dma_wait3A_123 = arith.constant 0 : i32
      %dma_wait3A_124 = tpu.memref_slice %arg6[%add3A_43, %dma_wait3A_123] : memref<10240x256xf32, #tpu.memory_space<hbm>> -> memref<80x256xf32, #tpu.memory_space<hbm>>
      tpu.wait_dma2 semaphore(%run_scoped3A : memref<!tpu.dma_semaphore, #tpu.memory_space<semaphore_mem>>) src(%arg9 : memref<80x256xf32, #tpu.memory_space<vmem>>) dst(%dma_wait3A_124 : memref<80x256xf32, #tpu.memory_space<hbm>>)
      tpu.yield
    }) : () -> ()
    %dma_start3A_48 = arith.constant 160 : i32
    %dma_start3A_49 = tpu.memref_slice %arg11[%dma_start3A_48] : memref<320xi32, #tpu.memory_space<vmem>> -> memref<80xi32, #tpu.memory_space<vmem>>
    %dma_start3A_50 = arith.constant 0 : i32
    %dma_start3A_51 = arith.constant 0 : i32
    %dma_start3A_52 = tpu.memref_slice %arg3[%dma_start3A_50, %dma_start3A_51] : memref<10000x256xf32, #tpu.memory_space<hbm>> -> memref<10000x256xf32, #tpu.memory_space<hbm>>
    tpu.enqueue_indirect_dma source(%dma_start3A_52 : memref<10000x256xf32, #tpu.memory_space<hbm>>) target(%arg9 : memref<80x256xf32, #tpu.memory_space<vmem>>) offsets(%dma_start3A_49 : memref<80xi32, #tpu.memory_space<vmem>>) semaphore(%arg15 : memref<!tpu.dma_semaphore, #tpu.memory_space<semaphore_mem>>)
    %mul3A_53 = arith.constant 320 : i32
    %mul3A_54 = arith.muli %add3A, %mul3A_53 : i32
    %add3A_55 = arith.constant 80 : i32
    %add3A_56 = arith.addi %mul3A_54, %add3A_55 : i32
    %dma_wait3A_57 = arith.constant 0 : i32
    %dma_wait3A_58 = tpu.memref_slice %arg11[%dma_wait3A_57] : memref<320xi32, #tpu.memory_space<vmem>> -> memref<80xi32, #tpu.memory_space<vmem>>
    %dma_wait3A_59 = arith.constant 0 : i32
    %dma_wait3A_60 = arith.constant 0 : i32
    %dma_wait3A_61 = tpu.memref_slice %arg3[%dma_wait3A_59, %dma_wait3A_60] : memref<10000x256xf32, #tpu.memory_space<hbm>> -> memref<10000x256xf32, #tpu.memory_space<hbm>>
    tpu.wait_indirect_dma semaphore(%arg16 : memref<!tpu.dma_semaphore, #tpu.memory_space<semaphore_mem>>) src(%dma_wait3A_61 : memref<10000x256xf32, #tpu.memory_space<hbm>>) dst(%arg10 : memref<80x256xf32, #tpu.memory_space<vmem>>)
    "tpu.region"() ({
      %run_scoped3A = tpu.sem_alloc : memref<!tpu.dma_semaphore, #tpu.memory_space<semaphore_mem>>
      %dma_start3A_117 = arith.constant 0 : i32
      %dma_start3A_118 = tpu.memref_slice %arg6[%add3A_56, %dma_start3A_117] : memref<10240x256xf32, #tpu.memory_space<hbm>> -> memref<80x256xf32, #tpu.memory_space<hbm>>
      %dma_start3A_119 = arith.constant 0 : i32
      %dma_start3A_120 = tpu.memref_slice %arg6[%add3A_56, %dma_start3A_119] : memref<10240x256xf32, #tpu.memory_space<hbm>> -> memref<80x256xf32, #tpu.memory_space<hbm>>
      tpu.enqueue_dma source(%arg10 : memref<80x256xf32, #tpu.memory_space<vmem>>) target(%dma_start3A_120 : memref<80x256xf32, #tpu.memory_space<hbm>>) target_semaphore(%run_scoped3A : memref<!tpu.dma_semaphore, #tpu.memory_space<semaphore_mem>>)
      %dma_wait3A_121 = arith.constant 0 : i32
      %dma_wait3A_122 = tpu.memref_slice %arg6[%add3A_56, %dma_wait3A_121] : memref<10240x256xf32, #tpu.memory_space<hbm>> -> memref<80x256xf32, #tpu.memory_space<hbm>>
      %dma_wait3A_123 = arith.constant 0 : i32
      %dma_wait3A_124 = tpu.memref_slice %arg6[%add3A_56, %dma_wait3A_123] : memref<10240x256xf32, #tpu.memory_space<hbm>> -> memref<80x256xf32, #tpu.memory_space<hbm>>
      tpu.wait_dma2 semaphore(%run_scoped3A : memref<!tpu.dma_semaphore, #tpu.memory_space<semaphore_mem>>) src(%arg10 : memref<80x256xf32, #tpu.memory_space<vmem>>) dst(%dma_wait3A_124 : memref<80x256xf32, #tpu.memory_space<hbm>>)
      tpu.yield
    }) : () -> ()
    %dma_start3A_62 = arith.constant 240 : i32
    %dma_start3A_63 = tpu.memref_slice %arg11[%dma_start3A_62] : memref<320xi32, #tpu.memory_space<vmem>> -> memref<80xi32, #tpu.memory_space<vmem>>
    %dma_start3A_64 = arith.constant 0 : i32
    %dma_start3A_65 = arith.constant 0 : i32
    %dma_start3A_66 = tpu.memref_slice %arg3[%dma_start3A_64, %dma_start3A_65] : memref<10000x256xf32, #tpu.memory_space<hbm>> -> memref<10000x256xf32, #tpu.memory_space<hbm>>
    tpu.enqueue_indirect_dma source(%dma_start3A_66 : memref<10000x256xf32, #tpu.memory_space<hbm>>) target(%arg10 : memref<80x256xf32, #tpu.memory_space<vmem>>) offsets(%dma_start3A_63 : memref<80xi32, #tpu.memory_space<vmem>>) semaphore(%arg16 : memref<!tpu.dma_semaphore, #tpu.memory_space<semaphore_mem>>)
    %mul3A_67 = arith.constant 320 : i32
    %mul3A_68 = arith.muli %add3A, %mul3A_67 : i32
    %add3A_69 = arith.constant 160 : i32
    %add3A_70 = arith.addi %mul3A_68, %add3A_69 : i32
    %dma_wait3A_71 = arith.constant 0 : i32
    %dma_wait3A_72 = tpu.memref_slice %arg11[%dma_wait3A_71] : memref<320xi32, #tpu.memory_space<vmem>> -> memref<80xi32, #tpu.memory_space<vmem>>
    %dma_wait3A_73 = arith.constant 0 : i32
    %dma_wait3A_74 = arith.constant 0 : i32
    %dma_wait3A_75 = tpu.memref_slice %arg3[%dma_wait3A_73, %dma_wait3A_74] : memref<10000x256xf32, #tpu.memory_space<hbm>> -> memref<10000x256xf32, #tpu.memory_space<hbm>>
    tpu.wait_indirect_dma semaphore(%arg15 : memref<!tpu.dma_semaphore, #tpu.memory_space<semaphore_mem>>) src(%dma_wait3A_75 : memref<10000x256xf32, #tpu.memory_space<hbm>>) dst(%arg9 : memref<80x256xf32, #tpu.memory_space<vmem>>)
    "tpu.region"() ({
      %run_scoped3A = tpu.sem_alloc : memref<!tpu.dma_semaphore, #tpu.memory_space<semaphore_mem>>
      %dma_start3A_117 = arith.constant 0 : i32
      %dma_start3A_118 = tpu.memref_slice %arg6[%add3A_70, %dma_start3A_117] : memref<10240x256xf32, #tpu.memory_space<hbm>> -> memref<80x256xf32, #tpu.memory_space<hbm>>
      %dma_start3A_119 = arith.constant 0 : i32
      %dma_start3A_120 = tpu.memref_slice %arg6[%add3A_70, %dma_start3A_119] : memref<10240x256xf32, #tpu.memory_space<hbm>> -> memref<80x256xf32, #tpu.memory_space<hbm>>
      tpu.enqueue_dma source(%arg9 : memref<80x256xf32, #tpu.memory_space<vmem>>) target(%dma_start3A_120 : memref<80x256xf32, #tpu.memory_space<hbm>>) target_semaphore(%run_scoped3A : memref<!tpu.dma_semaphore, #tpu.memory_space<semaphore_mem>>)
      %dma_wait3A_121 = arith.constant 0 : i32
      %dma_wait3A_122 = tpu.memref_slice %arg6[%add3A_70, %dma_wait3A_121] : memref<10240x256xf32, #tpu.memory_space<hbm>> -> memref<80x256xf32, #tpu.memory_space<hbm>>
      %dma_wait3A_123 = arith.constant 0 : i32
      %dma_wait3A_124 = tpu.memref_slice %arg6[%add3A_70, %dma_wait3A_123] : memref<10240x256xf32, #tpu.memory_space<hbm>> -> memref<80x256xf32, #tpu.memory_space<hbm>>
      tpu.wait_dma2 semaphore(%run_scoped3A : memref<!tpu.dma_semaphore, #tpu.memory_space<semaphore_mem>>) src(%arg9 : memref<80x256xf32, #tpu.memory_space<vmem>>) dst(%dma_wait3A_124 : memref<80x256xf32, #tpu.memory_space<hbm>>)
      tpu.yield
    }) : () -> ()
    %mul3A_76 = arith.constant 320 : i32
    %mul3A_77 = arith.muli %add3A, %mul3A_76 : i32
    %add3A_78 = arith.constant 240 : i32
    %add3A_79 = arith.addi %mul3A_77, %add3A_78 : i32
    %dma_wait3A_80 = arith.constant 0 : i32
    %dma_wait3A_81 = tpu.memref_slice %arg11[%dma_wait3A_80] : memref<320xi32, #tpu.memory_space<vmem>> -> memref<80xi32, #tpu.memory_space<vmem>>
    %dma_wait3A_82 = arith.constant 0 : i32
    %dma_wait3A_83 = arith.constant 0 : i32
    %dma_wait3A_84 = tpu.memref_slice %arg3[%dma_wait3A_82, %dma_wait3A_83] : memref<10000x256xf32, #tpu.memory_space<hbm>> -> memref<10000x256xf32, #tpu.memory_space<hbm>>
    tpu.wait_indirect_dma semaphore(%arg16 : memref<!tpu.dma_semaphore, #tpu.memory_space<semaphore_mem>>) src(%dma_wait3A_84 : memref<10000x256xf32, #tpu.memory_space<hbm>>) dst(%arg10 : memref<80x256xf32, #tpu.memory_space<vmem>>)
    "tpu.region"() ({
      %run_scoped3A = tpu.sem_alloc : memref<!tpu.dma_semaphore, #tpu.memory_space<semaphore_mem>>
      %dma_start3A_117 = arith.constant 0 : i32
      %dma_start3A_118 = tpu.memref_slice %arg6[%add3A_79, %dma_start3A_117] : memref<10240x256xf32, #tpu.memory_space<hbm>> -> memref<80x256xf32, #tpu.memory_space<hbm>>
      %dma_start3A_119 = arith.constant 0 : i32
      %dma_start3A_120 = tpu.memref_slice %arg6[%add3A_79, %dma_start3A_119] : memref<10240x256xf32, #tpu.memory_space<hbm>> -> memref<80x256xf32, #tpu.memory_space<hbm>>
      tpu.enqueue_dma source(%arg10 : memref<80x256xf32, #tpu.memory_space<vmem>>) target(%dma_start3A_120 : memref<80x256xf32, #tpu.memory_space<hbm>>) target_semaphore(%run_scoped3A : memref<!tpu.dma_semaphore, #tpu.memory_space<semaphore_mem>>)
      %dma_wait3A_121 = arith.constant 0 : i32
      %dma_wait3A_122 = tpu.memref_slice %arg6[%add3A_79, %dma_wait3A_121] : memref<10240x256xf32, #tpu.memory_space<hbm>> -> memref<80x256xf32, #tpu.memory_space<hbm>>
      %dma_wait3A_123 = arith.constant 0 : i32
      %dma_wait3A_124 = tpu.memref_slice %arg6[%add3A_79, %dma_wait3A_123] : memref<10240x256xf32, #tpu.memory_space<hbm>> -> memref<80x256xf32, #tpu.memory_space<hbm>>
      tpu.wait_dma2 semaphore(%run_scoped3A : memref<!tpu.dma_semaphore, #tpu.memory_space<semaphore_mem>>) src(%arg10 : memref<80x256xf32, #tpu.memory_space<vmem>>) dst(%dma_wait3A_124 : memref<80x256xf32, #tpu.memory_space<hbm>>)
      tpu.yield
    }) : () -> ()
    %mul3A_85 = arith.constant 640 : i32
    %mul3A_86 = arith.muli %arg1, %mul3A_85 : i32
    "tpu.region"() ({
      %run_scoped3A = tpu.sem_alloc : memref<!tpu.dma_semaphore, #tpu.memory_space<semaphore_mem>>
      %dma_start3A_117 = tpu.memref_slice %arg8[%mul3A_86] : memref<10240xf32, #tpu.memory_space<vmem_shared>> -> memref<640xf32, #tpu.memory_space<vmem_shared>>
      %dma_start3A_118 = arith.constant 0 : i32
      %dma_start3A_119 = tpu.memref_slice %arg5[%dma_start3A_118] : memref<640xf32, #tpu.memory_space<hbm>> -> memref<640xf32, #tpu.memory_space<hbm>>
      tpu.enqueue_dma source(%dma_start3A_119 : memref<640xf32, #tpu.memory_space<hbm>>) target(%dma_start3A_117 : memref<640xf32, #tpu.memory_space<vmem_shared>>) target_semaphore(%run_scoped3A : memref<!tpu.dma_semaphore, #tpu.memory_space<semaphore_mem>>)
      %dma_wait3A_120 = tpu.memref_slice %arg8[%mul3A_86] : memref<10240xf32, #tpu.memory_space<vmem_shared>> -> memref<640xf32, #tpu.memory_space<vmem_shared>>
      %dma_wait3A_121 = arith.constant 0 : i32
      %dma_wait3A_122 = tpu.memref_slice %arg5[%dma_wait3A_121] : memref<640xf32, #tpu.memory_space<hbm>> -> memref<640xf32, #tpu.memory_space<hbm>>
      tpu.wait_dma2 semaphore(%run_scoped3A : memref<!tpu.dma_semaphore, #tpu.memory_space<semaphore_mem>>) src(%dma_wait3A_122 : memref<640xf32, #tpu.memory_space<hbm>>) dst(%dma_wait3A_120 : memref<640xf32, #tpu.memory_space<vmem_shared>>)
      tpu.yield
    }) : () -> ()
    %barrier3A = arith.constant 0 : index
    tpu.barrier barrier_id(%barrier3A)
    %mul3A_87 = arith.constant 80640 : i32
    %mul3A_88 = arith.muli %arg0, %mul3A_87 : i32
    %mul3A_89 = arith.constant 5040 : i32
    %mul3A_90 = arith.muli %arg1, %mul3A_89 : i32
    %add3A_91 = arith.addi %mul3A_88, %mul3A_90 : i32
    %add3A_92 = arith.constant 0 : i32
    %add3A_93 = arith.addi %add3A_91, %add3A_92 : i32
    %dma_start3A_94 = tpu.memref_slice %arg4[%add3A_93] : memref<161280xi32, #tpu.memory_space<hbm>> -> memref<80xi32, #tpu.memory_space<hbm>>
    %dma_start3A_95 = tpu.memref_slice %arg4[%add3A_93] : memref<161280xi32, #tpu.memory_space<hbm>> -> memref<80xi32, #tpu.memory_space<hbm>>
    tpu.enqueue_dma source(%dma_start3A_95 : memref<80xi32, #tpu.memory_space<hbm>>) target(%arg12 : memref<80xi32, #tpu.memory_space<vmem>>) target_semaphore(%arg17 : memref<!tpu.dma_semaphore, #tpu.memory_space<semaphore_mem>>)
    %add3A_96 = arith.constant 80 : i32
    %add3A_97 = arith.addi %add3A_91, %add3A_96 : i32
    %dma_start3A_98 = tpu.memref_slice %arg4[%add3A_97] : memref<161280xi32, #tpu.memory_space<hbm>> -> memref<80xi32, #tpu.memory_space<hbm>>
    %dma_start3A_99 = tpu.memref_slice %arg4[%add3A_97] : memref<161280xi32, #tpu.memory_space<hbm>> -> memref<80xi32, #tpu.memory_space<hbm>>
    tpu.enqueue_dma source(%dma_start3A_99 : memref<80xi32, #tpu.memory_space<hbm>>) target(%arg13 : memref<80xi32, #tpu.memory_space<vmem>>) target_semaphore(%arg18 : memref<!tpu.dma_semaphore, #tpu.memory_space<semaphore_mem>>)
    %scan3A = arith.constant 0 : i32
    %scan3A_100 = arith.constant 0 : i32
    %scan3A_101 = arith.constant 31 : i32
    %scan3A_102 = arith.addi %scan3A_100, %scan3A_101 : i32
    %scan3A_103 = arith.constant 1 : i32
    scf.for %scan3A_117 = %scan3A_100 to %scan3A_102 step %scan3A_103  : i32 {
      %mul3A_118 = arith.constant 2 : i32
      %mul3A_119 = arith.muli %mul3A_118, %scan3A_117 : i32
      %dma_wait3A_120 = arith.constant 0 : i32
      %dma_wait3A_121 = tpu.memref_slice %arg4[%dma_wait3A_120] : memref<161280xi32, #tpu.memory_space<hbm>> -> memref<80xi32, #tpu.memory_space<hbm>>
      %dma_wait3A_122 = arith.constant 0 : i32
      %dma_wait3A_123 = tpu.memref_slice %arg4[%dma_wait3A_122] : memref<161280xi32, #tpu.memory_space<hbm>> -> memref<80xi32, #tpu.memory_space<hbm>>
      tpu.wait_dma2 semaphore(%arg17 : memref<!tpu.dma_semaphore, #tpu.memory_space<semaphore_mem>>) src(%dma_wait3A_123 : memref<80xi32, #tpu.memory_space<hbm>>) dst(%arg12 : memref<80xi32, #tpu.memory_space<vmem>>)
      "tpu.region"() ({
        %run_scoped3A = tpu.sem_alloc : memref<!tpu.dma_semaphore, #tpu.memory_space<semaphore_mem>>
        %dma_start3A_143 = arith.constant 0 : i32
        %dma_start3A_144 = tpu.memref_slice %arg8[%dma_start3A_143] : memref<10240xf32, #tpu.memory_space<vmem_shared>> -> memref<10240xf32, #tpu.memory_space<vmem_shared>>
        tpu.enqueue_indirect_dma source(%arg14 : memref<80xf32, #tpu.memory_space<vmem>>) target(%dma_start3A_144 : memref<10240xf32, #tpu.memory_space<vmem_shared>>) offsets(%arg12 : memref<80xi32, #tpu.memory_space<vmem>>) semaphore(%run_scoped3A : memref<!tpu.dma_semaphore, #tpu.memory_space<semaphore_mem>>) {add = true}
        %dma_wait3A_145 = arith.constant 0 : i32
        %dma_wait3A_146 = tpu.memref_slice %arg8[%dma_wait3A_145] : memref<10240xf32, #tpu.memory_space<vmem_shared>> -> memref<10240xf32, #tpu.memory_space<vmem_shared>>
        tpu.wait_indirect_dma semaphore(%run_scoped3A : memref<!tpu.dma_semaphore, #tpu.memory_space<semaphore_mem>>) src(%arg14 : memref<80xf32, #tpu.memory_space<vmem>>) dst(%dma_wait3A_146 : memref<10240xf32, #tpu.memory_space<vmem_shared>>)
        tpu.yield
      }) : () -> ()
      %add3A_124 = arith.constant 0 : i32
      %add3A_125 = arith.addi %mul3A_119, %add3A_124 : i32
      %add3A_126 = arith.constant 2 : i32
      %add3A_127 = arith.addi %add3A_125, %add3A_126 : i32
      %lt3A = arith.constant 63 : i32
      %lt3A_128 = arith.cmpi slt, %add3A_127, %lt3A : i32
      %convert_element_type3A = arith.extui %lt3A_128 : i1 to i32
      %cond3A = arith.constant 0 : i32
      %cond3A_129 = arith.cmpi ne, %convert_element_type3A, %cond3A : i32
      scf.if %cond3A_129 {
        %mul3A_143 = arith.constant 80 : i32
        %mul3A_144 = arith.muli %add3A_127, %mul3A_143 : i32
        %add3A_145 = arith.addi %add3A_91, %mul3A_144 : i32
        %dma_start3A_146 = tpu.memref_slice %arg4[%add3A_145] : memref<161280xi32, #tpu.memory_space<hbm>> -> memref<80xi32, #tpu.memory_space<hbm>>
        %dma_start3A_147 = tpu.memref_slice %arg4[%add3A_145] : memref<161280xi32, #tpu.memory_space<hbm>> -> memref<80xi32, #tpu.memory_space<hbm>>
        tpu.enqueue_dma source(%dma_start3A_147 : memref<80xi32, #tpu.memory_space<hbm>>) target(%arg12 : memref<80xi32, #tpu.memory_space<vmem>>) target_semaphore(%arg17 : memref<!tpu.dma_semaphore, #tpu.memory_space<semaphore_mem>>)
      } else {
      }
      %dma_wait3A_130 = arith.constant 0 : i32
      %dma_wait3A_131 = tpu.memref_slice %arg4[%dma_wait3A_130] : memref<161280xi32, #tpu.memory_space<hbm>> -> memref<80xi32, #tpu.memory_space<hbm>>
      %dma_wait3A_132 = arith.constant 0 : i32
      %dma_wait3A_133 = tpu.memref_slice %arg4[%dma_wait3A_132] : memref<161280xi32, #tpu.memory_space<hbm>> -> memref<80xi32, #tpu.memory_space<hbm>>
      tpu.wait_dma2 semaphore(%arg18 : memref<!tpu.dma_semaphore, #tpu.memory_space<semaphore_mem>>) src(%dma_wait3A_133 : memref<80xi32, #tpu.memory_space<hbm>>) dst(%arg13 : memref<80xi32, #tpu.memory_space<vmem>>)
      "tpu.region"() ({
        %run_scoped3A = tpu.sem_alloc : memref<!tpu.dma_semaphore, #tpu.memory_space<semaphore_mem>>
        %dma_start3A_143 = arith.constant 0 : i32
        %dma_start3A_144 = tpu.memref_slice %arg8[%dma_start3A_143] : memref<10240xf32, #tpu.memory_space<vmem_shared>> -> memref<10240xf32, #tpu.memory_space<vmem_shared>>
        tpu.enqueue_indirect_dma source(%arg14 : memref<80xf32, #tpu.memory_space<vmem>>) target(%dma_start3A_144 : memref<10240xf32, #tpu.memory_space<vmem_shared>>) offsets(%arg13 : memref<80xi32, #tpu.memory_space<vmem>>) semaphore(%run_scoped3A : memref<!tpu.dma_semaphore, #tpu.memory_space<semaphore_mem>>) {add = true}
        %dma_wait3A_145 = arith.constant 0 : i32
        %dma_wait3A_146 = tpu.memref_slice %arg8[%dma_wait3A_145] : memref<10240xf32, #tpu.memory_space<vmem_shared>> -> memref<10240xf32, #tpu.memory_space<vmem_shared>>
        tpu.wait_indirect_dma semaphore(%run_scoped3A : memref<!tpu.dma_semaphore, #tpu.memory_space<semaphore_mem>>) src(%arg14 : memref<80xf32, #tpu.memory_space<vmem>>) dst(%dma_wait3A_146 : memref<10240xf32, #tpu.memory_space<vmem_shared>>)
        tpu.yield
      }) : () -> ()
      %add3A_134 = arith.constant 1 : i32
      %add3A_135 = arith.addi %mul3A_119, %add3A_134 : i32
      %add3A_136 = arith.constant 2 : i32
      %add3A_137 = arith.addi %add3A_135, %add3A_136 : i32
      %lt3A_138 = arith.constant 63 : i32
      %lt3A_139 = arith.cmpi slt, %add3A_137, %lt3A_138 : i32
      %convert_element_type3A_140 = arith.extui %lt3A_139 : i1 to i32
      %cond3A_141 = arith.constant 0 : i32
      %cond3A_142 = arith.cmpi ne, %convert_element_type3A_140, %cond3A_141 : i32
      scf.if %cond3A_142 {
        %mul3A_143 = arith.constant 80 : i32
        %mul3A_144 = arith.muli %add3A_137, %mul3A_143 : i32
        %add3A_145 = arith.addi %add3A_91, %mul3A_144 : i32
        %dma_start3A_146 = tpu.memref_slice %arg4[%add3A_145] : memref<161280xi32, #tpu.memory_space<hbm>> -> memref<80xi32, #tpu.memory_space<hbm>>
        %dma_start3A_147 = tpu.memref_slice %arg4[%add3A_145] : memref<161280xi32, #tpu.memory_space<hbm>> -> memref<80xi32, #tpu.memory_space<hbm>>
        tpu.enqueue_dma source(%dma_start3A_147 : memref<80xi32, #tpu.memory_space<hbm>>) target(%arg13 : memref<80xi32, #tpu.memory_space<vmem>>) target_semaphore(%arg18 : memref<!tpu.dma_semaphore, #tpu.memory_space<semaphore_mem>>)
      } else {
      }
    }
    %scan3A_104 = arith.constant 31 : i32
    %dma_wait3A_105 = arith.constant 0 : i32
    %dma_wait3A_106 = tpu.memref_slice %arg4[%dma_wait3A_105] : memref<161280xi32, #tpu.memory_space<hbm>> -> memref<80xi32, #tpu.memory_space<hbm>>
    %dma_wait3A_107 = arith.constant 0 : i32
    %dma_wait3A_108 = tpu.memref_slice %arg4[%dma_wait3A_107] : memref<161280xi32, #tpu.memory_space<hbm>> -> memref<80xi32, #tpu.memory_space<hbm>>
    tpu.wait_dma2 semaphore(%arg17 : memref<!tpu.dma_semaphore, #tpu.memory_space<semaphore_mem>>) src(%dma_wait3A_108 : memref<80xi32, #tpu.memory_space<hbm>>) dst(%arg12 : memref<80xi32, #tpu.memory_space<vmem>>)
    "tpu.region"() ({
      %run_scoped3A = tpu.sem_alloc : memref<!tpu.dma_semaphore, #tpu.memory_space<semaphore_mem>>
      %dma_start3A_117 = arith.constant 0 : i32
      %dma_start3A_118 = tpu.memref_slice %arg8[%dma_start3A_117] : memref<10240xf32, #tpu.memory_space<vmem_shared>> -> memref<10240xf32, #tpu.memory_space<vmem_shared>>
      tpu.enqueue_indirect_dma source(%arg14 : memref<80xf32, #tpu.memory_space<vmem>>) target(%dma_start3A_118 : memref<10240xf32, #tpu.memory_space<vmem_shared>>) offsets(%arg12 : memref<80xi32, #tpu.memory_space<vmem>>) semaphore(%run_scoped3A : memref<!tpu.dma_semaphore, #tpu.memory_space<semaphore_mem>>) {add = true}
      %dma_wait3A_119 = arith.constant 0 : i32
      %dma_wait3A_120 = tpu.memref_slice %arg8[%dma_wait3A_119] : memref<10240xf32, #tpu.memory_space<vmem_shared>> -> memref<10240xf32, #tpu.memory_space<vmem_shared>>
      tpu.wait_indirect_dma semaphore(%run_scoped3A : memref<!tpu.dma_semaphore, #tpu.memory_space<semaphore_mem>>) src(%arg14 : memref<80xf32, #tpu.memory_space<vmem>>) dst(%dma_wait3A_120 : memref<10240xf32, #tpu.memory_space<vmem_shared>>)
      tpu.yield
    }) : () -> ()
    %barrier3A_109 = arith.constant 0 : index
    tpu.barrier barrier_id(%barrier3A_109)
    %mul3A_110 = arith.constant 640 : i32
    %mul3A_111 = arith.muli %arg1, %mul3A_110 : i32
    %mul3A_112 = arith.constant 10240 : i32
    %mul3A_113 = arith.muli %arg0, %mul3A_112 : i32
    %mul3A_114 = arith.constant 640 : i32
    %mul3A_115 = arith.muli %arg1, %mul3A_114 : i32
    %add3A_116 = arith.addi %mul3A_113, %mul3A_115 : i32
    "tpu.region"() ({
      %run_scoped3A = tpu.sem_alloc : memref<!tpu.dma_semaphore, #tpu.memory_space<semaphore_mem>>
      %dma_start3A_117 = tpu.memref_slice %arg7[%add3A_116] : memref<20480xf32, #tpu.memory_space<hbm>> -> memref<640xf32, #tpu.memory_space<hbm>>
      %dma_start3A_118 = tpu.memref_slice %arg8[%mul3A_111] : memref<10240xf32, #tpu.memory_space<vmem_shared>> -> memref<640xf32, #tpu.memory_space<vmem_shared>>
      tpu.enqueue_dma source(%dma_start3A_118 : memref<640xf32, #tpu.memory_space<vmem_shared>>) target(%dma_start3A_117 : memref<640xf32, #tpu.memory_space<hbm>>) target_semaphore(%run_scoped3A : memref<!tpu.dma_semaphore, #tpu.memory_space<semaphore_mem>>)
      %dma_wait3A_119 = tpu.memref_slice %arg7[%add3A_116] : memref<20480xf32, #tpu.memory_space<hbm>> -> memref<640xf32, #tpu.memory_space<hbm>>
      %dma_wait3A_120 = tpu.memref_slice %arg8[%mul3A_111] : memref<10240xf32, #tpu.memory_space<vmem_shared>> -> memref<640xf32, #tpu.memory_space<vmem_shared>>
      tpu.wait_dma2 semaphore(%run_scoped3A : memref<!tpu.dma_semaphore, #tpu.memory_space<semaphore_mem>>) src(%dma_wait3A_120 : memref<640xf32, #tpu.memory_space<vmem_shared>>) dst(%dma_wait3A_119 : memref<640xf32, #tpu.memory_space<hbm>>)
      tpu.yield
    }) : () -> ()
    return
  }
}

#map = affine_map<(d0, d1) -> (0, 0)>
#map1 = affine_map<(d0, d1) -> (0)>
module attributes {stable_mosaic.version = 14 : i64} {
  func.func @_msg_body(%arg0: i32, %arg1: i32, %arg2: memref<20480x128xf32, #tpu.memory_space<hbm>>, %arg3: memref<322560xi32, #tpu.memory_space<hbm>>, %arg4: memref<161280xi32, #tpu.memory_space<hbm>>, %arg5: memref<632x128xf32, #tpu.memory_space<hbm>>, %arg6: memref<20480x128xf32, #tpu.memory_space<hbm>>, %arg7: memref<10112x128xf32, #tpu.memory_space<vmem_shared>>, %arg8: memref<112x128xf32, #tpu.memory_space<vmem>>, %arg9: memref<112x128xf32, #tpu.memory_space<vmem>>, %arg10: memref<10080xi32, #tpu.memory_space<vmem>>, %arg11: memref<10080xi32, #tpu.memory_space<vmem>>, %arg12: memref<!tpu.dma_semaphore, #tpu.memory_space<semaphore_mem>>, %arg13: memref<!tpu.dma_semaphore, #tpu.memory_space<semaphore_mem>>, %arg14: memref<!tpu.dma_semaphore, #tpu.memory_space<semaphore_mem>>, %arg15: memref<!tpu.dma_semaphore, #tpu.memory_space<semaphore_mem>>) attributes {dimension_semantics = [#tpu.dimension_semantics<core_parallel>, #tpu.dimension_semantics<subcore_parallel>], iteration_bounds = array<i64: 2, 16>, scalar_prefetch = 0 : i64, scratch_operands = 9 : i64, tpu.core_type = #tpu.core_type<sc_vector_subcore>, window_params = [{transform_indices = #map}, {transform_indices = #map1}, {transform_indices = #map1}, {transform_indices = #map}, {transform_indices = #map}]} {
    %mul3A = arith.constant 16 : i32
    %mul3A_0 = arith.muli %arg0, %mul3A : i32
    %add3A = arith.addi %mul3A_0, %arg1 : i32
    %mul3A_1 = arith.constant 10080 : i32
    %mul3A_2 = arith.muli %add3A, %mul3A_1 : i32
    "tpu.region"() ({
      %run_scoped3A = tpu.sem_alloc : memref<!tpu.dma_semaphore, #tpu.memory_space<semaphore_mem>>
      %dma_start3A_29 = tpu.memref_slice %arg3[%mul3A_2] : memref<322560xi32, #tpu.memory_space<hbm>> -> memref<10080xi32, #tpu.memory_space<hbm>>
      %dma_start3A_30 = tpu.memref_slice %arg3[%mul3A_2] : memref<322560xi32, #tpu.memory_space<hbm>> -> memref<10080xi32, #tpu.memory_space<hbm>>
      tpu.enqueue_dma source(%dma_start3A_30 : memref<10080xi32, #tpu.memory_space<hbm>>) target(%arg10 : memref<10080xi32, #tpu.memory_space<vmem>>) target_semaphore(%run_scoped3A : memref<!tpu.dma_semaphore, #tpu.memory_space<semaphore_mem>>)
      %dma_wait3A = tpu.memref_slice %arg3[%mul3A_2] : memref<322560xi32, #tpu.memory_space<hbm>> -> memref<10080xi32, #tpu.memory_space<hbm>>
      %dma_wait3A_31 = tpu.memref_slice %arg3[%mul3A_2] : memref<322560xi32, #tpu.memory_space<hbm>> -> memref<10080xi32, #tpu.memory_space<hbm>>
      tpu.wait_dma2 semaphore(%run_scoped3A : memref<!tpu.dma_semaphore, #tpu.memory_space<semaphore_mem>>) src(%dma_wait3A_31 : memref<10080xi32, #tpu.memory_space<hbm>>) dst(%arg10 : memref<10080xi32, #tpu.memory_space<vmem>>)
      tpu.yield
    }) : () -> ()
    %mul3A_3 = arith.constant 10080 : i32
    %mul3A_4 = arith.muli %arg1, %mul3A_3 : i32
    "tpu.region"() ({
      %run_scoped3A = tpu.sem_alloc : memref<!tpu.dma_semaphore, #tpu.memory_space<semaphore_mem>>
      %dma_start3A_29 = tpu.memref_slice %arg4[%mul3A_4] : memref<161280xi32, #tpu.memory_space<hbm>> -> memref<10080xi32, #tpu.memory_space<hbm>>
      %dma_start3A_30 = tpu.memref_slice %arg4[%mul3A_4] : memref<161280xi32, #tpu.memory_space<hbm>> -> memref<10080xi32, #tpu.memory_space<hbm>>
      tpu.enqueue_dma source(%dma_start3A_30 : memref<10080xi32, #tpu.memory_space<hbm>>) target(%arg11 : memref<10080xi32, #tpu.memory_space<vmem>>) target_semaphore(%run_scoped3A : memref<!tpu.dma_semaphore, #tpu.memory_space<semaphore_mem>>)
      %dma_wait3A = tpu.memref_slice %arg4[%mul3A_4] : memref<161280xi32, #tpu.memory_space<hbm>> -> memref<10080xi32, #tpu.memory_space<hbm>>
      %dma_wait3A_31 = tpu.memref_slice %arg4[%mul3A_4] : memref<161280xi32, #tpu.memory_space<hbm>> -> memref<10080xi32, #tpu.memory_space<hbm>>
      tpu.wait_dma2 semaphore(%run_scoped3A : memref<!tpu.dma_semaphore, #tpu.memory_space<semaphore_mem>>) src(%dma_wait3A_31 : memref<10080xi32, #tpu.memory_space<hbm>>) dst(%arg11 : memref<10080xi32, #tpu.memory_space<vmem>>)
      tpu.yield
    }) : () -> ()
    %mul3A_5 = arith.constant 632 : i32
    %mul3A_6 = arith.muli %arg1, %mul3A_5 : i32
    "tpu.region"() ({
      %run_scoped3A = tpu.sem_alloc : memref<!tpu.dma_semaphore, #tpu.memory_space<semaphore_mem>>
      %dma_start3A_29 = arith.constant 0 : i32
      %dma_start3A_30 = tpu.memref_slice %arg7[%mul3A_6, %dma_start3A_29] : memref<10112x128xf32, #tpu.memory_space<vmem_shared>> -> memref<632x128xf32, #tpu.memory_space<vmem_shared>>
      tpu.enqueue_dma source(%arg5 : memref<632x128xf32, #tpu.memory_space<hbm>>) target(%dma_start3A_30 : memref<632x128xf32, #tpu.memory_space<vmem_shared>>) target_semaphore(%run_scoped3A : memref<!tpu.dma_semaphore, #tpu.memory_space<semaphore_mem>>)
      %dma_wait3A = arith.constant 0 : i32
      %dma_wait3A_31 = tpu.memref_slice %arg7[%mul3A_6, %dma_wait3A] : memref<10112x128xf32, #tpu.memory_space<vmem_shared>> -> memref<632x128xf32, #tpu.memory_space<vmem_shared>>
      tpu.wait_dma2 semaphore(%run_scoped3A : memref<!tpu.dma_semaphore, #tpu.memory_space<semaphore_mem>>) src(%arg5 : memref<632x128xf32, #tpu.memory_space<hbm>>) dst(%dma_wait3A_31 : memref<632x128xf32, #tpu.memory_space<vmem_shared>>)
      tpu.yield
    }) : () -> ()
    %barrier3A = arith.constant 0 : index
    tpu.barrier barrier_id(%barrier3A)
    %dma_start3A = arith.constant 0 : i32
    %dma_start3A_7 = tpu.memref_slice %arg10[%dma_start3A] : memref<10080xi32, #tpu.memory_space<vmem>> -> memref<112xi32, #tpu.memory_space<vmem>>
    %dma_start3A_8 = arith.constant 0 : i32
    %dma_start3A_9 = arith.constant 0 : i32
    %dma_start3A_10 = tpu.memref_slice %arg2[%dma_start3A_8, %dma_start3A_9] : memref<20480x128xf32, #tpu.memory_space<hbm>> -> memref<20480x128xf32, #tpu.memory_space<hbm>>
    tpu.enqueue_indirect_dma source(%dma_start3A_10 : memref<20480x128xf32, #tpu.memory_space<hbm>>) target(%arg8 : memref<112x128xf32, #tpu.memory_space<vmem>>) offsets(%dma_start3A_7 : memref<112xi32, #tpu.memory_space<vmem>>) semaphore(%arg12 : memref<!tpu.dma_semaphore, #tpu.memory_space<semaphore_mem>>)
    %dma_start3A_11 = arith.constant 112 : i32
    %dma_start3A_12 = tpu.memref_slice %arg10[%dma_start3A_11] : memref<10080xi32, #tpu.memory_space<vmem>> -> memref<112xi32, #tpu.memory_space<vmem>>
    %dma_start3A_13 = arith.constant 0 : i32
    %dma_start3A_14 = arith.constant 0 : i32
    %dma_start3A_15 = tpu.memref_slice %arg2[%dma_start3A_13, %dma_start3A_14] : memref<20480x128xf32, #tpu.memory_space<hbm>> -> memref<20480x128xf32, #tpu.memory_space<hbm>>
    tpu.enqueue_indirect_dma source(%dma_start3A_15 : memref<20480x128xf32, #tpu.memory_space<hbm>>) target(%arg9 : memref<112x128xf32, #tpu.memory_space<vmem>>) offsets(%dma_start3A_12 : memref<112xi32, #tpu.memory_space<vmem>>) semaphore(%arg13 : memref<!tpu.dma_semaphore, #tpu.memory_space<semaphore_mem>>)
    %scan3A = arith.constant 0 : i32
    %scan3A_16 = arith.constant 0 : i32
    %scan3A_17 = arith.constant 45 : i32
    %scan3A_18 = arith.addi %scan3A_16, %scan3A_17 : i32
    %scan3A_19 = arith.constant 1 : i32
    scf.for %scan3A_29 = %scan3A_16 to %scan3A_18 step %scan3A_19  : i32 {
      %mul3A_30 = arith.constant 2 : i32
      %mul3A_31 = arith.muli %mul3A_30, %scan3A_29 : i32
      %dma_wait3A = arith.constant 0 : i32
      %dma_wait3A_32 = tpu.memref_slice %arg10[%dma_wait3A] : memref<10080xi32, #tpu.memory_space<vmem>> -> memref<112xi32, #tpu.memory_space<vmem>>
      %dma_wait3A_33 = arith.constant 0 : i32
      %dma_wait3A_34 = arith.constant 0 : i32
      %dma_wait3A_35 = tpu.memref_slice %arg2[%dma_wait3A_33, %dma_wait3A_34] : memref<20480x128xf32, #tpu.memory_space<hbm>> -> memref<20480x128xf32, #tpu.memory_space<hbm>>
      tpu.wait_indirect_dma semaphore(%arg12 : memref<!tpu.dma_semaphore, #tpu.memory_space<semaphore_mem>>) src(%dma_wait3A_35 : memref<20480x128xf32, #tpu.memory_space<hbm>>) dst(%arg8 : memref<112x128xf32, #tpu.memory_space<vmem>>)
      %add3A_36 = arith.constant 0 : i32
      %add3A_37 = arith.addi %mul3A_31, %add3A_36 : i32
      %mul3A_38 = arith.constant 112 : i32
      %mul3A_39 = arith.muli %add3A_37, %mul3A_38 : i32
      %dma_start3A_40 = tpu.memref_slice %arg11[%mul3A_39] : memref<10080xi32, #tpu.memory_space<vmem>> -> memref<112xi32, #tpu.memory_space<vmem>>
      %dma_start3A_41 = arith.constant 0 : i32
      %dma_start3A_42 = arith.constant 0 : i32
      %dma_start3A_43 = tpu.memref_slice %arg7[%dma_start3A_41, %dma_start3A_42] : memref<10112x128xf32, #tpu.memory_space<vmem_shared>> -> memref<10112x128xf32, #tpu.memory_space<vmem_shared>>
      tpu.enqueue_indirect_dma source(%arg8 : memref<112x128xf32, #tpu.memory_space<vmem>>) target(%dma_start3A_43 : memref<10112x128xf32, #tpu.memory_space<vmem_shared>>) offsets(%dma_start3A_40 : memref<112xi32, #tpu.memory_space<vmem>>) semaphore(%arg14 : memref<!tpu.dma_semaphore, #tpu.memory_space<semaphore_mem>>) {add = true}
      %dma_wait3A_44 = arith.constant 0 : i32
      %dma_wait3A_45 = tpu.memref_slice %arg10[%dma_wait3A_44] : memref<10080xi32, #tpu.memory_space<vmem>> -> memref<112xi32, #tpu.memory_space<vmem>>
      %dma_wait3A_46 = arith.constant 0 : i32
      %dma_wait3A_47 = arith.constant 0 : i32
      %dma_wait3A_48 = tpu.memref_slice %arg2[%dma_wait3A_46, %dma_wait3A_47] : memref<20480x128xf32, #tpu.memory_space<hbm>> -> memref<20480x128xf32, #tpu.memory_space<hbm>>
      tpu.wait_indirect_dma semaphore(%arg13 : memref<!tpu.dma_semaphore, #tpu.memory_space<semaphore_mem>>) src(%dma_wait3A_48 : memref<20480x128xf32, #tpu.memory_space<hbm>>) dst(%arg9 : memref<112x128xf32, #tpu.memory_space<vmem>>)
      %add3A_49 = arith.constant 1 : i32
      %add3A_50 = arith.addi %mul3A_31, %add3A_49 : i32
      %mul3A_51 = arith.constant 112 : i32
      %mul3A_52 = arith.muli %add3A_50, %mul3A_51 : i32
      %dma_start3A_53 = tpu.memref_slice %arg11[%mul3A_52] : memref<10080xi32, #tpu.memory_space<vmem>> -> memref<112xi32, #tpu.memory_space<vmem>>
      %dma_start3A_54 = arith.constant 0 : i32
      %dma_start3A_55 = arith.constant 0 : i32
      %dma_start3A_56 = tpu.memref_slice %arg7[%dma_start3A_54, %dma_start3A_55] : memref<10112x128xf32, #tpu.memory_space<vmem_shared>> -> memref<10112x128xf32, #tpu.memory_space<vmem_shared>>
      tpu.enqueue_indirect_dma source(%arg9 : memref<112x128xf32, #tpu.memory_space<vmem>>) target(%dma_start3A_56 : memref<10112x128xf32, #tpu.memory_space<vmem_shared>>) offsets(%dma_start3A_53 : memref<112xi32, #tpu.memory_space<vmem>>) semaphore(%arg15 : memref<!tpu.dma_semaphore, #tpu.memory_space<semaphore_mem>>) {add = true}
      %add3A_57 = arith.constant 0 : i32
      %add3A_58 = arith.addi %mul3A_31, %add3A_57 : i32
      %add3A_59 = arith.constant 2 : i32
      %add3A_60 = arith.addi %add3A_58, %add3A_59 : i32
      %dma_wait3A_61 = arith.constant 0 : i32
      %dma_wait3A_62 = tpu.memref_slice %arg11[%dma_wait3A_61] : memref<10080xi32, #tpu.memory_space<vmem>> -> memref<112xi32, #tpu.memory_space<vmem>>
      %dma_wait3A_63 = arith.constant 0 : i32
      %dma_wait3A_64 = arith.constant 0 : i32
      %dma_wait3A_65 = tpu.memref_slice %arg7[%dma_wait3A_63, %dma_wait3A_64] : memref<10112x128xf32, #tpu.memory_space<vmem_shared>> -> memref<10112x128xf32, #tpu.memory_space<vmem_shared>>
      tpu.wait_indirect_dma semaphore(%arg14 : memref<!tpu.dma_semaphore, #tpu.memory_space<semaphore_mem>>) src(%arg8 : memref<112x128xf32, #tpu.memory_space<vmem>>) dst(%dma_wait3A_65 : memref<10112x128xf32, #tpu.memory_space<vmem_shared>>)
      %lt3A = arith.constant 90 : i32
      %lt3A_66 = arith.cmpi slt, %add3A_60, %lt3A : i32
      %convert_element_type3A = arith.extui %lt3A_66 : i1 to i32
      %cond3A = arith.constant 0 : i32
      %cond3A_67 = arith.cmpi ne, %convert_element_type3A, %cond3A : i32
      scf.if %cond3A_67 {
        %mul3A_82 = arith.constant 112 : i32
        %mul3A_83 = arith.muli %add3A_60, %mul3A_82 : i32
        %dma_start3A_84 = tpu.memref_slice %arg10[%mul3A_83] : memref<10080xi32, #tpu.memory_space<vmem>> -> memref<112xi32, #tpu.memory_space<vmem>>
        %dma_start3A_85 = arith.constant 0 : i32
        %dma_start3A_86 = arith.constant 0 : i32
        %dma_start3A_87 = tpu.memref_slice %arg2[%dma_start3A_85, %dma_start3A_86] : memref<20480x128xf32, #tpu.memory_space<hbm>> -> memref<20480x128xf32, #tpu.memory_space<hbm>>
        tpu.enqueue_indirect_dma source(%dma_start3A_87 : memref<20480x128xf32, #tpu.memory_space<hbm>>) target(%arg8 : memref<112x128xf32, #tpu.memory_space<vmem>>) offsets(%dma_start3A_84 : memref<112xi32, #tpu.memory_space<vmem>>) semaphore(%arg12 : memref<!tpu.dma_semaphore, #tpu.memory_space<semaphore_mem>>)
      } else {
      }
      %add3A_68 = arith.constant 1 : i32
      %add3A_69 = arith.addi %mul3A_31, %add3A_68 : i32
      %add3A_70 = arith.constant 2 : i32
      %add3A_71 = arith.addi %add3A_69, %add3A_70 : i32
      %dma_wait3A_72 = arith.constant 0 : i32
      %dma_wait3A_73 = tpu.memref_slice %arg11[%dma_wait3A_72] : memref<10080xi32, #tpu.memory_space<vmem>> -> memref<112xi32, #tpu.memory_space<vmem>>
      %dma_wait3A_74 = arith.constant 0 : i32
      %dma_wait3A_75 = arith.constant 0 : i32
      %dma_wait3A_76 = tpu.memref_slice %arg7[%dma_wait3A_74, %dma_wait3A_75] : memref<10112x128xf32, #tpu.memory_space<vmem_shared>> -> memref<10112x128xf32, #tpu.memory_space<vmem_shared>>
      tpu.wait_indirect_dma semaphore(%arg15 : memref<!tpu.dma_semaphore, #tpu.memory_space<semaphore_mem>>) src(%arg9 : memref<112x128xf32, #tpu.memory_space<vmem>>) dst(%dma_wait3A_76 : memref<10112x128xf32, #tpu.memory_space<vmem_shared>>)
      %lt3A_77 = arith.constant 90 : i32
      %lt3A_78 = arith.cmpi slt, %add3A_71, %lt3A_77 : i32
      %convert_element_type3A_79 = arith.extui %lt3A_78 : i1 to i32
      %cond3A_80 = arith.constant 0 : i32
      %cond3A_81 = arith.cmpi ne, %convert_element_type3A_79, %cond3A_80 : i32
      scf.if %cond3A_81 {
        %mul3A_82 = arith.constant 112 : i32
        %mul3A_83 = arith.muli %add3A_71, %mul3A_82 : i32
        %dma_start3A_84 = tpu.memref_slice %arg10[%mul3A_83] : memref<10080xi32, #tpu.memory_space<vmem>> -> memref<112xi32, #tpu.memory_space<vmem>>
        %dma_start3A_85 = arith.constant 0 : i32
        %dma_start3A_86 = arith.constant 0 : i32
        %dma_start3A_87 = tpu.memref_slice %arg2[%dma_start3A_85, %dma_start3A_86] : memref<20480x128xf32, #tpu.memory_space<hbm>> -> memref<20480x128xf32, #tpu.memory_space<hbm>>
        tpu.enqueue_indirect_dma source(%dma_start3A_87 : memref<20480x128xf32, #tpu.memory_space<hbm>>) target(%arg9 : memref<112x128xf32, #tpu.memory_space<vmem>>) offsets(%dma_start3A_84 : memref<112xi32, #tpu.memory_space<vmem>>) semaphore(%arg13 : memref<!tpu.dma_semaphore, #tpu.memory_space<semaphore_mem>>)
      } else {
      }
    }
    %scan3A_20 = arith.constant 45 : i32
    %barrier3A_21 = arith.constant 0 : index
    tpu.barrier barrier_id(%barrier3A_21)
    %mul3A_22 = arith.constant 632 : i32
    %mul3A_23 = arith.muli %arg1, %mul3A_22 : i32
    %mul3A_24 = arith.constant 10240 : i32
    %mul3A_25 = arith.muli %arg0, %mul3A_24 : i32
    %mul3A_26 = arith.constant 632 : i32
    %mul3A_27 = arith.muli %arg1, %mul3A_26 : i32
    %add3A_28 = arith.addi %mul3A_25, %mul3A_27 : i32
    "tpu.region"() ({
      %run_scoped3A = tpu.sem_alloc : memref<!tpu.dma_semaphore, #tpu.memory_space<semaphore_mem>>
      %dma_start3A_29 = arith.constant 0 : i32
      %dma_start3A_30 = tpu.memref_slice %arg6[%add3A_28, %dma_start3A_29] : memref<20480x128xf32, #tpu.memory_space<hbm>> -> memref<632x128xf32, #tpu.memory_space<hbm>>
      %dma_start3A_31 = arith.constant 0 : i32
      %dma_start3A_32 = tpu.memref_slice %arg7[%mul3A_23, %dma_start3A_31] : memref<10112x128xf32, #tpu.memory_space<vmem_shared>> -> memref<632x128xf32, #tpu.memory_space<vmem_shared>>
      tpu.enqueue_dma source(%dma_start3A_32 : memref<632x128xf32, #tpu.memory_space<vmem_shared>>) target(%dma_start3A_30 : memref<632x128xf32, #tpu.memory_space<hbm>>) target_semaphore(%run_scoped3A : memref<!tpu.dma_semaphore, #tpu.memory_space<semaphore_mem>>)
      %dma_wait3A = arith.constant 0 : i32
      %dma_wait3A_33 = tpu.memref_slice %arg6[%add3A_28, %dma_wait3A] : memref<20480x128xf32, #tpu.memory_space<hbm>> -> memref<632x128xf32, #tpu.memory_space<hbm>>
      %dma_wait3A_34 = arith.constant 0 : i32
      %dma_wait3A_35 = tpu.memref_slice %arg7[%mul3A_23, %dma_wait3A_34] : memref<10112x128xf32, #tpu.memory_space<vmem_shared>> -> memref<632x128xf32, #tpu.memory_space<vmem_shared>>
      tpu.wait_dma2 semaphore(%run_scoped3A : memref<!tpu.dma_semaphore, #tpu.memory_space<semaphore_mem>>) src(%dma_wait3A_35 : memref<632x128xf32, #tpu.memory_space<vmem_shared>>) dst(%dma_wait3A_33 : memref<632x128xf32, #tpu.memory_space<hbm>>)
      tpu.yield
    }) : () -> ()
    return
  }
}

#map = affine_map<(d0, d1) -> (0, 0)>
#map1 = affine_map<(d0, d1) -> (0)>
module attributes {stable_mosaic.version = 14 : i64} {
  func.func @_msg_body(%arg0: i32, %arg1: i32, %arg2: memref<20480x128xf32, #tpu.memory_space<hbm>>, %arg3: memref<322560xi32, #tpu.memory_space<hbm>>, %arg4: memref<161280xi32, #tpu.memory_space<hbm>>, %arg5: memref<632x128xf32, #tpu.memory_space<hbm>>, %arg6: memref<20480x128xf32, #tpu.memory_space<hbm>>, %arg7: memref<10112x128xf32, #tpu.memory_space<vmem_shared>>, %arg8: memref<112x128xf32, #tpu.memory_space<vmem>>, %arg9: memref<112x128xf32, #tpu.memory_space<vmem>>, %arg10: memref<10080xi32, #tpu.memory_space<vmem>>, %arg11: memref<10080xi32, #tpu.memory_space<vmem>>, %arg12: memref<!tpu.dma_semaphore, #tpu.memory_space<semaphore_mem>>, %arg13: memref<!tpu.dma_semaphore, #tpu.memory_space<semaphore_mem>>, %arg14: memref<!tpu.dma_semaphore, #tpu.memory_space<semaphore_mem>>, %arg15: memref<!tpu.dma_semaphore, #tpu.memory_space<semaphore_mem>>) attributes {dimension_semantics = [#tpu.dimension_semantics<core_parallel>, #tpu.dimension_semantics<subcore_parallel>], iteration_bounds = array<i64: 2, 16>, scalar_prefetch = 0 : i64, scratch_operands = 9 : i64, tpu.core_type = #tpu.core_type<sc_vector_subcore>, window_params = [{transform_indices = #map}, {transform_indices = #map1}, {transform_indices = #map1}, {transform_indices = #map}, {transform_indices = #map}]} {
    %mul3A = arith.constant 16 : i32
    %mul3A_0 = arith.muli %arg0, %mul3A : i32
    %add3A = arith.addi %mul3A_0, %arg1 : i32
    %mul3A_1 = arith.constant 10080 : i32
    %mul3A_2 = arith.muli %add3A, %mul3A_1 : i32
    "tpu.region"() ({
      %run_scoped3A = tpu.sem_alloc : memref<!tpu.dma_semaphore, #tpu.memory_space<semaphore_mem>>
      %dma_start3A_29 = tpu.memref_slice %arg3[%mul3A_2] : memref<322560xi32, #tpu.memory_space<hbm>> -> memref<10080xi32, #tpu.memory_space<hbm>>
      %dma_start3A_30 = tpu.memref_slice %arg3[%mul3A_2] : memref<322560xi32, #tpu.memory_space<hbm>> -> memref<10080xi32, #tpu.memory_space<hbm>>
      tpu.enqueue_dma source(%dma_start3A_30 : memref<10080xi32, #tpu.memory_space<hbm>>) target(%arg10 : memref<10080xi32, #tpu.memory_space<vmem>>) target_semaphore(%run_scoped3A : memref<!tpu.dma_semaphore, #tpu.memory_space<semaphore_mem>>)
      %dma_wait3A = tpu.memref_slice %arg3[%mul3A_2] : memref<322560xi32, #tpu.memory_space<hbm>> -> memref<10080xi32, #tpu.memory_space<hbm>>
      %dma_wait3A_31 = tpu.memref_slice %arg3[%mul3A_2] : memref<322560xi32, #tpu.memory_space<hbm>> -> memref<10080xi32, #tpu.memory_space<hbm>>
      tpu.wait_dma2 semaphore(%run_scoped3A : memref<!tpu.dma_semaphore, #tpu.memory_space<semaphore_mem>>) src(%dma_wait3A_31 : memref<10080xi32, #tpu.memory_space<hbm>>) dst(%arg10 : memref<10080xi32, #tpu.memory_space<vmem>>)
      tpu.yield
    }) : () -> ()
    %mul3A_3 = arith.constant 10080 : i32
    %mul3A_4 = arith.muli %arg1, %mul3A_3 : i32
    "tpu.region"() ({
      %run_scoped3A = tpu.sem_alloc : memref<!tpu.dma_semaphore, #tpu.memory_space<semaphore_mem>>
      %dma_start3A_29 = tpu.memref_slice %arg4[%mul3A_4] : memref<161280xi32, #tpu.memory_space<hbm>> -> memref<10080xi32, #tpu.memory_space<hbm>>
      %dma_start3A_30 = tpu.memref_slice %arg4[%mul3A_4] : memref<161280xi32, #tpu.memory_space<hbm>> -> memref<10080xi32, #tpu.memory_space<hbm>>
      tpu.enqueue_dma source(%dma_start3A_30 : memref<10080xi32, #tpu.memory_space<hbm>>) target(%arg11 : memref<10080xi32, #tpu.memory_space<vmem>>) target_semaphore(%run_scoped3A : memref<!tpu.dma_semaphore, #tpu.memory_space<semaphore_mem>>)
      %dma_wait3A = tpu.memref_slice %arg4[%mul3A_4] : memref<161280xi32, #tpu.memory_space<hbm>> -> memref<10080xi32, #tpu.memory_space<hbm>>
      %dma_wait3A_31 = tpu.memref_slice %arg4[%mul3A_4] : memref<161280xi32, #tpu.memory_space<hbm>> -> memref<10080xi32, #tpu.memory_space<hbm>>
      tpu.wait_dma2 semaphore(%run_scoped3A : memref<!tpu.dma_semaphore, #tpu.memory_space<semaphore_mem>>) src(%dma_wait3A_31 : memref<10080xi32, #tpu.memory_space<hbm>>) dst(%arg11 : memref<10080xi32, #tpu.memory_space<vmem>>)
      tpu.yield
    }) : () -> ()
    %mul3A_5 = arith.constant 632 : i32
    %mul3A_6 = arith.muli %arg1, %mul3A_5 : i32
    "tpu.region"() ({
      %run_scoped3A = tpu.sem_alloc : memref<!tpu.dma_semaphore, #tpu.memory_space<semaphore_mem>>
      %dma_start3A_29 = arith.constant 0 : i32
      %dma_start3A_30 = tpu.memref_slice %arg7[%mul3A_6, %dma_start3A_29] : memref<10112x128xf32, #tpu.memory_space<vmem_shared>> -> memref<632x128xf32, #tpu.memory_space<vmem_shared>>
      tpu.enqueue_dma source(%arg5 : memref<632x128xf32, #tpu.memory_space<hbm>>) target(%dma_start3A_30 : memref<632x128xf32, #tpu.memory_space<vmem_shared>>) target_semaphore(%run_scoped3A : memref<!tpu.dma_semaphore, #tpu.memory_space<semaphore_mem>>)
      %dma_wait3A = arith.constant 0 : i32
      %dma_wait3A_31 = tpu.memref_slice %arg7[%mul3A_6, %dma_wait3A] : memref<10112x128xf32, #tpu.memory_space<vmem_shared>> -> memref<632x128xf32, #tpu.memory_space<vmem_shared>>
      tpu.wait_dma2 semaphore(%run_scoped3A : memref<!tpu.dma_semaphore, #tpu.memory_space<semaphore_mem>>) src(%arg5 : memref<632x128xf32, #tpu.memory_space<hbm>>) dst(%dma_wait3A_31 : memref<632x128xf32, #tpu.memory_space<vmem_shared>>)
      tpu.yield
    }) : () -> ()
    %barrier3A = arith.constant 0 : index
    tpu.barrier barrier_id(%barrier3A)
    %dma_start3A = arith.constant 0 : i32
    %dma_start3A_7 = tpu.memref_slice %arg10[%dma_start3A] : memref<10080xi32, #tpu.memory_space<vmem>> -> memref<112xi32, #tpu.memory_space<vmem>>
    %dma_start3A_8 = arith.constant 0 : i32
    %dma_start3A_9 = arith.constant 0 : i32
    %dma_start3A_10 = tpu.memref_slice %arg2[%dma_start3A_8, %dma_start3A_9] : memref<20480x128xf32, #tpu.memory_space<hbm>> -> memref<20480x128xf32, #tpu.memory_space<hbm>>
    tpu.enqueue_indirect_dma source(%dma_start3A_10 : memref<20480x128xf32, #tpu.memory_space<hbm>>) target(%arg8 : memref<112x128xf32, #tpu.memory_space<vmem>>) offsets(%dma_start3A_7 : memref<112xi32, #tpu.memory_space<vmem>>) semaphore(%arg12 : memref<!tpu.dma_semaphore, #tpu.memory_space<semaphore_mem>>)
    %dma_start3A_11 = arith.constant 112 : i32
    %dma_start3A_12 = tpu.memref_slice %arg10[%dma_start3A_11] : memref<10080xi32, #tpu.memory_space<vmem>> -> memref<112xi32, #tpu.memory_space<vmem>>
    %dma_start3A_13 = arith.constant 0 : i32
    %dma_start3A_14 = arith.constant 0 : i32
    %dma_start3A_15 = tpu.memref_slice %arg2[%dma_start3A_13, %dma_start3A_14] : memref<20480x128xf32, #tpu.memory_space<hbm>> -> memref<20480x128xf32, #tpu.memory_space<hbm>>
    tpu.enqueue_indirect_dma source(%dma_start3A_15 : memref<20480x128xf32, #tpu.memory_space<hbm>>) target(%arg9 : memref<112x128xf32, #tpu.memory_space<vmem>>) offsets(%dma_start3A_12 : memref<112xi32, #tpu.memory_space<vmem>>) semaphore(%arg13 : memref<!tpu.dma_semaphore, #tpu.memory_space<semaphore_mem>>)
    %scan3A = arith.constant 0 : i32
    %scan3A_16 = arith.constant 0 : i32
    %scan3A_17 = arith.constant 45 : i32
    %scan3A_18 = arith.addi %scan3A_16, %scan3A_17 : i32
    %scan3A_19 = arith.constant 1 : i32
    scf.for %scan3A_29 = %scan3A_16 to %scan3A_18 step %scan3A_19  : i32 {
      %mul3A_30 = arith.constant 2 : i32
      %mul3A_31 = arith.muli %mul3A_30, %scan3A_29 : i32
      %dma_wait3A = arith.constant 0 : i32
      %dma_wait3A_32 = tpu.memref_slice %arg10[%dma_wait3A] : memref<10080xi32, #tpu.memory_space<vmem>> -> memref<112xi32, #tpu.memory_space<vmem>>
      %dma_wait3A_33 = arith.constant 0 : i32
      %dma_wait3A_34 = arith.constant 0 : i32
      %dma_wait3A_35 = tpu.memref_slice %arg2[%dma_wait3A_33, %dma_wait3A_34] : memref<20480x128xf32, #tpu.memory_space<hbm>> -> memref<20480x128xf32, #tpu.memory_space<hbm>>
      tpu.wait_indirect_dma semaphore(%arg12 : memref<!tpu.dma_semaphore, #tpu.memory_space<semaphore_mem>>) src(%dma_wait3A_35 : memref<20480x128xf32, #tpu.memory_space<hbm>>) dst(%arg8 : memref<112x128xf32, #tpu.memory_space<vmem>>)
      %add3A_36 = arith.constant 0 : i32
      %add3A_37 = arith.addi %mul3A_31, %add3A_36 : i32
      %mul3A_38 = arith.constant 112 : i32
      %mul3A_39 = arith.muli %add3A_37, %mul3A_38 : i32
      %dma_start3A_40 = tpu.memref_slice %arg11[%mul3A_39] : memref<10080xi32, #tpu.memory_space<vmem>> -> memref<112xi32, #tpu.memory_space<vmem>>
      %dma_start3A_41 = arith.constant 0 : i32
      %dma_start3A_42 = arith.constant 0 : i32
      %dma_start3A_43 = tpu.memref_slice %arg7[%dma_start3A_41, %dma_start3A_42] : memref<10112x128xf32, #tpu.memory_space<vmem_shared>> -> memref<10112x128xf32, #tpu.memory_space<vmem_shared>>
      tpu.enqueue_indirect_dma source(%arg8 : memref<112x128xf32, #tpu.memory_space<vmem>>) target(%dma_start3A_43 : memref<10112x128xf32, #tpu.memory_space<vmem_shared>>) offsets(%dma_start3A_40 : memref<112xi32, #tpu.memory_space<vmem>>) semaphore(%arg14 : memref<!tpu.dma_semaphore, #tpu.memory_space<semaphore_mem>>) {add = true}
      %dma_wait3A_44 = arith.constant 0 : i32
      %dma_wait3A_45 = tpu.memref_slice %arg10[%dma_wait3A_44] : memref<10080xi32, #tpu.memory_space<vmem>> -> memref<112xi32, #tpu.memory_space<vmem>>
      %dma_wait3A_46 = arith.constant 0 : i32
      %dma_wait3A_47 = arith.constant 0 : i32
      %dma_wait3A_48 = tpu.memref_slice %arg2[%dma_wait3A_46, %dma_wait3A_47] : memref<20480x128xf32, #tpu.memory_space<hbm>> -> memref<20480x128xf32, #tpu.memory_space<hbm>>
      tpu.wait_indirect_dma semaphore(%arg13 : memref<!tpu.dma_semaphore, #tpu.memory_space<semaphore_mem>>) src(%dma_wait3A_48 : memref<20480x128xf32, #tpu.memory_space<hbm>>) dst(%arg9 : memref<112x128xf32, #tpu.memory_space<vmem>>)
      %add3A_49 = arith.constant 1 : i32
      %add3A_50 = arith.addi %mul3A_31, %add3A_49 : i32
      %mul3A_51 = arith.constant 112 : i32
      %mul3A_52 = arith.muli %add3A_50, %mul3A_51 : i32
      %dma_start3A_53 = tpu.memref_slice %arg11[%mul3A_52] : memref<10080xi32, #tpu.memory_space<vmem>> -> memref<112xi32, #tpu.memory_space<vmem>>
      %dma_start3A_54 = arith.constant 0 : i32
      %dma_start3A_55 = arith.constant 0 : i32
      %dma_start3A_56 = tpu.memref_slice %arg7[%dma_start3A_54, %dma_start3A_55] : memref<10112x128xf32, #tpu.memory_space<vmem_shared>> -> memref<10112x128xf32, #tpu.memory_space<vmem_shared>>
      tpu.enqueue_indirect_dma source(%arg9 : memref<112x128xf32, #tpu.memory_space<vmem>>) target(%dma_start3A_56 : memref<10112x128xf32, #tpu.memory_space<vmem_shared>>) offsets(%dma_start3A_53 : memref<112xi32, #tpu.memory_space<vmem>>) semaphore(%arg15 : memref<!tpu.dma_semaphore, #tpu.memory_space<semaphore_mem>>) {add = true}
      %add3A_57 = arith.constant 0 : i32
      %add3A_58 = arith.addi %mul3A_31, %add3A_57 : i32
      %add3A_59 = arith.constant 2 : i32
      %add3A_60 = arith.addi %add3A_58, %add3A_59 : i32
      %dma_wait3A_61 = arith.constant 0 : i32
      %dma_wait3A_62 = tpu.memref_slice %arg11[%dma_wait3A_61] : memref<10080xi32, #tpu.memory_space<vmem>> -> memref<112xi32, #tpu.memory_space<vmem>>
      %dma_wait3A_63 = arith.constant 0 : i32
      %dma_wait3A_64 = arith.constant 0 : i32
      %dma_wait3A_65 = tpu.memref_slice %arg7[%dma_wait3A_63, %dma_wait3A_64] : memref<10112x128xf32, #tpu.memory_space<vmem_shared>> -> memref<10112x128xf32, #tpu.memory_space<vmem_shared>>
      tpu.wait_indirect_dma semaphore(%arg14 : memref<!tpu.dma_semaphore, #tpu.memory_space<semaphore_mem>>) src(%arg8 : memref<112x128xf32, #tpu.memory_space<vmem>>) dst(%dma_wait3A_65 : memref<10112x128xf32, #tpu.memory_space<vmem_shared>>)
      %lt3A = arith.constant 90 : i32
      %lt3A_66 = arith.cmpi slt, %add3A_60, %lt3A : i32
      %convert_element_type3A = arith.extui %lt3A_66 : i1 to i32
      %cond3A = arith.constant 0 : i32
      %cond3A_67 = arith.cmpi ne, %convert_element_type3A, %cond3A : i32
      scf.if %cond3A_67 {
        %mul3A_82 = arith.constant 112 : i32
        %mul3A_83 = arith.muli %add3A_60, %mul3A_82 : i32
        %dma_start3A_84 = tpu.memref_slice %arg10[%mul3A_83] : memref<10080xi32, #tpu.memory_space<vmem>> -> memref<112xi32, #tpu.memory_space<vmem>>
        %dma_start3A_85 = arith.constant 0 : i32
        %dma_start3A_86 = arith.constant 0 : i32
        %dma_start3A_87 = tpu.memref_slice %arg2[%dma_start3A_85, %dma_start3A_86] : memref<20480x128xf32, #tpu.memory_space<hbm>> -> memref<20480x128xf32, #tpu.memory_space<hbm>>
        tpu.enqueue_indirect_dma source(%dma_start3A_87 : memref<20480x128xf32, #tpu.memory_space<hbm>>) target(%arg8 : memref<112x128xf32, #tpu.memory_space<vmem>>) offsets(%dma_start3A_84 : memref<112xi32, #tpu.memory_space<vmem>>) semaphore(%arg12 : memref<!tpu.dma_semaphore, #tpu.memory_space<semaphore_mem>>)
      } else {
      }
      %add3A_68 = arith.constant 1 : i32
      %add3A_69 = arith.addi %mul3A_31, %add3A_68 : i32
      %add3A_70 = arith.constant 2 : i32
      %add3A_71 = arith.addi %add3A_69, %add3A_70 : i32
      %dma_wait3A_72 = arith.constant 0 : i32
      %dma_wait3A_73 = tpu.memref_slice %arg11[%dma_wait3A_72] : memref<10080xi32, #tpu.memory_space<vmem>> -> memref<112xi32, #tpu.memory_space<vmem>>
      %dma_wait3A_74 = arith.constant 0 : i32
      %dma_wait3A_75 = arith.constant 0 : i32
      %dma_wait3A_76 = tpu.memref_slice %arg7[%dma_wait3A_74, %dma_wait3A_75] : memref<10112x128xf32, #tpu.memory_space<vmem_shared>> -> memref<10112x128xf32, #tpu.memory_space<vmem_shared>>
      tpu.wait_indirect_dma semaphore(%arg15 : memref<!tpu.dma_semaphore, #tpu.memory_space<semaphore_mem>>) src(%arg9 : memref<112x128xf32, #tpu.memory_space<vmem>>) dst(%dma_wait3A_76 : memref<10112x128xf32, #tpu.memory_space<vmem_shared>>)
      %lt3A_77 = arith.constant 90 : i32
      %lt3A_78 = arith.cmpi slt, %add3A_71, %lt3A_77 : i32
      %convert_element_type3A_79 = arith.extui %lt3A_78 : i1 to i32
      %cond3A_80 = arith.constant 0 : i32
      %cond3A_81 = arith.cmpi ne, %convert_element_type3A_79, %cond3A_80 : i32
      scf.if %cond3A_81 {
        %mul3A_82 = arith.constant 112 : i32
        %mul3A_83 = arith.muli %add3A_71, %mul3A_82 : i32
        %dma_start3A_84 = tpu.memref_slice %arg10[%mul3A_83] : memref<10080xi32, #tpu.memory_space<vmem>> -> memref<112xi32, #tpu.memory_space<vmem>>
        %dma_start3A_85 = arith.constant 0 : i32
        %dma_start3A_86 = arith.constant 0 : i32
        %dma_start3A_87 = tpu.memref_slice %arg2[%dma_start3A_85, %dma_start3A_86] : memref<20480x128xf32, #tpu.memory_space<hbm>> -> memref<20480x128xf32, #tpu.memory_space<hbm>>
        tpu.enqueue_indirect_dma source(%dma_start3A_87 : memref<20480x128xf32, #tpu.memory_space<hbm>>) target(%arg9 : memref<112x128xf32, #tpu.memory_space<vmem>>) offsets(%dma_start3A_84 : memref<112xi32, #tpu.memory_space<vmem>>) semaphore(%arg13 : memref<!tpu.dma_semaphore, #tpu.memory_space<semaphore_mem>>)
      } else {
      }
    }
    %scan3A_20 = arith.constant 45 : i32
    %barrier3A_21 = arith.constant 0 : index
    tpu.barrier barrier_id(%barrier3A_21)
    %mul3A_22 = arith.constant 632 : i32
    %mul3A_23 = arith.muli %arg1, %mul3A_22 : i32
    %mul3A_24 = arith.constant 10240 : i32
    %mul3A_25 = arith.muli %arg0, %mul3A_24 : i32
    %mul3A_26 = arith.constant 632 : i32
    %mul3A_27 = arith.muli %arg1, %mul3A_26 : i32
    %add3A_28 = arith.addi %mul3A_25, %mul3A_27 : i32
    "tpu.region"() ({
      %run_scoped3A = tpu.sem_alloc : memref<!tpu.dma_semaphore, #tpu.memory_space<semaphore_mem>>
      %dma_start3A_29 = arith.constant 0 : i32
      %dma_start3A_30 = tpu.memref_slice %arg6[%add3A_28, %dma_start3A_29] : memref<20480x128xf32, #tpu.memory_space<hbm>> -> memref<632x128xf32, #tpu.memory_space<hbm>>
      %dma_start3A_31 = arith.constant 0 : i32
      %dma_start3A_32 = tpu.memref_slice %arg7[%mul3A_23, %dma_start3A_31] : memref<10112x128xf32, #tpu.memory_space<vmem_shared>> -> memref<632x128xf32, #tpu.memory_space<vmem_shared>>
      tpu.enqueue_dma source(%dma_start3A_32 : memref<632x128xf32, #tpu.memory_space<vmem_shared>>) target(%dma_start3A_30 : memref<632x128xf32, #tpu.memory_space<hbm>>) target_semaphore(%run_scoped3A : memref<!tpu.dma_semaphore, #tpu.memory_space<semaphore_mem>>)
      %dma_wait3A = arith.constant 0 : i32
      %dma_wait3A_33 = tpu.memref_slice %arg6[%add3A_28, %dma_wait3A] : memref<20480x128xf32, #tpu.memory_space<hbm>> -> memref<632x128xf32, #tpu.memory_space<hbm>>
      %dma_wait3A_34 = arith.constant 0 : i32
      %dma_wait3A_35 = tpu.memref_slice %arg7[%mul3A_23, %dma_wait3A_34] : memref<10112x128xf32, #tpu.memory_space<vmem_shared>> -> memref<632x128xf32, #tpu.memory_space<vmem_shared>>
      tpu.wait_dma2 semaphore(%run_scoped3A : memref<!tpu.dma_semaphore, #tpu.memory_space<semaphore_mem>>) src(%dma_wait3A_35 : memref<632x128xf32, #tpu.memory_space<vmem_shared>>) dst(%dma_wait3A_33 : memref<632x128xf32, #tpu.memory_space<hbm>>)
      tpu.yield
    }) : () -> ()
    return
  }
}

#map = affine_map<(d0, d1) -> (0, 0)>
#map1 = affine_map<(d0, d1) -> (0)>
module attributes {stable_mosaic.version = 14 : i64} {
  func.func @_msg_body(%arg0: i32, %arg1: i32, %arg2: memref<20480x128xf32, #tpu.memory_space<hbm>>, %arg3: memref<322560xi32, #tpu.memory_space<hbm>>, %arg4: memref<161280xi32, #tpu.memory_space<hbm>>, %arg5: memref<632x128xf32, #tpu.memory_space<hbm>>, %arg6: memref<20480x128xf32, #tpu.memory_space<hbm>>, %arg7: memref<10112x128xf32, #tpu.memory_space<vmem_shared>>, %arg8: memref<112x128xf32, #tpu.memory_space<vmem>>, %arg9: memref<112x128xf32, #tpu.memory_space<vmem>>, %arg10: memref<10080xi32, #tpu.memory_space<vmem>>, %arg11: memref<10080xi32, #tpu.memory_space<vmem>>, %arg12: memref<!tpu.dma_semaphore, #tpu.memory_space<semaphore_mem>>, %arg13: memref<!tpu.dma_semaphore, #tpu.memory_space<semaphore_mem>>, %arg14: memref<!tpu.dma_semaphore, #tpu.memory_space<semaphore_mem>>, %arg15: memref<!tpu.dma_semaphore, #tpu.memory_space<semaphore_mem>>) attributes {dimension_semantics = [#tpu.dimension_semantics<core_parallel>, #tpu.dimension_semantics<subcore_parallel>], iteration_bounds = array<i64: 2, 16>, scalar_prefetch = 0 : i64, scratch_operands = 9 : i64, tpu.core_type = #tpu.core_type<sc_vector_subcore>, window_params = [{transform_indices = #map}, {transform_indices = #map1}, {transform_indices = #map1}, {transform_indices = #map}, {transform_indices = #map}]} {
    %mul3A = arith.constant 16 : i32
    %mul3A_0 = arith.muli %arg0, %mul3A : i32
    %add3A = arith.addi %mul3A_0, %arg1 : i32
    %mul3A_1 = arith.constant 10080 : i32
    %mul3A_2 = arith.muli %add3A, %mul3A_1 : i32
    "tpu.region"() ({
      %run_scoped3A = tpu.sem_alloc : memref<!tpu.dma_semaphore, #tpu.memory_space<semaphore_mem>>
      %dma_start3A_29 = tpu.memref_slice %arg3[%mul3A_2] : memref<322560xi32, #tpu.memory_space<hbm>> -> memref<10080xi32, #tpu.memory_space<hbm>>
      %dma_start3A_30 = tpu.memref_slice %arg3[%mul3A_2] : memref<322560xi32, #tpu.memory_space<hbm>> -> memref<10080xi32, #tpu.memory_space<hbm>>
      tpu.enqueue_dma source(%dma_start3A_30 : memref<10080xi32, #tpu.memory_space<hbm>>) target(%arg10 : memref<10080xi32, #tpu.memory_space<vmem>>) target_semaphore(%run_scoped3A : memref<!tpu.dma_semaphore, #tpu.memory_space<semaphore_mem>>)
      %dma_wait3A = tpu.memref_slice %arg3[%mul3A_2] : memref<322560xi32, #tpu.memory_space<hbm>> -> memref<10080xi32, #tpu.memory_space<hbm>>
      %dma_wait3A_31 = tpu.memref_slice %arg3[%mul3A_2] : memref<322560xi32, #tpu.memory_space<hbm>> -> memref<10080xi32, #tpu.memory_space<hbm>>
      tpu.wait_dma2 semaphore(%run_scoped3A : memref<!tpu.dma_semaphore, #tpu.memory_space<semaphore_mem>>) src(%dma_wait3A_31 : memref<10080xi32, #tpu.memory_space<hbm>>) dst(%arg10 : memref<10080xi32, #tpu.memory_space<vmem>>)
      tpu.yield
    }) : () -> ()
    %mul3A_3 = arith.constant 10080 : i32
    %mul3A_4 = arith.muli %arg1, %mul3A_3 : i32
    "tpu.region"() ({
      %run_scoped3A = tpu.sem_alloc : memref<!tpu.dma_semaphore, #tpu.memory_space<semaphore_mem>>
      %dma_start3A_29 = tpu.memref_slice %arg4[%mul3A_4] : memref<161280xi32, #tpu.memory_space<hbm>> -> memref<10080xi32, #tpu.memory_space<hbm>>
      %dma_start3A_30 = tpu.memref_slice %arg4[%mul3A_4] : memref<161280xi32, #tpu.memory_space<hbm>> -> memref<10080xi32, #tpu.memory_space<hbm>>
      tpu.enqueue_dma source(%dma_start3A_30 : memref<10080xi32, #tpu.memory_space<hbm>>) target(%arg11 : memref<10080xi32, #tpu.memory_space<vmem>>) target_semaphore(%run_scoped3A : memref<!tpu.dma_semaphore, #tpu.memory_space<semaphore_mem>>)
      %dma_wait3A = tpu.memref_slice %arg4[%mul3A_4] : memref<161280xi32, #tpu.memory_space<hbm>> -> memref<10080xi32, #tpu.memory_space<hbm>>
      %dma_wait3A_31 = tpu.memref_slice %arg4[%mul3A_4] : memref<161280xi32, #tpu.memory_space<hbm>> -> memref<10080xi32, #tpu.memory_space<hbm>>
      tpu.wait_dma2 semaphore(%run_scoped3A : memref<!tpu.dma_semaphore, #tpu.memory_space<semaphore_mem>>) src(%dma_wait3A_31 : memref<10080xi32, #tpu.memory_space<hbm>>) dst(%arg11 : memref<10080xi32, #tpu.memory_space<vmem>>)
      tpu.yield
    }) : () -> ()
    %mul3A_5 = arith.constant 632 : i32
    %mul3A_6 = arith.muli %arg1, %mul3A_5 : i32
    "tpu.region"() ({
      %run_scoped3A = tpu.sem_alloc : memref<!tpu.dma_semaphore, #tpu.memory_space<semaphore_mem>>
      %dma_start3A_29 = arith.constant 0 : i32
      %dma_start3A_30 = tpu.memref_slice %arg7[%mul3A_6, %dma_start3A_29] : memref<10112x128xf32, #tpu.memory_space<vmem_shared>> -> memref<632x128xf32, #tpu.memory_space<vmem_shared>>
      tpu.enqueue_dma source(%arg5 : memref<632x128xf32, #tpu.memory_space<hbm>>) target(%dma_start3A_30 : memref<632x128xf32, #tpu.memory_space<vmem_shared>>) target_semaphore(%run_scoped3A : memref<!tpu.dma_semaphore, #tpu.memory_space<semaphore_mem>>)
      %dma_wait3A = arith.constant 0 : i32
      %dma_wait3A_31 = tpu.memref_slice %arg7[%mul3A_6, %dma_wait3A] : memref<10112x128xf32, #tpu.memory_space<vmem_shared>> -> memref<632x128xf32, #tpu.memory_space<vmem_shared>>
      tpu.wait_dma2 semaphore(%run_scoped3A : memref<!tpu.dma_semaphore, #tpu.memory_space<semaphore_mem>>) src(%arg5 : memref<632x128xf32, #tpu.memory_space<hbm>>) dst(%dma_wait3A_31 : memref<632x128xf32, #tpu.memory_space<vmem_shared>>)
      tpu.yield
    }) : () -> ()
    %barrier3A = arith.constant 0 : index
    tpu.barrier barrier_id(%barrier3A)
    %dma_start3A = arith.constant 0 : i32
    %dma_start3A_7 = tpu.memref_slice %arg10[%dma_start3A] : memref<10080xi32, #tpu.memory_space<vmem>> -> memref<112xi32, #tpu.memory_space<vmem>>
    %dma_start3A_8 = arith.constant 0 : i32
    %dma_start3A_9 = arith.constant 0 : i32
    %dma_start3A_10 = tpu.memref_slice %arg2[%dma_start3A_8, %dma_start3A_9] : memref<20480x128xf32, #tpu.memory_space<hbm>> -> memref<20480x128xf32, #tpu.memory_space<hbm>>
    tpu.enqueue_indirect_dma source(%dma_start3A_10 : memref<20480x128xf32, #tpu.memory_space<hbm>>) target(%arg8 : memref<112x128xf32, #tpu.memory_space<vmem>>) offsets(%dma_start3A_7 : memref<112xi32, #tpu.memory_space<vmem>>) semaphore(%arg12 : memref<!tpu.dma_semaphore, #tpu.memory_space<semaphore_mem>>)
    %dma_start3A_11 = arith.constant 112 : i32
    %dma_start3A_12 = tpu.memref_slice %arg10[%dma_start3A_11] : memref<10080xi32, #tpu.memory_space<vmem>> -> memref<112xi32, #tpu.memory_space<vmem>>
    %dma_start3A_13 = arith.constant 0 : i32
    %dma_start3A_14 = arith.constant 0 : i32
    %dma_start3A_15 = tpu.memref_slice %arg2[%dma_start3A_13, %dma_start3A_14] : memref<20480x128xf32, #tpu.memory_space<hbm>> -> memref<20480x128xf32, #tpu.memory_space<hbm>>
    tpu.enqueue_indirect_dma source(%dma_start3A_15 : memref<20480x128xf32, #tpu.memory_space<hbm>>) target(%arg9 : memref<112x128xf32, #tpu.memory_space<vmem>>) offsets(%dma_start3A_12 : memref<112xi32, #tpu.memory_space<vmem>>) semaphore(%arg13 : memref<!tpu.dma_semaphore, #tpu.memory_space<semaphore_mem>>)
    %scan3A = arith.constant 0 : i32
    %scan3A_16 = arith.constant 0 : i32
    %scan3A_17 = arith.constant 45 : i32
    %scan3A_18 = arith.addi %scan3A_16, %scan3A_17 : i32
    %scan3A_19 = arith.constant 1 : i32
    scf.for %scan3A_29 = %scan3A_16 to %scan3A_18 step %scan3A_19  : i32 {
      %mul3A_30 = arith.constant 2 : i32
      %mul3A_31 = arith.muli %mul3A_30, %scan3A_29 : i32
      %dma_wait3A = arith.constant 0 : i32
      %dma_wait3A_32 = tpu.memref_slice %arg10[%dma_wait3A] : memref<10080xi32, #tpu.memory_space<vmem>> -> memref<112xi32, #tpu.memory_space<vmem>>
      %dma_wait3A_33 = arith.constant 0 : i32
      %dma_wait3A_34 = arith.constant 0 : i32
      %dma_wait3A_35 = tpu.memref_slice %arg2[%dma_wait3A_33, %dma_wait3A_34] : memref<20480x128xf32, #tpu.memory_space<hbm>> -> memref<20480x128xf32, #tpu.memory_space<hbm>>
      tpu.wait_indirect_dma semaphore(%arg12 : memref<!tpu.dma_semaphore, #tpu.memory_space<semaphore_mem>>) src(%dma_wait3A_35 : memref<20480x128xf32, #tpu.memory_space<hbm>>) dst(%arg8 : memref<112x128xf32, #tpu.memory_space<vmem>>)
      %add3A_36 = arith.constant 0 : i32
      %add3A_37 = arith.addi %mul3A_31, %add3A_36 : i32
      %mul3A_38 = arith.constant 112 : i32
      %mul3A_39 = arith.muli %add3A_37, %mul3A_38 : i32
      %dma_start3A_40 = tpu.memref_slice %arg11[%mul3A_39] : memref<10080xi32, #tpu.memory_space<vmem>> -> memref<112xi32, #tpu.memory_space<vmem>>
      %dma_start3A_41 = arith.constant 0 : i32
      %dma_start3A_42 = arith.constant 0 : i32
      %dma_start3A_43 = tpu.memref_slice %arg7[%dma_start3A_41, %dma_start3A_42] : memref<10112x128xf32, #tpu.memory_space<vmem_shared>> -> memref<10112x128xf32, #tpu.memory_space<vmem_shared>>
      tpu.enqueue_indirect_dma source(%arg8 : memref<112x128xf32, #tpu.memory_space<vmem>>) target(%dma_start3A_43 : memref<10112x128xf32, #tpu.memory_space<vmem_shared>>) offsets(%dma_start3A_40 : memref<112xi32, #tpu.memory_space<vmem>>) semaphore(%arg14 : memref<!tpu.dma_semaphore, #tpu.memory_space<semaphore_mem>>) {add = true}
      %dma_wait3A_44 = arith.constant 0 : i32
      %dma_wait3A_45 = tpu.memref_slice %arg10[%dma_wait3A_44] : memref<10080xi32, #tpu.memory_space<vmem>> -> memref<112xi32, #tpu.memory_space<vmem>>
      %dma_wait3A_46 = arith.constant 0 : i32
      %dma_wait3A_47 = arith.constant 0 : i32
      %dma_wait3A_48 = tpu.memref_slice %arg2[%dma_wait3A_46, %dma_wait3A_47] : memref<20480x128xf32, #tpu.memory_space<hbm>> -> memref<20480x128xf32, #tpu.memory_space<hbm>>
      tpu.wait_indirect_dma semaphore(%arg13 : memref<!tpu.dma_semaphore, #tpu.memory_space<semaphore_mem>>) src(%dma_wait3A_48 : memref<20480x128xf32, #tpu.memory_space<hbm>>) dst(%arg9 : memref<112x128xf32, #tpu.memory_space<vmem>>)
      %add3A_49 = arith.constant 1 : i32
      %add3A_50 = arith.addi %mul3A_31, %add3A_49 : i32
      %mul3A_51 = arith.constant 112 : i32
      %mul3A_52 = arith.muli %add3A_50, %mul3A_51 : i32
      %dma_start3A_53 = tpu.memref_slice %arg11[%mul3A_52] : memref<10080xi32, #tpu.memory_space<vmem>> -> memref<112xi32, #tpu.memory_space<vmem>>
      %dma_start3A_54 = arith.constant 0 : i32
      %dma_start3A_55 = arith.constant 0 : i32
      %dma_start3A_56 = tpu.memref_slice %arg7[%dma_start3A_54, %dma_start3A_55] : memref<10112x128xf32, #tpu.memory_space<vmem_shared>> -> memref<10112x128xf32, #tpu.memory_space<vmem_shared>>
      tpu.enqueue_indirect_dma source(%arg9 : memref<112x128xf32, #tpu.memory_space<vmem>>) target(%dma_start3A_56 : memref<10112x128xf32, #tpu.memory_space<vmem_shared>>) offsets(%dma_start3A_53 : memref<112xi32, #tpu.memory_space<vmem>>) semaphore(%arg15 : memref<!tpu.dma_semaphore, #tpu.memory_space<semaphore_mem>>) {add = true}
      %add3A_57 = arith.constant 0 : i32
      %add3A_58 = arith.addi %mul3A_31, %add3A_57 : i32
      %add3A_59 = arith.constant 2 : i32
      %add3A_60 = arith.addi %add3A_58, %add3A_59 : i32
      %dma_wait3A_61 = arith.constant 0 : i32
      %dma_wait3A_62 = tpu.memref_slice %arg11[%dma_wait3A_61] : memref<10080xi32, #tpu.memory_space<vmem>> -> memref<112xi32, #tpu.memory_space<vmem>>
      %dma_wait3A_63 = arith.constant 0 : i32
      %dma_wait3A_64 = arith.constant 0 : i32
      %dma_wait3A_65 = tpu.memref_slice %arg7[%dma_wait3A_63, %dma_wait3A_64] : memref<10112x128xf32, #tpu.memory_space<vmem_shared>> -> memref<10112x128xf32, #tpu.memory_space<vmem_shared>>
      tpu.wait_indirect_dma semaphore(%arg14 : memref<!tpu.dma_semaphore, #tpu.memory_space<semaphore_mem>>) src(%arg8 : memref<112x128xf32, #tpu.memory_space<vmem>>) dst(%dma_wait3A_65 : memref<10112x128xf32, #tpu.memory_space<vmem_shared>>)
      %lt3A = arith.constant 90 : i32
      %lt3A_66 = arith.cmpi slt, %add3A_60, %lt3A : i32
      %convert_element_type3A = arith.extui %lt3A_66 : i1 to i32
      %cond3A = arith.constant 0 : i32
      %cond3A_67 = arith.cmpi ne, %convert_element_type3A, %cond3A : i32
      scf.if %cond3A_67 {
        %mul3A_82 = arith.constant 112 : i32
        %mul3A_83 = arith.muli %add3A_60, %mul3A_82 : i32
        %dma_start3A_84 = tpu.memref_slice %arg10[%mul3A_83] : memref<10080xi32, #tpu.memory_space<vmem>> -> memref<112xi32, #tpu.memory_space<vmem>>
        %dma_start3A_85 = arith.constant 0 : i32
        %dma_start3A_86 = arith.constant 0 : i32
        %dma_start3A_87 = tpu.memref_slice %arg2[%dma_start3A_85, %dma_start3A_86] : memref<20480x128xf32, #tpu.memory_space<hbm>> -> memref<20480x128xf32, #tpu.memory_space<hbm>>
        tpu.enqueue_indirect_dma source(%dma_start3A_87 : memref<20480x128xf32, #tpu.memory_space<hbm>>) target(%arg8 : memref<112x128xf32, #tpu.memory_space<vmem>>) offsets(%dma_start3A_84 : memref<112xi32, #tpu.memory_space<vmem>>) semaphore(%arg12 : memref<!tpu.dma_semaphore, #tpu.memory_space<semaphore_mem>>)
      } else {
      }
      %add3A_68 = arith.constant 1 : i32
      %add3A_69 = arith.addi %mul3A_31, %add3A_68 : i32
      %add3A_70 = arith.constant 2 : i32
      %add3A_71 = arith.addi %add3A_69, %add3A_70 : i32
      %dma_wait3A_72 = arith.constant 0 : i32
      %dma_wait3A_73 = tpu.memref_slice %arg11[%dma_wait3A_72] : memref<10080xi32, #tpu.memory_space<vmem>> -> memref<112xi32, #tpu.memory_space<vmem>>
      %dma_wait3A_74 = arith.constant 0 : i32
      %dma_wait3A_75 = arith.constant 0 : i32
      %dma_wait3A_76 = tpu.memref_slice %arg7[%dma_wait3A_74, %dma_wait3A_75] : memref<10112x128xf32, #tpu.memory_space<vmem_shared>> -> memref<10112x128xf32, #tpu.memory_space<vmem_shared>>
      tpu.wait_indirect_dma semaphore(%arg15 : memref<!tpu.dma_semaphore, #tpu.memory_space<semaphore_mem>>) src(%arg9 : memref<112x128xf32, #tpu.memory_space<vmem>>) dst(%dma_wait3A_76 : memref<10112x128xf32, #tpu.memory_space<vmem_shared>>)
      %lt3A_77 = arith.constant 90 : i32
      %lt3A_78 = arith.cmpi slt, %add3A_71, %lt3A_77 : i32
      %convert_element_type3A_79 = arith.extui %lt3A_78 : i1 to i32
      %cond3A_80 = arith.constant 0 : i32
      %cond3A_81 = arith.cmpi ne, %convert_element_type3A_79, %cond3A_80 : i32
      scf.if %cond3A_81 {
        %mul3A_82 = arith.constant 112 : i32
        %mul3A_83 = arith.muli %add3A_71, %mul3A_82 : i32
        %dma_start3A_84 = tpu.memref_slice %arg10[%mul3A_83] : memref<10080xi32, #tpu.memory_space<vmem>> -> memref<112xi32, #tpu.memory_space<vmem>>
        %dma_start3A_85 = arith.constant 0 : i32
        %dma_start3A_86 = arith.constant 0 : i32
        %dma_start3A_87 = tpu.memref_slice %arg2[%dma_start3A_85, %dma_start3A_86] : memref<20480x128xf32, #tpu.memory_space<hbm>> -> memref<20480x128xf32, #tpu.memory_space<hbm>>
        tpu.enqueue_indirect_dma source(%dma_start3A_87 : memref<20480x128xf32, #tpu.memory_space<hbm>>) target(%arg9 : memref<112x128xf32, #tpu.memory_space<vmem>>) offsets(%dma_start3A_84 : memref<112xi32, #tpu.memory_space<vmem>>) semaphore(%arg13 : memref<!tpu.dma_semaphore, #tpu.memory_space<semaphore_mem>>)
      } else {
      }
    }
    %scan3A_20 = arith.constant 45 : i32
    %barrier3A_21 = arith.constant 0 : index
    tpu.barrier barrier_id(%barrier3A_21)
    %mul3A_22 = arith.constant 632 : i32
    %mul3A_23 = arith.muli %arg1, %mul3A_22 : i32
    %mul3A_24 = arith.constant 10240 : i32
    %mul3A_25 = arith.muli %arg0, %mul3A_24 : i32
    %mul3A_26 = arith.constant 632 : i32
    %mul3A_27 = arith.muli %arg1, %mul3A_26 : i32
    %add3A_28 = arith.addi %mul3A_25, %mul3A_27 : i32
    "tpu.region"() ({
      %run_scoped3A = tpu.sem_alloc : memref<!tpu.dma_semaphore, #tpu.memory_space<semaphore_mem>>
      %dma_start3A_29 = arith.constant 0 : i32
      %dma_start3A_30 = tpu.memref_slice %arg6[%add3A_28, %dma_start3A_29] : memref<20480x128xf32, #tpu.memory_space<hbm>> -> memref<632x128xf32, #tpu.memory_space<hbm>>
      %dma_start3A_31 = arith.constant 0 : i32
      %dma_start3A_32 = tpu.memref_slice %arg7[%mul3A_23, %dma_start3A_31] : memref<10112x128xf32, #tpu.memory_space<vmem_shared>> -> memref<632x128xf32, #tpu.memory_space<vmem_shared>>
      tpu.enqueue_dma source(%dma_start3A_32 : memref<632x128xf32, #tpu.memory_space<vmem_shared>>) target(%dma_start3A_30 : memref<632x128xf32, #tpu.memory_space<hbm>>) target_semaphore(%run_scoped3A : memref<!tpu.dma_semaphore, #tpu.memory_space<semaphore_mem>>)
      %dma_wait3A = arith.constant 0 : i32
      %dma_wait3A_33 = tpu.memref_slice %arg6[%add3A_28, %dma_wait3A] : memref<20480x128xf32, #tpu.memory_space<hbm>> -> memref<632x128xf32, #tpu.memory_space<hbm>>
      %dma_wait3A_34 = arith.constant 0 : i32
      %dma_wait3A_35 = tpu.memref_slice %arg7[%mul3A_23, %dma_wait3A_34] : memref<10112x128xf32, #tpu.memory_space<vmem_shared>> -> memref<632x128xf32, #tpu.memory_space<vmem_shared>>
      tpu.wait_dma2 semaphore(%run_scoped3A : memref<!tpu.dma_semaphore, #tpu.memory_space<semaphore_mem>>) src(%dma_wait3A_35 : memref<632x128xf32, #tpu.memory_space<vmem_shared>>) dst(%dma_wait3A_33 : memref<632x128xf32, #tpu.memory_space<hbm>>)
      tpu.yield
    }) : () -> ()
    return
  }
}

#map = affine_map<(d0, d1) -> (0, 0)>
#map1 = affine_map<(d0, d1) -> (0)>
module attributes {stable_mosaic.version = 14 : i64} {
  func.func @_msg2_body(%arg0: i32, %arg1: i32, %arg2: memref<20480x128xf32, #tpu.memory_space<hbm>>, %arg3: memref<20480x128xf32, #tpu.memory_space<hbm>>, %arg4: memref<322560xi32, #tpu.memory_space<hbm>>, %arg5: memref<161280xi32, #tpu.memory_space<hbm>>, %arg6: memref<632x128xf32, #tpu.memory_space<hbm>>, %arg7: memref<20480x128xf32, #tpu.memory_space<hbm>>, %arg8: memref<20480x128xf32, #tpu.memory_space<hbm>>, %arg9: memref<10112x128xf32, #tpu.memory_space<vmem_shared>>, %arg10: memref<112x128xf32, #tpu.memory_space<vmem>>, %arg11: memref<112x128xf32, #tpu.memory_space<vmem>>, %arg12: memref<10080xi32, #tpu.memory_space<vmem>>, %arg13: memref<10080xi32, #tpu.memory_space<vmem>>, %arg14: memref<!tpu.dma_semaphore, #tpu.memory_space<semaphore_mem>>, %arg15: memref<!tpu.dma_semaphore, #tpu.memory_space<semaphore_mem>>, %arg16: memref<!tpu.dma_semaphore, #tpu.memory_space<semaphore_mem>>, %arg17: memref<!tpu.dma_semaphore, #tpu.memory_space<semaphore_mem>>) attributes {dimension_semantics = [#tpu.dimension_semantics<core_parallel>, #tpu.dimension_semantics<subcore_parallel>], iteration_bounds = array<i64: 2, 16>, scalar_prefetch = 0 : i64, scratch_operands = 9 : i64, tpu.core_type = #tpu.core_type<sc_vector_subcore>, window_params = [{transform_indices = #map}, {transform_indices = #map}, {transform_indices = #map1}, {transform_indices = #map1}, {transform_indices = #map}, {transform_indices = #map}, {transform_indices = #map}]} {
    %mul3A = arith.constant 16 : i32
    %mul3A_0 = arith.muli %arg0, %mul3A : i32
    %add3A = arith.addi %mul3A_0, %arg1 : i32
    %mul3A_1 = arith.constant 10080 : i32
    %mul3A_2 = arith.muli %add3A, %mul3A_1 : i32
    "tpu.region"() ({
      %run_scoped3A = tpu.sem_alloc : memref<!tpu.dma_semaphore, #tpu.memory_space<semaphore_mem>>
      %dma_start3A_58 = tpu.memref_slice %arg4[%mul3A_2] : memref<322560xi32, #tpu.memory_space<hbm>> -> memref<10080xi32, #tpu.memory_space<hbm>>
      %dma_start3A_59 = tpu.memref_slice %arg4[%mul3A_2] : memref<322560xi32, #tpu.memory_space<hbm>> -> memref<10080xi32, #tpu.memory_space<hbm>>
      tpu.enqueue_dma source(%dma_start3A_59 : memref<10080xi32, #tpu.memory_space<hbm>>) target(%arg12 : memref<10080xi32, #tpu.memory_space<vmem>>) target_semaphore(%run_scoped3A : memref<!tpu.dma_semaphore, #tpu.memory_space<semaphore_mem>>)
      %dma_wait3A = tpu.memref_slice %arg4[%mul3A_2] : memref<322560xi32, #tpu.memory_space<hbm>> -> memref<10080xi32, #tpu.memory_space<hbm>>
      %dma_wait3A_60 = tpu.memref_slice %arg4[%mul3A_2] : memref<322560xi32, #tpu.memory_space<hbm>> -> memref<10080xi32, #tpu.memory_space<hbm>>
      tpu.wait_dma2 semaphore(%run_scoped3A : memref<!tpu.dma_semaphore, #tpu.memory_space<semaphore_mem>>) src(%dma_wait3A_60 : memref<10080xi32, #tpu.memory_space<hbm>>) dst(%arg12 : memref<10080xi32, #tpu.memory_space<vmem>>)
      tpu.yield
    }) : () -> ()
    %mul3A_3 = arith.constant 10080 : i32
    %mul3A_4 = arith.muli %arg1, %mul3A_3 : i32
    "tpu.region"() ({
      %run_scoped3A = tpu.sem_alloc : memref<!tpu.dma_semaphore, #tpu.memory_space<semaphore_mem>>
      %dma_start3A_58 = tpu.memref_slice %arg5[%mul3A_4] : memref<161280xi32, #tpu.memory_space<hbm>> -> memref<10080xi32, #tpu.memory_space<hbm>>
      %dma_start3A_59 = tpu.memref_slice %arg5[%mul3A_4] : memref<161280xi32, #tpu.memory_space<hbm>> -> memref<10080xi32, #tpu.memory_space<hbm>>
      tpu.enqueue_dma source(%dma_start3A_59 : memref<10080xi32, #tpu.memory_space<hbm>>) target(%arg13 : memref<10080xi32, #tpu.memory_space<vmem>>) target_semaphore(%run_scoped3A : memref<!tpu.dma_semaphore, #tpu.memory_space<semaphore_mem>>)
      %dma_wait3A = tpu.memref_slice %arg5[%mul3A_4] : memref<161280xi32, #tpu.memory_space<hbm>> -> memref<10080xi32, #tpu.memory_space<hbm>>
      %dma_wait3A_60 = tpu.memref_slice %arg5[%mul3A_4] : memref<161280xi32, #tpu.memory_space<hbm>> -> memref<10080xi32, #tpu.memory_space<hbm>>
      tpu.wait_dma2 semaphore(%run_scoped3A : memref<!tpu.dma_semaphore, #tpu.memory_space<semaphore_mem>>) src(%dma_wait3A_60 : memref<10080xi32, #tpu.memory_space<hbm>>) dst(%arg13 : memref<10080xi32, #tpu.memory_space<vmem>>)
      tpu.yield
    }) : () -> ()
    %mul3A_5 = arith.constant 632 : i32
    %mul3A_6 = arith.muli %arg1, %mul3A_5 : i32
    "tpu.region"() ({
      %run_scoped3A = tpu.sem_alloc : memref<!tpu.dma_semaphore, #tpu.memory_space<semaphore_mem>>
      %dma_start3A_58 = arith.constant 0 : i32
      %dma_start3A_59 = tpu.memref_slice %arg9[%mul3A_6, %dma_start3A_58] : memref<10112x128xf32, #tpu.memory_space<vmem_shared>> -> memref<632x128xf32, #tpu.memory_space<vmem_shared>>
      tpu.enqueue_dma source(%arg6 : memref<632x128xf32, #tpu.memory_space<hbm>>) target(%dma_start3A_59 : memref<632x128xf32, #tpu.memory_space<vmem_shared>>) target_semaphore(%run_scoped3A : memref<!tpu.dma_semaphore, #tpu.memory_space<semaphore_mem>>)
      %dma_wait3A = arith.constant 0 : i32
      %dma_wait3A_60 = tpu.memref_slice %arg9[%mul3A_6, %dma_wait3A] : memref<10112x128xf32, #tpu.memory_space<vmem_shared>> -> memref<632x128xf32, #tpu.memory_space<vmem_shared>>
      tpu.wait_dma2 semaphore(%run_scoped3A : memref<!tpu.dma_semaphore, #tpu.memory_space<semaphore_mem>>) src(%arg6 : memref<632x128xf32, #tpu.memory_space<hbm>>) dst(%dma_wait3A_60 : memref<632x128xf32, #tpu.memory_space<vmem_shared>>)
      tpu.yield
    }) : () -> ()
    %barrier3A = arith.constant 0 : index
    tpu.barrier barrier_id(%barrier3A)
    %dma_start3A = arith.constant 0 : i32
    %dma_start3A_7 = tpu.memref_slice %arg12[%dma_start3A] : memref<10080xi32, #tpu.memory_space<vmem>> -> memref<112xi32, #tpu.memory_space<vmem>>
    %dma_start3A_8 = arith.constant 0 : i32
    %dma_start3A_9 = arith.constant 0 : i32
    %dma_start3A_10 = tpu.memref_slice %arg2[%dma_start3A_8, %dma_start3A_9] : memref<20480x128xf32, #tpu.memory_space<hbm>> -> memref<20480x128xf32, #tpu.memory_space<hbm>>
    tpu.enqueue_indirect_dma source(%dma_start3A_10 : memref<20480x128xf32, #tpu.memory_space<hbm>>) target(%arg10 : memref<112x128xf32, #tpu.memory_space<vmem>>) offsets(%dma_start3A_7 : memref<112xi32, #tpu.memory_space<vmem>>) semaphore(%arg14 : memref<!tpu.dma_semaphore, #tpu.memory_space<semaphore_mem>>)
    %dma_start3A_11 = arith.constant 112 : i32
    %dma_start3A_12 = tpu.memref_slice %arg12[%dma_start3A_11] : memref<10080xi32, #tpu.memory_space<vmem>> -> memref<112xi32, #tpu.memory_space<vmem>>
    %dma_start3A_13 = arith.constant 0 : i32
    %dma_start3A_14 = arith.constant 0 : i32
    %dma_start3A_15 = tpu.memref_slice %arg2[%dma_start3A_13, %dma_start3A_14] : memref<20480x128xf32, #tpu.memory_space<hbm>> -> memref<20480x128xf32, #tpu.memory_space<hbm>>
    tpu.enqueue_indirect_dma source(%dma_start3A_15 : memref<20480x128xf32, #tpu.memory_space<hbm>>) target(%arg11 : memref<112x128xf32, #tpu.memory_space<vmem>>) offsets(%dma_start3A_12 : memref<112xi32, #tpu.memory_space<vmem>>) semaphore(%arg15 : memref<!tpu.dma_semaphore, #tpu.memory_space<semaphore_mem>>)
    %scan3A = arith.constant 0 : i32
    %scan3A_16 = arith.constant 0 : i32
    %scan3A_17 = arith.constant 45 : i32
    %scan3A_18 = arith.addi %scan3A_16, %scan3A_17 : i32
    %scan3A_19 = arith.constant 1 : i32
    scf.for %scan3A_58 = %scan3A_16 to %scan3A_18 step %scan3A_19  : i32 {
      %mul3A_59 = arith.constant 2 : i32
      %mul3A_60 = arith.muli %mul3A_59, %scan3A_58 : i32
      %dma_wait3A = arith.constant 0 : i32
      %dma_wait3A_61 = tpu.memref_slice %arg12[%dma_wait3A] : memref<10080xi32, #tpu.memory_space<vmem>> -> memref<112xi32, #tpu.memory_space<vmem>>
      %dma_wait3A_62 = arith.constant 0 : i32
      %dma_wait3A_63 = arith.constant 0 : i32
      %dma_wait3A_64 = tpu.memref_slice %arg2[%dma_wait3A_62, %dma_wait3A_63] : memref<20480x128xf32, #tpu.memory_space<hbm>> -> memref<20480x128xf32, #tpu.memory_space<hbm>>
      tpu.wait_indirect_dma semaphore(%arg14 : memref<!tpu.dma_semaphore, #tpu.memory_space<semaphore_mem>>) src(%dma_wait3A_64 : memref<20480x128xf32, #tpu.memory_space<hbm>>) dst(%arg10 : memref<112x128xf32, #tpu.memory_space<vmem>>)
      %add3A_65 = arith.constant 0 : i32
      %add3A_66 = arith.addi %mul3A_60, %add3A_65 : i32
      %mul3A_67 = arith.constant 112 : i32
      %mul3A_68 = arith.muli %add3A_66, %mul3A_67 : i32
      %dma_start3A_69 = tpu.memref_slice %arg13[%mul3A_68] : memref<10080xi32, #tpu.memory_space<vmem>> -> memref<112xi32, #tpu.memory_space<vmem>>
      %dma_start3A_70 = arith.constant 0 : i32
      %dma_start3A_71 = arith.constant 0 : i32
      %dma_start3A_72 = tpu.memref_slice %arg9[%dma_start3A_70, %dma_start3A_71] : memref<10112x128xf32, #tpu.memory_space<vmem_shared>> -> memref<10112x128xf32, #tpu.memory_space<vmem_shared>>
      tpu.enqueue_indirect_dma source(%arg10 : memref<112x128xf32, #tpu.memory_space<vmem>>) target(%dma_start3A_72 : memref<10112x128xf32, #tpu.memory_space<vmem_shared>>) offsets(%dma_start3A_69 : memref<112xi32, #tpu.memory_space<vmem>>) semaphore(%arg16 : memref<!tpu.dma_semaphore, #tpu.memory_space<semaphore_mem>>) {add = true}
      %dma_wait3A_73 = arith.constant 0 : i32
      %dma_wait3A_74 = tpu.memref_slice %arg12[%dma_wait3A_73] : memref<10080xi32, #tpu.memory_space<vmem>> -> memref<112xi32, #tpu.memory_space<vmem>>
      %dma_wait3A_75 = arith.constant 0 : i32
      %dma_wait3A_76 = arith.constant 0 : i32
      %dma_wait3A_77 = tpu.memref_slice %arg2[%dma_wait3A_75, %dma_wait3A_76] : memref<20480x128xf32, #tpu.memory_space<hbm>> -> memref<20480x128xf32, #tpu.memory_space<hbm>>
      tpu.wait_indirect_dma semaphore(%arg15 : memref<!tpu.dma_semaphore, #tpu.memory_space<semaphore_mem>>) src(%dma_wait3A_77 : memref<20480x128xf32, #tpu.memory_space<hbm>>) dst(%arg11 : memref<112x128xf32, #tpu.memory_space<vmem>>)
      %add3A_78 = arith.constant 1 : i32
      %add3A_79 = arith.addi %mul3A_60, %add3A_78 : i32
      %mul3A_80 = arith.constant 112 : i32
      %mul3A_81 = arith.muli %add3A_79, %mul3A_80 : i32
      %dma_start3A_82 = tpu.memref_slice %arg13[%mul3A_81] : memref<10080xi32, #tpu.memory_space<vmem>> -> memref<112xi32, #tpu.memory_space<vmem>>
      %dma_start3A_83 = arith.constant 0 : i32
      %dma_start3A_84 = arith.constant 0 : i32
      %dma_start3A_85 = tpu.memref_slice %arg9[%dma_start3A_83, %dma_start3A_84] : memref<10112x128xf32, #tpu.memory_space<vmem_shared>> -> memref<10112x128xf32, #tpu.memory_space<vmem_shared>>
      tpu.enqueue_indirect_dma source(%arg11 : memref<112x128xf32, #tpu.memory_space<vmem>>) target(%dma_start3A_85 : memref<10112x128xf32, #tpu.memory_space<vmem_shared>>) offsets(%dma_start3A_82 : memref<112xi32, #tpu.memory_space<vmem>>) semaphore(%arg17 : memref<!tpu.dma_semaphore, #tpu.memory_space<semaphore_mem>>) {add = true}
      %add3A_86 = arith.constant 0 : i32
      %add3A_87 = arith.addi %mul3A_60, %add3A_86 : i32
      %add3A_88 = arith.constant 2 : i32
      %add3A_89 = arith.addi %add3A_87, %add3A_88 : i32
      %dma_wait3A_90 = arith.constant 0 : i32
      %dma_wait3A_91 = tpu.memref_slice %arg13[%dma_wait3A_90] : memref<10080xi32, #tpu.memory_space<vmem>> -> memref<112xi32, #tpu.memory_space<vmem>>
      %dma_wait3A_92 = arith.constant 0 : i32
      %dma_wait3A_93 = arith.constant 0 : i32
      %dma_wait3A_94 = tpu.memref_slice %arg9[%dma_wait3A_92, %dma_wait3A_93] : memref<10112x128xf32, #tpu.memory_space<vmem_shared>> -> memref<10112x128xf32, #tpu.memory_space<vmem_shared>>
      tpu.wait_indirect_dma semaphore(%arg16 : memref<!tpu.dma_semaphore, #tpu.memory_space<semaphore_mem>>) src(%arg10 : memref<112x128xf32, #tpu.memory_space<vmem>>) dst(%dma_wait3A_94 : memref<10112x128xf32, #tpu.memory_space<vmem_shared>>)
      %lt3A = arith.constant 90 : i32
      %lt3A_95 = arith.cmpi slt, %add3A_89, %lt3A : i32
      %convert_element_type3A = arith.extui %lt3A_95 : i1 to i32
      %cond3A = arith.constant 0 : i32
      %cond3A_96 = arith.cmpi ne, %convert_element_type3A, %cond3A : i32
      scf.if %cond3A_96 {
        %mul3A_111 = arith.constant 112 : i32
        %mul3A_112 = arith.muli %add3A_89, %mul3A_111 : i32
        %dma_start3A_113 = tpu.memref_slice %arg12[%mul3A_112] : memref<10080xi32, #tpu.memory_space<vmem>> -> memref<112xi32, #tpu.memory_space<vmem>>
        %dma_start3A_114 = arith.constant 0 : i32
        %dma_start3A_115 = arith.constant 0 : i32
        %dma_start3A_116 = tpu.memref_slice %arg2[%dma_start3A_114, %dma_start3A_115] : memref<20480x128xf32, #tpu.memory_space<hbm>> -> memref<20480x128xf32, #tpu.memory_space<hbm>>
        tpu.enqueue_indirect_dma source(%dma_start3A_116 : memref<20480x128xf32, #tpu.memory_space<hbm>>) target(%arg10 : memref<112x128xf32, #tpu.memory_space<vmem>>) offsets(%dma_start3A_113 : memref<112xi32, #tpu.memory_space<vmem>>) semaphore(%arg14 : memref<!tpu.dma_semaphore, #tpu.memory_space<semaphore_mem>>)
      } else {
      }
      %add3A_97 = arith.constant 1 : i32
      %add3A_98 = arith.addi %mul3A_60, %add3A_97 : i32
      %add3A_99 = arith.constant 2 : i32
      %add3A_100 = arith.addi %add3A_98, %add3A_99 : i32
      %dma_wait3A_101 = arith.constant 0 : i32
      %dma_wait3A_102 = tpu.memref_slice %arg13[%dma_wait3A_101] : memref<10080xi32, #tpu.memory_space<vmem>> -> memref<112xi32, #tpu.memory_space<vmem>>
      %dma_wait3A_103 = arith.constant 0 : i32
      %dma_wait3A_104 = arith.constant 0 : i32
      %dma_wait3A_105 = tpu.memref_slice %arg9[%dma_wait3A_103, %dma_wait3A_104] : memref<10112x128xf32, #tpu.memory_space<vmem_shared>> -> memref<10112x128xf32, #tpu.memory_space<vmem_shared>>
      tpu.wait_indirect_dma semaphore(%arg17 : memref<!tpu.dma_semaphore, #tpu.memory_space<semaphore_mem>>) src(%arg11 : memref<112x128xf32, #tpu.memory_space<vmem>>) dst(%dma_wait3A_105 : memref<10112x128xf32, #tpu.memory_space<vmem_shared>>)
      %lt3A_106 = arith.constant 90 : i32
      %lt3A_107 = arith.cmpi slt, %add3A_100, %lt3A_106 : i32
      %convert_element_type3A_108 = arith.extui %lt3A_107 : i1 to i32
      %cond3A_109 = arith.constant 0 : i32
      %cond3A_110 = arith.cmpi ne, %convert_element_type3A_108, %cond3A_109 : i32
      scf.if %cond3A_110 {
        %mul3A_111 = arith.constant 112 : i32
        %mul3A_112 = arith.muli %add3A_100, %mul3A_111 : i32
        %dma_start3A_113 = tpu.memref_slice %arg12[%mul3A_112] : memref<10080xi32, #tpu.memory_space<vmem>> -> memref<112xi32, #tpu.memory_space<vmem>>
        %dma_start3A_114 = arith.constant 0 : i32
        %dma_start3A_115 = arith.constant 0 : i32
        %dma_start3A_116 = tpu.memref_slice %arg2[%dma_start3A_114, %dma_start3A_115] : memref<20480x128xf32, #tpu.memory_space<hbm>> -> memref<20480x128xf32, #tpu.memory_space<hbm>>
        tpu.enqueue_indirect_dma source(%dma_start3A_116 : memref<20480x128xf32, #tpu.memory_space<hbm>>) target(%arg11 : memref<112x128xf32, #tpu.memory_space<vmem>>) offsets(%dma_start3A_113 : memref<112xi32, #tpu.memory_space<vmem>>) semaphore(%arg15 : memref<!tpu.dma_semaphore, #tpu.memory_space<semaphore_mem>>)
      } else {
      }
    }
    %scan3A_20 = arith.constant 45 : i32
    %barrier3A_21 = arith.constant 0 : index
    tpu.barrier barrier_id(%barrier3A_21)
    %mul3A_22 = arith.constant 632 : i32
    %mul3A_23 = arith.muli %arg1, %mul3A_22 : i32
    %mul3A_24 = arith.constant 10240 : i32
    %mul3A_25 = arith.muli %arg0, %mul3A_24 : i32
    %mul3A_26 = arith.constant 632 : i32
    %mul3A_27 = arith.muli %arg1, %mul3A_26 : i32
    %add3A_28 = arith.addi %mul3A_25, %mul3A_27 : i32
    "tpu.region"() ({
      %run_scoped3A = tpu.sem_alloc : memref<!tpu.dma_semaphore, #tpu.memory_space<semaphore_mem>>
      %dma_start3A_58 = arith.constant 0 : i32
      %dma_start3A_59 = tpu.memref_slice %arg7[%add3A_28, %dma_start3A_58] : memref<20480x128xf32, #tpu.memory_space<hbm>> -> memref<632x128xf32, #tpu.memory_space<hbm>>
      %dma_start3A_60 = arith.constant 0 : i32
      %dma_start3A_61 = tpu.memref_slice %arg9[%mul3A_23, %dma_start3A_60] : memref<10112x128xf32, #tpu.memory_space<vmem_shared>> -> memref<632x128xf32, #tpu.memory_space<vmem_shared>>
      tpu.enqueue_dma source(%dma_start3A_61 : memref<632x128xf32, #tpu.memory_space<vmem_shared>>) target(%dma_start3A_59 : memref<632x128xf32, #tpu.memory_space<hbm>>) target_semaphore(%run_scoped3A : memref<!tpu.dma_semaphore, #tpu.memory_space<semaphore_mem>>)
      %dma_wait3A = arith.constant 0 : i32
      %dma_wait3A_62 = tpu.memref_slice %arg7[%add3A_28, %dma_wait3A] : memref<20480x128xf32, #tpu.memory_space<hbm>> -> memref<632x128xf32, #tpu.memory_space<hbm>>
      %dma_wait3A_63 = arith.constant 0 : i32
      %dma_wait3A_64 = tpu.memref_slice %arg9[%mul3A_23, %dma_wait3A_63] : memref<10112x128xf32, #tpu.memory_space<vmem_shared>> -> memref<632x128xf32, #tpu.memory_space<vmem_shared>>
      tpu.wait_dma2 semaphore(%run_scoped3A : memref<!tpu.dma_semaphore, #tpu.memory_space<semaphore_mem>>) src(%dma_wait3A_64 : memref<632x128xf32, #tpu.memory_space<vmem_shared>>) dst(%dma_wait3A_62 : memref<632x128xf32, #tpu.memory_space<hbm>>)
      tpu.yield
    }) : () -> ()
    %barrier3A_29 = arith.constant 0 : index
    tpu.barrier barrier_id(%barrier3A_29)
    %mul3A_30 = arith.constant 632 : i32
    %mul3A_31 = arith.muli %arg1, %mul3A_30 : i32
    "tpu.region"() ({
      %run_scoped3A = tpu.sem_alloc : memref<!tpu.dma_semaphore, #tpu.memory_space<semaphore_mem>>
      %dma_start3A_58 = arith.constant 0 : i32
      %dma_start3A_59 = tpu.memref_slice %arg9[%mul3A_31, %dma_start3A_58] : memref<10112x128xf32, #tpu.memory_space<vmem_shared>> -> memref<632x128xf32, #tpu.memory_space<vmem_shared>>
      tpu.enqueue_dma source(%arg6 : memref<632x128xf32, #tpu.memory_space<hbm>>) target(%dma_start3A_59 : memref<632x128xf32, #tpu.memory_space<vmem_shared>>) target_semaphore(%run_scoped3A : memref<!tpu.dma_semaphore, #tpu.memory_space<semaphore_mem>>)
      %dma_wait3A = arith.constant 0 : i32
      %dma_wait3A_60 = tpu.memref_slice %arg9[%mul3A_31, %dma_wait3A] : memref<10112x128xf32, #tpu.memory_space<vmem_shared>> -> memref<632x128xf32, #tpu.memory_space<vmem_shared>>
      tpu.wait_dma2 semaphore(%run_scoped3A : memref<!tpu.dma_semaphore, #tpu.memory_space<semaphore_mem>>) src(%arg6 : memref<632x128xf32, #tpu.memory_space<hbm>>) dst(%dma_wait3A_60 : memref<632x128xf32, #tpu.memory_space<vmem_shared>>)
      tpu.yield
    }) : () -> ()
    %barrier3A_32 = arith.constant 0 : index
    tpu.barrier barrier_id(%barrier3A_32)
    %dma_start3A_33 = arith.constant 0 : i32
    %dma_start3A_34 = tpu.memref_slice %arg12[%dma_start3A_33] : memref<10080xi32, #tpu.memory_space<vmem>> -> memref<112xi32, #tpu.memory_space<vmem>>
    %dma_start3A_35 = arith.constant 0 : i32
    %dma_start3A_36 = arith.constant 0 : i32
    %dma_start3A_37 = tpu.memref_slice %arg3[%dma_start3A_35, %dma_start3A_36] : memref<20480x128xf32, #tpu.memory_space<hbm>> -> memref<20480x128xf32, #tpu.memory_space<hbm>>
    tpu.enqueue_indirect_dma source(%dma_start3A_37 : memref<20480x128xf32, #tpu.memory_space<hbm>>) target(%arg10 : memref<112x128xf32, #tpu.memory_space<vmem>>) offsets(%dma_start3A_34 : memref<112xi32, #tpu.memory_space<vmem>>) semaphore(%arg14 : memref<!tpu.dma_semaphore, #tpu.memory_space<semaphore_mem>>)
    %dma_start3A_38 = arith.constant 112 : i32
    %dma_start3A_39 = tpu.memref_slice %arg12[%dma_start3A_38] : memref<10080xi32, #tpu.memory_space<vmem>> -> memref<112xi32, #tpu.memory_space<vmem>>
    %dma_start3A_40 = arith.constant 0 : i32
    %dma_start3A_41 = arith.constant 0 : i32
    %dma_start3A_42 = tpu.memref_slice %arg3[%dma_start3A_40, %dma_start3A_41] : memref<20480x128xf32, #tpu.memory_space<hbm>> -> memref<20480x128xf32, #tpu.memory_space<hbm>>
    tpu.enqueue_indirect_dma source(%dma_start3A_42 : memref<20480x128xf32, #tpu.memory_space<hbm>>) target(%arg11 : memref<112x128xf32, #tpu.memory_space<vmem>>) offsets(%dma_start3A_39 : memref<112xi32, #tpu.memory_space<vmem>>) semaphore(%arg15 : memref<!tpu.dma_semaphore, #tpu.memory_space<semaphore_mem>>)
    %scan3A_43 = arith.constant 0 : i32
    %scan3A_44 = arith.constant 0 : i32
    %scan3A_45 = arith.constant 45 : i32
    %scan3A_46 = arith.addi %scan3A_44, %scan3A_45 : i32
    %scan3A_47 = arith.constant 1 : i32
    scf.for %scan3A_58 = %scan3A_44 to %scan3A_46 step %scan3A_47  : i32 {
      %mul3A_59 = arith.constant 2 : i32
      %mul3A_60 = arith.muli %mul3A_59, %scan3A_58 : i32
      %dma_wait3A = arith.constant 0 : i32
      %dma_wait3A_61 = tpu.memref_slice %arg12[%dma_wait3A] : memref<10080xi32, #tpu.memory_space<vmem>> -> memref<112xi32, #tpu.memory_space<vmem>>
      %dma_wait3A_62 = arith.constant 0 : i32
      %dma_wait3A_63 = arith.constant 0 : i32
      %dma_wait3A_64 = tpu.memref_slice %arg3[%dma_wait3A_62, %dma_wait3A_63] : memref<20480x128xf32, #tpu.memory_space<hbm>> -> memref<20480x128xf32, #tpu.memory_space<hbm>>
      tpu.wait_indirect_dma semaphore(%arg14 : memref<!tpu.dma_semaphore, #tpu.memory_space<semaphore_mem>>) src(%dma_wait3A_64 : memref<20480x128xf32, #tpu.memory_space<hbm>>) dst(%arg10 : memref<112x128xf32, #tpu.memory_space<vmem>>)
      %add3A_65 = arith.constant 0 : i32
      %add3A_66 = arith.addi %mul3A_60, %add3A_65 : i32
      %mul3A_67 = arith.constant 112 : i32
      %mul3A_68 = arith.muli %add3A_66, %mul3A_67 : i32
      %dma_start3A_69 = tpu.memref_slice %arg13[%mul3A_68] : memref<10080xi32, #tpu.memory_space<vmem>> -> memref<112xi32, #tpu.memory_space<vmem>>
      %dma_start3A_70 = arith.constant 0 : i32
      %dma_start3A_71 = arith.constant 0 : i32
      %dma_start3A_72 = tpu.memref_slice %arg9[%dma_start3A_70, %dma_start3A_71] : memref<10112x128xf32, #tpu.memory_space<vmem_shared>> -> memref<10112x128xf32, #tpu.memory_space<vmem_shared>>
      tpu.enqueue_indirect_dma source(%arg10 : memref<112x128xf32, #tpu.memory_space<vmem>>) target(%dma_start3A_72 : memref<10112x128xf32, #tpu.memory_space<vmem_shared>>) offsets(%dma_start3A_69 : memref<112xi32, #tpu.memory_space<vmem>>) semaphore(%arg16 : memref<!tpu.dma_semaphore, #tpu.memory_space<semaphore_mem>>) {add = true}
      %dma_wait3A_73 = arith.constant 0 : i32
      %dma_wait3A_74 = tpu.memref_slice %arg12[%dma_wait3A_73] : memref<10080xi32, #tpu.memory_space<vmem>> -> memref<112xi32, #tpu.memory_space<vmem>>
      %dma_wait3A_75 = arith.constant 0 : i32
      %dma_wait3A_76 = arith.constant 0 : i32
      %dma_wait3A_77 = tpu.memref_slice %arg3[%dma_wait3A_75, %dma_wait3A_76] : memref<20480x128xf32, #tpu.memory_space<hbm>> -> memref<20480x128xf32, #tpu.memory_space<hbm>>
      tpu.wait_indirect_dma semaphore(%arg15 : memref<!tpu.dma_semaphore, #tpu.memory_space<semaphore_mem>>) src(%dma_wait3A_77 : memref<20480x128xf32, #tpu.memory_space<hbm>>) dst(%arg11 : memref<112x128xf32, #tpu.memory_space<vmem>>)
      %add3A_78 = arith.constant 1 : i32
      %add3A_79 = arith.addi %mul3A_60, %add3A_78 : i32
      %mul3A_80 = arith.constant 112 : i32
      %mul3A_81 = arith.muli %add3A_79, %mul3A_80 : i32
      %dma_start3A_82 = tpu.memref_slice %arg13[%mul3A_81] : memref<10080xi32, #tpu.memory_space<vmem>> -> memref<112xi32, #tpu.memory_space<vmem>>
      %dma_start3A_83 = arith.constant 0 : i32
      %dma_start3A_84 = arith.constant 0 : i32
      %dma_start3A_85 = tpu.memref_slice %arg9[%dma_start3A_83, %dma_start3A_84] : memref<10112x128xf32, #tpu.memory_space<vmem_shared>> -> memref<10112x128xf32, #tpu.memory_space<vmem_shared>>
      tpu.enqueue_indirect_dma source(%arg11 : memref<112x128xf32, #tpu.memory_space<vmem>>) target(%dma_start3A_85 : memref<10112x128xf32, #tpu.memory_space<vmem_shared>>) offsets(%dma_start3A_82 : memref<112xi32, #tpu.memory_space<vmem>>) semaphore(%arg17 : memref<!tpu.dma_semaphore, #tpu.memory_space<semaphore_mem>>) {add = true}
      %add3A_86 = arith.constant 0 : i32
      %add3A_87 = arith.addi %mul3A_60, %add3A_86 : i32
      %add3A_88 = arith.constant 2 : i32
      %add3A_89 = arith.addi %add3A_87, %add3A_88 : i32
      %dma_wait3A_90 = arith.constant 0 : i32
      %dma_wait3A_91 = tpu.memref_slice %arg13[%dma_wait3A_90] : memref<10080xi32, #tpu.memory_space<vmem>> -> memref<112xi32, #tpu.memory_space<vmem>>
      %dma_wait3A_92 = arith.constant 0 : i32
      %dma_wait3A_93 = arith.constant 0 : i32
      %dma_wait3A_94 = tpu.memref_slice %arg9[%dma_wait3A_92, %dma_wait3A_93] : memref<10112x128xf32, #tpu.memory_space<vmem_shared>> -> memref<10112x128xf32, #tpu.memory_space<vmem_shared>>
      tpu.wait_indirect_dma semaphore(%arg16 : memref<!tpu.dma_semaphore, #tpu.memory_space<semaphore_mem>>) src(%arg10 : memref<112x128xf32, #tpu.memory_space<vmem>>) dst(%dma_wait3A_94 : memref<10112x128xf32, #tpu.memory_space<vmem_shared>>)
      %lt3A = arith.constant 90 : i32
      %lt3A_95 = arith.cmpi slt, %add3A_89, %lt3A : i32
      %convert_element_type3A = arith.extui %lt3A_95 : i1 to i32
      %cond3A = arith.constant 0 : i32
      %cond3A_96 = arith.cmpi ne, %convert_element_type3A, %cond3A : i32
      scf.if %cond3A_96 {
        %mul3A_111 = arith.constant 112 : i32
        %mul3A_112 = arith.muli %add3A_89, %mul3A_111 : i32
        %dma_start3A_113 = tpu.memref_slice %arg12[%mul3A_112] : memref<10080xi32, #tpu.memory_space<vmem>> -> memref<112xi32, #tpu.memory_space<vmem>>
        %dma_start3A_114 = arith.constant 0 : i32
        %dma_start3A_115 = arith.constant 0 : i32
        %dma_start3A_116 = tpu.memref_slice %arg3[%dma_start3A_114, %dma_start3A_115] : memref<20480x128xf32, #tpu.memory_space<hbm>> -> memref<20480x128xf32, #tpu.memory_space<hbm>>
        tpu.enqueue_indirect_dma source(%dma_start3A_116 : memref<20480x128xf32, #tpu.memory_space<hbm>>) target(%arg10 : memref<112x128xf32, #tpu.memory_space<vmem>>) offsets(%dma_start3A_113 : memref<112xi32, #tpu.memory_space<vmem>>) semaphore(%arg14 : memref<!tpu.dma_semaphore, #tpu.memory_space<semaphore_mem>>)
      } else {
      }
      %add3A_97 = arith.constant 1 : i32
      %add3A_98 = arith.addi %mul3A_60, %add3A_97 : i32
      %add3A_99 = arith.constant 2 : i32
      %add3A_100 = arith.addi %add3A_98, %add3A_99 : i32
      %dma_wait3A_101 = arith.constant 0 : i32
      %dma_wait3A_102 = tpu.memref_slice %arg13[%dma_wait3A_101] : memref<10080xi32, #tpu.memory_space<vmem>> -> memref<112xi32, #tpu.memory_space<vmem>>
      %dma_wait3A_103 = arith.constant 0 : i32
      %dma_wait3A_104 = arith.constant 0 : i32
      %dma_wait3A_105 = tpu.memref_slice %arg9[%dma_wait3A_103, %dma_wait3A_104] : memref<10112x128xf32, #tpu.memory_space<vmem_shared>> -> memref<10112x128xf32, #tpu.memory_space<vmem_shared>>
      tpu.wait_indirect_dma semaphore(%arg17 : memref<!tpu.dma_semaphore, #tpu.memory_space<semaphore_mem>>) src(%arg11 : memref<112x128xf32, #tpu.memory_space<vmem>>) dst(%dma_wait3A_105 : memref<10112x128xf32, #tpu.memory_space<vmem_shared>>)
      %lt3A_106 = arith.constant 90 : i32
      %lt3A_107 = arith.cmpi slt, %add3A_100, %lt3A_106 : i32
      %convert_element_type3A_108 = arith.extui %lt3A_107 : i1 to i32
      %cond3A_109 = arith.constant 0 : i32
      %cond3A_110 = arith.cmpi ne, %convert_element_type3A_108, %cond3A_109 : i32
      scf.if %cond3A_110 {
        %mul3A_111 = arith.constant 112 : i32
        %mul3A_112 = arith.muli %add3A_100, %mul3A_111 : i32
        %dma_start3A_113 = tpu.memref_slice %arg12[%mul3A_112] : memref<10080xi32, #tpu.memory_space<vmem>> -> memref<112xi32, #tpu.memory_space<vmem>>
        %dma_start3A_114 = arith.constant 0 : i32
        %dma_start3A_115 = arith.constant 0 : i32
        %dma_start3A_116 = tpu.memref_slice %arg3[%dma_start3A_114, %dma_start3A_115] : memref<20480x128xf32, #tpu.memory_space<hbm>> -> memref<20480x128xf32, #tpu.memory_space<hbm>>
        tpu.enqueue_indirect_dma source(%dma_start3A_116 : memref<20480x128xf32, #tpu.memory_space<hbm>>) target(%arg11 : memref<112x128xf32, #tpu.memory_space<vmem>>) offsets(%dma_start3A_113 : memref<112xi32, #tpu.memory_space<vmem>>) semaphore(%arg15 : memref<!tpu.dma_semaphore, #tpu.memory_space<semaphore_mem>>)
      } else {
      }
    }
    %scan3A_48 = arith.constant 45 : i32
    %barrier3A_49 = arith.constant 0 : index
    tpu.barrier barrier_id(%barrier3A_49)
    %mul3A_50 = arith.constant 632 : i32
    %mul3A_51 = arith.muli %arg1, %mul3A_50 : i32
    %mul3A_52 = arith.constant 10240 : i32
    %mul3A_53 = arith.muli %arg0, %mul3A_52 : i32
    %mul3A_54 = arith.constant 632 : i32
    %mul3A_55 = arith.muli %arg1, %mul3A_54 : i32
    %add3A_56 = arith.addi %mul3A_53, %mul3A_55 : i32
    "tpu.region"() ({
      %run_scoped3A = tpu.sem_alloc : memref<!tpu.dma_semaphore, #tpu.memory_space<semaphore_mem>>
      %dma_start3A_58 = arith.constant 0 : i32
      %dma_start3A_59 = tpu.memref_slice %arg8[%add3A_56, %dma_start3A_58] : memref<20480x128xf32, #tpu.memory_space<hbm>> -> memref<632x128xf32, #tpu.memory_space<hbm>>
      %dma_start3A_60 = arith.constant 0 : i32
      %dma_start3A_61 = tpu.memref_slice %arg9[%mul3A_51, %dma_start3A_60] : memref<10112x128xf32, #tpu.memory_space<vmem_shared>> -> memref<632x128xf32, #tpu.memory_space<vmem_shared>>
      tpu.enqueue_dma source(%dma_start3A_61 : memref<632x128xf32, #tpu.memory_space<vmem_shared>>) target(%dma_start3A_59 : memref<632x128xf32, #tpu.memory_space<hbm>>) target_semaphore(%run_scoped3A : memref<!tpu.dma_semaphore, #tpu.memory_space<semaphore_mem>>)
      %dma_wait3A = arith.constant 0 : i32
      %dma_wait3A_62 = tpu.memref_slice %arg8[%add3A_56, %dma_wait3A] : memref<20480x128xf32, #tpu.memory_space<hbm>> -> memref<632x128xf32, #tpu.memory_space<hbm>>
      %dma_wait3A_63 = arith.constant 0 : i32
      %dma_wait3A_64 = tpu.memref_slice %arg9[%mul3A_51, %dma_wait3A_63] : memref<10112x128xf32, #tpu.memory_space<vmem_shared>> -> memref<632x128xf32, #tpu.memory_space<vmem_shared>>
      tpu.wait_dma2 semaphore(%run_scoped3A : memref<!tpu.dma_semaphore, #tpu.memory_space<semaphore_mem>>) src(%dma_wait3A_64 : memref<632x128xf32, #tpu.memory_space<vmem_shared>>) dst(%dma_wait3A_62 : memref<632x128xf32, #tpu.memory_space<hbm>>)
      tpu.yield
    }) : () -> ()
    %barrier3A_57 = arith.constant 0 : index
    tpu.barrier barrier_id(%barrier3A_57)
    return
  }
}

module attributes {stable_mosaic.version = 14 : i64} {
  func.func @_k1_first_body(%arg0: i32, %arg1: memref<256x256xf32, #tpu.memory_space<vmem>>, %arg2: memref<256x256xf32, #tpu.memory_space<vmem>>, %arg3: memref<256x128xf32, #tpu.memory_space<vmem>>, %arg4: memref<256x2x128xf32, #tpu.memory_space<vmem>>, %arg5: memref<256x128xf32, #tpu.memory_space<vmem>>) attributes {dimension_semantics = [#tpu.dimension_semantics<arbitrary>], iteration_bounds = array<i64: 40>, scalar_prefetch = 0 : i64, scratch_operands = 0 : i64, tpu.core_type = #tpu.core_type<tc>, window_params = [{transform_indices = @transform_0, window_bounds = array<i64: 256, 256>}, {pipeline_mode = #tpu.pipeline_mode<synchronous>, transform_indices = @transform_1, window_bounds = array<i64: 256, 256>}, {transform_indices = @transform_2, window_bounds = array<i64: 256, 128>}, {transform_indices = @transform_3, window_bounds = array<i64: 256, 2, 128>}, {transform_indices = @transform_4, window_bounds = array<i64: 256, 128>}]} {
    %get3A = arith.constant 0 : index
    %get3A_0 = arith.constant 0 : index
    %get3A_1 = vector.load %arg3[%get3A, %get3A_0] : memref<256x128xf32, #tpu.memory_space<vmem>>, vector<256x128xf32>
    %add3A = arith.constant 1.000000e+00 : f32
    %add3A_2 = vector.broadcast %add3A : f32 to vector<256x128xf32>
    %add3A_3 = arith.addf %get3A_1, %add3A_2 : vector<256x128xf32>
    %rsqrt3A = math.rsqrt %add3A_3 : vector<256x128xf32>
    %get3A_4 = arith.constant 0 : index
    %get3A_5 = arith.constant 0 : index
    %get3A_6 = vector.load %arg1[%get3A_4, %get3A_5] : memref<256x256xf32, #tpu.memory_space<vmem>>, vector<256x256xf32>
    %convert_element_type3A = arith.truncf %get3A_6 : vector<256x256xf32> to vector<256x256xbf16>
    %get3A_7 = arith.constant 0 : index
    %get3A_8 = arith.constant 0 : index
    %get3A_9 = vector.load %arg2[%get3A_7, %get3A_8] : memref<256x256xf32, #tpu.memory_space<vmem>>, vector<256x256xf32>
    %convert_element_type3A_10 = arith.truncf %get3A_9 : vector<256x256xf32> to vector<256x256xbf16>
    %dot_general3A = arith.constant dense<0.000000e+00> : vector<256x256xf32>
    %dot_general3A_11 = tpu.matmul %convert_element_type3A, %convert_element_type3A_10, %dot_general3A {dimension_numbers = #tpu.dot_dimension_numbers<[1], [0], [0], [1], [0, 0, 1, 1], [], []>, transpose_lhs_hint = false} : vector<256x256xbf16>, vector<256x256xbf16>, vector<256x256xf32> -> vector<256x256xf32>
    %concatenate3A = tpu.concatenate %rsqrt3A, %rsqrt3A in 1 : vector<256x128xf32>, vector<256x128xf32> -> vector<256x256xf32>
    %mul3A = arith.mulf %dot_general3A_11, %concatenate3A : vector<256x256xf32>
    %reshape3A = vector.shape_cast %mul3A : vector<256x256xf32> to vector<256x2x128xf32>
    %swap3A = arith.constant 0 : index
    %swap3A_12 = arith.constant 0 : index
    %swap3A_13 = arith.constant 0 : index
    %swap3A_14 = vector.load %arg4[%swap3A, %swap3A_12, %swap3A_13] : memref<256x2x128xf32, #tpu.memory_space<vmem>>, vector<256x2x128xf32>
    tpu.vector_store %arg4[%swap3A, %swap3A_12, %swap3A_13], %reshape3A {strides = array<i32>} : memref<256x2x128xf32, #tpu.memory_space<vmem>>, vector<256x2x128xf32>,
    %swap3A_15 = arith.constant 0 : index
    %swap3A_16 = arith.constant 0 : index
    %swap3A_17 = vector.load %arg5[%swap3A_15, %swap3A_16] : memref<256x128xf32, #tpu.memory_space<vmem>>, vector<256x128xf32>
    tpu.vector_store %arg5[%swap3A_15, %swap3A_16], %rsqrt3A {strides = array<i32>} : memref<256x128xf32, #tpu.memory_space<vmem>>, vector<256x128xf32>,
    return
  }
  func.func @transform_0(%arg0: i32) -> (i32, i32) {
    %c0_i32 = arith.constant 0 : i32
    %c0_i32_0 = arith.constant 0 : i32
    return %arg0, %c0_i32 : i32, i32
  }
  func.func @transform_1(%arg0: i32) -> (i32, i32) {
    %c0_i32 = arith.constant 0 : i32
    %c0_i32_0 = arith.constant 0 : i32
    %c0_i32_1 = arith.constant 0 : i32
    return %c0_i32, %c0_i32_0 : i32, i32
  }
  func.func @transform_2(%arg0: i32) -> (i32, i32) {
    %c0_i32 = arith.constant 0 : i32
    %c0_i32_0 = arith.constant 0 : i32
    return %arg0, %c0_i32 : i32, i32
  }
  func.func @transform_3(%arg0: i32) -> (i32, i32, i32) {
    %c0_i32 = arith.constant 0 : i32
    %c0_i32_0 = arith.constant 0 : i32
    %c0_i32_1 = arith.constant 0 : i32
    return %arg0, %c0_i32, %c0_i32_0 : i32, i32, i32
  }
  func.func @transform_4(%arg0: i32) -> (i32, i32) {
    %c0_i32 = arith.constant 0 : i32
    %c0_i32_0 = arith.constant 0 : i32
    return %arg0, %c0_i32 : i32, i32
  }
}

module attributes {stable_mosaic.version = 14 : i64} {
  func.func @_fused_body(%arg0: i32, %arg1: i32, %arg2: memref<256x128xf32, #tpu.memory_space<vmem>>, %arg3: memref<256x128xf32, #tpu.memory_space<vmem>>, %arg4: memref<256x2x128xf32, #tpu.memory_space<vmem>>, %arg5: memref<256x128xf32, #tpu.memory_space<vmem>>, %arg6: memref<1x256xf32, #tpu.memory_space<vmem>>, %arg7: memref<1x256xf32, #tpu.memory_space<vmem>>, %arg8: memref<1x256xf32, #tpu.memory_space<vmem>>, %arg9: memref<256x256xf32, #tpu.memory_space<vmem>>, %arg10: memref<256x2x128xf32, #tpu.memory_space<vmem>>, %arg11: memref<10240x256xf32, #tpu.memory_space<vmem>>, %arg12: memref<8x256xf32, #tpu.memory_space<vmem>>) attributes {dimension_semantics = [#tpu.dimension_semantics<arbitrary>, #tpu.dimension_semantics<arbitrary>], iteration_bounds = array<i64: 2, 40>, scalar_prefetch = 0 : i64, scratch_operands = 2 : i64, tpu.core_type = #tpu.core_type<tc>, window_params = [{transform_indices = @transform_0, window_bounds = array<i64: 256, 128>}, {transform_indices = @transform_1, window_bounds = array<i64: 256, 128>}, {transform_indices = @transform_2, window_bounds = array<i64: 256, 2, 128>}, {transform_indices = @transform_3, window_bounds = array<i64: 256, 128>}, {pipeline_mode = #tpu.pipeline_mode<synchronous>, transform_indices = @transform_4, window_bounds = array<i64: 1, 256>}, {pipeline_mode = #tpu.pipeline_mode<synchronous>, transform_indices = @transform_5, window_bounds = array<i64: 1, 256>}, {pipeline_mode = #tpu.pipeline_mode<synchronous>, transform_indices = @transform_6, window_bounds = array<i64: 1, 256>}, {pipeline_mode = #tpu.pipeline_mode<synchronous>, transform_indices = @transform_7, window_bounds = array<i64: 256, 256>}, {transform_indices = @transform_8, window_bounds = array<i64: 256, 2, 128>}]} {
    %eq3A = arith.constant 0 : i32
    %eq3A_0 = arith.cmpi eq, %arg0, %eq3A : i32
    %convert_element_type3A = arith.extui %eq3A_0 : i1 to i32
    %cond3A = arith.constant 0 : i32
    %cond3A_1 = arith.cmpi ne, %convert_element_type3A, %cond3A : i32
    scf.if %cond3A_1 {
      %get3A = arith.constant 0 : index
      %get3A_7 = arith.constant 0 : index
      %get3A_8 = vector.load %arg5[%get3A, %get3A_7] : memref<256x128xf32, #tpu.memory_space<vmem>>, vector<256x128xf32>
      %get3A_9 = arith.constant 0 : index
      %get3A_10 = arith.constant 0 : index
      %get3A_11 = arith.constant 0 : index
      %get3A_12 = vector.load %arg4[%get3A_9, %get3A_10, %get3A_11] : memref<256x2x128xf32, #tpu.memory_space<vmem>>, vector<256x2x128xf32>
      %get3A_13 = arith.constant 0 : index
      %get3A_14 = arith.constant 0 : index
      %get3A_15 = vector.load %arg2[%get3A_13, %get3A_14] : memref<256x128xf32, #tpu.memory_space<vmem>>, vector<256x128xf32>
      %slice3A = vector.extract_strided_slice %get3A_12 {offsets = [0, 0, 0], sizes = [256, 1, 128], strides = [1, 1, 1]} : vector<256x2x128xf32> to vector<256x1x128xf32>
      %squeeze3A = vector.shape_cast %slice3A : vector<256x1x128xf32> to vector<256x128xf32>
      %add3A = arith.addf %get3A_15, %squeeze3A : vector<256x128xf32>
      %mul3A = arith.mulf %get3A_8, %add3A : vector<256x128xf32>
      %get3A_16 = arith.constant 0 : index
      %get3A_17 = arith.constant 0 : index
      %get3A_18 = vector.load %arg3[%get3A_16, %get3A_17] : memref<256x128xf32, #tpu.memory_space<vmem>>, vector<256x128xf32>
      %slice3A_19 = vector.extract_strided_slice %get3A_12 {offsets = [0, 1, 0], sizes = [256, 1, 128], strides = [1, 1, 1]} : vector<256x2x128xf32> to vector<256x1x128xf32>
      %squeeze3A_20 = vector.shape_cast %slice3A_19 : vector<256x1x128xf32> to vector<256x128xf32>
      %add3A_21 = arith.addf %get3A_18, %squeeze3A_20 : vector<256x128xf32>
      %mul3A_22 = arith.mulf %get3A_8, %add3A_21 : vector<256x128xf32>
      %concatenate3A = tpu.concatenate %mul3A, %mul3A_22 in 1 : vector<256x128xf32>, vector<256x128xf32> -> vector<256x256xf32>
      %get3A_23 = arith.constant 0 : index
      %get3A_24 = arith.constant 0 : index
      %get3A_25 = vector.load %arg6[%get3A_23, %get3A_24] : memref<1x256xf32, #tpu.memory_space<vmem>>, vector<1x256xf32>
      %add3A_26 = vector.broadcast %get3A_25 : vector<1x256xf32> to vector<256x256xf32>
      %add3A_27 = arith.addf %concatenate3A, %add3A_26 : vector<256x256xf32>
      %mul3A_28 = arith.constant 256 : i32
      %mul3A_29 = arith.muli %arg1, %mul3A_28 : i32
      %swap3A = arith.index_cast %mul3A_29 : i32 to index
      %swap3A_30 = arith.constant 0 : index
      %swap3A_31 = vector.load %arg11[%swap3A, %swap3A_30] : memref<10240x256xf32, #tpu.memory_space<vmem>>, vector<256x256xf32>
      tpu.vector_store %arg11[%swap3A, %swap3A_30], %add3A_27 {strides = array<i32>} : memref<10240x256xf32, #tpu.memory_space<vmem>>, vector<256x256xf32>,
      %mul3A_32 = arith.constant 256 : i32
      %mul3A_33 = arith.muli %arg1, %mul3A_32 : i32
      %iota3A = tpu.iota {dimensions = array<i32: 0>} : vector<256x1xi32>
      %add3A_34 = vector.broadcast %mul3A_33 : i32 to vector<256x1xi32>
      %add3A_35 = arith.addi %add3A_34, %iota3A : vector<256x1xi32>
      %lt3A = arith.constant 10000 : i32
      %lt3A_36 = vector.broadcast %lt3A : i32 to vector<256x1xi32>
      %lt3A_37 = arith.cmpi slt, %add3A_35, %lt3A_36 : vector<256x1xi32>
      %jit3A = arith.constant 0.000000e+00 : f32
      %broadcast_in_dim3A = vector.shape_cast %lt3A_37 : vector<256x1xi1> to vector<256x1xi1>
      %broadcast_in_dim3A_38 = vector.broadcast %broadcast_in_dim3A : vector<256x1xi1> to vector<256x256xi1>
      %broadcast_in_dim3A_39 = vector.broadcast %jit3A : f32 to vector<256x256xf32>
      %select_n3A = arith.select %broadcast_in_dim3A_38, %add3A_27, %broadcast_in_dim3A_39 : vector<256x256xi1>, vector<256x256xf32>
      %reduce_sum3A = arith.constant dense<0.000000e+00> : vector<256xf32>
      %reduce_sum3A_40 = vector.multi_reduction <add>, %select_n3A, %reduce_sum3A [0] : vector<256x256xf32> to vector<256xf32>
      %broadcast_in_dim3A_41 = vector.shape_cast %reduce_sum3A_40 : vector<256xf32> to vector<1x256xf32>
      %mul3A_42 = arith.mulf %select_n3A, %select_n3A : vector<256x256xf32>
      %reduce_sum3A_43 = arith.constant dense<0.000000e+00> : vector<256xf32>
      %reduce_sum3A_44 = vector.multi_reduction <add>, %mul3A_42, %reduce_sum3A_43 [0] : vector<256x256xf32> to vector<256xf32>
      %broadcast_in_dim3A_45 = vector.shape_cast %reduce_sum3A_44 : vector<256xf32> to vector<1x256xf32>
      %broadcast_in_dim3A_46 = vector.shape_cast %broadcast_in_dim3A_41 : vector<1x256xf32> to vector<1x256xf32>
      %broadcast_in_dim3A_47 = vector.broadcast %broadcast_in_dim3A_46 : vector<1x256xf32> to vector<4x256xf32>
      %broadcast_in_dim3A_48 = vector.shape_cast %broadcast_in_dim3A_45 : vector<1x256xf32> to vector<1x256xf32>
      %broadcast_in_dim3A_49 = vector.broadcast %broadcast_in_dim3A_48 : vector<1x256xf32> to vector<4x256xf32>
      %concatenate3A_50 = tpu.concatenate %broadcast_in_dim3A_47, %broadcast_in_dim3A_49 in 0 : vector<4x256xf32>, vector<4x256xf32> -> vector<8x256xf32>
      %eq3A_51 = arith.constant 0 : i32
      %eq3A_52 = arith.cmpi eq, %arg1, %eq3A_51 : i32
      %convert_element_type3A_53 = arith.extui %eq3A_52 : i1 to i32
      %cond3A_54 = arith.constant 0 : i32
      %cond3A_55 = arith.cmpi ne, %convert_element_type3A_53, %cond3A_54 : i32
      scf.if %cond3A_55 {
        %broadcast_in_dim3A_63 = arith.constant 0.000000e+00 : f32
        %broadcast_in_dim3A_64 = vector.broadcast %broadcast_in_dim3A_63 : f32 to vector<8x256xf32>
        %swap3A_65 = arith.constant 0 : index
        %swap3A_66 = arith.constant 0 : index
        %swap3A_67 = vector.load %arg12[%swap3A_65, %swap3A_66] : memref<8x256xf32, #tpu.memory_space<vmem>>, vector<8x256xf32>
        tpu.vector_store %arg12[%swap3A_65, %swap3A_66], %broadcast_in_dim3A_64 {strides = array<i32>} : memref<8x256xf32, #tpu.memory_space<vmem>>, vector<8x256xf32>,
      } else {
      }
      %get3A_56 = arith.constant 0 : index
      %get3A_57 = arith.constant 0 : index
      %get3A_58 = vector.load %arg12[%get3A_56, %get3A_57] : memref<8x256xf32, #tpu.memory_space<vmem>>, vector<8x256xf32>
      %add3A_59 = arith.addf %get3A_58, %concatenate3A_50 : vector<8x256xf32>
      %swap3A_60 = arith.constant 0 : index
      %swap3A_61 = arith.constant 0 : index
      %swap3A_62 = vector.load %arg12[%swap3A_60, %swap3A_61] : memref<8x256xf32, #tpu.memory_space<vmem>>, vector<8x256xf32>
      tpu.vector_store %arg12[%swap3A_60, %swap3A_61], %add3A_59 {strides = array<i32>} : memref<8x256xf32, #tpu.memory_space<vmem>>, vector<8x256xf32>,
    } else {
    }
    %eq3A_2 = arith.constant 1 : i32
    %eq3A_3 = arith.cmpi eq, %arg0, %eq3A_2 : i32
    %convert_element_type3A_4 = arith.extui %eq3A_3 : i1 to i32
    %cond3A_5 = arith.constant 0 : i32
    %cond3A_6 = arith.cmpi ne, %convert_element_type3A_4, %cond3A_5 : i32
    scf.if %cond3A_6 {
      %get3A = arith.constant 0 : index
      %get3A_7 = arith.constant 0 : index
      %get3A_8 = vector.load %arg12[%get3A, %get3A_7] : memref<8x256xf32, #tpu.memory_space<vmem>>, vector<8x256xf32>
      %slice3A = vector.extract_strided_slice %get3A_8 {offsets = [0, 0], sizes = [1, 256], strides = [1, 1]} : vector<8x256xf32> to vector<1x256xf32>
      %mul3A = arith.constant 9.99999974E-5 : f32
      %mul3A_9 = vector.broadcast %mul3A : f32 to vector<1x256xf32>
      %mul3A_10 = arith.mulf %slice3A, %mul3A_9 : vector<1x256xf32>
      %slice3A_11 = vector.extract_strided_slice %get3A_8 {offsets = [4, 0], sizes = [1, 256], strides = [1, 1]} : vector<8x256xf32> to vector<1x256xf32>
      %mul3A_12 = arith.constant 9.99999974E-5 : f32
      %mul3A_13 = vector.broadcast %mul3A_12 : f32 to vector<1x256xf32>
      %mul3A_14 = arith.mulf %slice3A_11, %mul3A_13 : vector<1x256xf32>
      %mul3A_15 = arith.mulf %mul3A_10, %mul3A_10 : vector<1x256xf32>
      %sub3A = arith.subf %mul3A_14, %mul3A_15 : vector<1x256xf32>
      %get3A_16 = arith.constant 0 : index
      %get3A_17 = arith.constant 0 : index
      %get3A_18 = vector.load %arg7[%get3A_16, %get3A_17] : memref<1x256xf32, #tpu.memory_space<vmem>>, vector<1x256xf32>
      %add3A = arith.constant 9.99999974E-6 : f32
      %add3A_19 = vector.broadcast %add3A : f32 to vector<1x256xf32>
      %add3A_20 = arith.addf %sub3A, %add3A_19 : vector<1x256xf32>
      %rsqrt3A = math.rsqrt %add3A_20 : vector<1x256xf32>
      %mul3A_21 = arith.mulf %get3A_18, %rsqrt3A : vector<1x256xf32>
      %mul3A_22 = arith.constant 256 : i32
      %mul3A_23 = arith.muli %arg1, %mul3A_22 : i32
      %get3A_24 = arith.index_cast %mul3A_23 : i32 to index
      %get3A_25 = arith.constant 0 : index
      %get3A_26 = vector.load %arg11[%get3A_24, %get3A_25] : memref<10240x256xf32, #tpu.memory_space<vmem>>, vector<256x256xf32>
      %sub3A_27 = vector.broadcast %mul3A_10 : vector<1x256xf32> to vector<256x256xf32>
      %sub3A_28 = arith.subf %get3A_26, %sub3A_27 : vector<256x256xf32>
      %mul3A_29 = vector.broadcast %mul3A_21 : vector<1x256xf32> to vector<256x256xf32>
      %mul3A_30 = arith.mulf %mul3A_29, %sub3A_28 : vector<256x256xf32>
      %get3A_31 = arith.constant 0 : index
      %get3A_32 = arith.constant 0 : index
      %get3A_33 = vector.load %arg8[%get3A_31, %get3A_32] : memref<1x256xf32, #tpu.memory_space<vmem>>, vector<1x256xf32>
      %add3A_34 = vector.broadcast %get3A_33 : vector<1x256xf32> to vector<256x256xf32>
      %add3A_35 = arith.addf %mul3A_30, %add3A_34 : vector<256x256xf32>
      %max3A = arith.constant 0.000000e+00 : f32
      %max3A_36 = vector.broadcast %max3A : f32 to vector<256x256xf32>
      %max3A_37 = arith.maximumf %add3A_35, %max3A_36 : vector<256x256xf32>
      %convert_element_type3A_38 = arith.truncf %max3A_37 : vector<256x256xf32> to vector<256x256xbf16>
      %get3A_39 = arith.constant 0 : index
      %get3A_40 = arith.constant 0 : index
      %get3A_41 = vector.load %arg9[%get3A_39, %get3A_40] : memref<256x256xf32, #tpu.memory_space<vmem>>, vector<256x256xf32>
      %convert_element_type3A_42 = arith.truncf %get3A_41 : vector<256x256xf32> to vector<256x256xbf16>
      %dot_general3A = arith.constant dense<0.000000e+00> : vector<256x256xf32>
      %dot_general3A_43 = tpu.matmul %convert_element_type3A_38, %convert_element_type3A_42, %dot_general3A {dimension_numbers = #tpu.dot_dimension_numbers<[1], [0], [0], [1], [0, 0, 1, 1], [], []>, transpose_lhs_hint = false} : vector<256x256xbf16>, vector<256x256xbf16>, vector<256x256xf32> -> vector<256x256xf32>
      %get3A_44 = arith.constant 0 : index
      %get3A_45 = arith.constant 0 : index
      %get3A_46 = vector.load %arg5[%get3A_44, %get3A_45] : memref<256x128xf32, #tpu.memory_space<vmem>>, vector<256x128xf32>
      %concatenate3A = tpu.concatenate %get3A_46, %get3A_46 in 1 : vector<256x128xf32>, vector<256x128xf32> -> vector<256x256xf32>
      %mul3A_47 = arith.mulf %dot_general3A_43, %concatenate3A : vector<256x256xf32>
      %reshape3A = vector.shape_cast %mul3A_47 : vector<256x256xf32> to vector<256x2x128xf32>
      %swap3A = arith.constant 0 : index
      %swap3A_48 = arith.constant 0 : index
      %swap3A_49 = arith.constant 0 : index
      %swap3A_50 = vector.load %arg10[%swap3A, %swap3A_48, %swap3A_49] : memref<256x2x128xf32, #tpu.memory_space<vmem>>, vector<256x2x128xf32>
      tpu.vector_store %arg10[%swap3A, %swap3A_48, %swap3A_49], %reshape3A {strides = array<i32>} : memref<256x2x128xf32, #tpu.memory_space<vmem>>, vector<256x2x128xf32>,
    } else {
    }
    return
  }
  func.func @transform_0(%arg0: i32, %arg1: i32) -> (i32, i32) {
    %sub3A = arith.constant 1 : i32
    %sub3A_0 = arith.subi %sub3A, %arg0 : i32
    %mul3A = arith.muli %sub3A_0, %arg1 : i32
    %c0_i32 = arith.constant 0 : i32
    %c0_i32_1 = arith.constant 0 : i32
    return %mul3A, %c0_i32 : i32, i32
  }
  func.func @transform_1(%arg0: i32, %arg1: i32) -> (i32, i32) {
    %sub3A = arith.constant 1 : i32
    %sub3A_0 = arith.subi %sub3A, %arg0 : i32
    %mul3A = arith.muli %sub3A_0, %arg1 : i32
    %add3A = arith.constant 40 : i32
    %add3A_1 = arith.addi %mul3A, %add3A : i32
    %c0_i32 = arith.constant 0 : i32
    %c0_i32_2 = arith.constant 0 : i32
    return %add3A_1, %c0_i32 : i32, i32
  }
  func.func @transform_2(%arg0: i32, %arg1: i32) -> (i32, i32, i32) {
    %sub3A = arith.constant 1 : i32
    %sub3A_0 = arith.subi %sub3A, %arg0 : i32
    %mul3A = arith.muli %sub3A_0, %arg1 : i32
    %c0_i32 = arith.constant 0 : i32
    %c0_i32_1 = arith.constant 0 : i32
    %c0_i32_2 = arith.constant 0 : i32
    return %mul3A, %c0_i32, %c0_i32_1 : i32, i32, i32
  }
  func.func @transform_3(%arg0: i32, %arg1: i32) -> (i32, i32) {
    %c0_i32 = arith.constant 0 : i32
    %c0_i32_0 = arith.constant 0 : i32
    return %arg1, %c0_i32 : i32, i32
  }
  func.func @transform_4(%arg0: i32, %arg1: i32) -> (i32, i32) {
    %c0_i32 = arith.constant 0 : i32
    %c0_i32_0 = arith.constant 0 : i32
    %c0_i32_1 = arith.constant 0 : i32
    return %c0_i32, %c0_i32_0 : i32, i32
  }
  func.func @transform_5(%arg0: i32, %arg1: i32) -> (i32, i32) {
    %c0_i32 = arith.constant 0 : i32
    %c0_i32_0 = arith.constant 0 : i32
    %c0_i32_1 = arith.constant 0 : i32
    return %c0_i32, %c0_i32_0 : i32, i32
  }
  func.func @transform_6(%arg0: i32, %arg1: i32) -> (i32, i32) {
    %c0_i32 = arith.constant 0 : i32
    %c0_i32_0 = arith.constant 0 : i32
    %c0_i32_1 = arith.constant 0 : i32
    return %c0_i32, %c0_i32_0 : i32, i32
  }
  func.func @transform_7(%arg0: i32, %arg1: i32) -> (i32, i32) {
    %c0_i32 = arith.constant 0 : i32
    %c0_i32_0 = arith.constant 0 : i32
    %c0_i32_1 = arith.constant 0 : i32
    return %c0_i32, %c0_i32_0 : i32, i32
  }
  func.func @transform_8(%arg0: i32, %arg1: i32) -> (i32, i32, i32) {
    %c0_i32 = arith.constant 0 : i32
    %c0_i32_0 = arith.constant 0 : i32
    %c0_i32_1 = arith.constant 0 : i32
    return %arg1, %c0_i32, %c0_i32_0 : i32, i32, i32
  }
}

module attributes {stable_mosaic.version = 14 : i64} {
  func.func @_fused_body(%arg0: i32, %arg1: i32, %arg2: memref<256x128xf32, #tpu.memory_space<vmem>>, %arg3: memref<256x128xf32, #tpu.memory_space<vmem>>, %arg4: memref<256x2x128xf32, #tpu.memory_space<vmem>>, %arg5: memref<256x128xf32, #tpu.memory_space<vmem>>, %arg6: memref<1x256xf32, #tpu.memory_space<vmem>>, %arg7: memref<1x256xf32, #tpu.memory_space<vmem>>, %arg8: memref<1x256xf32, #tpu.memory_space<vmem>>, %arg9: memref<256x512xf32, #tpu.memory_space<vmem>>, %arg10: memref<256x2x128xf32, #tpu.memory_space<vmem>>, %arg11: memref<256x2x128xf32, #tpu.memory_space<vmem>>, %arg12: memref<10240x256xf32, #tpu.memory_space<vmem>>, %arg13: memref<8x256xf32, #tpu.memory_space<vmem>>) attributes {dimension_semantics = [#tpu.dimension_semantics<arbitrary>, #tpu.dimension_semantics<arbitrary>], iteration_bounds = array<i64: 2, 40>, scalar_prefetch = 0 : i64, scratch_operands = 2 : i64, tpu.core_type = #tpu.core_type<tc>, window_params = [{transform_indices = @transform_0, window_bounds = array<i64: 256, 128>}, {transform_indices = @transform_1, window_bounds = array<i64: 256, 128>}, {transform_indices = @transform_2, window_bounds = array<i64: 256, 2, 128>}, {transform_indices = @transform_3, window_bounds = array<i64: 256, 128>}, {pipeline_mode = #tpu.pipeline_mode<synchronous>, transform_indices = @transform_4, window_bounds = array<i64: 1, 256>}, {pipeline_mode = #tpu.pipeline_mode<synchronous>, transform_indices = @transform_5, window_bounds = array<i64: 1, 256>}, {pipeline_mode = #tpu.pipeline_mode<synchronous>, transform_indices = @transform_6, window_bounds = array<i64: 1, 256>}, {pipeline_mode = #tpu.pipeline_mode<synchronous>, transform_indices = @transform_7, window_bounds = array<i64: 256, 512>}, {transform_indices = @transform_8, window_bounds = array<i64: 256, 2, 128>}, {transform_indices = @transform_9, window_bounds = array<i64: 256, 2, 128>}]} {
    %eq3A = arith.constant 0 : i32
    %eq3A_0 = arith.cmpi eq, %arg0, %eq3A : i32
    %convert_element_type3A = arith.extui %eq3A_0 : i1 to i32
    %cond3A = arith.constant 0 : i32
    %cond3A_1 = arith.cmpi ne, %convert_element_type3A, %cond3A : i32
    scf.if %cond3A_1 {
      %get3A = arith.constant 0 : index
      %get3A_7 = arith.constant 0 : index
      %get3A_8 = vector.load %arg5[%get3A, %get3A_7] : memref<256x128xf32, #tpu.memory_space<vmem>>, vector<256x128xf32>
      %get3A_9 = arith.constant 0 : index
      %get3A_10 = arith.constant 0 : index
      %get3A_11 = arith.constant 0 : index
      %get3A_12 = vector.load %arg4[%get3A_9, %get3A_10, %get3A_11] : memref<256x2x128xf32, #tpu.memory_space<vmem>>, vector<256x2x128xf32>
      %get3A_13 = arith.constant 0 : index
      %get3A_14 = arith.constant 0 : index
      %get3A_15 = vector.load %arg2[%get3A_13, %get3A_14] : memref<256x128xf32, #tpu.memory_space<vmem>>, vector<256x128xf32>
      %slice3A = vector.extract_strided_slice %get3A_12 {offsets = [0, 0, 0], sizes = [256, 1, 128], strides = [1, 1, 1]} : vector<256x2x128xf32> to vector<256x1x128xf32>
      %squeeze3A = vector.shape_cast %slice3A : vector<256x1x128xf32> to vector<256x128xf32>
      %add3A = arith.addf %get3A_15, %squeeze3A : vector<256x128xf32>
      %mul3A = arith.mulf %get3A_8, %add3A : vector<256x128xf32>
      %get3A_16 = arith.constant 0 : index
      %get3A_17 = arith.constant 0 : index
      %get3A_18 = vector.load %arg3[%get3A_16, %get3A_17] : memref<256x128xf32, #tpu.memory_space<vmem>>, vector<256x128xf32>
      %slice3A_19 = vector.extract_strided_slice %get3A_12 {offsets = [0, 1, 0], sizes = [256, 1, 128], strides = [1, 1, 1]} : vector<256x2x128xf32> to vector<256x1x128xf32>
      %squeeze3A_20 = vector.shape_cast %slice3A_19 : vector<256x1x128xf32> to vector<256x128xf32>
      %add3A_21 = arith.addf %get3A_18, %squeeze3A_20 : vector<256x128xf32>
      %mul3A_22 = arith.mulf %get3A_8, %add3A_21 : vector<256x128xf32>
      %concatenate3A = tpu.concatenate %mul3A, %mul3A_22 in 1 : vector<256x128xf32>, vector<256x128xf32> -> vector<256x256xf32>
      %get3A_23 = arith.constant 0 : index
      %get3A_24 = arith.constant 0 : index
      %get3A_25 = vector.load %arg6[%get3A_23, %get3A_24] : memref<1x256xf32, #tpu.memory_space<vmem>>, vector<1x256xf32>
      %add3A_26 = vector.broadcast %get3A_25 : vector<1x256xf32> to vector<256x256xf32>
      %add3A_27 = arith.addf %concatenate3A, %add3A_26 : vector<256x256xf32>
      %mul3A_28 = arith.constant 256 : i32
      %mul3A_29 = arith.muli %arg1, %mul3A_28 : i32
      %swap3A = arith.index_cast %mul3A_29 : i32 to index
      %swap3A_30 = arith.constant 0 : index
      %swap3A_31 = vector.load %arg12[%swap3A, %swap3A_30] : memref<10240x256xf32, #tpu.memory_space<vmem>>, vector<256x256xf32>
      tpu.vector_store %arg12[%swap3A, %swap3A_30], %add3A_27 {strides = array<i32>} : memref<10240x256xf32, #tpu.memory_space<vmem>>, vector<256x256xf32>,
      %mul3A_32 = arith.constant 256 : i32
      %mul3A_33 = arith.muli %arg1, %mul3A_32 : i32
      %iota3A = tpu.iota {dimensions = array<i32: 0>} : vector<256x1xi32>
      %add3A_34 = vector.broadcast %mul3A_33 : i32 to vector<256x1xi32>
      %add3A_35 = arith.addi %add3A_34, %iota3A : vector<256x1xi32>
      %lt3A = arith.constant 10000 : i32
      %lt3A_36 = vector.broadcast %lt3A : i32 to vector<256x1xi32>
      %lt3A_37 = arith.cmpi slt, %add3A_35, %lt3A_36 : vector<256x1xi32>
      %jit3A = arith.constant 0.000000e+00 : f32
      %broadcast_in_dim3A = vector.shape_cast %lt3A_37 : vector<256x1xi1> to vector<256x1xi1>
      %broadcast_in_dim3A_38 = vector.broadcast %broadcast_in_dim3A : vector<256x1xi1> to vector<256x256xi1>
      %broadcast_in_dim3A_39 = vector.broadcast %jit3A : f32 to vector<256x256xf32>
      %select_n3A = arith.select %broadcast_in_dim3A_38, %add3A_27, %broadcast_in_dim3A_39 : vector<256x256xi1>, vector<256x256xf32>
      %reduce_sum3A = arith.constant dense<0.000000e+00> : vector<256xf32>
      %reduce_sum3A_40 = vector.multi_reduction <add>, %select_n3A, %reduce_sum3A [0] : vector<256x256xf32> to vector<256xf32>
      %broadcast_in_dim3A_41 = vector.shape_cast %reduce_sum3A_40 : vector<256xf32> to vector<1x256xf32>
      %mul3A_42 = arith.mulf %select_n3A, %select_n3A : vector<256x256xf32>
      %reduce_sum3A_43 = arith.constant dense<0.000000e+00> : vector<256xf32>
      %reduce_sum3A_44 = vector.multi_reduction <add>, %mul3A_42, %reduce_sum3A_43 [0] : vector<256x256xf32> to vector<256xf32>
      %broadcast_in_dim3A_45 = vector.shape_cast %reduce_sum3A_44 : vector<256xf32> to vector<1x256xf32>
      %broadcast_in_dim3A_46 = vector.shape_cast %broadcast_in_dim3A_41 : vector<1x256xf32> to vector<1x256xf32>
      %broadcast_in_dim3A_47 = vector.broadcast %broadcast_in_dim3A_46 : vector<1x256xf32> to vector<4x256xf32>
      %broadcast_in_dim3A_48 = vector.shape_cast %broadcast_in_dim3A_45 : vector<1x256xf32> to vector<1x256xf32>
      %broadcast_in_dim3A_49 = vector.broadcast %broadcast_in_dim3A_48 : vector<1x256xf32> to vector<4x256xf32>
      %concatenate3A_50 = tpu.concatenate %broadcast_in_dim3A_47, %broadcast_in_dim3A_49 in 0 : vector<4x256xf32>, vector<4x256xf32> -> vector<8x256xf32>
      %eq3A_51 = arith.constant 0 : i32
      %eq3A_52 = arith.cmpi eq, %arg1, %eq3A_51 : i32
      %convert_element_type3A_53 = arith.extui %eq3A_52 : i1 to i32
      %cond3A_54 = arith.constant 0 : i32
      %cond3A_55 = arith.cmpi ne, %convert_element_type3A_53, %cond3A_54 : i32
      scf.if %cond3A_55 {
        %broadcast_in_dim3A_63 = arith.constant 0.000000e+00 : f32
        %broadcast_in_dim3A_64 = vector.broadcast %broadcast_in_dim3A_63 : f32 to vector<8x256xf32>
        %swap3A_65 = arith.constant 0 : index
        %swap3A_66 = arith.constant 0 : index
        %swap3A_67 = vector.load %arg13[%swap3A_65, %swap3A_66] : memref<8x256xf32, #tpu.memory_space<vmem>>, vector<8x256xf32>
        tpu.vector_store %arg13[%swap3A_65, %swap3A_66], %broadcast_in_dim3A_64 {strides = array<i32>} : memref<8x256xf32, #tpu.memory_space<vmem>>, vector<8x256xf32>,
      } else {
      }
      %get3A_56 = arith.constant 0 : index
      %get3A_57 = arith.constant 0 : index
      %get3A_58 = vector.load %arg13[%get3A_56, %get3A_57] : memref<8x256xf32, #tpu.memory_space<vmem>>, vector<8x256xf32>
      %add3A_59 = arith.addf %get3A_58, %concatenate3A_50 : vector<8x256xf32>
      %swap3A_60 = arith.constant 0 : index
      %swap3A_61 = arith.constant 0 : index
      %swap3A_62 = vector.load %arg13[%swap3A_60, %swap3A_61] : memref<8x256xf32, #tpu.memory_space<vmem>>, vector<8x256xf32>
      tpu.vector_store %arg13[%swap3A_60, %swap3A_61], %add3A_59 {strides = array<i32>} : memref<8x256xf32, #tpu.memory_space<vmem>>, vector<8x256xf32>,
    } else {
    }
    %eq3A_2 = arith.constant 1 : i32
    %eq3A_3 = arith.cmpi eq, %arg0, %eq3A_2 : i32
    %convert_element_type3A_4 = arith.extui %eq3A_3 : i1 to i32
    %cond3A_5 = arith.constant 0 : i32
    %cond3A_6 = arith.cmpi ne, %convert_element_type3A_4, %cond3A_5 : i32
    scf.if %cond3A_6 {
      %get3A = arith.constant 0 : index
      %get3A_7 = arith.constant 0 : index
      %get3A_8 = vector.load %arg13[%get3A, %get3A_7] : memref<8x256xf32, #tpu.memory_space<vmem>>, vector<8x256xf32>
      %slice3A = vector.extract_strided_slice %get3A_8 {offsets = [0, 0], sizes = [1, 256], strides = [1, 1]} : vector<8x256xf32> to vector<1x256xf32>
      %mul3A = arith.constant 9.99999974E-5 : f32
      %mul3A_9 = vector.broadcast %mul3A : f32 to vector<1x256xf32>
      %mul3A_10 = arith.mulf %slice3A, %mul3A_9 : vector<1x256xf32>
      %slice3A_11 = vector.extract_strided_slice %get3A_8 {offsets = [4, 0], sizes = [1, 256], strides = [1, 1]} : vector<8x256xf32> to vector<1x256xf32>
      %mul3A_12 = arith.constant 9.99999974E-5 : f32
      %mul3A_13 = vector.broadcast %mul3A_12 : f32 to vector<1x256xf32>
      %mul3A_14 = arith.mulf %slice3A_11, %mul3A_13 : vector<1x256xf32>
      %mul3A_15 = arith.mulf %mul3A_10, %mul3A_10 : vector<1x256xf32>
      %sub3A = arith.subf %mul3A_14, %mul3A_15 : vector<1x256xf32>
      %get3A_16 = arith.constant 0 : index
      %get3A_17 = arith.constant 0 : index
      %get3A_18 = vector.load %arg7[%get3A_16, %get3A_17] : memref<1x256xf32, #tpu.memory_space<vmem>>, vector<1x256xf32>
      %add3A = arith.constant 9.99999974E-6 : f32
      %add3A_19 = vector.broadcast %add3A : f32 to vector<1x256xf32>
      %add3A_20 = arith.addf %sub3A, %add3A_19 : vector<1x256xf32>
      %rsqrt3A = math.rsqrt %add3A_20 : vector<1x256xf32>
      %mul3A_21 = arith.mulf %get3A_18, %rsqrt3A : vector<1x256xf32>
      %mul3A_22 = arith.constant 256 : i32
      %mul3A_23 = arith.muli %arg1, %mul3A_22 : i32
      %get3A_24 = arith.index_cast %mul3A_23 : i32 to index
      %get3A_25 = arith.constant 0 : index
      %get3A_26 = vector.load %arg12[%get3A_24, %get3A_25] : memref<10240x256xf32, #tpu.memory_space<vmem>>, vector<256x256xf32>
      %sub3A_27 = vector.broadcast %mul3A_10 : vector<1x256xf32> to vector<256x256xf32>
      %sub3A_28 = arith.subf %get3A_26, %sub3A_27 : vector<256x256xf32>
      %mul3A_29 = vector.broadcast %mul3A_21 : vector<1x256xf32> to vector<256x256xf32>
      %mul3A_30 = arith.mulf %mul3A_29, %sub3A_28 : vector<256x256xf32>
      %get3A_31 = arith.constant 0 : index
      %get3A_32 = arith.constant 0 : index
      %get3A_33 = vector.load %arg8[%get3A_31, %get3A_32] : memref<1x256xf32, #tpu.memory_space<vmem>>, vector<1x256xf32>
      %add3A_34 = vector.broadcast %get3A_33 : vector<1x256xf32> to vector<256x256xf32>
      %add3A_35 = arith.addf %mul3A_30, %add3A_34 : vector<256x256xf32>
      %max3A = arith.constant 0.000000e+00 : f32
      %max3A_36 = vector.broadcast %max3A : f32 to vector<256x256xf32>
      %max3A_37 = arith.maximumf %add3A_35, %max3A_36 : vector<256x256xf32>
      %convert_element_type3A_38 = arith.truncf %max3A_37 : vector<256x256xf32> to vector<256x256xbf16>
      %get3A_39 = arith.constant 0 : index
      %get3A_40 = arith.constant 0 : index
      %get3A_41 = vector.load %arg9[%get3A_39, %get3A_40] : memref<256x512xf32, #tpu.memory_space<vmem>>, vector<256x512xf32>
      %convert_element_type3A_42 = arith.truncf %get3A_41 : vector<256x512xf32> to vector<256x512xbf16>
      %dot_general3A = arith.constant dense<0.000000e+00> : vector<256x512xf32>
      %dot_general3A_43 = tpu.matmul %convert_element_type3A_38, %convert_element_type3A_42, %dot_general3A {dimension_numbers = #tpu.dot_dimension_numbers<[1], [0], [0], [1], [0, 0, 1, 1], [], []>, transpose_lhs_hint = false} : vector<256x256xbf16>, vector<256x512xbf16>, vector<256x512xf32> -> vector<256x512xf32>
      %get3A_44 = arith.constant 0 : index
      %get3A_45 = arith.constant 0 : index
      %get3A_46 = vector.load %arg5[%get3A_44, %get3A_45] : memref<256x128xf32, #tpu.memory_space<vmem>>, vector<256x128xf32>
      %concatenate3A = tpu.concatenate %get3A_46, %get3A_46 in 1 : vector<256x128xf32>, vector<256x128xf32> -> vector<256x256xf32>
      %slice3A_47 = vector.extract_strided_slice %dot_general3A_43 {offsets = [0, 0], sizes = [256, 256], strides = [1, 1]} : vector<256x512xf32> to vector<256x256xf32>
      %mul3A_48 = arith.mulf %slice3A_47, %concatenate3A : vector<256x256xf32>
      %reshape3A = vector.shape_cast %mul3A_48 : vector<256x256xf32> to vector<256x2x128xf32>
      %swap3A = arith.constant 0 : index
      %swap3A_49 = arith.constant 0 : index
      %swap3A_50 = arith.constant 0 : index
      %swap3A_51 = vector.load %arg10[%swap3A, %swap3A_49, %swap3A_50] : memref<256x2x128xf32, #tpu.memory_space<vmem>>, vector<256x2x128xf32>
      tpu.vector_store %arg10[%swap3A, %swap3A_49, %swap3A_50], %reshape3A {strides = array<i32>} : memref<256x2x128xf32, #tpu.memory_space<vmem>>, vector<256x2x128xf32>,
      %slice3A_52 = vector.extract_strided_slice %dot_general3A_43 {offsets = [0, 256], sizes = [256, 256], strides = [1, 1]} : vector<256x512xf32> to vector<256x256xf32>
      %mul3A_53 = arith.mulf %slice3A_52, %concatenate3A : vector<256x256xf32>
      %reshape3A_54 = vector.shape_cast %mul3A_53 : vector<256x256xf32> to vector<256x2x128xf32>
      %swap3A_55 = arith.constant 0 : index
      %swap3A_56 = arith.constant 0 : index
      %swap3A_57 = arith.constant 0 : index
      %swap3A_58 = vector.load %arg11[%swap3A_55, %swap3A_56, %swap3A_57] : memref<256x2x128xf32, #tpu.memory_space<vmem>>, vector<256x2x128xf32>
      tpu.vector_store %arg11[%swap3A_55, %swap3A_56, %swap3A_57], %reshape3A_54 {strides = array<i32>} : memref<256x2x128xf32, #tpu.memory_space<vmem>>, vector<256x2x128xf32>,
    } else {
    }
    return
  }
  func.func @transform_0(%arg0: i32, %arg1: i32) -> (i32, i32) {
    %sub3A = arith.constant 1 : i32
    %sub3A_0 = arith.subi %sub3A, %arg0 : i32
    %mul3A = arith.muli %sub3A_0, %arg1 : i32
    %c0_i32 = arith.constant 0 : i32
    %c0_i32_1 = arith.constant 0 : i32
    return %mul3A, %c0_i32 : i32, i32
  }
  func.func @transform_1(%arg0: i32, %arg1: i32) -> (i32, i32) {
    %sub3A = arith.constant 1 : i32
    %sub3A_0 = arith.subi %sub3A, %arg0 : i32
    %mul3A = arith.muli %sub3A_0, %arg1 : i32
    %add3A = arith.constant 40 : i32
    %add3A_1 = arith.addi %mul3A, %add3A : i32
    %c0_i32 = arith.constant 0 : i32
    %c0_i32_2 = arith.constant 0 : i32
    return %add3A_1, %c0_i32 : i32, i32
  }
  func.func @transform_2(%arg0: i32, %arg1: i32) -> (i32, i32, i32) {
    %sub3A = arith.constant 1 : i32
    %sub3A_0 = arith.subi %sub3A, %arg0 : i32
    %mul3A = arith.muli %sub3A_0, %arg1 : i32
    %c0_i32 = arith.constant 0 : i32
    %c0_i32_1 = arith.constant 0 : i32
    %c0_i32_2 = arith.constant 0 : i32
    return %mul3A, %c0_i32, %c0_i32_1 : i32, i32, i32
  }
  func.func @transform_3(%arg0: i32, %arg1: i32) -> (i32, i32) {
    %c0_i32 = arith.constant 0 : i32
    %c0_i32_0 = arith.constant 0 : i32
    return %arg1, %c0_i32 : i32, i32
  }
  func.func @transform_4(%arg0: i32, %arg1: i32) -> (i32, i32) {
    %c0_i32 = arith.constant 0 : i32
    %c0_i32_0 = arith.constant 0 : i32
    %c0_i32_1 = arith.constant 0 : i32
    return %c0_i32, %c0_i32_0 : i32, i32
  }
  func.func @transform_5(%arg0: i32, %arg1: i32) -> (i32, i32) {
    %c0_i32 = arith.constant 0 : i32
    %c0_i32_0 = arith.constant 0 : i32
    %c0_i32_1 = arith.constant 0 : i32
    return %c0_i32, %c0_i32_0 : i32, i32
  }
  func.func @transform_6(%arg0: i32, %arg1: i32) -> (i32, i32) {
    %c0_i32 = arith.constant 0 : i32
    %c0_i32_0 = arith.constant 0 : i32
    %c0_i32_1 = arith.constant 0 : i32
    return %c0_i32, %c0_i32_0 : i32, i32
  }
  func.func @transform_7(%arg0: i32, %arg1: i32) -> (i32, i32) {
    %c0_i32 = arith.constant 0 : i32
    %c0_i32_0 = arith.constant 0 : i32
    %c0_i32_1 = arith.constant 0 : i32
    return %c0_i32, %c0_i32_0 : i32, i32
  }
  func.func @transform_8(%arg0: i32, %arg1: i32) -> (i32, i32, i32) {
    %c0_i32 = arith.constant 0 : i32
    %c0_i32_0 = arith.constant 0 : i32
    %c0_i32_1 = arith.constant 0 : i32
    return %arg1, %c0_i32, %c0_i32_0 : i32, i32, i32
  }
  func.func @transform_9(%arg0: i32, %arg1: i32) -> (i32, i32, i32) {
    %c0_i32 = arith.constant 0 : i32
    %c0_i32_0 = arith.constant 0 : i32
    %c0_i32_1 = arith.constant 0 : i32
    return %arg1, %c0_i32, %c0_i32_0 : i32, i32, i32
  }
}

module attributes {stable_mosaic.version = 14 : i64} {
  func.func @_k2_final_body(%arg0: i32, %arg1: memref<256x128xf32, #tpu.memory_space<vmem>>, %arg2: memref<256x128xf32, #tpu.memory_space<vmem>>, %arg3: memref<256x128xf32, #tpu.memory_space<vmem>>, %arg4: memref<256x128xf32, #tpu.memory_space<vmem>>, %arg5: memref<256x2x128xf32, #tpu.memory_space<vmem>>, %arg6: memref<256x2x128xf32, #tpu.memory_space<vmem>>, %arg7: memref<256x128xf32, #tpu.memory_space<vmem>>, %arg8: memref<1x256xf32, #tpu.memory_space<vmem>>, %arg9: memref<1x256xf32, #tpu.memory_space<vmem>>, %arg10: memref<256x256xf32, #tpu.memory_space<vmem>>, %arg11: memref<256x256xf32, #tpu.memory_space<vmem>>) attributes {dimension_semantics = [#tpu.dimension_semantics<arbitrary>], iteration_bounds = array<i64: 40>, scalar_prefetch = 0 : i64, scratch_operands = 0 : i64, tpu.core_type = #tpu.core_type<tc>, window_params = [{transform_indices = @transform_0, window_bounds = array<i64: 256, 128>}, {transform_indices = @transform_1, window_bounds = array<i64: 256, 128>}, {transform_indices = @transform_2, window_bounds = array<i64: 256, 128>}, {transform_indices = @transform_3, window_bounds = array<i64: 256, 128>}, {transform_indices = @transform_4, window_bounds = array<i64: 256, 2, 128>}, {transform_indices = @transform_5, window_bounds = array<i64: 256, 2, 128>}, {transform_indices = @transform_6, window_bounds = array<i64: 256, 128>}, {pipeline_mode = #tpu.pipeline_mode<synchronous>, transform_indices = @transform_7, window_bounds = array<i64: 1, 256>}, {pipeline_mode = #tpu.pipeline_mode<synchronous>, transform_indices = @transform_8, window_bounds = array<i64: 1, 256>}, {transform_indices = @transform_9, window_bounds = array<i64: 256, 256>}, {transform_indices = @transform_10, window_bounds = array<i64: 256, 256>}]} {
    %get3A = arith.constant 0 : index
    %get3A_0 = arith.constant 0 : index
    %get3A_1 = vector.load %arg7[%get3A, %get3A_0] : memref<256x128xf32, #tpu.memory_space<vmem>>, vector<256x128xf32>
    %get3A_2 = arith.constant 0 : index
    %get3A_3 = arith.constant 0 : index
    %get3A_4 = arith.constant 0 : index
    %get3A_5 = vector.load %arg5[%get3A_2, %get3A_3, %get3A_4] : memref<256x2x128xf32, #tpu.memory_space<vmem>>, vector<256x2x128xf32>
    %get3A_6 = arith.constant 0 : index
    %get3A_7 = arith.constant 0 : index
    %get3A_8 = arith.constant 0 : index
    %get3A_9 = vector.load %arg6[%get3A_6, %get3A_7, %get3A_8] : memref<256x2x128xf32, #tpu.memory_space<vmem>>, vector<256x2x128xf32>
    %get3A_10 = arith.constant 0 : index
    %get3A_11 = arith.constant 0 : index
    %get3A_12 = vector.load %arg1[%get3A_10, %get3A_11] : memref<256x128xf32, #tpu.memory_space<vmem>>, vector<256x128xf32>
    %slice3A = vector.extract_strided_slice %get3A_5 {offsets = [0, 0, 0], sizes = [256, 1, 128], strides = [1, 1, 1]} : vector<256x2x128xf32> to vector<256x1x128xf32>
    %squeeze3A = vector.shape_cast %slice3A : vector<256x1x128xf32> to vector<256x128xf32>
    %add3A = arith.addf %get3A_12, %squeeze3A : vector<256x128xf32>
    %mul3A = arith.mulf %get3A_1, %add3A : vector<256x128xf32>
    %get3A_13 = arith.constant 0 : index
    %get3A_14 = arith.constant 0 : index
    %get3A_15 = vector.load %arg2[%get3A_13, %get3A_14] : memref<256x128xf32, #tpu.memory_space<vmem>>, vector<256x128xf32>
    %slice3A_16 = vector.extract_strided_slice %get3A_5 {offsets = [0, 1, 0], sizes = [256, 1, 128], strides = [1, 1, 1]} : vector<256x2x128xf32> to vector<256x1x128xf32>
    %squeeze3A_17 = vector.shape_cast %slice3A_16 : vector<256x1x128xf32> to vector<256x128xf32>
    %add3A_18 = arith.addf %get3A_15, %squeeze3A_17 : vector<256x128xf32>
    %mul3A_19 = arith.mulf %get3A_1, %add3A_18 : vector<256x128xf32>
    %get3A_20 = arith.constant 0 : index
    %get3A_21 = arith.constant 0 : index
    %get3A_22 = vector.load %arg3[%get3A_20, %get3A_21] : memref<256x128xf32, #tpu.memory_space<vmem>>, vector<256x128xf32>
    %slice3A_23 = vector.extract_strided_slice %get3A_9 {offsets = [0, 0, 0], sizes = [256, 1, 128], strides = [1, 1, 1]} : vector<256x2x128xf32> to vector<256x1x128xf32>
    %squeeze3A_24 = vector.shape_cast %slice3A_23 : vector<256x1x128xf32> to vector<256x128xf32>
    %add3A_25 = arith.addf %get3A_22, %squeeze3A_24 : vector<256x128xf32>
    %mul3A_26 = arith.mulf %get3A_1, %add3A_25 : vector<256x128xf32>
    %get3A_27 = arith.constant 0 : index
    %get3A_28 = arith.constant 0 : index
    %get3A_29 = vector.load %arg4[%get3A_27, %get3A_28] : memref<256x128xf32, #tpu.memory_space<vmem>>, vector<256x128xf32>
    %slice3A_30 = vector.extract_strided_slice %get3A_9 {offsets = [0, 1, 0], sizes = [256, 1, 128], strides = [1, 1, 1]} : vector<256x2x128xf32> to vector<256x1x128xf32>
    %squeeze3A_31 = vector.shape_cast %slice3A_30 : vector<256x1x128xf32> to vector<256x128xf32>
    %add3A_32 = arith.addf %get3A_29, %squeeze3A_31 : vector<256x128xf32>
    %mul3A_33 = arith.mulf %get3A_1, %add3A_32 : vector<256x128xf32>
    %concatenate3A = tpu.concatenate %mul3A, %mul3A_19 in 1 : vector<256x128xf32>, vector<256x128xf32> -> vector<256x256xf32>
    %get3A_34 = arith.constant 0 : index
    %get3A_35 = arith.constant 0 : index
    %get3A_36 = vector.load %arg8[%get3A_34, %get3A_35] : memref<1x256xf32, #tpu.memory_space<vmem>>, vector<1x256xf32>
    %add3A_37 = vector.broadcast %get3A_36 : vector<1x256xf32> to vector<256x256xf32>
    %add3A_38 = arith.addf %concatenate3A, %add3A_37 : vector<256x256xf32>
    %swap3A = arith.constant 0 : index
    %swap3A_39 = arith.constant 0 : index
    %swap3A_40 = vector.load %arg10[%swap3A, %swap3A_39] : memref<256x256xf32, #tpu.memory_space<vmem>>, vector<256x256xf32>
    tpu.vector_store %arg10[%swap3A, %swap3A_39], %add3A_38 {strides = array<i32>} : memref<256x256xf32, #tpu.memory_space<vmem>>, vector<256x256xf32>,
    %concatenate3A_41 = tpu.concatenate %mul3A_26, %mul3A_33 in 1 : vector<256x128xf32>, vector<256x128xf32> -> vector<256x256xf32>
    %get3A_42 = arith.constant 0 : index
    %get3A_43 = arith.constant 0 : index
    %get3A_44 = vector.load %arg9[%get3A_42, %get3A_43] : memref<1x256xf32, #tpu.memory_space<vmem>>, vector<1x256xf32>
    %add3A_45 = vector.broadcast %get3A_44 : vector<1x256xf32> to vector<256x256xf32>
    %add3A_46 = arith.addf %concatenate3A_41, %add3A_45 : vector<256x256xf32>
    %swap3A_47 = arith.constant 0 : index
    %swap3A_48 = arith.constant 0 : index
    %swap3A_49 = vector.load %arg11[%swap3A_47, %swap3A_48] : memref<256x256xf32, #tpu.memory_space<vmem>>, vector<256x256xf32>
    tpu.vector_store %arg11[%swap3A_47, %swap3A_48], %add3A_46 {strides = array<i32>} : memref<256x256xf32, #tpu.memory_space<vmem>>, vector<256x256xf32>,
    return
  }
  func.func @transform_0(%arg0: i32) -> (i32, i32) {
    %c0_i32 = arith.constant 0 : i32
    %c0_i32_0 = arith.constant 0 : i32
    return %arg0, %c0_i32 : i32, i32
  }
  func.func @transform_1(%arg0: i32) -> (i32, i32) {
    %add3A = arith.constant 40 : i32
    %add3A_0 = arith.addi %arg0, %add3A : i32
    %c0_i32 = arith.constant 0 : i32
    %c0_i32_1 = arith.constant 0 : i32
    return %add3A_0, %c0_i32 : i32, i32
  }
  func.func @transform_2(%arg0: i32) -> (i32, i32) {
    %c0_i32 = arith.constant 0 : i32
    %c0_i32_0 = arith.constant 0 : i32
    return %arg0, %c0_i32 : i32, i32
  }
  func.func @transform_3(%arg0: i32) -> (i32, i32) {
    %add3A = arith.constant 40 : i32
    %add3A_0 = arith.addi %arg0, %add3A : i32
    %c0_i32 = arith.constant 0 : i32
    %c0_i32_1 = arith.constant 0 : i32
    return %add3A_0, %c0_i32 : i32, i32
  }
  func.func @transform_4(%arg0: i32) -> (i32, i32, i32) {
    %c0_i32 = arith.constant 0 : i32
    %c0_i32_0 = arith.constant 0 : i32
    %c0_i32_1 = arith.constant 0 : i32
    return %arg0, %c0_i32, %c0_i32_0 : i32, i32, i32
  }
  func.func @transform_5(%arg0: i32) -> (i32, i32, i32) {
    %c0_i32 = arith.constant 0 : i32
    %c0_i32_0 = arith.constant 0 : i32
    %c0_i32_1 = arith.constant 0 : i32
    return %arg0, %c0_i32, %c0_i32_0 : i32, i32, i32
  }
  func.func @transform_6(%arg0: i32) -> (i32, i32) {
    %c0_i32 = arith.constant 0 : i32
    %c0_i32_0 = arith.constant 0 : i32
    return %arg0, %c0_i32 : i32, i32
  }
  func.func @transform_7(%arg0: i32) -> (i32, i32) {
    %c0_i32 = arith.constant 0 : i32
    %c0_i32_0 = arith.constant 0 : i32
    %c0_i32_1 = arith.constant 0 : i32
    return %c0_i32, %c0_i32_0 : i32, i32
  }
  func.func @transform_8(%arg0: i32) -> (i32, i32) {
    %c0_i32 = arith.constant 0 : i32
    %c0_i32_0 = arith.constant 0 : i32
    %c0_i32_1 = arith.constant 0 : i32
    return %c0_i32, %c0_i32_0 : i32, i32
  }
  func.func @transform_9(%arg0: i32) -> (i32, i32) {
    %c0_i32 = arith.constant 0 : i32
    %c0_i32_0 = arith.constant 0 : i32
    return %arg0, %c0_i32 : i32, i32
  }
  func.func @transform_10(%arg0: i32) -> (i32, i32) {
    %c0_i32 = arith.constant 0 : i32
    %c0_i32_0 = arith.constant 0 : i32
    return %arg0, %c0_i32 : i32, i32
  }
}

</mosaic_0001>

<sc_bundles>
// kernel: kernel.14.cloned.1.call-start
scs
__scs_entry_jumppad:
0x0: {  	(pc) =	sbr.rel $0x88, $3  }
0x1: {  	(tag) =	ssettag $0x0;
	lr =	simm.s32 $0x1  }
0x2: {  	[smem:$0x3F96] =	sst lr;
	_ =	strace $0xD0000000  }
0x3: {  	_ = 	snop  }
0x4: {  	_ = 	snop  }
0x5: {  	_ = 	snop  }
0x6: {  	_ = 	snop  }
0x7: {  	_ = 	snop  }
__scs_overlays_trampoline_lowered:
0x8: {  	[smem:$0x3FA5] =	sst s0  }
0x9: {  	[smem:$0x3FA6] =	sst s1  }
0xa: {  	[smem:$0x3FA7] =	sst s2  }
0xb: {  	[smem:$0x3FA8] =	sst s3  }
0xc: {  	[smem:$0x3FA9] =	sst s4  }
0xd: {  	[smem:$0x3FAA] =	sst s5  }
0xe: {  	[smem:$0x3FAB] =	sst s6  }
0xf: {  	[smem:$0x3FAC] =	sst s7  }
0x10: {  	[smem:$0x3FAD] =	sst s8  }
0x11: {  	[smem:$0x3FAE] =	sst s9;
	s0 =	simm.s32 @!p0 $0x0  }
0x12: {  	s1 =	sld [smem:$0x3F94];
	s0 =	simm.s32 @p0 $0x1  }
0x13: {  	[smem:$0x3FAF] =	sst s0;
	s0 =	simm.s32 @!p1 $0x0  }
0x14: {  	s2 =	sld [smem:$0x3F93];
	s0 =	simm.s32 @p1 $0x1  }
0x15: {  	[smem:$0x3FB0] =	sst s0;
	s0 =	simm.s32 @!p2 $0x0  }
0x16: {  	s3 =	sld [smem:$0x3FDB];
	s0 =	simm.s32 @p2 $0x1  }
0x17: {  	s4 =	simm.s32 $0x1BF5;
	[smem:$0x3FB2] =	sst s0  }
0x18: {  	s0 =	sld [smem:$0x3F95];
	_ =	swait.ge [sflag:s4], $0x0  }
0x19: {  	s7 =	sld [smem:$0x3F96]  }
0x1a: {  	s8 =	sadd.s32 $0xFFFFE003, lr  }
0x1b: {  	s9 =	sadd.s32 $0xFFFFFEF7, lr;
	s5 =	simm.s32 $0xFFFFFFFF;
	p2 =	slt.u32 s8, $0xFFFFF086  }
0x1c: {  	p1 =	slt.u32 s9, $0xF7A;
	s5 =	simm.s32 @!p2 $0x0  }
0x1d: {  	s5 =	simm.s32 @p1 $0x1;
	p0 =	seq.s32 s7, s2  }
0x1e: {  	s7 =	smul.u32 @!p0 $0xF7A, s2;
	p2 =	seq.s32 @!p0 s5, $0x0  }
0x1f: {  	s9 =	smul.u32 $0xF7A, s1;
	s8 =	simm.s32 @!p0 $0x1BF5;
	p2 =	por !p2, p0  }
0x20: {  	[sflag:s8] =	ssyncset.s32 @!p0 $0xFFFFF086;
	s6 =	sadd.s32 @!p0 s3, s7;
	s7 =	simm.s32 @!p0 $0x108  }
0x21: {  	s3 =	sadd.s32 s3, s9;
	s6 =	sadd.s32 @!p0 $0x88, s6;
	s7 =	simm.s32 @p2 $0x1082  }
0x22: {  	[simem:s7], [sflag:s8] =	dma.local @!p0 [hbm:s6], $0xF7A  }
0x23: {  	s9 =	sor.u32 $0xD0000000, s2;
	s6 =	simm.s32 $0x108;
	_ =	swait.ge @!p0 [sflag:s8], $0x0  }
0x24: {  	s3 =	sadd.s32 $0x88, s3;
	s6 =	simm.s32 @!p1 $0x1082;
	[sflag:s4] =	ssyncset.s32 $0xFFFFF086  }
0x25: {  	[simem:s6], [sflag:s4] =	dma.local [hbm:s3], $0xF7A  }
0x26: {  	[smem:$0x3F96] =	sst s1;
	(tag) =	ssettag s2;
	_ =	strace s9  }
0x27: {  	s1 =	sld [smem:$0x3FA6]  }
0x28: {  	s2 =	sld [smem:$0x3FA7]  }
0x29: {  	s4 =	sld [smem:$0x3FA9]  }
0x2a: {  	p0 =	seq.s32 s5, $0x0;
	s5 =	sld [smem:$0x3FAA]  }
0x2b: {  	s6 =	sld [smem:$0x3FAB]  }
0x2c: {  	s7 =	sld [smem:$0x3FAC]  }
0x2d: {  	s3 =	simm.s32 $0x108;
	s8 =	sld [smem:$0x3FAD]  }
0x2e: {  	s3 =	simm.s32 @!p0 $0x1082;
	s9 =	sld [smem:$0x3FAE]  }
0x2f: {  	lr =	sadd.s32 s0, s3;
	s0 =	sld [smem:$0x3FA5]  }
0x30: {  	s3 =	sld [smem:$0x3FA8]  }
0x31: {  	[smem:$0x3FB1] =	sst s10  }
0x32: {  	s10 =	sld [smem:$0x3FAF];
	_ =	sdelay $0x3  }
0x33: {  	p0 =	seq.s32 s10, $0x1;
	s10 =	sld [smem:$0x3FB1];
	_ =	sdelay $0x3  }
0x34: {  	[smem:$0x3FB1] =	sst s10  }
0x35: {  	s10 =	sld [smem:$0x3FB0];
	_ =	sdelay $0x3  }
0x36: {  	p1 =	seq.s32 s10, $0x1;
	s10 =	sld [smem:$0x3FB1];
	_ =	sdelay $0x3  }
0x37: {  	[smem:$0x3FB1] =	sst s10  }
0x38: {  	s10 =	sld [smem:$0x3FB2]  }
0x39: {  	_ = 	snop;
	(pc) =	sbr.ind lr, $3  }
0x3a: {  	_ = 	snop  }
0x3b: {  	_ = 	snop  }
0x3c: {  	p2 =	seq.s32 s10, $0x1;
	s10 =	sld [smem:$0x3FB1]  }
0x3d: {  	_ =	shalt  }
0x3e: {  	_ =	shalt  }
0x3f: {  	_ =	shalt  }
0x40: {  	_ =	shalt  }
0x41: {  	_ =	shalt  }
0x42: {  	_ =	shalt  }
0x43: {  	_ =	shalt  }
0x44: {  	_ =	shalt  }
0x45: {  	_ =	shalt  }
0x46: {  	_ =	shalt  }
0x47: {  	_ =	shalt  }
0x48: {  	_ =	shalt  }
0x49: {  	_ =	shalt  }
0x4a: {  	_ =	shalt  }
0x4b: {  	_ =	shalt  }
0x4c: {  	_ =	shalt  }
0x4d: {  	_ =	shalt  }
0x4e: {  	_ =	shalt  }
0x4f: {  	_ =	shalt  }
0x50: {  	_ =	shalt  }
0x51: {  	_ =	shalt  }
0x52: {  	_ =	shalt  }
0x53: {  	_ =	shalt  }
0x54: {  	_ =	shalt  }
0x55: {  	_ =	shalt  }
0x56: {  	_ =	shalt  }
0x57: {  	_ =	shalt  }
0x58: {  	_ =	shalt  }
0x59: {  	_ =	shalt  }
0x5a: {  	_ =	shalt  }
0x5b: {  	_ =	shalt  }
0x5c: {  	_ =	shalt  }
0x5d: {  	_ =	shalt  }
0x5e: {  	_ =	shalt  }
0x5f: {  	_ =	shalt  }
0x60: {  	_ =	shalt  }
0x61: {  	_ =	shalt  }
0x62: {  	_ =	shalt  }
0x63: {  	_ =	shalt  }
0x64: {  	_ =	shalt  }
0x65: {  	_ =	shalt  }
0x66: {  	_ =	shalt  }
0x67: {  	_ =	shalt  }
0x68: {  	_ =	shalt  }
0x69: {  	_ =	shalt  }
0x6a: {  	_ =	shalt  }
0x6b: {  	_ =	shalt  }
0x6c: {  	_ =	shalt  }
0x6d: {  	_ =	shalt  }
0x6e: {  	_ =	shalt  }
0x6f: {  	_ =	shalt  }
0x70: {  	_ =	shalt  }
0x71: {  	_ =	shalt  }
0x72: {  	_ =	shalt  }
0x73: {  	_ =	shalt  }
0x74: {  	_ =	shalt  }
0x75: {  	_ =	shalt  }
0x76: {  	_ =	shalt  }
0x77: {  	_ =	shalt  }
0x78: {  	_ =	shalt  }
0x79: {  	_ =	shalt  }
0x7a: {  	_ =	shalt  }
0x7b: {  	_ =	shalt  }
0x7c: {  	_ =	shalt  }
0x7d: {  	_ =	shalt  }
0x7e: {  	_ =	shalt  }
0x7f: {  	_ =	shalt  }
0x80: {  	_ =	shalt  }
0x81: {  	_ =	shalt  }
0x82: {  	_ =	shalt  }
0x83: {  	_ =	shalt  }
0x84: {  	_ =	shalt  }
0x85: {  	_ =	shalt  }
0x86: {  	_ =	shalt  }
0x87: {  	_ =	shalt  }
.Lfunc_end0:
.L_simem_size_0:
called_computation_lowered:
.L_overlay_start_0:
0x88: {  	s2 =	sld [smem:$0x3FD9]  }
0x89: {  	s3 =	sld [smem:$0x3FFE];
	_ =	sdelay $0x1  }
0x8a: {  	s1 =	srdreg.scid  }
0x8b: {  	s0 =	sand.u32 $0x1, s1  }
0x8c: {  	s14 =	sshll.u32 s0, $0xA;
	s2 =	sadd.s32 s3, s2  }
0x8d: {  	s2 =	sadd.s32 s2, s14  }
0x8e: {  	[smem:$0x3FBD] =	sst s2  }
0x8f: {  	_ = 	snop  }
0x90: {  	s2 =	sld [smem:$0x3FD0];
	_ =	sdelay $0x2  }
0x91: {  	s4 =	simm.s32 $0xA;
	s5 =	simm.s32 $0x10;
	s15 =	sld [smem:$0x3FC7]  }
0x92: {  	[smem:s5], [sflag:s4] =	dma.local [hbm:s2], $0x1  }
0x93: {  	_ =	swait.eq [sflag:s4], $0x1  }
0x94: {  	[sflag:s4] =	ssyncset.done $0x0  }
0x95: {  	[sflag:s4] =	ssyncadd.s32 $0xFFFFFFFF  }
0x96: {  	s16 =	sld [smem:$0x10];
	(tm) =	ssettm $0x1  }
0x97: {  	s17 =	sld [smem:$0x3FFB];
	_ =	sdelay $0x3  }
0x98: {  	_ =	strace s17  }
0x99: {  	s4 =	sld [smem:$0x3FFC];
	_ =	sdelay $0x3  }
0x9a: {  	_ =	strace s4  }
0x9b: {  	s4 =	sld [smem:$0x3FFD];
	_ =	sdelay $0x3  }
0x9c: {  	_ =	strace s4  }
0x9d: {  	_ =	strace $0x8FFFFFFF  }
0x9e: {  	s18 =	sld [smem:$0x3FDB];
	_ =	sdelay $0x1  }
0x9f: {  	s19 =	simm.s32 $_scs_section_size  }
0xa0: {  	s6 =	simm.s32 $_size__tile_overlayer_lowered;
	s7 =	simm.s32 $_tile_overlayer_lowered  }
0xa1: {  	s22 =	simm.s32 $0x1BFF;
	s21 =	sshll.u32 s7, $0x1;
	s4 =	sadd.s32 s19, s18  }
0xa2: {  	s8 =	simm.s32 $0x0;
	s20 =	sshll.u32 s6, $0x1;
	s6 =	sadd.s32 s21, s4  }
0xa3: {  	[timem:s8], [sflag:s22] =	dma.local [hbm:s6], s20  }
0xa4: {  	_ =	swait.ge [sflag:s22], s20  }
0xa5: {  	s5 =	ssub.s32 $0x0, s20;
	[sflag:s22] =	ssyncset.done $0x0  }
0xa6: {  	[sflag:s22] =	ssyncadd.s32 s5;
	_ =	sdelay $0x1  }
0xa7: {  	s23 =	simm.s32 $0x1B8B  }
0xa8: {  	_ =	swait.ge [sflag:s23], $0x1  }
0xa9: {  	[sflag:s23] =	ssyncset.done $0x0  }
0xaa: {  	s25 =	simm.s32 $0x1B8E;
	s24 =	sld [smem:$0x3FFE];
	[sflag:s23] =	ssyncadd.s32 $0xFFFFFFFF  }
0xab: {  	s26 =	simm.s32 $execute0_lowered;
	[smem:$0x3FD2] =	sst s25  }
0xac: {  	s6 =	sshll.u32 s26, $0x1;
	_ =	strace $0x80000046;
	[dreg:$0x1] =	wrdreg $0xFFFFFFFF  }
0xad: {  	s28 =	simm.s32 $_size_execute0_lowered;
	s4 =	sadd.s32 s4, s6;
	[dreg:$0x0] =	wrdreg $0x0  }
0xae: {  	s6 =	sshll.u32 s28, $0x1;
	[dreg:$0x2] =	wrdreg s4  }
0xaf: {  	[dreg:$0x3] =	wrdreg s6  }
0xb0: {  	[dreg:$0x4] =	wrdreg $0xC0  }
0xb1: {  	_ =	task [dreg:s8], $0x5FFFF  }
0xb2: {  	[dreg:$0x1] =	wrdreg $0xFFFFFFFF  }
0xb3: {  	[dreg:$0x0] =	wrdreg $0x60  }
0xb4: {  	[dreg:$0x2] =	wrdreg s24  }
0xb5: {  	[dreg:$0x3] =	wrdreg s15  }
0xb6: {  	[dreg:$0x4] =	wrdreg s16  }
0xb7: {  	[dreg:$0x5] =	wrdreg $0x0  }
0xb8: {  	[dreg:$0x6] =	wrdreg $0x9  }
0xb9: {  	_ =	task.clear_ibuf [dreg:s8], $0x7FFFF;
	_ =	strace $0x90000046  }
0xba: {  	s29 =	simm.s32 $0x9;
	_ =	strace $0x80000048  }
0xbb: {  	_ =	swait.ge [sflag:s29], $0x1  }
0xbc: {  	[sflag:s29] =	ssyncadd.s32 $0xFFFFFFFF  }
0xbd: {  	_ =	strace $0x90000048  }
0xbe: {  	_ =	sfence  }
0xbf: {  	s30 =	sld [smem:$0x0];
	_ =	sdelay $0x2  }
0xc0: {  	s31 =	sshll.u32 s1, $0xD;
	s1 =	sshrl.u32 s1, $0x2  }
0xc1: {  	s3 =	sand.u32 $0x4000, s31;
	s1 =	sadd.s32 s1, s30  }
0xc2: {  	s0 =	sor.u32 s3, s0;
	s1 =	sshll.u32 s1, $0x11  }
0xc3: {  	s0 =	sor.u32 s1, s0  }
0xc4: {  	s0 =	sadd.s32 $0x8F2B, s0  }
0xc5: {  	[sflag:s0] =	ssyncadd.remote.s32 $0x1  }
0xc6: {  	_ =	sfence.sel $0xFFFF  }
0xc7: {  	[dreg:$0x0] =	wrdreg $0xFFFFFFFF;
	(pc) =	sbr.abs _section_cstart, $3  }
0xc8: {  	[dreg:$0x1] =	wrdreg $0xFFFFFFFF  }
0xc9: {  	_ =	task.clear_ibuf [dreg:s8], $0x2FFFF;
	_ =	strace $0x9FFFFFFF  }
0xca: {  	(tm) =	ssettm $0x7FFFFFFF  }
0xcb: {  	_ =	shalt  }
tec
execute0_lowered:
.L_overlay_start_1:
0x0: {  	(tag) =	ssettag $0x1  }
0x1: {  	s0 =	rddreg [dreg:$0x0]  }
0x2: {  	s1 =	rddreg [dreg:$0x1]  }
0x3: {  	s2 =	srdreg.scid;
	s3 =	rddreg [dreg:$0x2]  }
0x4: {  	s13 =	stileid.u32;
	s4 =	rddreg [dreg:$0x3];
	s17 =	simm.s32 $0xA400  }
0x5: {  	s28 =	simm.s32 $0x4;
	s15 =	simm.s32 $0x5280;
	s8 =	smul.u32 $0x280, s13  }
0x6: {  	s2 =	sand.u32 $0x1, s2;
	s5 =	sshll.u32 s13, $0x1;
	s13 =	smul.u32 $0x13B0, s13  }
0x7: {  	s14 =	simm.s32 $0x6280;
	s16 =	simm.s32 $0x8280;
	s9 =	smul.u32 $0x2800, s2  }
0x8: {  	s6 =	sor.u32 s2, s5;
	s12 =	ssub.s32 $0x2, s2;
	s2 =	smul.u32 $0x13B00, s2  }
0x9: {  	s10 =	sadd.s32 $0x5200, s0;
	s5 =	simm.s32 $0x0;
	s7 =	smul.u32 $0x28, s6  }
0xa: {  	s11 =	sadd.s32 $0x5E00, s0;
	[smem:$0x7FF] =	sst s5;
	s18 =	smul.u32 $0x2800, s6  }
0xb: {  	s6 =	smul.u32 $0x14000, s6;
	s19 =	sshrl.u32 s12, $0x1;
	s24 =	sadd.s32 s8, s4  }
0xc: {  	_ =	strace $0x80000047;
	[dreg:$0x5] =	wrdreg s10;
	s9 =	sadd.s32 s8, s9  }
0xd: {  	s2 =	sadd.s32 s13, s2;
	[dreg:$0xb] =	wrdreg s24;
	s24 =	simm.s32 $0x3  }
0xe: {  	s13 =	simm.s32 $0x0;
	s8 =	simm.s32 $0x3280;
	s10 =	simm.s32 $0x4280  }
0xf: {  	s7 =	sadd.s32 s7, s0;
	s9 =	sshrl.u32 s9, $0x3;
	s6 =	sshrl.u32 s6, $0x3  }
0x10: {  	s20 =	sadd.s32 s11, s18;
	s23 =	sshrl.u32 s2, $0x3;
	s26 =	sadd.s32 $0xF0, s2  }
0x11: {  	s31 =	sadd.s32 $0xA0, s2;
	s0 =	sadd.s32 s9, s0;
	[dreg:$0x7] =	wrdreg s20  }
0x12: {  	s7 =	sadd.s32 $0x4C00, s7;
	s6 =	sadd.s32 s11, s6;
	[dreg:$0x11] =	wrdreg s31  }
0x13: {  	s9 =	ssub.s32 s12, s19;
	[dreg:$0x6] =	wrdreg s7;
	s21 =	sadd.s32 $0xA00, s6  }
0x14: {  	s12 =	simm.s32 $0xA80;
	s22 =	sadd.s32 $0x1400, s6;
	[dreg:$0x8] =	wrdreg s21  }
0x15: {  	s11 =	simm.s32 $0x4A80;
	s6 =	sadd.s32 $0x1E00, s6;
	[dreg:$0x9] =	wrdreg s22  }
0x16: {  	s20 =	simm.s32 $0x7A80;
	s0 =	sadd.s32 $0x5400, s0;
	[dreg:$0xa] =	wrdreg s6  }
0x17: {  	s19 =	simm.s32 $0x8A80;
	s29 =	smax.u32 s9, $0x1;
	[dreg:$0xd] =	wrdreg s0  }
0x18: {  	s7 =	sadd.s32 s3, s23;
	s23 =	simm.s32 $0xA480;
	[dreg:$0xe] =	wrdreg s29  }
0x19: {  	s9 =	simm.s32 $0x3A80;
	s25 =	sadd.s32 $0xA, s7;
	[dreg:$0x10] =	wrdreg s7  }
0x1a: {  	v3 =	vlaneseq.u32;
	s30 =	sadd.s32 $0x26C, s7;
	s0 =	sshrl.u32 s26, $0x3;
	s21 =	simm.s32 $0x5  }
0x1b: {  	v0 =	vimm.f32 $1.000000000e+00;
	vm0 =	vmmov $0xffff;
	v2 =	vshrl.u32 v3, $0x3;
	s26 =	simm.s32 $0xA500;
	s22 =	simm.s32 $0x7280;
	[dreg:$0xc] =	wrdreg s25  }
0x1c: {  	v1 =	vand.u32 $0x7, v3;
	v3 =	vor.u32 $0x8, v3;
	v2 =	vmul.u32 $0x8, v2;
	[dreg:$0xf] =	wrdreg s30;
	s18 =	sadd.s32 s0, s3;
	s25 =	simm.s32 $0x50  }
.LBB2_1:
0x1d: {  	[tilespmem:$0xA500] =	vst v0  }
0x1e: {  	[tilespmem:$0xA510] =	vst v0  }
0x1f: {  	[tilespmem:$0xA520] =	vst v0  }
0x20: {  	[tilespmem:$0xA530] =	vst v0  }
0x21: {  	[tilespmem:$0xA540] =	vst v0;
	s0 =	rddreg [dreg:$0x6];
	s2 =	simm.s32 $0xA280  }
0x22: {  	[tilespmem:s2], [sflag:$0x5] =	stream.linear.gather [hbm4b:s0+s5], $0x140, $0x38;
	[tilespmem:$0xA580] =	vst v63  }
0x23: {  	_ =	swait.ge [sflag:s21], $0x140  }
0x24: {  	[sflag:s21] =	ssyncset.done $0x0  }
0x25: {  	[sflag:s21] =	ssyncadd.s32 $0xFFFFFEC0  }
0x26: {  	v4 =	vld [tilespmem:$0xA280];
	_ =	sdelay $0x4  }
0x27: {  	v5 =	vshll.u32 v4, $0x1  }
0x28: {  	v4 =	vand.u32 $0x7, v4;
	v5 =	vand.u32 $0xFFFFFFF0, v5  }
0x29: {  	v4 =	vor.u32 v4, v5  }
0x2a: {  	v5 =	vperm.xlane v4, v1;
	_ =	sdelay $0x1  }
0x2b: {  	v4 =	vperm.xlane v4, v3;
	v5 =	vadd.s32 v2, v5;
	_ =	sdelay $0x1  }
0x2c: {  	v4 =	vadd.s32 v2, v4;
	_ =	sdelay $0x1  }
0x2d: {  	s7 =	simm.s32 $0x280  }
0x2e: {  	[tilespmem:s7], [sflag:$0x1] =	stream.indirect_vreg.gather [hbm4b:s1+s5], $0x80, v5, vm0, $0xb8;
	[tilespmem:$0xA580] =	vst v63  }
0x2f: {  	_ = 	snop  }
0x30: {  	[tilespmem:s12], [sflag:$0x1] =	stream.indirect_vreg.gather [hbm4b:s1+s5], $0x80, v4, vm0, $0xb8;
	[tilespmem:$0xA580] =	vst v63  }
0x31: {  	v4 =	vld [tilespmem:$0xA290];
	_ =	sdelay $0x4  }
0x32: {  	v5 =	vshll.u32 v4, $0x1  }
0x33: {  	v4 =	vand.u32 $0x7, v4;
	v5 =	vand.u32 $0xFFFFFFF0, v5  }
0x34: {  	v4 =	vor.u32 v4, v5  }
0x35: {  	v5 =	vperm.xlane v4, v1;
	_ =	sdelay $0x1  }
0x36: {  	v4 =	vperm.xlane v4, v3;
	v5 =	vadd.s32 v2, v5;
	_ =	sdelay $0x1  }
0x37: {  	v4 =	vadd.s32 v2, v4;
	_ =	sdelay $0x1  }
0x38: {  	s6 =	simm.s32 $0x1280  }
0x39: {  	[tilespmem:s6], [sflag:$0x1] =	stream.indirect_vreg.gather [hbm4b:s1+s5], $0x80, v5, vm0, $0xb8;
	[tilespmem:$0xA580] =	vst v63  }
0x3a: {  	s7 =	simm.s32 $0x1A80  }
0x3b: {  	[tilespmem:s7], [sflag:$0x1] =	stream.indirect_vreg.gather [hbm4b:s1+s5], $0x80, v4, vm0, $0xb8;
	[tilespmem:$0xA580] =	vst v63  }
0x3c: {  	v4 =	vld [tilespmem:$0xA2A0];
	_ =	sdelay $0x4  }
0x3d: {  	v5 =	vshll.u32 v4, $0x1  }
0x3e: {  	v4 =	vand.u32 $0x7, v4;
	v5 =	vand.u32 $0xFFFFFFF0, v5  }
0x3f: {  	v4 =	vor.u32 v4, v5  }
0x40: {  	v5 =	vperm.xlane v4, v1;
	_ =	sdelay $0x1  }
0x41: {  	v4 =	vperm.xlane v4, v3;
	v5 =	vadd.s32 v2, v5;
	_ =	sdelay $0x1  }
0x42: {  	v4 =	vadd.s32 v2, v4;
	_ =	sdelay $0x1  }
0x43: {  	s30 =	simm.s32 $0x2280  }
0x44: {  	[tilespmem:s30], [sflag:$0x1] =	stream.indirect_vreg.gather [hbm4b:s1+s5], $0x80, v5, vm0, $0xb8;
	[tilespmem:$0xA580] =	vst v63  }
0x45: {  	s31 =	simm.s32 $0x2A80  }
0x46: {  	[tilespmem:s31], [sflag:$0x1] =	stream.indirect_vreg.gather [hbm4b:s1+s5], $0x80, v4, vm0, $0xb8;
	[tilespmem:$0xA580] =	vst v63  }
0x47: {  	v4 =	vld [tilespmem:$0xA2B0];
	_ =	sdelay $0x4  }
0x48: {  	v5 =	vshll.u32 v4, $0x1  }
0x49: {  	v4 =	vand.u32 $0x7, v4;
	v5 =	vand.u32 $0xFFFFFFF0, v5  }
0x4a: {  	v4 =	vor.u32 v4, v5  }
0x4b: {  	v5 =	vperm.xlane v4, v1;
	_ =	sdelay $0x1  }
0x4c: {  	v4 =	vperm.xlane v4, v3;
	v5 =	vadd.s32 v2, v5;
	_ =	sdelay $0x1  }
0x4d: {  	v4 =	vadd.s32 v2, v4;
	_ =	sdelay $0x2  }
0x4e: {  	[tilespmem:s8], [sflag:$0x1] =	stream.indirect_vreg.gather [hbm4b:s1+s5], $0x80, v5, vm0, $0xb8;
	[tilespmem:$0xA580] =	vst v63  }
0x4f: {  	_ = 	snop  }
0x50: {  	[tilespmem:s9], [sflag:$0x1] =	stream.indirect_vreg.gather [hbm4b:s1+s5], $0x80, v4, vm0, $0xb8;
	[tilespmem:$0xA580] =	vst v63  }
0x51: {  	v4 =	vld [tilespmem:$0xA2C0];
	_ =	sdelay $0x4  }
0x52: {  	v5 =	vshll.u32 v4, $0x1  }
0x53: {  	v4 =	vand.u32 $0x7, v4;
	v5 =	vand.u32 $0xFFFFFFF0, v5  }
0x54: {  	v4 =	vor.u32 v4, v5  }
0x55: {  	v5 =	vperm.xlane v4, v1;
	_ =	sdelay $0x1  }
0x56: {  	v4 =	vperm.xlane v4, v3;
	v5 =	vadd.s32 v2, v5;
	_ =	sdelay $0x1  }
0x57: {  	v4 =	vadd.s32 v2, v4;
	_ =	sdelay $0x2  }
0x58: {  	[tilespmem:s10], [sflag:$0x1] =	stream.indirect_vreg.gather [hbm4b:s1+s5], $0x80, v5, vm0, $0xb8;
	[tilespmem:$0xA580] =	vst v63  }
0x59: {  	_ = 	snop  }
0x5a: {  	[tilespmem:s11], [sflag:$0x1] =	stream.indirect_vreg.gather [hbm4b:s1+s5], $0x80, v4, vm0, $0xb8;
	[tilespmem:$0xA580] =	vst v63  }
0x5b: {  	v4 =	vld [tilespmem:$0xA2D0];
	_ =	sdelay $0x4  }
0x5c: {  	v5 =	vshll.u32 v4, $0x1  }
0x5d: {  	v4 =	vand.u32 $0x7, v4;
	v5 =	vand.u32 $0xFFFFFFF0, v5  }
0x5e: {  	v4 =	vor.u32 v4, v5  }
0x5f: {  	v5 =	vperm.xlane v4, v1;
	_ =	sdelay $0x1  }
0x60: {  	v4 =	vperm.xlane v4, v3;
	v5 =	vadd.s32 v2, v5;
	_ =	sdelay $0x1  }
0x61: {  	v4 =	vadd.s32 v2, v4;
	_ =	sdelay $0x2  }
0x62: {  	[tilespmem:s15], [sflag:$0x2] =	stream.indirect_vreg.gather [hbm4b:s1+s5], $0x80, v5, vm0, $0xb8;
	[tilespmem:$0xA580] =	vst v63  }
0x63: {  	s29 =	simm.s32 $0x5A80  }
0x64: {  	[tilespmem:s29], [sflag:$0x2] =	stream.indirect_vreg.gather [hbm4b:s1+s5], $0x80, v4, vm0, $0xb8;
	[tilespmem:$0xA580] =	vst v63  }
0x65: {  	v4 =	vld [tilespmem:$0xA2E0];
	_ =	sdelay $0x4  }
0x66: {  	v5 =	vshll.u32 v4, $0x1  }
0x67: {  	v4 =	vand.u32 $0x7, v4;
	v5 =	vand.u32 $0xFFFFFFF0, v5  }
0x68: {  	v4 =	vor.u32 v4, v5  }
0x69: {  	v5 =	vperm.xlane v4, v1;
	_ =	sdelay $0x1  }
0x6a: {  	v4 =	vperm.xlane v4, v3;
	v5 =	vadd.s32 v2, v5;
	_ =	sdelay $0x1  }
0x6b: {  	v4 =	vadd.s32 v2, v4;
	_ =	sdelay $0x2  }
0x6c: {  	[tilespmem:s14], [sflag:$0x2] =	stream.indirect_vreg.gather [hbm4b:s1+s5], $0x80, v5, vm0, $0xb8;
	[tilespmem:$0xA580] =	vst v63  }
0x6d: {  	s2 =	simm.s32 $0x6A80  }
0x6e: {  	[tilespmem:s2], [sflag:$0x2] =	stream.indirect_vreg.gather [hbm4b:s1+s5], $0x80, v4, vm0, $0xb8;
	[tilespmem:$0xA580] =	vst v63  }
0x6f: {  	v4 =	vld [tilespmem:$0xA2F0];
	_ =	sdelay $0x4  }
0x70: {  	v5 =	vshll.u32 v4, $0x1  }
0x71: {  	v4 =	vand.u32 $0x7, v4;
	v5 =	vand.u32 $0xFFFFFFF0, v5  }
0x72: {  	v4 =	vor.u32 v4, v5  }
0x73: {  	v5 =	vperm.xlane v4, v1;
	_ =	sdelay $0x1  }
0x74: {  	v4 =	vperm.xlane v4, v3;
	v5 =	vadd.s32 v2, v5;
	_ =	sdelay $0x1  }
0x75: {  	v4 =	vadd.s32 v2, v4;
	_ =	sdelay $0x2  }
0x76: {  	[tilespmem:s22], [sflag:$0x2] =	stream.indirect_vreg.gather [hbm4b:s1+s5], $0x80, v5, vm0, $0xb8;
	[tilespmem:$0xA580] =	vst v63  }
0x77: {  	_ = 	snop  }
0x78: {  	[tilespmem:s20], [sflag:$0x2] =	stream.indirect_vreg.gather [hbm4b:s1+s5], $0x80, v4, vm0, $0xb8;
	[tilespmem:$0xA580] =	vst v63  }
0x79: {  	v4 =	vld [tilespmem:$0xA300];
	_ =	sdelay $0x4  }
0x7a: {  	v5 =	vshll.u32 v4, $0x1  }
0x7b: {  	v4 =	vand.u32 $0x7, v4;
	v5 =	vand.u32 $0xFFFFFFF0, v5  }
0x7c: {  	v4 =	vor.u32 v4, v5  }
0x7d: {  	v5 =	vperm.xlane v4, v1;
	_ =	sdelay $0x1  }
0x7e: {  	v4 =	vperm.xlane v4, v3;
	v5 =	vadd.s32 v2, v5;
	_ =	sdelay $0x1  }
0x7f: {  	v4 =	vadd.s32 v2, v4;
	_ =	sdelay $0x2  }
0x80: {  	[tilespmem:s16], [sflag:$0x2] =	stream.indirect_vreg.gather [hbm4b:s1+s5], $0x80, v5, vm0, $0xb8;
	[tilespmem:$0xA580] =	vst v63  }
0x81: {  	_ = 	snop  }
0x82: {  	[tilespmem:s19], [sflag:$0x2] =	stream.indirect_vreg.gather [hbm4b:s1+s5], $0x80, v4, vm0, $0xb8;
	[tilespmem:$0xA580] =	vst v63  }
0x83: {  	v4 =	vld [tilespmem:$0xA310];
	_ =	sdelay $0x4  }
0x84: {  	v5 =	vshll.u32 v4, $0x1  }
0x85: {  	v4 =	vand.u32 $0x7, v4;
	v5 =	vand.u32 $0xFFFFFFF0, v5  }
0x86: {  	v4 =	vor.u32 v4, v5  }
0x87: {  	v5 =	vperm.xlane v4, v1;
	_ =	sdelay $0x1  }
0x88: {  	v4 =	vperm.xlane v4, v3;
	v5 =	vadd.s32 v2, v5;
	_ =	sdelay $0x1  }
0x89: {  	v4 =	vadd.s32 v2, v4;
	_ =	sdelay $0x1  }
0x8a: {  	s29 =	simm.s32 $0x9280  }
0x8b: {  	[tilespmem:s29], [sflag:$0x2] =	stream.indirect_vreg.gather [hbm4b:s1+s5], $0x80, v5, vm0, $0xb8;
	[tilespmem:$0xA580] =	vst v63  }
0x8c: {  	s2 =	simm.s32 $0x9A80  }
0x8d: {  	[tilespmem:s2], [sflag:$0x2] =	stream.indirect_vreg.gather [hbm4b:s1+s5], $0x80, v4, vm0, $0xb8;
	[tilespmem:$0xA580] =	vst v63  }
0x8e: {  	s2 =	simm.s32 $0x1  }
0x8f: {  	_ =	swait.ge [sflag:s2], $0x5000  }
0x90: {  	[sflag:s2] =	ssyncset.done $0x0  }
0x91: {  	s29 =	simm.s32 $0x280;
	s0 =	rddreg [dreg:$0x7];
	[sflag:s2] =	ssyncadd.s32 $0xFFFFB000  }
0x92: {  	[hbm4b:s0+s5] =	stream.linear.scatter [tilespmem:s29], [sflag:$0x5], $0x5000, $0x38;
	[tilespmem:$0xA580] =	vst v63  }
0x93: {  	_ =	swait.ge [sflag:s21], $0x5000  }
0x94: {  	[sflag:s21] =	ssyncset.done $0x0  }
0x95: {  	[sflag:s21] =	ssyncadd.s32 $0xFFFFB000  }
0x96: {  	v4 =	vld [tilespmem:$0xA320];
	_ =	sdelay $0x4  }
0x97: {  	v5 =	vshll.u32 v4, $0x1  }
0x98: {  	v4 =	vand.u32 $0x7, v4;
	v5 =	vand.u32 $0xFFFFFFF0, v5  }
0x99: {  	v4 =	vor.u32 v4, v5  }
0x9a: {  	v5 =	vperm.xlane v4, v1;
	_ =	sdelay $0x1  }
0x9b: {  	v4 =	vperm.xlane v4, v3;
	v5 =	vadd.s32 v2, v5;
	_ =	sdelay $0x1  }
0x9c: {  	v4 =	vadd.s32 v2, v4;
	_ =	sdelay $0x2  }
0x9d: {  	[tilespmem:s29], [sflag:$0x1] =	stream.indirect_vreg.gather [hbm4b:s1+s5], $0x80, v5, vm0, $0xb8;
	[tilespmem:$0xA580] =	vst v63  }
0x9e: {  	_ = 	snop  }
0x9f: {  	[tilespmem:s12], [sflag:$0x1] =	stream.indirect_vreg.gather [hbm4b:s1+s5], $0x80, v4, vm0, $0xb8;
	[tilespmem:$0xA580] =	vst v63  }
0xa0: {  	v4 =	vld [tilespmem:$0xA330];
	_ =	sdelay $0x4  }
0xa1: {  	v5 =	vshll.u32 v4, $0x1  }
0xa2: {  	v4 =	vand.u32 $0x7, v4;
	v5 =	vand.u32 $0xFFFFFFF0, v5  }
0xa3: {  	v4 =	vor.u32 v4, v5  }
0xa4: {  	v5 =	vperm.xlane v4, v1;
	_ =	sdelay $0x1  }
0xa5: {  	v4 =	vperm.xlane v4, v3;
	v5 =	vadd.s32 v2, v5;
	_ =	sdelay $0x1  }
0xa6: {  	v4 =	vadd.s32 v2, v4;
	_ =	sdelay $0x2  }
0xa7: {  	[tilespmem:s6], [sflag:$0x1] =	stream.indirect_vreg.gather [hbm4b:s1+s5], $0x80, v5, vm0, $0xb8;
	[tilespmem:$0xA580] =	vst v63  }
0xa8: {  	_ = 	snop  }
0xa9: {  	[tilespmem:s7], [sflag:$0x1] =	stream.indirect_vreg.gather [hbm4b:s1+s5], $0x80, v4, vm0, $0xb8;
	[tilespmem:$0xA580] =	vst v63  }
0xaa: {  	v4 =	vld [tilespmem:$0xA340];
	_ =	sdelay $0x4  }
0xab: {  	v5 =	vshll.u32 v4, $0x1  }
0xac: {  	v4 =	vand.u32 $0x7, v4;
	v5 =	vand.u32 $0xFFFFFFF0, v5  }
0xad: {  	v4 =	vor.u32 v4, v5  }
0xae: {  	v5 =	vperm.xlane v4, v1;
	_ =	sdelay $0x1  }
0xaf: {  	v4 =	vperm.xlane v4, v3;
	v5 =	vadd.s32 v2, v5;
	_ =	sdelay $0x1  }
0xb0: {  	v4 =	vadd.s32 v2, v4;
	_ =	sdelay $0x2  }
0xb1: {  	[tilespmem:s30], [sflag:$0x1] =	stream.indirect_vreg.gather [hbm4b:s1+s5], $0x80, v5, vm0, $0xb8;
	[tilespmem:$0xA580] =	vst v63  }
0xb2: {  	_ = 	snop  }
0xb3: {  	[tilespmem:s31], [sflag:$0x1] =	stream.indirect_vreg.gather [hbm4b:s1+s5], $0x80, v4, vm0, $0xb8;
	[tilespmem:$0xA580] =	vst v63  }
0xb4: {  	v4 =	vld [tilespmem:$0xA350];
	_ =	sdelay $0x4  }
0xb5: {  	v5 =	vshll.u32 v4, $0x1  }
0xb6: {  	v4 =	vand.u32 $0x7, v4;
	v5 =	vand.u32 $0xFFFFFFF0, v5  }
0xb7: {  	v4 =	vor.u32 v4, v5  }
0xb8: {  	v5 =	vperm.xlane v4, v1;
	_ =	sdelay $0x1  }
0xb9: {  	v4 =	vperm.xlane v4, v3;
	v5 =	vadd.s32 v2, v5;
	_ =	sdelay $0x1  }
0xba: {  	v4 =	vadd.s32 v2, v4;
	_ =	sdelay $0x2  }
0xbb: {  	[tilespmem:s8], [sflag:$0x1] =	stream.indirect_vreg.gather [hbm4b:s1+s5], $0x80, v5, vm0, $0xb8;
	[tilespmem:$0xA580] =	vst v63  }
0xbc: {  	_ = 	snop  }
0xbd: {  	[tilespmem:s9], [sflag:$0x1] =	stream.indirect_vreg.gather [hbm4b:s1+s5], $0x80, v4, vm0, $0xb8;
	[tilespmem:$0xA580] =	vst v63  }
0xbe: {  	v4 =	vld [tilespmem:$0xA360];
	_ =	sdelay $0x4  }
0xbf: {  	v5 =	vshll.u32 v4, $0x1  }
0xc0: {  	v4 =	vand.u32 $0x7, v4;
	v5 =	vand.u32 $0xFFFFFFF0, v5  }
0xc1: {  	v4 =	vor.u32 v4, v5  }
0xc2: {  	v5 =	vperm.xlane v4, v1;
	_ =	sdelay $0x1  }
0xc3: {  	v4 =	vperm.xlane v4, v3;
	v5 =	vadd.s32 v2, v5;
	_ =	sdelay $0x1  }
0xc4: {  	v4 =	vadd.s32 v2, v4;
	_ =	sdelay $0x2  }
0xc5: {  	[tilespmem:s10], [sflag:$0x1] =	stream.indirect_vreg.gather [hbm4b:s1+s5], $0x80, v5, vm0, $0xb8;
	[tilespmem:$0xA580] =	vst v63  }
0xc6: {  	s6 =	simm.s32 $0x2  }
0xc7: {  	[tilespmem:s11], [sflag:$0x1] =	stream.indirect_vreg.gather [hbm4b:s1+s5], $0x80, v4, vm0, $0xb8;
	[tilespmem:$0xA580] =	vst v63  }
0xc8: {  	_ =	swait.ge [sflag:s6], $0x5000  }
0xc9: {  	[sflag:s6] =	ssyncset.done $0x0  }
0xca: {  	s7 =	rddreg [dreg:$0x8];
	[sflag:s6] =	ssyncadd.s32 $0xFFFFB000  }
0xcb: {  	[hbm4b:s7+s5] =	stream.linear.scatter [tilespmem:s15], [sflag:$0x5], $0x5000, $0x38;
	[tilespmem:$0xA580] =	vst v63  }
0xcc: {  	_ =	swait.ge [sflag:s21], $0x5000  }
0xcd: {  	[sflag:s21] =	ssyncset.done $0x0  }
0xce: {  	[sflag:s21] =	ssyncadd.s32 $0xFFFFB000  }
0xcf: {  	v4 =	vld [tilespmem:$0xA370];
	_ =	sdelay $0x4  }
0xd0: {  	v5 =	vshll.u32 v4, $0x1  }
0xd1: {  	v4 =	vand.u32 $0x7, v4;
	v5 =	vand.u32 $0xFFFFFFF0, v5  }
0xd2: {  	v4 =	vor.u32 v4, v5  }
0xd3: {  	v5 =	vperm.xlane v4, v1;
	_ =	sdelay $0x1  }
0xd4: {  	v4 =	vperm.xlane v4, v3;
	v5 =	vadd.s32 v2, v5;
	_ =	sdelay $0x1  }
0xd5: {  	v4 =	vadd.s32 v2, v4;
	_ =	sdelay $0x2  }
0xd6: {  	[tilespmem:s15], [sflag:$0x2] =	stream.indirect_vreg.gather [hbm4b:s1+s5], $0x80, v5, vm0, $0xb8;
	[tilespmem:$0xA580] =	vst v63  }
0xd7: {  	s7 =	simm.s32 $0x5A80  }
0xd8: {  	[tilespmem:s7], [sflag:$0x2] =	stream.indirect_vreg.gather [hbm4b:s1+s5], $0x80, v4, vm0, $0xb8;
	[tilespmem:$0xA580] =	vst v63  }
0xd9: {  	v4 =	vld [tilespmem:$0xA380];
	_ =	sdelay $0x4  }
0xda: {  	v5 =	vshll.u32 v4, $0x1  }
0xdb: {  	v4 =	vand.u32 $0x7, v4;
	v5 =	vand.u32 $0xFFFFFFF0, v5  }
0xdc: {  	v4 =	vor.u32 v4, v5  }
0xdd: {  	v5 =	vperm.xlane v4, v1;
	_ =	sdelay $0x1  }
0xde: {  	v4 =	vperm.xlane v4, v3;
	v5 =	vadd.s32 v2, v5;
	_ =	sdelay $0x1  }
0xdf: {  	v4 =	vadd.s32 v2, v4;
	_ =	sdelay $0x2  }
0xe0: {  	[tilespmem:s14], [sflag:$0x2] =	stream.indirect_vreg.gather [hbm4b:s1+s5], $0x80, v5, vm0, $0xb8;
	[tilespmem:$0xA580] =	vst v63  }
0xe1: {  	s7 =	simm.s32 $0x6A80  }
0xe2: {  	[tilespmem:s7], [sflag:$0x2] =	stream.indirect_vreg.gather [hbm4b:s1+s5], $0x80, v4, vm0, $0xb8;
	[tilespmem:$0xA580] =	vst v63  }
0xe3: {  	v4 =	vld [tilespmem:$0xA390];
	_ =	sdelay $0x4  }
0xe4: {  	v5 =	vshll.u32 v4, $0x1  }
0xe5: {  	v4 =	vand.u32 $0x7, v4;
	v5 =	vand.u32 $0xFFFFFFF0, v5  }
0xe6: {  	v4 =	vor.u32 v4, v5  }
0xe7: {  	v5 =	vperm.xlane v4, v1;
	_ =	sdelay $0x1  }
0xe8: {  	v4 =	vperm.xlane v4, v3;
	v5 =	vadd.s32 v2, v5;
	_ =	sdelay $0x1  }
0xe9: {  	v4 =	vadd.s32 v2, v4;
	_ =	sdelay $0x2  }
0xea: {  	[tilespmem:s22], [sflag:$0x2] =	stream.indirect_vreg.gather [hbm4b:s1+s5], $0x80, v5, vm0, $0xb8;
	[tilespmem:$0xA580] =	vst v63  }
0xeb: {  	_ = 	snop  }
0xec: {  	[tilespmem:s20], [sflag:$0x2] =	stream.indirect_vreg.gather [hbm4b:s1+s5], $0x80, v4, vm0, $0xb8;
	[tilespmem:$0xA580] =	vst v63  }
0xed: {  	v4 =	vld [tilespmem:$0xA3A0];
	_ =	sdelay $0x4  }
0xee: {  	v5 =	vshll.u32 v4, $0x1  }
0xef: {  	v4 =	vand.u32 $0x7, v4;
	v5 =	vand.u32 $0xFFFFFFF0, v5  }
0xf0: {  	v4 =	vor.u32 v4, v5  }
0xf1: {  	v5 =	vperm.xlane v4, v1;
	_ =	sdelay $0x1  }
0xf2: {  	v4 =	vperm.xlane v4, v3;
	v5 =	vadd.s32 v2, v5;
	_ =	sdelay $0x1  }
0xf3: {  	v4 =	vadd.s32 v2, v4;
	_ =	sdelay $0x2  }
0xf4: {  	[tilespmem:s16], [sflag:$0x2] =	stream.indirect_vreg.gather [hbm4b:s1+s5], $0x80, v5, vm0, $0xb8;
	[tilespmem:$0xA580] =	vst v63  }
0xf5: {  	_ = 	snop  }
0xf6: {  	[tilespmem:s19], [sflag:$0x2] =	stream.indirect_vreg.gather [hbm4b:s1+s5], $0x80, v4, vm0, $0xb8;
	[tilespmem:$0xA580] =	vst v63  }
0xf7: {  	v4 =	vld [tilespmem:$0xA3B0];
	_ =	sdelay $0x4  }
0xf8: {  	v5 =	vshll.u32 v4, $0x1  }
0xf9: {  	v4 =	vand.u32 $0x7, v4;
	v5 =	vand.u32 $0xFFFFFFF0, v5  }
0xfa: {  	v4 =	vor.u32 v4, v5  }
0xfb: {  	v5 =	vperm.xlane v4, v1;
	_ =	sdelay $0x1  }
0xfc: {  	v4 =	vperm.xlane v4, v3;
	v5 =	vadd.s32 v2, v5;
	_ =	sdelay $0x1  }
0xfd: {  	v4 =	vadd.s32 v2, v4;
	_ =	sdelay $0x1  }
0xfe: {  	s7 =	simm.s32 $0x9280  }
0xff: {  	[tilespmem:s7], [sflag:$0x2] =	stream.indirect_vreg.gather [hbm4b:s1+s5], $0x80, v5, vm0, $0xb8;
	[tilespmem:$0xA580] =	vst v63  }
0x100: {  	s7 =	simm.s32 $0x9A80  }
0x101: {  	[tilespmem:s7], [sflag:$0x2] =	stream.indirect_vreg.gather [hbm4b:s1+s5], $0x80, v4, vm0, $0xb8;
	[tilespmem:$0xA580] =	vst v63  }
0x102: {  	_ =	swait.ge [sflag:s2], $0x5000  }
0x103: {  	[sflag:s2] =	ssyncset.done $0x0  }
0x104: {  	s29 =	simm.s32 $0x280;
	[sflag:s2] =	ssyncadd.s32 $0xFFFFB000;
	s2 =	rddreg [dreg:$0x9]  }
0x105: {  	[hbm4b:s2+s5] =	stream.linear.scatter [tilespmem:s29], [sflag:$0x5], $0x5000, $0x38;
	[tilespmem:$0xA580] =	vst v63  }
0x106: {  	_ =	swait.ge [sflag:s21], $0x5000  }
0x107: {  	[sflag:s21] =	ssyncset.done $0x0  }
0x108: {  	[sflag:s21] =	ssyncadd.s32 $0xFFFFB000  }
0x109: {  	_ =	swait.ge [sflag:s6], $0x5000  }
0x10a: {  	[sflag:s6] =	ssyncset.done $0x0  }
0x10b: {  	s7 =	stileid.u32;
	[sflag:s6] =	ssyncadd.s32 $0xFFFFB000;
	s6 =	rddreg [dreg:$0xa]  }
0x10c: {  	[hbm4b:s6+s5] =	stream.linear.scatter [tilespmem:s15], [sflag:$0x5], $0x5000, $0x38;
	[tilespmem:$0xA580] =	vst v63  }
0x10d: {  	s0 =	sshll.u32 s7, $0x6;
	_ =	swait.ge [sflag:s21], $0x5000  }
0x10e: {  	s30 =	sor.u32 $0x1C05, s0;
	[sflag:s21] =	ssyncset.done $0x0;
	s29 =	rddreg [dreg:$0xb]  }
0x10f: {  	s2 =	rddreg [dreg:$0x5];
	[sflag:s21] =	ssyncadd.s32 $0xFFFFB000;
	s31 =	sshrl.u32 s29, $0x3  }
0x110: {  	[spmem:s31], [sflag:s30] =	dma.local [hbm:s2], $0x50  }
0x111: {  	_ =	swait.ge [sflag:s21], $0x50  }
0x112: {  	[sflag:s21] =	ssyncset.done $0x0  }
0x113: {  	[sflag:s21] =	ssyncadd.s32 $0xFFFFFFB0  }
0x114: {  	[bflag:$0x0] =	sbarrier.arrive $0xFFFF  }
0x115: {  	s6 =	rddreg [dreg:$0x10]  }
0x116: {  	[tilespmem:s17], [sflag:$0x3] =	stream.linear.gather [hbm4b:s6+s5], $0x50, $0x38;
	[tilespmem:$0xA580] =	vst v63  }
0x117: {  	s7 =	rddreg [dreg:$0xc]  }
0x118: {  	[tilespmem:s23], [sflag:$0x4] =	stream.linear.gather [hbm4b:s7+s5], $0x50, $0x38;
	[tilespmem:$0xA580] =	vst v63  }
0x119: {  	_ =	swait.ge [sflag:s24], $0x50  }
0x11a: {  	[sflag:s24] =	ssyncset.done $0x0  }
0x11b: {  	[sflag:s24] =	ssyncadd.s32 $0xFFFFFFB0  }
0x11c: {  	[spmem:s4] =	stream.indirect.scatter.add.f32 [tilespmem:s26], [sflag:$0x5], $0x1, s17, s25, $0xb8;
	[tilespmem:$0xA580] =	vst v63  }
0x11d: {  	_ =	swait.ge [sflag:s21], $0x50  }
0x11e: {  	s7 =	rddreg [dreg:$0x11]  }
0x11f: {  	[sflag:s21] =	ssyncset.done $0x0;
	s29 =	sshrl.u32 s7, $0x3  }
0x120: {  	[sflag:s21] =	ssyncadd.s32 $0xFFFFFFB0;
	s0 =	sadd.s32 s3, s29  }
0x121: {  	[tilespmem:s17], [sflag:$0x3] =	stream.linear.gather [hbm4b:s0+s5], $0x50, $0x38;
	[tilespmem:$0xA580] =	vst v63  }
0x122: {  	_ =	swait.ge [sflag:s28], $0x50  }
0x123: {  	[sflag:s28] =	ssyncset.done $0x0  }
0x124: {  	[sflag:s28] =	ssyncadd.s32 $0xFFFFFFB0  }
0x125: {  	[spmem:s4] =	stream.indirect.scatter.add.f32 [tilespmem:s26], [sflag:$0x5], $0x1, s23, s25, $0xb8;
	[tilespmem:$0xA580] =	vst v63  }
0x126: {  	_ =	swait.ge [sflag:s21], $0x50  }
0x127: {  	s2 =	simm.s32 $0x14;
	[sflag:s21] =	ssyncset.done $0x0  }
0x128: {  	s6 =	sadd.s32 $0x0, s18;
	s0 =	sadd.s32 $0xA0, s7;
	[sflag:s21] =	ssyncadd.s32 $0xFFFFFFB0  }
.LBB2_2:
0x129: {  	[tilespmem:s23], [sflag:$0x4] =	stream.linear.gather [hbm4b:s6+s5], $0x50, $0x38;
	[tilespmem:$0xA580] =	vst v63  }
0x12a: {  	s6 =	smov.u32 s2  }
0x12b: {  	p0 =	sne.s32 s2, $0x244;
	s2 =	sadd.s32 $0x14, s2;
	_ =	swait.ge [sflag:s24], $0x50  }
0x12c: {  	[sflag:s24] =	ssyncset.done $0x0  }
0x12d: {  	[sflag:s24] =	ssyncadd.s32 $0xFFFFFFB0  }
0x12e: {  	[spmem:s4] =	stream.indirect.scatter.add.f32 [tilespmem:s26], [sflag:$0x5], $0x1, s17, s25, $0xb8;
	[tilespmem:$0xA580] =	vst v63  }
0x12f: {  	_ =	swait.ge [sflag:s21], $0x50  }
0x130: {  	s7 =	sshrl.u32 s0, $0x3;
	[sflag:s21] =	ssyncset.done $0x0  }
0x131: {  	s7 =	sadd.s32 s3, s7;
	[sflag:s21] =	ssyncadd.s32 $0xFFFFFFB0  }
0x132: {  	[tilespmem:s17], [sflag:$0x3] =	stream.linear.gather [hbm4b:s7+s5], $0x50, $0x38;
	[tilespmem:$0xA580] =	vst v63  }
0x133: {  	_ =	swait.ge [sflag:s28], $0x50  }
0x134: {  	[sflag:s28] =	ssyncset.done $0x0  }
.Ltmp0:
0x135: {  	[sflag:s28] =	ssyncadd.s32 $0xFFFFFFB0;
	(pc) =	sbr.rel @p0 .LBB2_2-.Ltmp0, $4  }
0x136: {  	[spmem:s4] =	stream.indirect.scatter.add.f32 [tilespmem:s26], [sflag:$0x5], $0x1, s23, s25, $0xb8;
	[tilespmem:$0xA580] =	vst v63  }
0x137: {  	_ =	swait.ge [sflag:s21], $0x50  }
0x138: {  	[sflag:s21] =	ssyncset.done $0x0  }
0x139: {  	s0 =	sadd.s32 $0xA0, s0;
	s6 =	sadd.s32 s6, s18;
	[sflag:s21] =	ssyncadd.s32 $0xFFFFFFB0  }
0x13a: {  	[tilespmem:s23], [sflag:$0x4] =	stream.linear.gather [hbm4b:s6+s5], $0x50, $0x38;
	[tilespmem:$0xA580] =	vst v63  }
0x13b: {  	_ =	swait.ge [sflag:s24], $0x50  }
0x13c: {  	[sflag:s24] =	ssyncset.done $0x0  }
0x13d: {  	[sflag:s24] =	ssyncadd.s32 $0xFFFFFFB0  }
0x13e: {  	[spmem:s4] =	stream.indirect.scatter.add.f32 [tilespmem:s26], [sflag:$0x5], $0x1, s17, s25, $0xb8;
	[tilespmem:$0xA580] =	vst v63  }
0x13f: {  	_ =	swait.ge [sflag:s21], $0x50  }
0x140: {  	[sflag:s21] =	ssyncset.done $0x0  }
0x141: {  	s0 =	rddreg [dreg:$0xf];
	[sflag:s21] =	ssyncadd.s32 $0xFFFFFFB0  }
0x142: {  	[tilespmem:s17], [sflag:$0x3] =	stream.linear.gather [hbm4b:s0+s5], $0x50, $0x38;
	[tilespmem:$0xA580] =	vst v63  }
0x143: {  	_ =	swait.ge [sflag:s28], $0x50  }
0x144: {  	[sflag:s28] =	ssyncset.done $0x0  }
0x145: {  	[sflag:s28] =	ssyncadd.s32 $0xFFFFFFB0  }
0x146: {  	[spmem:s4] =	stream.indirect.scatter.add.f32 [tilespmem:s26], [sflag:$0x5], $0x1, s23, s25, $0xb8;
	[tilespmem:$0xA580] =	vst v63  }
0x147: {  	_ =	swait.ge [sflag:s21], $0x50  }
0x148: {  	[sflag:s21] =	ssyncset.done $0x0  }
0x149: {  	[sflag:s21] =	ssyncadd.s32 $0xFFFFFFB0  }
0x14a: {  	_ =	swait.ge [sflag:s24], $0x50  }
0x14b: {  	[sflag:s24] =	ssyncset.done $0x0  }
0x14c: {  	[sflag:s24] =	ssyncadd.s32 $0xFFFFFFB0  }
0x14d: {  	[spmem:s4] =	stream.indirect.scatter.add.f32 [tilespmem:s26], [sflag:$0x5], $0x1, s17, s25, $0xb8;
	[tilespmem:$0xA580] =	vst v63  }
0x14e: {  	_ =	swait.ge [sflag:s21], $0x50  }
0x14f: {  	[sflag:s21] =	ssyncset.done $0x0  }
0x150: {  	[sflag:s21] =	ssyncadd.s32 $0xFFFFFFB0  }
0x151: {  	[bflag:$0x0] =	sbarrier.arrive $0xFFFF  }
0x152: {  	s29 =	rddreg [dreg:$0xd]  }
0x153: {  	[hbm:s29], [sflag:s30] =	dma.local [spmem:s31], $0x50  }
0x154: {  	_ =	swait.ge [sflag:s21], $0x50  }
0x155: {  	s13 =	sadd.s32 $0x1, s13;
	s31 =	rddreg [dreg:$0xe]  }
0x156: {  	p0 =	sne.s32 s13, s31  }
.Ltmp1:
0x157: {  	_ = 	snop;
	(pc) =	sbr.rel @p0 .LBB2_1-.Ltmp1, $3  }
0x158: {  	_ =	sdelay $0x1  }
0x159: {  	[sflag:s21] =	ssyncset.done $0x0  }
0x15a: {  	[sflag:s21] =	ssyncadd.s32 $0xFFFFFFB0  }
0x15b: {  	_ =	sfence.sel $0x180000  }
0x15c: {  	[bflag:$0x0] =	sbarrier.arrive $0xFFFF  }
0x15d: {  	_ =	strace $0x90000047  }
0x15e: {  	s0 =	stileid.u32;
	[bflag:$0x2] =	sbarrier.arrive $0xFFFF  }
0x15f: {  	p0 =	sne.s32 s0, $0x0;
	s0 =	rddreg [dreg:$0x4]  }
0x160: {  	s0 =	sadd.s32 @!p0 $0x100000, s0  }
0x161: {  	[sflag:s0] =	ssyncadd.tile.s32 @!p0 $0x1;
	_ =	shalt  }
.Lfunc_end2:
_tile_overlayer_lowered:
.L_overlay_start_2:
0x162: {  	(tag) =	ssettag $0x2  }
0x163: {  	s0 =	rddreg [dreg:$0x0];
	s2 =	stileid.u32  }
0x164: {  	s1 =	rddreg [dreg:$0x1];
	p0 =	sne.s32 s2, $0x0  }
0x165: {  	s3 =	rddreg [dreg:$0x2];
	[bflag:$0x3] =	sbarrier.arrive $0xFFFF;
	s2 =	simm.s32 @!p0 $0x1C05  }
0x166: {  	[timem:s3], [sflag:s2] =	dma.local @!p0 [hbm:s0], s1  }
0x167: {  	s0 =	simm.s32 @!p0 $0x5  }
0x168: {  	_ =	swait.ge @!p0 [sflag:s0], s1  }
0x169: {  	s1 =	ssub.s32 @!p0 $0x0, s1;
	[sflag:s0] =	ssyncset.done @!p0 $0x0  }
0x16a: {  	[sflag:s0] =	ssyncadd.s32 @!p0 s1  }
0x16b: {  	[bflag:$0x3] =	sbarrier.arrive $0xFFFF  }
0x16c: {  	_ =	shalt  }

// kernel: kernel.17.cloned.1.call-start
scs
__scs_entry_jumppad:
0x0: {  	(pc) =	sbr.rel $0x88, $3  }
0x1: {  	(tag) =	ssettag $0x0;
	lr =	simm.s32 $0x1  }
0x2: {  	[smem:$0x3F96] =	sst lr;
	_ =	strace $0xD0000000  }
0x3: {  	_ = 	snop  }
0x4: {  	_ = 	snop  }
0x5: {  	_ = 	snop  }
0x6: {  	_ = 	snop  }
0x7: {  	_ = 	snop  }
__scs_overlays_trampoline_lowered:
0x8: {  	[smem:$0x3FA5] =	sst s0  }
0x9: {  	[smem:$0x3FA6] =	sst s1  }
0xa: {  	[smem:$0x3FA7] =	sst s2  }
0xb: {  	[smem:$0x3FA8] =	sst s3  }
0xc: {  	[smem:$0x3FA9] =	sst s4  }
0xd: {  	[smem:$0x3FAA] =	sst s5  }
0xe: {  	[smem:$0x3FAB] =	sst s6  }
0xf: {  	[smem:$0x3FAC] =	sst s7  }
0x10: {  	[smem:$0x3FAD] =	sst s8  }
0x11: {  	[smem:$0x3FAE] =	sst s9;
	s0 =	simm.s32 @!p0 $0x0  }
0x12: {  	s1 =	sld [smem:$0x3F94];
	s0 =	simm.s32 @p0 $0x1  }
0x13: {  	[smem:$0x3FAF] =	sst s0;
	s0 =	simm.s32 @!p1 $0x0  }
0x14: {  	s2 =	sld [smem:$0x3F93];
	s0 =	simm.s32 @p1 $0x1  }
0x15: {  	[smem:$0x3FB0] =	sst s0;
	s0 =	simm.s32 @!p2 $0x0  }
0x16: {  	s3 =	sld [smem:$0x3FDB];
	s0 =	simm.s32 @p2 $0x1  }
0x17: {  	s4 =	simm.s32 $0x1BF5;
	[smem:$0x3FB2] =	sst s0  }
0x18: {  	s0 =	sld [smem:$0x3F95];
	_ =	swait.ge [sflag:s4], $0x0  }
0x19: {  	s7 =	sld [smem:$0x3F96]  }
0x1a: {  	s8 =	sadd.s32 $0xFFFFE003, lr  }
0x1b: {  	s9 =	sadd.s32 $0xFFFFFEF7, lr;
	s5 =	simm.s32 $0xFFFFFFFF;
	p2 =	slt.u32 s8, $0xFFFFF086  }
0x1c: {  	p1 =	slt.u32 s9, $0xF7A;
	s5 =	simm.s32 @!p2 $0x0  }
0x1d: {  	s5 =	simm.s32 @p1 $0x1;
	p0 =	seq.s32 s7, s2  }
0x1e: {  	s7 =	smul.u32 @!p0 $0xF7A, s2;
	p2 =	seq.s32 @!p0 s5, $0x0  }
0x1f: {  	s9 =	smul.u32 $0xF7A, s1;
	s8 =	simm.s32 @!p0 $0x1BF5;
	p2 =	por !p2, p0  }
0x20: {  	[sflag:s8] =	ssyncset.s32 @!p0 $0xFFFFF086;
	s6 =	sadd.s32 @!p0 s3, s7;
	s7 =	simm.s32 @!p0 $0x108  }
0x21: {  	s3 =	sadd.s32 s3, s9;
	s6 =	sadd.s32 @!p0 $0x88, s6;
	s7 =	simm.s32 @p2 $0x1082  }
0x22: {  	[simem:s7], [sflag:s8] =	dma.local @!p0 [hbm:s6], $0xF7A  }
0x23: {  	s9 =	sor.u32 $0xD0000000, s2;
	s6 =	simm.s32 $0x108;
	_ =	swait.ge @!p0 [sflag:s8], $0x0  }
0x24: {  	s3 =	sadd.s32 $0x88, s3;
	s6 =	simm.s32 @!p1 $0x1082;
	[sflag:s4] =	ssyncset.s32 $0xFFFFF086  }
0x25: {  	[simem:s6], [sflag:s4] =	dma.local [hbm:s3], $0xF7A  }
0x26: {  	[smem:$0x3F96] =	sst s1;
	(tag) =	ssettag s2;
	_ =	strace s9  }
0x27: {  	s1 =	sld [smem:$0x3FA6]  }
0x28: {  	s2 =	sld [smem:$0x3FA7]  }
0x29: {  	s4 =	sld [smem:$0x3FA9]  }
0x2a: {  	p0 =	seq.s32 s5, $0x0;
	s5 =	sld [smem:$0x3FAA]  }
0x2b: {  	s6 =	sld [smem:$0x3FAB]  }
0x2c: {  	s7 =	sld [smem:$0x3FAC]  }
0x2d: {  	s3 =	simm.s32 $0x108;
	s8 =	sld [smem:$0x3FAD]  }
0x2e: {  	s3 =	simm.s32 @!p0 $0x1082;
	s9 =	sld [smem:$0x3FAE]  }
0x2f: {  	lr =	sadd.s32 s0, s3;
	s0 =	sld [smem:$0x3FA5]  }
0x30: {  	s3 =	sld [smem:$0x3FA8]  }
0x31: {  	[smem:$0x3FB1] =	sst s10  }
0x32: {  	s10 =	sld [smem:$0x3FAF];
	_ =	sdelay $0x3  }
0x33: {  	p0 =	seq.s32 s10, $0x1;
	s10 =	sld [smem:$0x3FB1];
	_ =	sdelay $0x3  }
0x34: {  	[smem:$0x3FB1] =	sst s10  }
0x35: {  	s10 =	sld [smem:$0x3FB0];
	_ =	sdelay $0x3  }
0x36: {  	p1 =	seq.s32 s10, $0x1;
	s10 =	sld [smem:$0x3FB1];
	_ =	sdelay $0x3  }
0x37: {  	[smem:$0x3FB1] =	sst s10  }
0x38: {  	s10 =	sld [smem:$0x3FB2]  }
0x39: {  	_ = 	snop;
	(pc) =	sbr.ind lr, $3  }
0x3a: {  	_ = 	snop  }
0x3b: {  	_ = 	snop  }
0x3c: {  	p2 =	seq.s32 s10, $0x1;
	s10 =	sld [smem:$0x3FB1]  }
0x3d: {  	_ =	shalt  }
0x3e: {  	_ =	shalt  }
0x3f: {  	_ =	shalt  }
0x40: {  	_ =	shalt  }
0x41: {  	_ =	shalt  }
0x42: {  	_ =	shalt  }
0x43: {  	_ =	shalt  }
0x44: {  	_ =	shalt  }
0x45: {  	_ =	shalt  }
0x46: {  	_ =	shalt  }
0x47: {  	_ =	shalt  }
0x48: {  	_ =	shalt  }
0x49: {  	_ =	shalt  }
0x4a: {  	_ =	shalt  }
0x4b: {  	_ =	shalt  }
0x4c: {  	_ =	shalt  }
0x4d: {  	_ =	shalt  }
0x4e: {  	_ =	shalt  }
0x4f: {  	_ =	shalt  }
0x50: {  	_ =	shalt  }
0x51: {  	_ =	shalt  }
0x52: {  	_ =	shalt  }
0x53: {  	_ =	shalt  }
0x54: {  	_ =	shalt  }
0x55: {  	_ =	shalt  }
0x56: {  	_ =	shalt  }
0x57: {  	_ =	shalt  }
0x58: {  	_ =	shalt  }
0x59: {  	_ =	shalt  }
0x5a: {  	_ =	shalt  }
0x5b: {  	_ =	shalt  }
0x5c: {  	_ =	shalt  }
0x5d: {  	_ =	shalt  }
0x5e: {  	_ =	shalt  }
0x5f: {  	_ =	shalt  }
0x60: {  	_ =	shalt  }
0x61: {  	_ =	shalt  }
0x62: {  	_ =	shalt  }
0x63: {  	_ =	shalt  }
0x64: {  	_ =	shalt  }
0x65: {  	_ =	shalt  }
0x66: {  	_ =	shalt  }
0x67: {  	_ =	shalt  }
0x68: {  	_ =	shalt  }
0x69: {  	_ =	shalt  }
0x6a: {  	_ =	shalt  }
0x6b: {  	_ =	shalt  }
0x6c: {  	_ =	shalt  }
0x6d: {  	_ =	shalt  }
0x6e: {  	_ =	shalt  }
0x6f: {  	_ =	shalt  }
0x70: {  	_ =	shalt  }
0x71: {  	_ =	shalt  }
0x72: {  	_ =	shalt  }
0x73: {  	_ =	shalt  }
0x74: {  	_ =	shalt  }
0x75: {  	_ =	shalt  }
0x76: {  	_ =	shalt  }
0x77: {  	_ =	shalt  }
0x78: {  	_ =	shalt  }
0x79: {  	_ =	shalt  }
0x7a: {  	_ =	shalt  }
0x7b: {  	_ =	shalt  }
0x7c: {  	_ =	shalt  }
0x7d: {  	_ =	shalt  }
0x7e: {  	_ =	shalt  }
0x7f: {  	_ =	shalt  }
0x80: {  	_ =	shalt  }
0x81: {  	_ =	shalt  }
0x82: {  	_ =	shalt  }
0x83: {  	_ =	shalt  }
0x84: {  	_ =	shalt  }
0x85: {  	_ =	shalt  }
0x86: {  	_ =	shalt  }
0x87: {  	_ =	shalt  }
.Lfunc_end0:
.L_simem_size_0:
called_computation.1_lowered:
.L_overlay_start_0:
0x88: {  	s2 =	sld [smem:$0x3FD9]  }
0x89: {  	s3 =	sld [smem:$0x3FFE];
	_ =	sdelay $0x1  }
0x8a: {  	s1 =	srdreg.scid  }
0x8b: {  	s0 =	sand.u32 $0x1, s1  }
0x8c: {  	s14 =	sshll.u32 s0, $0xA;
	s2 =	sadd.s32 s3, s2  }
0x8d: {  	s2 =	sadd.s32 s2, s14  }
0x8e: {  	[smem:$0x3FBD] =	sst s2  }
0x8f: {  	_ = 	snop  }
0x90: {  	s2 =	sld [smem:$0x3FD0];
	_ =	sdelay $0x2  }
0x91: {  	s15 =	simm.s32 $0xA;
	s4 =	simm.s32 $0x10  }
0x92: {  	[smem:s4], [sflag:s15] =	dma.local [hbm:s2], $0x1  }
0x93: {  	_ =	swait.eq [sflag:s15], $0x1  }
0x94: {  	[sflag:s15] =	ssyncset.done $0x0  }
0x95: {  	s16 =	sld [smem:$0x10];
	[sflag:s15] =	ssyncadd.s32 $0xFFFFFFFF  }
0x96: {  	s17 =	sld [smem:$0x11];
	(tm) =	ssettm $0x1  }
0x97: {  	s18 =	sld [smem:$0x3FFB];
	_ =	sdelay $0x3  }
0x98: {  	_ =	strace s18  }
0x99: {  	s4 =	sld [smem:$0x3FFC];
	_ =	sdelay $0x3  }
0x9a: {  	_ =	strace s4  }
0x9b: {  	s4 =	sld [smem:$0x3FFD];
	_ =	sdelay $0x3  }
0x9c: {  	_ =	strace s4  }
0x9d: {  	_ =	strace $0x8FFFFFFF  }
0x9e: {  	s19 =	sld [smem:$0x3FDB];
	_ =	sdelay $0x1  }
0x9f: {  	s5 =	simm.s32 $_scs_section_size  }
0xa0: {  	s6 =	simm.s32 $_size__tile_overlayer_lowered;
	s7 =	simm.s32 $_tile_overlayer_lowered  }
0xa1: {  	s22 =	simm.s32 $0x1BFF;
	s21 =	sshll.u32 s7, $0x1;
	s4 =	sadd.s32 s5, s19  }
0xa2: {  	s8 =	simm.s32 $0x0;
	s20 =	sshll.u32 s6, $0x1;
	s6 =	sadd.s32 s21, s4  }
0xa3: {  	[timem:s8], [sflag:s22] =	dma.local [hbm:s6], s20  }
0xa4: {  	_ =	swait.ge [sflag:s22], s20  }
0xa5: {  	s5 =	ssub.s32 $0x0, s20;
	[sflag:s22] =	ssyncset.done $0x0  }
0xa6: {  	[sflag:s22] =	ssyncadd.s32 s5;
	_ =	sdelay $0x1  }
0xa7: {  	s23 =	simm.s32 $0x1B8B  }
0xa8: {  	_ =	swait.ge [sflag:s23], $0x1  }
0xa9: {  	[sflag:s23] =	ssyncset.done $0x0  }
0xaa: {  	s25 =	simm.s32 $0x1B8E;
	s24 =	sld [smem:$0x3FFE];
	[sflag:s23] =	ssyncadd.s32 $0xFFFFFFFF  }
0xab: {  	s26 =	simm.s32 $execute0_lowered;
	[smem:$0x3FD2] =	sst s25  }
0xac: {  	s6 =	sshll.u32 s26, $0x1;
	_ =	strace $0x80000049;
	[dreg:$0x1] =	wrdreg $0xFFFFFFFF  }
0xad: {  	s28 =	simm.s32 $_size_execute0_lowered;
	s4 =	sadd.s32 s4, s6;
	[dreg:$0x0] =	wrdreg $0x0  }
0xae: {  	s6 =	sshll.u32 s28, $0x1;
	[dreg:$0x2] =	wrdreg s4  }
0xaf: {  	[dreg:$0x3] =	wrdreg s6  }
0xb0: {  	[dreg:$0x4] =	wrdreg $0xC0  }
0xb1: {  	_ =	task [dreg:s8], $0x5FFFF  }
0xb2: {  	[dreg:$0x1] =	wrdreg $0xFFFFFFFF  }
0xb3: {  	[dreg:$0x0] =	wrdreg $0x60  }
0xb4: {  	[dreg:$0x2] =	wrdreg s24  }
0xb5: {  	[dreg:$0x3] =	wrdreg s17  }
0xb6: {  	[dreg:$0x4] =	wrdreg s16  }
0xb7: {  	[dreg:$0x5] =	wrdreg $0x0  }
0xb8: {  	[dreg:$0x6] =	wrdreg $0x9  }
0xb9: {  	_ =	task.clear_ibuf [dreg:s8], $0x7FFFF;
	_ =	strace $0x90000049  }
0xba: {  	s29 =	simm.s32 $0x9;
	_ =	strace $0x8000004B  }
0xbb: {  	_ =	swait.ge [sflag:s29], $0x1  }
0xbc: {  	[sflag:s29] =	ssyncadd.s32 $0xFFFFFFFF  }
0xbd: {  	_ =	strace $0x9000004B  }
0xbe: {  	_ =	sfence  }
0xbf: {  	s30 =	sld [smem:$0x0];
	_ =	sdelay $0x2  }
0xc0: {  	s31 =	sshll.u32 s1, $0xD;
	s1 =	sshrl.u32 s1, $0x2  }
0xc1: {  	s3 =	sand.u32 $0x4000, s31;
	s1 =	sadd.s32 s1, s30  }
0xc2: {  	s0 =	sor.u32 s3, s0;
	s1 =	sshll.u32 s1, $0x11  }
0xc3: {  	s0 =	sor.u32 s1, s0  }
0xc4: {  	s0 =	sadd.s32 $0x8F2B, s0  }
0xc5: {  	[sflag:s0] =	ssyncadd.remote.s32 $0x1  }
0xc6: {  	_ =	sfence.sel $0xFFFF  }
0xc7: {  	[dreg:$0x0] =	wrdreg $0xFFFFFFFF;
	(pc) =	sbr.abs _section_cstart, $3  }
0xc8: {  	[dreg:$0x1] =	wrdreg $0xFFFFFFFF  }
0xc9: {  	_ =	task.clear_ibuf [dreg:s8], $0x2FFFF;
	_ =	strace $0x9FFFFFFF  }
0xca: {  	(tm) =	ssettm $0x7FFFFFFF  }
0xcb: {  	_ =	shalt  }
tec
execute0_lowered:
.L_overlay_start_1:
0x0: {  	(tag) =	ssettag $0x1  }
0x1: {  	s6 =	rddreg [dreg:$0x0]  }
0x2: {  	s7 =	rddreg [dreg:$0x1]  }
0x3: {  	s8 =	rddreg [dreg:$0x2]  }
0x4: {  	s2 =	rddreg [dreg:$0x3]  }
0x5: {  	s0 =	rddreg [dreg:$0x4];
	s4 =	srdreg.scid  }
0x6: {  	s3 =	simm.s32 $0x0;
	s1 =	stileid.u32;
	s15 =	simm.s32 $0x70  }
0x7: {  	s16 =	simm.s32 $0x13C00;
	s17 =	simm.s32 $0x1AC70;
	s18 =	simm.s32 $0x17400  }
0x8: {  	s19 =	simm.s32 $0x1;
	s20 =	simm.s32 $0x2;
	s21 =	simm.s32 $0x3  }
0x9: {  	s22 =	simm.s32 $0x4;
	s23 =	simm.s32 $0x1FA00;
	s24 =	simm.s32 $0x1FA70  }
0xa: {  	s25 =	simm.s32 $0x0;
	s9 =	sand.u32 $0x1, s4;
	s10 =	smul.u32 $0x2780, s1  }
0xb: {  	[smem:$0x7FF] =	sst s3;
	s5 =	sadd.s32 $0x54C00, s6;
	s29 =	smul.u32 $0x4F000, s1  }
0xc: {  	s13 =	smul.u32 $0x4EC, s1;
	s31 =	sshll.u32 s1, $0x6;
	s4 =	sshll.u32 s9, $0x4  }
0xd: {  	_ =	strace $0x8000004A;
	s11 =	smul.u32 $0x28000, s9;
	s9 =	ssub.s32 $0x2, s9  }
0xe: {  	s12 =	sor.u32 s1, s4;
	s4 =	sadd.s32 $0x4C00, s6;
	s30 =	sshrl.u32 s9, $0x1  }
0xf: {  	s12 =	smul.u32 $0x4EC, s12;
	s10 =	sadd.s32 s10, s11;
	s11 =	sshrl.u32 s29, $0x2  }
0x10: {  	s9 =	ssub.s32 s9, s30;
	s10 =	sadd.s32 s10, s6;
	s14 =	sadd.s32 s11, s2  }
0x11: {  	s9 =	smax.u32 s9, $0x1;
	s11 =	simm.s32 $0x5;
	s6 =	sadd.s32 s7, s12  }
0x12: {  	s7 =	sadd.s32 s8, s13;
	s8 =	sadd.s32 $0x57400, s10;
	s10 =	simm.s32 $0x1AC00  }
0x13: {  	s12 =	simm.s32 $0x1D380;
	s13 =	sor.u32 $0x1C05, s31;
	s14 =	sshrl.u32 s14, $0x3  }
.LBB2_1:
0x14: {  	[tilespmem:s10], [sflag:$0x5] =	stream.linear.gather [hbm4b:s6+s3], $0x2760, $0x38;
	[tilespmem:$0x1FB00] =	vst v63  }
0x15: {  	_ =	swait.ge [sflag:s11], $0x2760  }
0x16: {  	[sflag:s11] =	ssyncset.done $0x0  }
0x17: {  	[sflag:s11] =	ssyncadd.s32 $0xFFFFD8A0  }
0x18: {  	[tilespmem:s12], [sflag:$0x5] =	stream.linear.gather [hbm4b:s7+s3], $0x2760, $0x38;
	[tilespmem:$0x1FB00] =	vst v63  }
0x19: {  	_ =	swait.ge [sflag:s11], $0x2760  }
0x1a: {  	[sflag:s11] =	ssyncset.done $0x0  }
0x1b: {  	[sflag:s11] =	ssyncadd.s32 $0xFFFFD8A0  }
0x1c: {  	[spmem:s14], [sflag:s13] =	dma.local [hbm:s5], $0x2780  }
0x1d: {  	_ =	swait.ge [sflag:s11], $0x2780  }
0x1e: {  	[sflag:s11] =	ssyncset.done $0x0  }
0x1f: {  	[sflag:s11] =	ssyncadd.s32 $0xFFFFD880  }
0x20: {  	[bflag:$0x0] =	sbarrier.arrive $0xFFFF  }
0x21: {  	[tilespmem:s16], [sflag:$0x1] =	stream.indirect.gather [hbm4b:s4+s15], $0x80, s10, s15, $0xb8;
	[tilespmem:$0x1FB00] =	vst v63  }
0x22: {  	_ = 	snop  }
0x23: {  	[tilespmem:s18], [sflag:$0x2] =	stream.indirect.gather [hbm4b:s4+s15], $0x80, s17, s15, $0xb8;
	[tilespmem:$0x1FB00] =	vst v63  }
0x24: {  	_ =	swait.ge [sflag:s19], $0x3800  }
0x25: {  	[sflag:s19] =	ssyncset.done $0x0  }
0x26: {  	s26 =	simm.s32 $0x1D380;
	[sflag:s19] =	ssyncadd.s32 $0xFFFFC800  }
0x27: {  	[spmem:s2] =	stream.indirect.scatter.add.f32 [tilespmem:s16], [sflag:$0x3], $0x80, s26, s15, $0xb8;
	[tilespmem:$0x1FB00] =	vst v63  }
0x28: {  	_ =	swait.ge [sflag:s20], $0x3800  }
0x29: {  	[sflag:s20] =	ssyncset.done $0x0  }
0x2a: {  	s30 =	simm.s32 $0x1D3F0;
	[sflag:s20] =	ssyncadd.s32 $0xFFFFC800  }
0x2b: {  	[spmem:s2] =	stream.indirect.scatter.add.f32 [tilespmem:s18], [sflag:$0x4], $0x80, s30, s15, $0xb8;
	[tilespmem:$0x1FB00] =	vst v63  }
0x2c: {  	_ =	swait.ge [sflag:s21], $0x3800  }
0x2d: {  	[sflag:s21] =	ssyncset.done $0x0  }
0x2e: {  	s31 =	simm.s32 $0x1ACE0;
	[sflag:s21] =	ssyncadd.s32 $0xFFFFC800  }
0x2f: {  	[tilespmem:s16], [sflag:$0x1] =	stream.indirect.gather [hbm4b:s4+s15], $0x80, s31, s15, $0xb8;
	[tilespmem:$0x1FB00] =	vst v63  }
0x30: {  	_ =	swait.ge [sflag:s22], $0x3800  }
0x31: {  	[sflag:s22] =	ssyncset.done $0x0  }
0x32: {  	s28 =	simm.s32 $0x1AD50;
	s26 =	simm.s32 $0x380;
	[sflag:s22] =	ssyncadd.s32 $0xFFFFC800  }
.LBB2_2:
0x33: {  	[tilespmem:s18], [sflag:$0x2] =	stream.indirect.gather [hbm4b:s4+s15], $0x80, s28, s15, $0xb8;
	[tilespmem:$0x1FB00] =	vst v63  }
0x34: {  	s28 =	smov.u32 s26  }
0x35: {  	p0 =	sne.s32 s26, $0x9680;
	s26 =	sadd.s32 $0x380, s26;
	_ =	swait.ge [sflag:s19], $0x3800  }
0x36: {  	s28 =	sshra.s32 s28, $0x2;
	[sflag:s19] =	ssyncset.done $0x0  }
0x37: {  	s29 =	sadd.s32 $0x1D380, s28;
	[sflag:s19] =	ssyncadd.s32 $0xFFFFC800  }
0x38: {  	[spmem:s2] =	stream.indirect.scatter.add.f32 [tilespmem:s16], [sflag:$0x3], $0x80, s29, s15, $0xb8;
	[tilespmem:$0x1FB00] =	vst v63  }
0x39: {  	_ =	swait.ge [sflag:s20], $0x3800  }
0x3a: {  	[sflag:s20] =	ssyncset.done $0x0  }
0x3b: {  	s29 =	sadd.s32 $0x1D3F0, s28;
	[sflag:s20] =	ssyncadd.s32 $0xFFFFC800  }
0x3c: {  	[spmem:s2] =	stream.indirect.scatter.add.f32 [tilespmem:s18], [sflag:$0x4], $0x80, s29, s15, $0xb8;
	[tilespmem:$0x1FB00] =	vst v63  }
0x3d: {  	_ =	swait.ge [sflag:s21], $0x3800  }
0x3e: {  	[sflag:s21] =	ssyncset.done $0x0  }
.Ltmp0:
0x3f: {  	s29 =	sadd.s32 $0x1ACE0, s28;
	[sflag:s21] =	ssyncadd.s32 $0xFFFFC800;
	(pc) =	sbr.rel @p0 .LBB2_2-.Ltmp0, $4  }
0x40: {  	[tilespmem:s16], [sflag:$0x1] =	stream.indirect.gather [hbm4b:s4+s15], $0x80, s29, s15, $0xb8;
	[tilespmem:$0x1FB00] =	vst v63  }
0x41: {  	_ =	swait.ge [sflag:s22], $0x3800  }
0x42: {  	[sflag:s22] =	ssyncset.done $0x0  }
0x43: {  	s28 =	sadd.s32 $0x1AD50, s28;
	[sflag:s22] =	ssyncadd.s32 $0xFFFFC800  }
0x44: {  	[tilespmem:s18], [sflag:$0x2] =	stream.indirect.gather [hbm4b:s4+s15], $0x80, s28, s15, $0xb8;
	[tilespmem:$0x1FB00] =	vst v63  }
0x45: {  	_ =	swait.ge [sflag:s19], $0x3800  }
0x46: {  	[sflag:s19] =	ssyncset.done $0x0  }
0x47: {  	[sflag:s19] =	ssyncadd.s32 $0xFFFFC800  }
0x48: {  	[spmem:s2] =	stream.indirect.scatter.add.f32 [tilespmem:s16], [sflag:$0x3], $0x80, s23, s15, $0xb8;
	[tilespmem:$0x1FB00] =	vst v63  }
0x49: {  	_ =	swait.ge [sflag:s20], $0x3800  }
0x4a: {  	[sflag:s20] =	ssyncset.done $0x0  }
0x4b: {  	[sflag:s20] =	ssyncadd.s32 $0xFFFFC800  }
0x4c: {  	[spmem:s2] =	stream.indirect.scatter.add.f32 [tilespmem:s18], [sflag:$0x4], $0x80, s24, s15, $0xb8;
	[tilespmem:$0x1FB00] =	vst v63  }
0x4d: {  	_ =	swait.ge [sflag:s21], $0x3800  }
0x4e: {  	[sflag:s21] =	ssyncset.done $0x0  }
0x4f: {  	[sflag:s21] =	ssyncadd.s32 $0xFFFFC800  }
0x50: {  	_ =	swait.ge [sflag:s22], $0x3800  }
0x51: {  	s25 =	sadd.s32 $0x1, s25;
	[sflag:s22] =	ssyncset.done $0x0  }
0x52: {  	p0 =	sne.s32 s25, s9;
	[sflag:s22] =	ssyncadd.s32 $0xFFFFC800  }
.Ltmp1:
0x53: {  	[bflag:$0x0] =	sbarrier.arrive $0xFFFF;
	(pc) =	sbr.rel @p0 .LBB2_1-.Ltmp1, $4  }
0x54: {  	[hbm:s8], [sflag:s13] =	dma.local [spmem:s14], $0x2780  }
0x55: {  	_ =	swait.ge [sflag:s11], $0x2780  }
0x56: {  	[sflag:s11] =	ssyncset.done $0x0  }
0x57: {  	[sflag:s11] =	ssyncadd.s32 $0xFFFFD880  }
0x58: {  	_ =	sfence.sel $0x180000  }
0x59: {  	[bflag:$0x0] =	sbarrier.arrive $0xFFFF  }
0x5a: {  	p0 =	sne.s32 s1, $0x0;
	_ =	strace $0x9000004A  }
0x5b: {  	s0 =	sadd.s32 @!p0 $0x100000, s0;
	[bflag:$0x2] =	sbarrier.arrive $0xFFFF  }
0x5c: {  	[sflag:s0] =	ssyncadd.tile.s32 @!p0 $0x1;
	_ =	shalt  }
.Lfunc_end2:
_tile_overlayer_lowered:
.L_overlay_start_2:
0x5d: {  	(tag) =	ssettag $0x2  }
0x5e: {  	s0 =	rddreg [dreg:$0x0];
	s2 =	stileid.u32  }
0x5f: {  	s1 =	rddreg [dreg:$0x1];
	p0 =	sne.s32 s2, $0x0  }
0x60: {  	s3 =	rddreg [dreg:$0x2];
	[bflag:$0x3] =	sbarrier.arrive $0xFFFF;
	s2 =	simm.s32 @!p0 $0x1C05  }
0x61: {  	[timem:s3], [sflag:s2] =	dma.local @!p0 [hbm:s0], s1  }
0x62: {  	s0 =	simm.s32 @!p0 $0x5  }
0x63: {  	_ =	swait.ge @!p0 [sflag:s0], s1  }
0x64: {  	s1 =	ssub.s32 @!p0 $0x0, s1;
	[sflag:s0] =	ssyncset.done @!p0 $0x0  }
0x65: {  	[sflag:s0] =	ssyncadd.s32 @!p0 s1  }
0x66: {  	[bflag:$0x3] =	sbarrier.arrive $0xFFFF  }
0x67: {  	_ =	shalt  }

// kernel: kernel.20.cloned.1.call-start
scs
__scs_entry_jumppad:
0x0: {  	(pc) =	sbr.rel $0x88, $3  }
0x1: {  	(tag) =	ssettag $0x0;
	lr =	simm.s32 $0x1  }
0x2: {  	[smem:$0x3F96] =	sst lr;
	_ =	strace $0xD0000000  }
0x3: {  	_ = 	snop  }
0x4: {  	_ = 	snop  }
0x5: {  	_ = 	snop  }
0x6: {  	_ = 	snop  }
0x7: {  	_ = 	snop  }
__scs_overlays_trampoline_lowered:
0x8: {  	[smem:$0x3FA5] =	sst s0  }
0x9: {  	[smem:$0x3FA6] =	sst s1  }
0xa: {  	[smem:$0x3FA7] =	sst s2  }
0xb: {  	[smem:$0x3FA8] =	sst s3  }
0xc: {  	[smem:$0x3FA9] =	sst s4  }
0xd: {  	[smem:$0x3FAA] =	sst s5  }
0xe: {  	[smem:$0x3FAB] =	sst s6  }
0xf: {  	[smem:$0x3FAC] =	sst s7  }
0x10: {  	[smem:$0x3FAD] =	sst s8  }
0x11: {  	[smem:$0x3FAE] =	sst s9;
	s0 =	simm.s32 @!p0 $0x0  }
0x12: {  	s1 =	sld [smem:$0x3F94];
	s0 =	simm.s32 @p0 $0x1  }
0x13: {  	[smem:$0x3FAF] =	sst s0;
	s0 =	simm.s32 @!p1 $0x0  }
0x14: {  	s2 =	sld [smem:$0x3F93];
	s0 =	simm.s32 @p1 $0x1  }
0x15: {  	[smem:$0x3FB0] =	sst s0;
	s0 =	simm.s32 @!p2 $0x0  }
0x16: {  	s3 =	sld [smem:$0x3FDB];
	s0 =	simm.s32 @p2 $0x1  }
0x17: {  	s4 =	simm.s32 $0x1BF5;
	[smem:$0x3FB2] =	sst s0  }
0x18: {  	s0 =	sld [smem:$0x3F95];
	_ =	swait.ge [sflag:s4], $0x0  }
0x19: {  	s7 =	sld [smem:$0x3F96]  }
0x1a: {  	s8 =	sadd.s32 $0xFFFFE003, lr  }
0x1b: {  	s9 =	sadd.s32 $0xFFFFFEF7, lr;
	s5 =	simm.s32 $0xFFFFFFFF;
	p2 =	slt.u32 s8, $0xFFFFF086  }
0x1c: {  	p1 =	slt.u32 s9, $0xF7A;
	s5 =	simm.s32 @!p2 $0x0  }
0x1d: {  	s5 =	simm.s32 @p1 $0x1;
	p0 =	seq.s32 s7, s2  }
0x1e: {  	s7 =	smul.u32 @!p0 $0xF7A, s2;
	p2 =	seq.s32 @!p0 s5, $0x0  }
0x1f: {  	s9 =	smul.u32 $0xF7A, s1;
	s8 =	simm.s32 @!p0 $0x1BF5;
	p2 =	por !p2, p0  }
0x20: {  	[sflag:s8] =	ssyncset.s32 @!p0 $0xFFFFF086;
	s6 =	sadd.s32 @!p0 s3, s7;
	s7 =	simm.s32 @!p0 $0x108  }
0x21: {  	s3 =	sadd.s32 s3, s9;
	s6 =	sadd.s32 @!p0 $0x88, s6;
	s7 =	simm.s32 @p2 $0x1082  }
0x22: {  	[simem:s7], [sflag:s8] =	dma.local @!p0 [hbm:s6], $0xF7A  }
0x23: {  	s9 =	sor.u32 $0xD0000000, s2;
	s6 =	simm.s32 $0x108;
	_ =	swait.ge @!p0 [sflag:s8], $0x0  }
0x24: {  	s3 =	sadd.s32 $0x88, s3;
	s6 =	simm.s32 @!p1 $0x1082;
	[sflag:s4] =	ssyncset.s32 $0xFFFFF086  }
0x25: {  	[simem:s6], [sflag:s4] =	dma.local [hbm:s3], $0xF7A  }
0x26: {  	[smem:$0x3F96] =	sst s1;
	(tag) =	ssettag s2;
	_ =	strace s9  }
0x27: {  	s1 =	sld [smem:$0x3FA6]  }
0x28: {  	s2 =	sld [smem:$0x3FA7]  }
0x29: {  	s4 =	sld [smem:$0x3FA9]  }
0x2a: {  	p0 =	seq.s32 s5, $0x0;
	s5 =	sld [smem:$0x3FAA]  }
0x2b: {  	s6 =	sld [smem:$0x3FAB]  }
0x2c: {  	s7 =	sld [smem:$0x3FAC]  }
0x2d: {  	s3 =	simm.s32 $0x108;
	s8 =	sld [smem:$0x3FAD]  }
0x2e: {  	s3 =	simm.s32 @!p0 $0x1082;
	s9 =	sld [smem:$0x3FAE]  }
0x2f: {  	lr =	sadd.s32 s0, s3;
	s0 =	sld [smem:$0x3FA5]  }
0x30: {  	s3 =	sld [smem:$0x3FA8]  }
0x31: {  	[smem:$0x3FB1] =	sst s10  }
0x32: {  	s10 =	sld [smem:$0x3FAF];
	_ =	sdelay $0x3  }
0x33: {  	p0 =	seq.s32 s10, $0x1;
	s10 =	sld [smem:$0x3FB1];
	_ =	sdelay $0x3  }
0x34: {  	[smem:$0x3FB1] =	sst s10  }
0x35: {  	s10 =	sld [smem:$0x3FB0];
	_ =	sdelay $0x3  }
0x36: {  	p1 =	seq.s32 s10, $0x1;
	s10 =	sld [smem:$0x3FB1];
	_ =	sdelay $0x3  }
0x37: {  	[smem:$0x3FB1] =	sst s10  }
0x38: {  	s10 =	sld [smem:$0x3FB2]  }
0x39: {  	_ = 	snop;
	(pc) =	sbr.ind lr, $3  }
0x3a: {  	_ = 	snop  }
0x3b: {  	_ = 	snop  }
0x3c: {  	p2 =	seq.s32 s10, $0x1;
	s10 =	sld [smem:$0x3FB1]  }
0x3d: {  	_ =	shalt  }
0x3e: {  	_ =	shalt  }
0x3f: {  	_ =	shalt  }
0x40: {  	_ =	shalt  }
0x41: {  	_ =	shalt  }
0x42: {  	_ =	shalt  }
0x43: {  	_ =	shalt  }
0x44: {  	_ =	shalt  }
0x45: {  	_ =	shalt  }
0x46: {  	_ =	shalt  }
0x47: {  	_ =	shalt  }
0x48: {  	_ =	shalt  }
0x49: {  	_ =	shalt  }
0x4a: {  	_ =	shalt  }
0x4b: {  	_ =	shalt  }
0x4c: {  	_ =	shalt  }
0x4d: {  	_ =	shalt  }
0x4e: {  	_ =	shalt  }
0x4f: {  	_ =	shalt  }
0x50: {  	_ =	shalt  }
0x51: {  	_ =	shalt  }
0x52: {  	_ =	shalt  }
0x53: {  	_ =	shalt  }
0x54: {  	_ =	shalt  }
0x55: {  	_ =	shalt  }
0x56: {  	_ =	shalt  }
0x57: {  	_ =	shalt  }
0x58: {  	_ =	shalt  }
0x59: {  	_ =	shalt  }
0x5a: {  	_ =	shalt  }
0x5b: {  	_ =	shalt  }
0x5c: {  	_ =	shalt  }
0x5d: {  	_ =	shalt  }
0x5e: {  	_ =	shalt  }
0x5f: {  	_ =	shalt  }
0x60: {  	_ =	shalt  }
0x61: {  	_ =	shalt  }
0x62: {  	_ =	shalt  }
0x63: {  	_ =	shalt  }
0x64: {  	_ =	shalt  }
0x65: {  	_ =	shalt  }
0x66: {  	_ =	shalt  }
0x67: {  	_ =	shalt  }
0x68: {  	_ =	shalt  }
0x69: {  	_ =	shalt  }
0x6a: {  	_ =	shalt  }
0x6b: {  	_ =	shalt  }
0x6c: {  	_ =	shalt  }
0x6d: {  	_ =	shalt  }
0x6e: {  	_ =	shalt  }
0x6f: {  	_ =	shalt  }
0x70: {  	_ =	shalt  }
0x71: {  	_ =	shalt  }
0x72: {  	_ =	shalt  }
0x73: {  	_ =	shalt  }
0x74: {  	_ =	shalt  }
0x75: {  	_ =	shalt  }
0x76: {  	_ =	shalt  }
0x77: {  	_ =	shalt  }
0x78: {  	_ =	shalt  }
0x79: {  	_ =	shalt  }
0x7a: {  	_ =	shalt  }
0x7b: {  	_ =	shalt  }
0x7c: {  	_ =	shalt  }
0x7d: {  	_ =	shalt  }
0x7e: {  	_ =	shalt  }
0x7f: {  	_ =	shalt  }
0x80: {  	_ =	shalt  }
0x81: {  	_ =	shalt  }
0x82: {  	_ =	shalt  }
0x83: {  	_ =	shalt  }
0x84: {  	_ =	shalt  }
0x85: {  	_ =	shalt  }
0x86: {  	_ =	shalt  }
0x87: {  	_ =	shalt  }
.Lfunc_end0:
.L_simem_size_0:
called_computation.2_lowered:
.L_overlay_start_0:
0x88: {  	s2 =	sld [smem:$0x3FD9]  }
0x89: {  	s3 =	sld [smem:$0x3FFE];
	_ =	sdelay $0x1  }
0x8a: {  	s1 =	srdreg.scid  }
0x8b: {  	s0 =	sand.u32 $0x1, s1  }
0x8c: {  	s14 =	sshll.u32 s0, $0xA;
	s2 =	sadd.s32 s3, s2  }
0x8d: {  	s2 =	sadd.s32 s2, s14  }
0x8e: {  	[smem:$0x3FBD] =	sst s2  }
0x8f: {  	_ = 	snop  }
0x90: {  	s2 =	sld [smem:$0x3FD0];
	_ =	sdelay $0x2  }
0x91: {  	s15 =	simm.s32 $0xA;
	s4 =	simm.s32 $0x10  }
0x92: {  	[smem:s4], [sflag:s15] =	dma.local [hbm:s2], $0x1  }
0x93: {  	_ =	swait.eq [sflag:s15], $0x1  }
0x94: {  	[sflag:s15] =	ssyncset.done $0x0  }
0x95: {  	s16 =	sld [smem:$0x10];
	[sflag:s15] =	ssyncadd.s32 $0xFFFFFFFF  }
0x96: {  	s17 =	sld [smem:$0x11];
	(tm) =	ssettm $0x1  }
0x97: {  	s18 =	sld [smem:$0x3FFB];
	_ =	sdelay $0x3  }
0x98: {  	_ =	strace s18  }
0x99: {  	s4 =	sld [smem:$0x3FFC];
	_ =	sdelay $0x3  }
0x9a: {  	_ =	strace s4  }
0x9b: {  	s4 =	sld [smem:$0x3FFD];
	_ =	sdelay $0x3  }
0x9c: {  	_ =	strace s4  }
0x9d: {  	_ =	strace $0x8FFFFFFF  }
0x9e: {  	s19 =	sld [smem:$0x3FDB];
	_ =	sdelay $0x1  }
0x9f: {  	s5 =	simm.s32 $_scs_section_size  }
0xa0: {  	s6 =	simm.s32 $_size__tile_overlayer_lowered;
	s7 =	simm.s32 $_tile_overlayer_lowered  }
0xa1: {  	s22 =	simm.s32 $0x1BFF;
	s21 =	sshll.u32 s7, $0x1;
	s4 =	sadd.s32 s5, s19  }
0xa2: {  	s8 =	simm.s32 $0x0;
	s20 =	sshll.u32 s6, $0x1;
	s6 =	sadd.s32 s21, s4  }
0xa3: {  	[timem:s8], [sflag:s22] =	dma.local [hbm:s6], s20  }
0xa4: {  	_ =	swait.ge [sflag:s22], s20  }
0xa5: {  	s5 =	ssub.s32 $0x0, s20;
	[sflag:s22] =	ssyncset.done $0x0  }
0xa6: {  	[sflag:s22] =	ssyncadd.s32 s5;
	_ =	sdelay $0x1  }
0xa7: {  	s23 =	simm.s32 $0x1B8B  }
0xa8: {  	_ =	swait.ge [sflag:s23], $0x1  }
0xa9: {  	[sflag:s23] =	ssyncset.done $0x0  }
0xaa: {  	s25 =	simm.s32 $0x1B8E;
	s24 =	sld [smem:$0x3FFE];
	[sflag:s23] =	ssyncadd.s32 $0xFFFFFFFF  }
0xab: {  	s26 =	simm.s32 $execute0_lowered;
	[smem:$0x3FD2] =	sst s25  }
0xac: {  	s6 =	sshll.u32 s26, $0x1;
	_ =	strace $0x8000004C;
	[dreg:$0x1] =	wrdreg $0xFFFFFFFF  }
0xad: {  	s28 =	simm.s32 $_size_execute0_lowered;
	s4 =	sadd.s32 s4, s6;
	[dreg:$0x0] =	wrdreg $0x0  }
0xae: {  	s6 =	sshll.u32 s28, $0x1;
	[dreg:$0x2] =	wrdreg s4  }
0xaf: {  	[dreg:$0x3] =	wrdreg s6  }
0xb0: {  	[dreg:$0x4] =	wrdreg $0xC0  }
0xb1: {  	_ =	task [dreg:s8], $0x5FFFF  }
0xb2: {  	[dreg:$0x1] =	wrdreg $0xFFFFFFFF  }
0xb3: {  	[dreg:$0x0] =	wrdreg $0x60  }
0xb4: {  	[dreg:$0x2] =	wrdreg s24  }
0xb5: {  	[dreg:$0x3] =	wrdreg s17  }
0xb6: {  	[dreg:$0x4] =	wrdreg s16  }
0xb7: {  	[dreg:$0x5] =	wrdreg $0x0  }
0xb8: {  	[dreg:$0x6] =	wrdreg $0x9  }
0xb9: {  	_ =	task.clear_ibuf [dreg:s8], $0x7FFFF;
	_ =	strace $0x9000004C  }
0xba: {  	s29 =	simm.s32 $0x9;
	_ =	strace $0x8000004E  }
0xbb: {  	_ =	swait.ge [sflag:s29], $0x1  }
0xbc: {  	[sflag:s29] =	ssyncadd.s32 $0xFFFFFFFF  }
0xbd: {  	_ =	strace $0x9000004E  }
0xbe: {  	_ =	sfence  }
0xbf: {  	s30 =	sld [smem:$0x0];
	_ =	sdelay $0x2  }
0xc0: {  	s31 =	sshll.u32 s1, $0xD;
	s1 =	sshrl.u32 s1, $0x2  }
0xc1: {  	s3 =	sand.u32 $0x4000, s31;
	s1 =	sadd.s32 s1, s30  }
0xc2: {  	s0 =	sor.u32 s3, s0;
	s1 =	sshll.u32 s1, $0x11  }
0xc3: {  	s0 =	sor.u32 s1, s0  }
0xc4: {  	s0 =	sadd.s32 $0x8F2B, s0  }
0xc5: {  	[sflag:s0] =	ssyncadd.remote.s32 $0x1  }
0xc6: {  	_ =	sfence.sel $0xFFFF  }
0xc7: {  	[dreg:$0x0] =	wrdreg $0xFFFFFFFF;
	(pc) =	sbr.abs _section_cstart, $3  }
0xc8: {  	[dreg:$0x1] =	wrdreg $0xFFFFFFFF  }
0xc9: {  	_ =	task.clear_ibuf [dreg:s8], $0x2FFFF;
	_ =	strace $0x9FFFFFFF  }
0xca: {  	(tm) =	ssettm $0x7FFFFFFF  }
0xcb: {  	_ =	shalt  }
tec
execute0_lowered:
.L_overlay_start_1:
0x0: {  	(tag) =	ssettag $0x1  }
0x1: {  	s6 =	rddreg [dreg:$0x0]  }
0x2: {  	s7 =	rddreg [dreg:$0x1]  }
0x3: {  	s8 =	rddreg [dreg:$0x2]  }
0x4: {  	s2 =	rddreg [dreg:$0x3]  }
0x5: {  	s0 =	rddreg [dreg:$0x4];
	s4 =	srdreg.scid  }
0x6: {  	s3 =	simm.s32 $0x0;
	s1 =	stileid.u32;
	s15 =	simm.s32 $0x70  }
0x7: {  	s16 =	simm.s32 $0x13C00;
	s17 =	simm.s32 $0x1AC70;
	s18 =	simm.s32 $0x17400  }
0x8: {  	s19 =	simm.s32 $0x1;
	s20 =	simm.s32 $0x2;
	s21 =	simm.s32 $0x3  }
0x9: {  	s22 =	simm.s32 $0x4;
	s23 =	simm.s32 $0x1FA00;
	s24 =	simm.s32 $0x1FA70  }
0xa: {  	s25 =	simm.s32 $0x0;
	s9 =	sand.u32 $0x1, s4;
	s10 =	smul.u32 $0x2780, s1  }
0xb: {  	[smem:$0x7FF] =	sst s3;
	s5 =	sadd.s32 $0x54C00, s6;
	s29 =	smul.u32 $0x4F000, s1  }
0xc: {  	s13 =	smul.u32 $0x4EC, s1;
	s31 =	sshll.u32 s1, $0x6;
	s4 =	sshll.u32 s9, $0x4  }
0xd: {  	_ =	strace $0x8000004D;
	s11 =	smul.u32 $0x28000, s9;
	s9 =	ssub.s32 $0x2, s9  }
0xe: {  	s12 =	sor.u32 s1, s4;
	s4 =	sadd.s32 $0x4C00, s6;
	s30 =	sshrl.u32 s9, $0x1  }
0xf: {  	s12 =	smul.u32 $0x4EC, s12;
	s10 =	sadd.s32 s10, s11;
	s11 =	sshrl.u32 s29, $0x2  }
0x10: {  	s9 =	ssub.s32 s9, s30;
	s10 =	sadd.s32 s10, s6;
	s14 =	sadd.s32 s11, s2  }
0x11: {  	s9 =	smax.u32 s9, $0x1;
	s11 =	simm.s32 $0x5;
	s6 =	sadd.s32 s7, s12  }
0x12: {  	s7 =	sadd.s32 s8, s13;
	s8 =	sadd.s32 $0x57400, s10;
	s10 =	simm.s32 $0x1AC00  }
0x13: {  	s12 =	simm.s32 $0x1D380;
	s13 =	sor.u32 $0x1C05, s31;
	s14 =	sshrl.u32 s14, $0x3  }
.LBB2_1:
0x14: {  	[tilespmem:s10], [sflag:$0x5] =	stream.linear.gather [hbm4b:s6+s3], $0x2760, $0x38;
	[tilespmem:$0x1FB00] =	vst v63  }
0x15: {  	_ =	swait.ge [sflag:s11], $0x2760  }
0x16: {  	[sflag:s11] =	ssyncset.done $0x0  }
0x17: {  	[sflag:s11] =	ssyncadd.s32 $0xFFFFD8A0  }
0x18: {  	[tilespmem:s12], [sflag:$0x5] =	stream.linear.gather [hbm4b:s7+s3], $0x2760, $0x38;
	[tilespmem:$0x1FB00] =	vst v63  }
0x19: {  	_ =	swait.ge [sflag:s11], $0x2760  }
0x1a: {  	[sflag:s11] =	ssyncset.done $0x0  }
0x1b: {  	[sflag:s11] =	ssyncadd.s32 $0xFFFFD8A0  }
0x1c: {  	[spmem:s14], [sflag:s13] =	dma.local [hbm:s5], $0x2780  }
0x1d: {  	_ =	swait.ge [sflag:s11], $0x2780  }
0x1e: {  	[sflag:s11] =	ssyncset.done $0x0  }
0x1f: {  	[sflag:s11] =	ssyncadd.s32 $0xFFFFD880  }
0x20: {  	[bflag:$0x0] =	sbarrier.arrive $0xFFFF  }
0x21: {  	[tilespmem:s16], [sflag:$0x1] =	stream.indirect.gather [hbm4b:s4+s15], $0x80, s10, s15, $0xb8;
	[tilespmem:$0x1FB00] =	vst v63  }
0x22: {  	_ = 	snop  }
0x23: {  	[tilespmem:s18], [sflag:$0x2] =	stream.indirect.gather [hbm4b:s4+s15], $0x80, s17, s15, $0xb8;
	[tilespmem:$0x1FB00] =	vst v63  }
0x24: {  	_ =	swait.ge [sflag:s19], $0x3800  }
0x25: {  	[sflag:s19] =	ssyncset.done $0x0  }
0x26: {  	s26 =	simm.s32 $0x1D380;
	[sflag:s19] =	ssyncadd.s32 $0xFFFFC800  }
0x27: {  	[spmem:s2] =	stream.indirect.scatter.add.f32 [tilespmem:s16], [sflag:$0x3], $0x80, s26, s15, $0xb8;
	[tilespmem:$0x1FB00] =	vst v63  }
0x28: {  	_ =	swait.ge [sflag:s20], $0x3800  }
0x29: {  	[sflag:s20] =	ssyncset.done $0x0  }
0x2a: {  	s30 =	simm.s32 $0x1D3F0;
	[sflag:s20] =	ssyncadd.s32 $0xFFFFC800  }
0x2b: {  	[spmem:s2] =	stream.indirect.scatter.add.f32 [tilespmem:s18], [sflag:$0x4], $0x80, s30, s15, $0xb8;
	[tilespmem:$0x1FB00] =	vst v63  }
0x2c: {  	_ =	swait.ge [sflag:s21], $0x3800  }
0x2d: {  	[sflag:s21] =	ssyncset.done $0x0  }
0x2e: {  	s31 =	simm.s32 $0x1ACE0;
	[sflag:s21] =	ssyncadd.s32 $0xFFFFC800  }
0x2f: {  	[tilespmem:s16], [sflag:$0x1] =	stream.indirect.gather [hbm4b:s4+s15], $0x80, s31, s15, $0xb8;
	[tilespmem:$0x1FB00] =	vst v63  }
0x30: {  	_ =	swait.ge [sflag:s22], $0x3800  }
0x31: {  	[sflag:s22] =	ssyncset.done $0x0  }
0x32: {  	s28 =	simm.s32 $0x1AD50;
	s26 =	simm.s32 $0x380;
	[sflag:s22] =	ssyncadd.s32 $0xFFFFC800  }
.LBB2_2:
0x33: {  	[tilespmem:s18], [sflag:$0x2] =	stream.indirect.gather [hbm4b:s4+s15], $0x80, s28, s15, $0xb8;
	[tilespmem:$0x1FB00] =	vst v63  }
0x34: {  	s28 =	smov.u32 s26  }
0x35: {  	p0 =	sne.s32 s26, $0x9680;
	s26 =	sadd.s32 $0x380, s26;
	_ =	swait.ge [sflag:s19], $0x3800  }
0x36: {  	s28 =	sshra.s32 s28, $0x2;
	[sflag:s19] =	ssyncset.done $0x0  }
0x37: {  	s29 =	sadd.s32 $0x1D380, s28;
	[sflag:s19] =	ssyncadd.s32 $0xFFFFC800  }
0x38: {  	[spmem:s2] =	stream.indirect.scatter.add.f32 [tilespmem:s16], [sflag:$0x3], $0x80, s29, s15, $0xb8;
	[tilespmem:$0x1FB00] =	vst v63  }
0x39: {  	_ =	swait.ge [sflag:s20], $0x3800  }
0x3a: {  	[sflag:s20] =	ssyncset.done $0x0  }
0x3b: {  	s29 =	sadd.s32 $0x1D3F0, s28;
	[sflag:s20] =	ssyncadd.s32 $0xFFFFC800  }
0x3c: {  	[spmem:s2] =	stream.indirect.scatter.add.f32 [tilespmem:s18], [sflag:$0x4], $0x80, s29, s15, $0xb8;
	[tilespmem:$0x1FB00] =	vst v63  }
0x3d: {  	_ =	swait.ge [sflag:s21], $0x3800  }
0x3e: {  	[sflag:s21] =	ssyncset.done $0x0  }
.Ltmp0:
0x3f: {  	s29 =	sadd.s32 $0x1ACE0, s28;
	[sflag:s21] =	ssyncadd.s32 $0xFFFFC800;
	(pc) =	sbr.rel @p0 .LBB2_2-.Ltmp0, $4  }
0x40: {  	[tilespmem:s16], [sflag:$0x1] =	stream.indirect.gather [hbm4b:s4+s15], $0x80, s29, s15, $0xb8;
	[tilespmem:$0x1FB00] =	vst v63  }
0x41: {  	_ =	swait.ge [sflag:s22], $0x3800  }
0x42: {  	[sflag:s22] =	ssyncset.done $0x0  }
0x43: {  	s28 =	sadd.s32 $0x1AD50, s28;
	[sflag:s22] =	ssyncadd.s32 $0xFFFFC800  }
0x44: {  	[tilespmem:s18], [sflag:$0x2] =	stream.indirect.gather [hbm4b:s4+s15], $0x80, s28, s15, $0xb8;
	[tilespmem:$0x1FB00] =	vst v63  }
0x45: {  	_ =	swait.ge [sflag:s19], $0x3800  }
0x46: {  	[sflag:s19] =	ssyncset.done $0x0  }
0x47: {  	[sflag:s19] =	ssyncadd.s32 $0xFFFFC800  }
0x48: {  	[spmem:s2] =	stream.indirect.scatter.add.f32 [tilespmem:s16], [sflag:$0x3], $0x80, s23, s15, $0xb8;
	[tilespmem:$0x1FB00] =	vst v63  }
0x49: {  	_ =	swait.ge [sflag:s20], $0x3800  }
0x4a: {  	[sflag:s20] =	ssyncset.done $0x0  }
0x4b: {  	[sflag:s20] =	ssyncadd.s32 $0xFFFFC800  }
0x4c: {  	[spmem:s2] =	stream.indirect.scatter.add.f32 [tilespmem:s18], [sflag:$0x4], $0x80, s24, s15, $0xb8;
	[tilespmem:$0x1FB00] =	vst v63  }
0x4d: {  	_ =	swait.ge [sflag:s21], $0x3800  }
0x4e: {  	[sflag:s21] =	ssyncset.done $0x0  }
0x4f: {  	[sflag:s21] =	ssyncadd.s32 $0xFFFFC800  }
0x50: {  	_ =	swait.ge [sflag:s22], $0x3800  }
0x51: {  	s25 =	sadd.s32 $0x1, s25;
	[sflag:s22] =	ssyncset.done $0x0  }
0x52: {  	p0 =	sne.s32 s25, s9;
	[sflag:s22] =	ssyncadd.s32 $0xFFFFC800  }
.Ltmp1:
0x53: {  	[bflag:$0x0] =	sbarrier.arrive $0xFFFF;
	(pc) =	sbr.rel @p0 .LBB2_1-.Ltmp1, $4  }
0x54: {  	[hbm:s8], [sflag:s13] =	dma.local [spmem:s14], $0x2780  }
0x55: {  	_ =	swait.ge [sflag:s11], $0x2780  }
0x56: {  	[sflag:s11] =	ssyncset.done $0x0  }
0x57: {  	[sflag:s11] =	ssyncadd.s32 $0xFFFFD880  }
0x58: {  	_ =	sfence.sel $0x180000  }
0x59: {  	[bflag:$0x0] =	sbarrier.arrive $0xFFFF  }
0x5a: {  	p0 =	sne.s32 s1, $0x0;
	_ =	strace $0x9000004D  }
0x5b: {  	s0 =	sadd.s32 @!p0 $0x100000, s0;
	[bflag:$0x2] =	sbarrier.arrive $0xFFFF  }
0x5c: {  	[sflag:s0] =	ssyncadd.tile.s32 @!p0 $0x1;
	_ =	shalt  }
.Lfunc_end2:
_tile_overlayer_lowered:
.L_overlay_start_2:
0x5d: {  	(tag) =	ssettag $0x2  }
0x5e: {  	s0 =	rddreg [dreg:$0x0];
	s2 =	stileid.u32  }
0x5f: {  	s1 =	rddreg [dreg:$0x1];
	p0 =	sne.s32 s2, $0x0  }
0x60: {  	s3 =	rddreg [dreg:$0x2];
	[bflag:$0x3] =	sbarrier.arrive $0xFFFF;
	s2 =	simm.s32 @!p0 $0x1C05  }
0x61: {  	[timem:s3], [sflag:s2] =	dma.local @!p0 [hbm:s0], s1  }
0x62: {  	s0 =	simm.s32 @!p0 $0x5  }
0x63: {  	_ =	swait.ge @!p0 [sflag:s0], s1  }
0x64: {  	s1 =	ssub.s32 @!p0 $0x0, s1;
	[sflag:s0] =	ssyncset.done @!p0 $0x0  }
0x65: {  	[sflag:s0] =	ssyncadd.s32 @!p0 s1  }
0x66: {  	[bflag:$0x3] =	sbarrier.arrive $0xFFFF  }
0x67: {  	_ =	shalt  }

// kernel: kernel.23.cloned.1.call-start
scs
__scs_entry_jumppad:
0x0: {  	(pc) =	sbr.rel $0x88, $3  }
0x1: {  	(tag) =	ssettag $0x0;
	lr =	simm.s32 $0x1  }
0x2: {  	[smem:$0x3F96] =	sst lr;
	_ =	strace $0xD0000000  }
0x3: {  	_ = 	snop  }
0x4: {  	_ = 	snop  }
0x5: {  	_ = 	snop  }
0x6: {  	_ = 	snop  }
0x7: {  	_ = 	snop  }
__scs_overlays_trampoline_lowered:
0x8: {  	[smem:$0x3FA5] =	sst s0  }
0x9: {  	[smem:$0x3FA6] =	sst s1  }
0xa: {  	[smem:$0x3FA7] =	sst s2  }
0xb: {  	[smem:$0x3FA8] =	sst s3  }
0xc: {  	[smem:$0x3FA9] =	sst s4  }
0xd: {  	[smem:$0x3FAA] =	sst s5  }
0xe: {  	[smem:$0x3FAB] =	sst s6  }
0xf: {  	[smem:$0x3FAC] =	sst s7  }
0x10: {  	[smem:$0x3FAD] =	sst s8  }
0x11: {  	[smem:$0x3FAE] =	sst s9;
	s0 =	simm.s32 @!p0 $0x0  }
0x12: {  	s1 =	sld [smem:$0x3F94];
	s0 =	simm.s32 @p0 $0x1  }
0x13: {  	[smem:$0x3FAF] =	sst s0;
	s0 =	simm.s32 @!p1 $0x0  }
0x14: {  	s2 =	sld [smem:$0x3F93];
	s0 =	simm.s32 @p1 $0x1  }
0x15: {  	[smem:$0x3FB0] =	sst s0;
	s0 =	simm.s32 @!p2 $0x0  }
0x16: {  	s3 =	sld [smem:$0x3FDB];
	s0 =	simm.s32 @p2 $0x1  }
0x17: {  	s4 =	simm.s32 $0x1BF5;
	[smem:$0x3FB2] =	sst s0  }
0x18: {  	s0 =	sld [smem:$0x3F95];
	_ =	swait.ge [sflag:s4], $0x0  }
0x19: {  	s7 =	sld [smem:$0x3F96]  }
0x1a: {  	s8 =	sadd.s32 $0xFFFFE003, lr  }
0x1b: {  	s9 =	sadd.s32 $0xFFFFFEF7, lr;
	s5 =	simm.s32 $0xFFFFFFFF;
	p2 =	slt.u32 s8, $0xFFFFF086  }
0x1c: {  	p1 =	slt.u32 s9, $0xF7A;
	s5 =	simm.s32 @!p2 $0x0  }
0x1d: {  	s5 =	simm.s32 @p1 $0x1;
	p0 =	seq.s32 s7, s2  }
0x1e: {  	s7 =	smul.u32 @!p0 $0xF7A, s2;
	p2 =	seq.s32 @!p0 s5, $0x0  }
0x1f: {  	s9 =	smul.u32 $0xF7A, s1;
	s8 =	simm.s32 @!p0 $0x1BF5;
	p2 =	por !p2, p0  }
0x20: {  	[sflag:s8] =	ssyncset.s32 @!p0 $0xFFFFF086;
	s6 =	sadd.s32 @!p0 s3, s7;
	s7 =	simm.s32 @!p0 $0x108  }
0x21: {  	s3 =	sadd.s32 s3, s9;
	s6 =	sadd.s32 @!p0 $0x88, s6;
	s7 =	simm.s32 @p2 $0x1082  }
0x22: {  	[simem:s7], [sflag:s8] =	dma.local @!p0 [hbm:s6], $0xF7A  }
0x23: {  	s9 =	sor.u32 $0xD0000000, s2;
	s6 =	simm.s32 $0x108;
	_ =	swait.ge @!p0 [sflag:s8], $0x0  }
0x24: {  	s3 =	sadd.s32 $0x88, s3;
	s6 =	simm.s32 @!p1 $0x1082;
	[sflag:s4] =	ssyncset.s32 $0xFFFFF086  }
0x25: {  	[simem:s6], [sflag:s4] =	dma.local [hbm:s3], $0xF7A  }
0x26: {  	[smem:$0x3F96] =	sst s1;
	(tag) =	ssettag s2;
	_ =	strace s9  }
0x27: {  	s1 =	sld [smem:$0x3FA6]  }
0x28: {  	s2 =	sld [smem:$0x3FA7]  }
0x29: {  	s4 =	sld [smem:$0x3FA9]  }
0x2a: {  	p0 =	seq.s32 s5, $0x0;
	s5 =	sld [smem:$0x3FAA]  }
0x2b: {  	s6 =	sld [smem:$0x3FAB]  }
0x2c: {  	s7 =	sld [smem:$0x3FAC]  }
0x2d: {  	s3 =	simm.s32 $0x108;
	s8 =	sld [smem:$0x3FAD]  }
0x2e: {  	s3 =	simm.s32 @!p0 $0x1082;
	s9 =	sld [smem:$0x3FAE]  }
0x2f: {  	lr =	sadd.s32 s0, s3;
	s0 =	sld [smem:$0x3FA5]  }
0x30: {  	s3 =	sld [smem:$0x3FA8]  }
0x31: {  	[smem:$0x3FB1] =	sst s10  }
0x32: {  	s10 =	sld [smem:$0x3FAF];
	_ =	sdelay $0x3  }
0x33: {  	p0 =	seq.s32 s10, $0x1;
	s10 =	sld [smem:$0x3FB1];
	_ =	sdelay $0x3  }
0x34: {  	[smem:$0x3FB1] =	sst s10  }
0x35: {  	s10 =	sld [smem:$0x3FB0];
	_ =	sdelay $0x3  }
0x36: {  	p1 =	seq.s32 s10, $0x1;
	s10 =	sld [smem:$0x3FB1];
	_ =	sdelay $0x3  }
0x37: {  	[smem:$0x3FB1] =	sst s10  }
0x38: {  	s10 =	sld [smem:$0x3FB2]  }
0x39: {  	_ = 	snop;
	(pc) =	sbr.ind lr, $3  }
0x3a: {  	_ = 	snop  }
0x3b: {  	_ = 	snop  }
0x3c: {  	p2 =	seq.s32 s10, $0x1;
	s10 =	sld [smem:$0x3FB1]  }
0x3d: {  	_ =	shalt  }
0x3e: {  	_ =	shalt  }
0x3f: {  	_ =	shalt  }
0x40: {  	_ =	shalt  }
0x41: {  	_ =	shalt  }
0x42: {  	_ =	shalt  }
0x43: {  	_ =	shalt  }
0x44: {  	_ =	shalt  }
0x45: {  	_ =	shalt  }
0x46: {  	_ =	shalt  }
0x47: {  	_ =	shalt  }
0x48: {  	_ =	shalt  }
0x49: {  	_ =	shalt  }
0x4a: {  	_ =	shalt  }
0x4b: {  	_ =	shalt  }
0x4c: {  	_ =	shalt  }
0x4d: {  	_ =	shalt  }
0x4e: {  	_ =	shalt  }
0x4f: {  	_ =	shalt  }
0x50: {  	_ =	shalt  }
0x51: {  	_ =	shalt  }
0x52: {  	_ =	shalt  }
0x53: {  	_ =	shalt  }
0x54: {  	_ =	shalt  }
0x55: {  	_ =	shalt  }
0x56: {  	_ =	shalt  }
0x57: {  	_ =	shalt  }
0x58: {  	_ =	shalt  }
0x59: {  	_ =	shalt  }
0x5a: {  	_ =	shalt  }
0x5b: {  	_ =	shalt  }
0x5c: {  	_ =	shalt  }
0x5d: {  	_ =	shalt  }
0x5e: {  	_ =	shalt  }
0x5f: {  	_ =	shalt  }
0x60: {  	_ =	shalt  }
0x61: {  	_ =	shalt  }
0x62: {  	_ =	shalt  }
0x63: {  	_ =	shalt  }
0x64: {  	_ =	shalt  }
0x65: {  	_ =	shalt  }
0x66: {  	_ =	shalt  }
0x67: {  	_ =	shalt  }
0x68: {  	_ =	shalt  }
0x69: {  	_ =	shalt  }
0x6a: {  	_ =	shalt  }
0x6b: {  	_ =	shalt  }
0x6c: {  	_ =	shalt  }
0x6d: {  	_ =	shalt  }
0x6e: {  	_ =	shalt  }
0x6f: {  	_ =	shalt  }
0x70: {  	_ =	shalt  }
0x71: {  	_ =	shalt  }
0x72: {  	_ =	shalt  }
0x73: {  	_ =	shalt  }
0x74: {  	_ =	shalt  }
0x75: {  	_ =	shalt  }
0x76: {  	_ =	shalt  }
0x77: {  	_ =	shalt  }
0x78: {  	_ =	shalt  }
0x79: {  	_ =	shalt  }
0x7a: {  	_ =	shalt  }
0x7b: {  	_ =	shalt  }
0x7c: {  	_ =	shalt  }
0x7d: {  	_ =	shalt  }
0x7e: {  	_ =	shalt  }
0x7f: {  	_ =	shalt  }
0x80: {  	_ =	shalt  }
0x81: {  	_ =	shalt  }
0x82: {  	_ =	shalt  }
0x83: {  	_ =	shalt  }
0x84: {  	_ =	shalt  }
0x85: {  	_ =	shalt  }
0x86: {  	_ =	shalt  }
0x87: {  	_ =	shalt  }
.Lfunc_end0:
.L_simem_size_0:
called_computation.3_lowered:
.L_overlay_start_0:
0x88: {  	s2 =	sld [smem:$0x3FD9]  }
0x89: {  	s3 =	sld [smem:$0x3FFE];
	_ =	sdelay $0x1  }
0x8a: {  	s1 =	srdreg.scid  }
0x8b: {  	s0 =	sand.u32 $0x1, s1  }
0x8c: {  	s14 =	sshll.u32 s0, $0xA;
	s2 =	sadd.s32 s3, s2  }
0x8d: {  	s2 =	sadd.s32 s2, s14  }
0x8e: {  	[smem:$0x3FBD] =	sst s2  }
0x8f: {  	_ = 	snop  }
0x90: {  	s2 =	sld [smem:$0x3FD0];
	_ =	sdelay $0x2  }
0x91: {  	s15 =	simm.s32 $0xA;
	s4 =	simm.s32 $0x10  }
0x92: {  	[smem:s4], [sflag:s15] =	dma.local [hbm:s2], $0x1  }
0x93: {  	_ =	swait.eq [sflag:s15], $0x1  }
0x94: {  	[sflag:s15] =	ssyncset.done $0x0  }
0x95: {  	s16 =	sld [smem:$0x10];
	[sflag:s15] =	ssyncadd.s32 $0xFFFFFFFF  }
0x96: {  	s17 =	sld [smem:$0x11];
	(tm) =	ssettm $0x1  }
0x97: {  	s18 =	sld [smem:$0x3FFB];
	_ =	sdelay $0x3  }
0x98: {  	_ =	strace s18  }
0x99: {  	s4 =	sld [smem:$0x3FFC];
	_ =	sdelay $0x3  }
0x9a: {  	_ =	strace s4  }
0x9b: {  	s4 =	sld [smem:$0x3FFD];
	_ =	sdelay $0x3  }
0x9c: {  	_ =	strace s4  }
0x9d: {  	_ =	strace $0x8FFFFFFF  }
0x9e: {  	s19 =	sld [smem:$0x3FDB];
	_ =	sdelay $0x1  }
0x9f: {  	s5 =	simm.s32 $_scs_section_size  }
0xa0: {  	s6 =	simm.s32 $_size__tile_overlayer_lowered;
	s7 =	simm.s32 $_tile_overlayer_lowered  }
0xa1: {  	s22 =	simm.s32 $0x1BFF;
	s21 =	sshll.u32 s7, $0x1;
	s4 =	sadd.s32 s5, s19  }
0xa2: {  	s8 =	simm.s32 $0x0;
	s20 =	sshll.u32 s6, $0x1;
	s6 =	sadd.s32 s21, s4  }
0xa3: {  	[timem:s8], [sflag:s22] =	dma.local [hbm:s6], s20  }
0xa4: {  	_ =	swait.ge [sflag:s22], s20  }
0xa5: {  	s5 =	ssub.s32 $0x0, s20;
	[sflag:s22] =	ssyncset.done $0x0  }
0xa6: {  	[sflag:s22] =	ssyncadd.s32 s5;
	_ =	sdelay $0x1  }
0xa7: {  	s23 =	simm.s32 $0x1B8B  }
0xa8: {  	_ =	swait.ge [sflag:s23], $0x1  }
0xa9: {  	[sflag:s23] =	ssyncset.done $0x0  }
0xaa: {  	s25 =	simm.s32 $0x1B8E;
	s24 =	sld [smem:$0x3FFE];
	[sflag:s23] =	ssyncadd.s32 $0xFFFFFFFF  }
0xab: {  	s26 =	simm.s32 $execute0_lowered;
	[smem:$0x3FD2] =	sst s25  }
0xac: {  	s6 =	sshll.u32 s26, $0x1;
	_ =	strace $0x8000004F;
	[dreg:$0x1] =	wrdreg $0xFFFFFFFF  }
0xad: {  	s28 =	simm.s32 $_size_execute0_lowered;
	s4 =	sadd.s32 s4, s6;
	[dreg:$0x0] =	wrdreg $0x0  }
0xae: {  	s6 =	sshll.u32 s28, $0x1;
	[dreg:$0x2] =	wrdreg s4  }
0xaf: {  	[dreg:$0x3] =	wrdreg s6  }
0xb0: {  	[dreg:$0x4] =	wrdreg $0xC0  }
0xb1: {  	_ =	task [dreg:s8], $0x5FFFF  }
0xb2: {  	[dreg:$0x1] =	wrdreg $0xFFFFFFFF  }
0xb3: {  	[dreg:$0x0] =	wrdreg $0x60  }
0xb4: {  	[dreg:$0x2] =	wrdreg s24  }
0xb5: {  	[dreg:$0x3] =	wrdreg s17  }
0xb6: {  	[dreg:$0x4] =	wrdreg s16  }
0xb7: {  	[dreg:$0x5] =	wrdreg $0x0  }
0xb8: {  	[dreg:$0x6] =	wrdreg $0x9  }
0xb9: {  	_ =	task.clear_ibuf [dreg:s8], $0x7FFFF;
	_ =	strace $0x9000004F  }
0xba: {  	s29 =	simm.s32 $0x9;
	_ =	strace $0x80000051  }
0xbb: {  	_ =	swait.ge [sflag:s29], $0x1  }
0xbc: {  	[sflag:s29] =	ssyncadd.s32 $0xFFFFFFFF  }
0xbd: {  	_ =	strace $0x90000051  }
0xbe: {  	_ =	sfence  }
0xbf: {  	s30 =	sld [smem:$0x0];
	_ =	sdelay $0x2  }
0xc0: {  	s31 =	sshll.u32 s1, $0xD;
	s1 =	sshrl.u32 s1, $0x2  }
0xc1: {  	s3 =	sand.u32 $0x4000, s31;
	s1 =	sadd.s32 s1, s30  }
0xc2: {  	s0 =	sor.u32 s3, s0;
	s1 =	sshll.u32 s1, $0x11  }
0xc3: {  	s0 =	sor.u32 s1, s0  }
0xc4: {  	s0 =	sadd.s32 $0x8F2B, s0  }
0xc5: {  	[sflag:s0] =	ssyncadd.remote.s32 $0x1  }
0xc6: {  	_ =	sfence.sel $0xFFFF  }
0xc7: {  	[dreg:$0x0] =	wrdreg $0xFFFFFFFF;
	(pc) =	sbr.abs _section_cstart, $3  }
0xc8: {  	[dreg:$0x1] =	wrdreg $0xFFFFFFFF  }
0xc9: {  	_ =	task.clear_ibuf [dreg:s8], $0x2FFFF;
	_ =	strace $0x9FFFFFFF  }
0xca: {  	(tm) =	ssettm $0x7FFFFFFF  }
0xcb: {  	_ =	shalt  }
tec
execute0_lowered:
.L_overlay_start_1:
0x0: {  	(tag) =	ssettag $0x1  }
0x1: {  	s6 =	rddreg [dreg:$0x0]  }
0x2: {  	s7 =	rddreg [dreg:$0x1]  }
0x3: {  	s8 =	rddreg [dreg:$0x2]  }
0x4: {  	s2 =	rddreg [dreg:$0x3]  }
0x5: {  	s0 =	rddreg [dreg:$0x4];
	s4 =	srdreg.scid  }
0x6: {  	s3 =	simm.s32 $0x0;
	s1 =	stileid.u32;
	s15 =	simm.s32 $0x70  }
0x7: {  	s16 =	simm.s32 $0x13C00;
	s17 =	simm.s32 $0x1AC70;
	s18 =	simm.s32 $0x17400  }
0x8: {  	s19 =	simm.s32 $0x1;
	s20 =	simm.s32 $0x2;
	s21 =	simm.s32 $0x3  }
0x9: {  	s22 =	simm.s32 $0x4;
	s23 =	simm.s32 $0x1FA00;
	s24 =	simm.s32 $0x1FA70  }
0xa: {  	s25 =	simm.s32 $0x0;
	s9 =	sand.u32 $0x1, s4;
	s10 =	smul.u32 $0x2780, s1  }
0xb: {  	[smem:$0x7FF] =	sst s3;
	s5 =	sadd.s32 $0x54C00, s6;
	s29 =	smul.u32 $0x4F000, s1  }
0xc: {  	s13 =	smul.u32 $0x4EC, s1;
	s31 =	sshll.u32 s1, $0x6;
	s4 =	sshll.u32 s9, $0x4  }
0xd: {  	_ =	strace $0x80000050;
	s11 =	smul.u32 $0x28000, s9;
	s9 =	ssub.s32 $0x2, s9  }
0xe: {  	s12 =	sor.u32 s1, s4;
	s4 =	sadd.s32 $0x4C00, s6;
	s30 =	sshrl.u32 s9, $0x1  }
0xf: {  	s12 =	smul.u32 $0x4EC, s12;
	s10 =	sadd.s32 s10, s11;
	s11 =	sshrl.u32 s29, $0x2  }
0x10: {  	s9 =	ssub.s32 s9, s30;
	s10 =	sadd.s32 s10, s6;
	s14 =	sadd.s32 s11, s2  }
0x11: {  	s9 =	smax.u32 s9, $0x1;
	s11 =	simm.s32 $0x5;
	s6 =	sadd.s32 s7, s12  }
0x12: {  	s7 =	sadd.s32 s8, s13;
	s8 =	sadd.s32 $0x57400, s10;
	s10 =	simm.s32 $0x1AC00  }
0x13: {  	s12 =	simm.s32 $0x1D380;
	s13 =	sor.u32 $0x1C05, s31;
	s14 =	sshrl.u32 s14, $0x3  }
.LBB2_1:
0x14: {  	[tilespmem:s10], [sflag:$0x5] =	stream.linear.gather [hbm4b:s6+s3], $0x2760, $0x38;
	[tilespmem:$0x1FB00] =	vst v63  }
0x15: {  	_ =	swait.ge [sflag:s11], $0x2760  }
0x16: {  	[sflag:s11] =	ssyncset.done $0x0  }
0x17: {  	[sflag:s11] =	ssyncadd.s32 $0xFFFFD8A0  }
0x18: {  	[tilespmem:s12], [sflag:$0x5] =	stream.linear.gather [hbm4b:s7+s3], $0x2760, $0x38;
	[tilespmem:$0x1FB00] =	vst v63  }
0x19: {  	_ =	swait.ge [sflag:s11], $0x2760  }
0x1a: {  	[sflag:s11] =	ssyncset.done $0x0  }
0x1b: {  	[sflag:s11] =	ssyncadd.s32 $0xFFFFD8A0  }
0x1c: {  	[spmem:s14], [sflag:s13] =	dma.local [hbm:s5], $0x2780  }
0x1d: {  	_ =	swait.ge [sflag:s11], $0x2780  }
0x1e: {  	[sflag:s11] =	ssyncset.done $0x0  }
0x1f: {  	[sflag:s11] =	ssyncadd.s32 $0xFFFFD880  }
0x20: {  	[bflag:$0x0] =	sbarrier.arrive $0xFFFF  }
0x21: {  	[tilespmem:s16], [sflag:$0x1] =	stream.indirect.gather [hbm4b:s4+s15], $0x80, s10, s15, $0xb8;
	[tilespmem:$0x1FB00] =	vst v63  }
0x22: {  	_ = 	snop  }
0x23: {  	[tilespmem:s18], [sflag:$0x2] =	stream.indirect.gather [hbm4b:s4+s15], $0x80, s17, s15, $0xb8;
	[tilespmem:$0x1FB00] =	vst v63  }
0x24: {  	_ =	swait.ge [sflag:s19], $0x3800  }
0x25: {  	[sflag:s19] =	ssyncset.done $0x0  }
0x26: {  	s26 =	simm.s32 $0x1D380;
	[sflag:s19] =	ssyncadd.s32 $0xFFFFC800  }
0x27: {  	[spmem:s2] =	stream.indirect.scatter.add.f32 [tilespmem:s16], [sflag:$0x3], $0x80, s26, s15, $0xb8;
	[tilespmem:$0x1FB00] =	vst v63  }
0x28: {  	_ =	swait.ge [sflag:s20], $0x3800  }
0x29: {  	[sflag:s20] =	ssyncset.done $0x0  }
0x2a: {  	s30 =	simm.s32 $0x1D3F0;
	[sflag:s20] =	ssyncadd.s32 $0xFFFFC800  }
0x2b: {  	[spmem:s2] =	stream.indirect.scatter.add.f32 [tilespmem:s18], [sflag:$0x4], $0x80, s30, s15, $0xb8;
	[tilespmem:$0x1FB00] =	vst v63  }
0x2c: {  	_ =	swait.ge [sflag:s21], $0x3800  }
0x2d: {  	[sflag:s21] =	ssyncset.done $0x0  }
0x2e: {  	s31 =	simm.s32 $0x1ACE0;
	[sflag:s21] =	ssyncadd.s32 $0xFFFFC800  }
0x2f: {  	[tilespmem:s16], [sflag:$0x1] =	stream.indirect.gather [hbm4b:s4+s15], $0x80, s31, s15, $0xb8;
	[tilespmem:$0x1FB00] =	vst v63  }
0x30: {  	_ =	swait.ge [sflag:s22], $0x3800  }
0x31: {  	[sflag:s22] =	ssyncset.done $0x0  }
0x32: {  	s28 =	simm.s32 $0x1AD50;
	s26 =	simm.s32 $0x380;
	[sflag:s22] =	ssyncadd.s32 $0xFFFFC800  }
.LBB2_2:
0x33: {  	[tilespmem:s18], [sflag:$0x2] =	stream.indirect.gather [hbm4b:s4+s15], $0x80, s28, s15, $0xb8;
	[tilespmem:$0x1FB00] =	vst v63  }
0x34: {  	s28 =	smov.u32 s26  }
0x35: {  	p0 =	sne.s32 s26, $0x9680;
	s26 =	sadd.s32 $0x380, s26;
	_ =	swait.ge [sflag:s19], $0x3800  }
0x36: {  	s28 =	sshra.s32 s28, $0x2;
	[sflag:s19] =	ssyncset.done $0x0  }
0x37: {  	s29 =	sadd.s32 $0x1D380, s28;
	[sflag:s19] =	ssyncadd.s32 $0xFFFFC800  }
0x38: {  	[spmem:s2] =	stream.indirect.scatter.add.f32 [tilespmem:s16], [sflag:$0x3], $0x80, s29, s15, $0xb8;
	[tilespmem:$0x1FB00] =	vst v63  }
0x39: {  	_ =	swait.ge [sflag:s20], $0x3800  }
0x3a: {  	[sflag:s20] =	ssyncset.done $0x0  }
0x3b: {  	s29 =	sadd.s32 $0x1D3F0, s28;
	[sflag:s20] =	ssyncadd.s32 $0xFFFFC800  }
0x3c: {  	[spmem:s2] =	stream.indirect.scatter.add.f32 [tilespmem:s18], [sflag:$0x4], $0x80, s29, s15, $0xb8;
	[tilespmem:$0x1FB00] =	vst v63  }
0x3d: {  	_ =	swait.ge [sflag:s21], $0x3800  }
0x3e: {  	[sflag:s21] =	ssyncset.done $0x0  }
.Ltmp0:
0x3f: {  	s29 =	sadd.s32 $0x1ACE0, s28;
	[sflag:s21] =	ssyncadd.s32 $0xFFFFC800;
	(pc) =	sbr.rel @p0 .LBB2_2-.Ltmp0, $4  }
0x40: {  	[tilespmem:s16], [sflag:$0x1] =	stream.indirect.gather [hbm4b:s4+s15], $0x80, s29, s15, $0xb8;
	[tilespmem:$0x1FB00] =	vst v63  }
0x41: {  	_ =	swait.ge [sflag:s22], $0x3800  }
0x42: {  	[sflag:s22] =	ssyncset.done $0x0  }
0x43: {  	s28 =	sadd.s32 $0x1AD50, s28;
	[sflag:s22] =	ssyncadd.s32 $0xFFFFC800  }
0x44: {  	[tilespmem:s18], [sflag:$0x2] =	stream.indirect.gather [hbm4b:s4+s15], $0x80, s28, s15, $0xb8;
	[tilespmem:$0x1FB00] =	vst v63  }
0x45: {  	_ =	swait.ge [sflag:s19], $0x3800  }
0x46: {  	[sflag:s19] =	ssyncset.done $0x0  }
0x47: {  	[sflag:s19] =	ssyncadd.s32 $0xFFFFC800  }
0x48: {  	[spmem:s2] =	stream.indirect.scatter.add.f32 [tilespmem:s16], [sflag:$0x3], $0x80, s23, s15, $0xb8;
	[tilespmem:$0x1FB00] =	vst v63  }
0x49: {  	_ =	swait.ge [sflag:s20], $0x3800  }
0x4a: {  	[sflag:s20] =	ssyncset.done $0x0  }
0x4b: {  	[sflag:s20] =	ssyncadd.s32 $0xFFFFC800  }
0x4c: {  	[spmem:s2] =	stream.indirect.scatter.add.f32 [tilespmem:s18], [sflag:$0x4], $0x80, s24, s15, $0xb8;
	[tilespmem:$0x1FB00] =	vst v63  }
0x4d: {  	_ =	swait.ge [sflag:s21], $0x3800  }
0x4e: {  	[sflag:s21] =	ssyncset.done $0x0  }
0x4f: {  	[sflag:s21] =	ssyncadd.s32 $0xFFFFC800  }
0x50: {  	_ =	swait.ge [sflag:s22], $0x3800  }
0x51: {  	s25 =	sadd.s32 $0x1, s25;
	[sflag:s22] =	ssyncset.done $0x0  }
0x52: {  	p0 =	sne.s32 s25, s9;
	[sflag:s22] =	ssyncadd.s32 $0xFFFFC800  }
.Ltmp1:
0x53: {  	[bflag:$0x0] =	sbarrier.arrive $0xFFFF;
	(pc) =	sbr.rel @p0 .LBB2_1-.Ltmp1, $4  }
0x54: {  	[hbm:s8], [sflag:s13] =	dma.local [spmem:s14], $0x2780  }
0x55: {  	_ =	swait.ge [sflag:s11], $0x2780  }
0x56: {  	[sflag:s11] =	ssyncset.done $0x0  }
0x57: {  	[sflag:s11] =	ssyncadd.s32 $0xFFFFD880  }
0x58: {  	_ =	sfence.sel $0x180000  }
0x59: {  	[bflag:$0x0] =	sbarrier.arrive $0xFFFF  }
0x5a: {  	p0 =	sne.s32 s1, $0x0;
	_ =	strace $0x90000050  }
0x5b: {  	s0 =	sadd.s32 @!p0 $0x100000, s0;
	[bflag:$0x2] =	sbarrier.arrive $0xFFFF  }
0x5c: {  	[sflag:s0] =	ssyncadd.tile.s32 @!p0 $0x1;
	_ =	shalt  }
.Lfunc_end2:
_tile_overlayer_lowered:
.L_overlay_start_2:
0x5d: {  	(tag) =	ssettag $0x2  }
0x5e: {  	s0 =	rddreg [dreg:$0x0];
	s2 =	stileid.u32  }
0x5f: {  	s1 =	rddreg [dreg:$0x1];
	p0 =	sne.s32 s2, $0x0  }
0x60: {  	s3 =	rddreg [dreg:$0x2];
	[bflag:$0x3] =	sbarrier.arrive $0xFFFF;
	s2 =	simm.s32 @!p0 $0x1C05  }
0x61: {  	[timem:s3], [sflag:s2] =	dma.local @!p0 [hbm:s0], s1  }
0x62: {  	s0 =	simm.s32 @!p0 $0x5  }
0x63: {  	_ =	swait.ge @!p0 [sflag:s0], s1  }
0x64: {  	s1 =	ssub.s32 @!p0 $0x0, s1;
	[sflag:s0] =	ssyncset.done @!p0 $0x0  }
0x65: {  	[sflag:s0] =	ssyncadd.s32 @!p0 s1  }
0x66: {  	[bflag:$0x3] =	sbarrier.arrive $0xFFFF  }
0x67: {  	_ =	shalt  }

// kernel: kernel.26.cloned.1.call-start
scs
__scs_entry_jumppad:
0x0: {  	(pc) =	sbr.rel $0x88, $3  }
0x1: {  	(tag) =	ssettag $0x0;
	lr =	simm.s32 $0x1  }
0x2: {  	[smem:$0x3F96] =	sst lr;
	_ =	strace $0xD0000000  }
0x3: {  	_ = 	snop  }
0x4: {  	_ = 	snop  }
0x5: {  	_ = 	snop  }
0x6: {  	_ = 	snop  }
0x7: {  	_ = 	snop  }
__scs_overlays_trampoline_lowered:
0x8: {  	[smem:$0x3FA5] =	sst s0  }
0x9: {  	[smem:$0x3FA6] =	sst s1  }
0xa: {  	[smem:$0x3FA7] =	sst s2  }
0xb: {  	[smem:$0x3FA8] =	sst s3  }
0xc: {  	[smem:$0x3FA9] =	sst s4  }
0xd: {  	[smem:$0x3FAA] =	sst s5  }
0xe: {  	[smem:$0x3FAB] =	sst s6  }
0xf: {  	[smem:$0x3FAC] =	sst s7  }
0x10: {  	[smem:$0x3FAD] =	sst s8  }
0x11: {  	[smem:$0x3FAE] =	sst s9;
	s0 =	simm.s32 @!p0 $0x0  }
0x12: {  	s1 =	sld [smem:$0x3F94];
	s0 =	simm.s32 @p0 $0x1  }
0x13: {  	[smem:$0x3FAF] =	sst s0;
	s0 =	simm.s32 @!p1 $0x0  }
0x14: {  	s2 =	sld [smem:$0x3F93];
	s0 =	simm.s32 @p1 $0x1  }
0x15: {  	[smem:$0x3FB0] =	sst s0;
	s0 =	simm.s32 @!p2 $0x0  }
0x16: {  	s3 =	sld [smem:$0x3FDB];
	s0 =	simm.s32 @p2 $0x1  }
0x17: {  	s4 =	simm.s32 $0x1BF5;
	[smem:$0x3FB2] =	sst s0  }
0x18: {  	s0 =	sld [smem:$0x3F95];
	_ =	swait.ge [sflag:s4], $0x0  }
0x19: {  	s7 =	sld [smem:$0x3F96]  }
0x1a: {  	s8 =	sadd.s32 $0xFFFFE003, lr  }
0x1b: {  	s9 =	sadd.s32 $0xFFFFFEF7, lr;
	s5 =	simm.s32 $0xFFFFFFFF;
	p2 =	slt.u32 s8, $0xFFFFF086  }
0x1c: {  	p1 =	slt.u32 s9, $0xF7A;
	s5 =	simm.s32 @!p2 $0x0  }
0x1d: {  	s5 =	simm.s32 @p1 $0x1;
	p0 =	seq.s32 s7, s2  }
0x1e: {  	s7 =	smul.u32 @!p0 $0xF7A, s2;
	p2 =	seq.s32 @!p0 s5, $0x0  }
0x1f: {  	s9 =	smul.u32 $0xF7A, s1;
	s8 =	simm.s32 @!p0 $0x1BF5;
	p2 =	por !p2, p0  }
0x20: {  	[sflag:s8] =	ssyncset.s32 @!p0 $0xFFFFF086;
	s6 =	sadd.s32 @!p0 s3, s7;
	s7 =	simm.s32 @!p0 $0x108  }
0x21: {  	s3 =	sadd.s32 s3, s9;
	s6 =	sadd.s32 @!p0 $0x88, s6;
	s7 =	simm.s32 @p2 $0x1082  }
0x22: {  	[simem:s7], [sflag:s8] =	dma.local @!p0 [hbm:s6], $0xF7A  }
0x23: {  	s9 =	sor.u32 $0xD0000000, s2;
	s6 =	simm.s32 $0x108;
	_ =	swait.ge @!p0 [sflag:s8], $0x0  }
0x24: {  	s3 =	sadd.s32 $0x88, s3;
	s6 =	simm.s32 @!p1 $0x1082;
	[sflag:s4] =	ssyncset.s32 $0xFFFFF086  }
0x25: {  	[simem:s6], [sflag:s4] =	dma.local [hbm:s3], $0xF7A  }
0x26: {  	[smem:$0x3F96] =	sst s1;
	(tag) =	ssettag s2;
	_ =	strace s9  }
0x27: {  	s1 =	sld [smem:$0x3FA6]  }
0x28: {  	s2 =	sld [smem:$0x3FA7]  }
0x29: {  	s4 =	sld [smem:$0x3FA9]  }
0x2a: {  	p0 =	seq.s32 s5, $0x0;
	s5 =	sld [smem:$0x3FAA]  }
0x2b: {  	s6 =	sld [smem:$0x3FAB]  }
0x2c: {  	s7 =	sld [smem:$0x3FAC]  }
0x2d: {  	s3 =	simm.s32 $0x108;
	s8 =	sld [smem:$0x3FAD]  }
0x2e: {  	s3 =	simm.s32 @!p0 $0x1082;
	s9 =	sld [smem:$0x3FAE]  }
0x2f: {  	lr =	sadd.s32 s0, s3;
	s0 =	sld [smem:$0x3FA5]  }
0x30: {  	s3 =	sld [smem:$0x3FA8]  }
0x31: {  	[smem:$0x3FB1] =	sst s10  }
0x32: {  	s10 =	sld [smem:$0x3FAF];
	_ =	sdelay $0x3  }
0x33: {  	p0 =	seq.s32 s10, $0x1;
	s10 =	sld [smem:$0x3FB1];
	_ =	sdelay $0x3  }
0x34: {  	[smem:$0x3FB1] =	sst s10  }
0x35: {  	s10 =	sld [smem:$0x3FB0];
	_ =	sdelay $0x3  }
0x36: {  	p1 =	seq.s32 s10, $0x1;
	s10 =	sld [smem:$0x3FB1];
	_ =	sdelay $0x3  }
0x37: {  	[smem:$0x3FB1] =	sst s10  }
0x38: {  	s10 =	sld [smem:$0x3FB2]  }
0x39: {  	_ = 	snop;
	(pc) =	sbr.ind lr, $3  }
0x3a: {  	_ = 	snop  }
0x3b: {  	_ = 	snop  }
0x3c: {  	p2 =	seq.s32 s10, $0x1;
	s10 =	sld [smem:$0x3FB1]  }
0x3d: {  	_ =	shalt  }
0x3e: {  	_ =	shalt  }
0x3f: {  	_ =	shalt  }
0x40: {  	_ =	shalt  }
0x41: {  	_ =	shalt  }
0x42: {  	_ =	shalt  }
0x43: {  	_ =	shalt  }
0x44: {  	_ =	shalt  }
0x45: {  	_ =	shalt  }
0x46: {  	_ =	shalt  }
0x47: {  	_ =	shalt  }
0x48: {  	_ =	shalt  }
0x49: {  	_ =	shalt  }
0x4a: {  	_ =	shalt  }
0x4b: {  	_ =	shalt  }
0x4c: {  	_ =	shalt  }
0x4d: {  	_ =	shalt  }
0x4e: {  	_ =	shalt  }
0x4f: {  	_ =	shalt  }
0x50: {  	_ =	shalt  }
0x51: {  	_ =	shalt  }
0x52: {  	_ =	shalt  }
0x53: {  	_ =	shalt  }
0x54: {  	_ =	shalt  }
0x55: {  	_ =	shalt  }
0x56: {  	_ =	shalt  }
0x57: {  	_ =	shalt  }
0x58: {  	_ =	shalt  }
0x59: {  	_ =	shalt  }
0x5a: {  	_ =	shalt  }
0x5b: {  	_ =	shalt  }
0x5c: {  	_ =	shalt  }
0x5d: {  	_ =	shalt  }
0x5e: {  	_ =	shalt  }
0x5f: {  	_ =	shalt  }
0x60: {  	_ =	shalt  }
0x61: {  	_ =	shalt  }
0x62: {  	_ =	shalt  }
0x63: {  	_ =	shalt  }
0x64: {  	_ =	shalt  }
0x65: {  	_ =	shalt  }
0x66: {  	_ =	shalt  }
0x67: {  	_ =	shalt  }
0x68: {  	_ =	shalt  }
0x69: {  	_ =	shalt  }
0x6a: {  	_ =	shalt  }
0x6b: {  	_ =	shalt  }
0x6c: {  	_ =	shalt  }
0x6d: {  	_ =	shalt  }
0x6e: {  	_ =	shalt  }
0x6f: {  	_ =	shalt  }
0x70: {  	_ =	shalt  }
0x71: {  	_ =	shalt  }
0x72: {  	_ =	shalt  }
0x73: {  	_ =	shalt  }
0x74: {  	_ =	shalt  }
0x75: {  	_ =	shalt  }
0x76: {  	_ =	shalt  }
0x77: {  	_ =	shalt  }
0x78: {  	_ =	shalt  }
0x79: {  	_ =	shalt  }
0x7a: {  	_ =	shalt  }
0x7b: {  	_ =	shalt  }
0x7c: {  	_ =	shalt  }
0x7d: {  	_ =	shalt  }
0x7e: {  	_ =	shalt  }
0x7f: {  	_ =	shalt  }
0x80: {  	_ =	shalt  }
0x81: {  	_ =	shalt  }
0x82: {  	_ =	shalt  }
0x83: {  	_ =	shalt  }
0x84: {  	_ =	shalt  }
0x85: {  	_ =	shalt  }
0x86: {  	_ =	shalt  }
0x87: {  	_ =	shalt  }
.Lfunc_end0:
.L_simem_size_0:
called_computation.4_lowered:
.L_overlay_start_0:
0x88: {  	s2 =	sld [smem:$0x3FD9]  }
0x89: {  	s3 =	sld [smem:$0x3FFE];
	_ =	sdelay $0x1  }
0x8a: {  	s1 =	srdreg.scid  }
0x8b: {  	s0 =	sand.u32 $0x1, s1  }
0x8c: {  	s14 =	sshll.u32 s0, $0xA;
	s2 =	sadd.s32 s3, s2  }
0x8d: {  	s2 =	sadd.s32 s2, s14  }
0x8e: {  	[smem:$0x3FBD] =	sst s2  }
0x8f: {  	_ = 	snop  }
0x90: {  	s2 =	sld [smem:$0x3FD0];
	_ =	sdelay $0x2  }
0x91: {  	s15 =	simm.s32 $0xA;
	s4 =	simm.s32 $0x10  }
0x92: {  	[smem:s4], [sflag:s15] =	dma.local [hbm:s2], $0x1  }
0x93: {  	_ =	swait.eq [sflag:s15], $0x1  }
0x94: {  	[sflag:s15] =	ssyncset.done $0x0  }
0x95: {  	s16 =	sld [smem:$0x10];
	[sflag:s15] =	ssyncadd.s32 $0xFFFFFFFF  }
0x96: {  	s17 =	sld [smem:$0x11];
	(tm) =	ssettm $0x1  }
0x97: {  	s18 =	sld [smem:$0x3FFB];
	_ =	sdelay $0x3  }
0x98: {  	_ =	strace s18  }
0x99: {  	s4 =	sld [smem:$0x3FFC];
	_ =	sdelay $0x3  }
0x9a: {  	_ =	strace s4  }
0x9b: {  	s4 =	sld [smem:$0x3FFD];
	_ =	sdelay $0x3  }
0x9c: {  	_ =	strace s4  }
0x9d: {  	_ =	strace $0x8FFFFFFF  }
0x9e: {  	s19 =	sld [smem:$0x3FDB];
	_ =	sdelay $0x1  }
0x9f: {  	s5 =	simm.s32 $_scs_section_size  }
0xa0: {  	s6 =	simm.s32 $_size__tile_overlayer_lowered;
	s7 =	simm.s32 $_tile_overlayer_lowered  }
0xa1: {  	s22 =	simm.s32 $0x1BFF;
	s21 =	sshll.u32 s7, $0x1;
	s4 =	sadd.s32 s5, s19  }
0xa2: {  	s8 =	simm.s32 $0x0;
	s20 =	sshll.u32 s6, $0x1;
	s6 =	sadd.s32 s21, s4  }
0xa3: {  	[timem:s8], [sflag:s22] =	dma.local [hbm:s6], s20  }
0xa4: {  	_ =	swait.ge [sflag:s22], s20  }
0xa5: {  	s5 =	ssub.s32 $0x0, s20;
	[sflag:s22] =	ssyncset.done $0x0  }
0xa6: {  	[sflag:s22] =	ssyncadd.s32 s5;
	_ =	sdelay $0x1  }
0xa7: {  	s23 =	simm.s32 $0x1B8B  }
0xa8: {  	_ =	swait.ge [sflag:s23], $0x1  }
0xa9: {  	[sflag:s23] =	ssyncset.done $0x0  }
0xaa: {  	s25 =	simm.s32 $0x1B8E;
	s24 =	sld [smem:$0x3FFE];
	[sflag:s23] =	ssyncadd.s32 $0xFFFFFFFF  }
0xab: {  	s26 =	simm.s32 $execute0_lowered;
	[smem:$0x3FD2] =	sst s25  }
0xac: {  	s6 =	sshll.u32 s26, $0x1;
	_ =	strace $0x80000052;
	[dreg:$0x1] =	wrdreg $0xFFFFFFFF  }
0xad: {  	s28 =	simm.s32 $_size_execute0_lowered;
	s4 =	sadd.s32 s4, s6;
	[dreg:$0x0] =	wrdreg $0x0  }
0xae: {  	s6 =	sshll.u32 s28, $0x1;
	[dreg:$0x2] =	wrdreg s4  }
0xaf: {  	[dreg:$0x3] =	wrdreg s6  }
0xb0: {  	[dreg:$0x4] =	wrdreg $0xC0  }
0xb1: {  	_ =	task [dreg:s8], $0x5FFFF  }
0xb2: {  	[dreg:$0x1] =	wrdreg $0xFFFFFFFF  }
0xb3: {  	[dreg:$0x0] =	wrdreg $0x60  }
0xb4: {  	[dreg:$0x2] =	wrdreg s24  }
0xb5: {  	[dreg:$0x3] =	wrdreg s17  }
0xb6: {  	[dreg:$0x4] =	wrdreg s16  }
0xb7: {  	[dreg:$0x5] =	wrdreg $0x0  }
0xb8: {  	[dreg:$0x6] =	wrdreg $0x9  }
0xb9: {  	_ =	task.clear_ibuf [dreg:s8], $0x7FFFF;
	_ =	strace $0x90000052  }
0xba: {  	s29 =	simm.s32 $0x9;
	_ =	strace $0x80000054  }
0xbb: {  	_ =	swait.ge [sflag:s29], $0x1  }
0xbc: {  	[sflag:s29] =	ssyncadd.s32 $0xFFFFFFFF  }
0xbd: {  	_ =	strace $0x90000054  }
0xbe: {  	_ =	sfence  }
0xbf: {  	s30 =	sld [smem:$0x0];
	_ =	sdelay $0x2  }
0xc0: {  	s31 =	sshll.u32 s1, $0xD;
	s1 =	sshrl.u32 s1, $0x2  }
0xc1: {  	s3 =	sand.u32 $0x4000, s31;
	s1 =	sadd.s32 s1, s30  }
0xc2: {  	s0 =	sor.u32 s3, s0;
	s1 =	sshll.u32 s1, $0x11  }
0xc3: {  	s0 =	sor.u32 s1, s0  }
0xc4: {  	s0 =	sadd.s32 $0x8F2B, s0  }
0xc5: {  	[sflag:s0] =	ssyncadd.remote.s32 $0x1  }
0xc6: {  	_ =	sfence.sel $0xFFFF  }
0xc7: {  	[dreg:$0x0] =	wrdreg $0xFFFFFFFF;
	(pc) =	sbr.abs _section_cstart, $3  }
0xc8: {  	[dreg:$0x1] =	wrdreg $0xFFFFFFFF  }
0xc9: {  	_ =	task.clear_ibuf [dreg:s8], $0x2FFFF;
	_ =	strace $0x9FFFFFFF  }
0xca: {  	(tm) =	ssettm $0x7FFFFFFF  }
0xcb: {  	_ =	shalt  }
tec
execute0_lowered:
.L_overlay_start_1:
0x0: {  	(tag) =	ssettag $0x1  }
0x1: {  	s6 =	rddreg [dreg:$0x0]  }
0x2: {  	s7 =	rddreg [dreg:$0x1]  }
0x3: {  	s8 =	rddreg [dreg:$0x2]  }
0x4: {  	s2 =	rddreg [dreg:$0x3]  }
0x5: {  	s0 =	rddreg [dreg:$0x4];
	s4 =	srdreg.scid  }
0x6: {  	s3 =	simm.s32 $0x0;
	s1 =	stileid.u32;
	s15 =	simm.s32 $0x70  }
0x7: {  	s16 =	simm.s32 $0x13C00;
	s17 =	simm.s32 $0x1AC70;
	s18 =	simm.s32 $0x17400  }
0x8: {  	s19 =	simm.s32 $0x1;
	s20 =	simm.s32 $0x2;
	s21 =	simm.s32 $0x3  }
0x9: {  	s22 =	simm.s32 $0x4;
	s23 =	simm.s32 $0x1FA00;
	s24 =	simm.s32 $0x1FA70  }
0xa: {  	s25 =	simm.s32 $0x0;
	s9 =	sand.u32 $0x1, s4;
	s10 =	smul.u32 $0x2780, s1  }
0xb: {  	[smem:$0x7FF] =	sst s3;
	s5 =	sadd.s32 $0x54C00, s6;
	s29 =	smul.u32 $0x4F000, s1  }
0xc: {  	s13 =	smul.u32 $0x4EC, s1;
	s31 =	sshll.u32 s1, $0x6;
	s4 =	sshll.u32 s9, $0x4  }
0xd: {  	_ =	strace $0x80000053;
	s11 =	smul.u32 $0x28000, s9;
	s9 =	ssub.s32 $0x2, s9  }
0xe: {  	s12 =	sor.u32 s1, s4;
	s4 =	sadd.s32 $0x4C00, s6;
	s30 =	sshrl.u32 s9, $0x1  }
0xf: {  	s12 =	smul.u32 $0x4EC, s12;
	s10 =	sadd.s32 s10, s11;
	s11 =	sshrl.u32 s29, $0x2  }
0x10: {  	s9 =	ssub.s32 s9, s30;
	s10 =	sadd.s32 s10, s6;
	s14 =	sadd.s32 s11, s2  }
0x11: {  	s9 =	smax.u32 s9, $0x1;
	s11 =	simm.s32 $0x5;
	s6 =	sadd.s32 s7, s12  }
0x12: {  	s7 =	sadd.s32 s8, s13;
	s8 =	sadd.s32 $0x57400, s10;
	s10 =	simm.s32 $0x1AC00  }
0x13: {  	s12 =	simm.s32 $0x1D380;
	s13 =	sor.u32 $0x1C05, s31;
	s14 =	sshrl.u32 s14, $0x3  }
.LBB2_1:
0x14: {  	[tilespmem:s10], [sflag:$0x5] =	stream.linear.gather [hbm4b:s6+s3], $0x2760, $0x38;
	[tilespmem:$0x1FB00] =	vst v63  }
0x15: {  	_ =	swait.ge [sflag:s11], $0x2760  }
0x16: {  	[sflag:s11] =	ssyncset.done $0x0  }
0x17: {  	[sflag:s11] =	ssyncadd.s32 $0xFFFFD8A0  }
0x18: {  	[tilespmem:s12], [sflag:$0x5] =	stream.linear.gather [hbm4b:s7+s3], $0x2760, $0x38;
	[tilespmem:$0x1FB00] =	vst v63  }
0x19: {  	_ =	swait.ge [sflag:s11], $0x2760  }
0x1a: {  	[sflag:s11] =	ssyncset.done $0x0  }
0x1b: {  	[sflag:s11] =	ssyncadd.s32 $0xFFFFD8A0  }
0x1c: {  	[spmem:s14], [sflag:s13] =	dma.local [hbm:s5], $0x2780  }
0x1d: {  	_ =	swait.ge [sflag:s11], $0x2780  }
0x1e: {  	[sflag:s11] =	ssyncset.done $0x0  }
0x1f: {  	[sflag:s11] =	ssyncadd.s32 $0xFFFFD880  }
0x20: {  	[bflag:$0x0] =	sbarrier.arrive $0xFFFF  }
0x21: {  	[tilespmem:s16], [sflag:$0x1] =	stream.indirect.gather [hbm4b:s4+s15], $0x80, s10, s15, $0xb8;
	[tilespmem:$0x1FB00] =	vst v63  }
0x22: {  	_ = 	snop  }
0x23: {  	[tilespmem:s18], [sflag:$0x2] =	stream.indirect.gather [hbm4b:s4+s15], $0x80, s17, s15, $0xb8;
	[tilespmem:$0x1FB00] =	vst v63  }
0x24: {  	_ =	swait.ge [sflag:s19], $0x3800  }
0x25: {  	[sflag:s19] =	ssyncset.done $0x0  }
0x26: {  	s26 =	simm.s32 $0x1D380;
	[sflag:s19] =	ssyncadd.s32 $0xFFFFC800  }
0x27: {  	[spmem:s2] =	stream.indirect.scatter.add.f32 [tilespmem:s16], [sflag:$0x3], $0x80, s26, s15, $0xb8;
	[tilespmem:$0x1FB00] =	vst v63  }
0x28: {  	_ =	swait.ge [sflag:s20], $0x3800  }
0x29: {  	[sflag:s20] =	ssyncset.done $0x0  }
0x2a: {  	s30 =	simm.s32 $0x1D3F0;
	[sflag:s20] =	ssyncadd.s32 $0xFFFFC800  }
0x2b: {  	[spmem:s2] =	stream.indirect.scatter.add.f32 [tilespmem:s18], [sflag:$0x4], $0x80, s30, s15, $0xb8;
	[tilespmem:$0x1FB00] =	vst v63  }
0x2c: {  	_ =	swait.ge [sflag:s21], $0x3800  }
0x2d: {  	[sflag:s21] =	ssyncset.done $0x0  }
0x2e: {  	s31 =	simm.s32 $0x1ACE0;
	[sflag:s21] =	ssyncadd.s32 $0xFFFFC800  }
0x2f: {  	[tilespmem:s16], [sflag:$0x1] =	stream.indirect.gather [hbm4b:s4+s15], $0x80, s31, s15, $0xb8;
	[tilespmem:$0x1FB00] =	vst v63  }
0x30: {  	_ =	swait.ge [sflag:s22], $0x3800  }
0x31: {  	[sflag:s22] =	ssyncset.done $0x0  }
0x32: {  	s28 =	simm.s32 $0x1AD50;
	s26 =	simm.s32 $0x380;
	[sflag:s22] =	ssyncadd.s32 $0xFFFFC800  }
.LBB2_2:
0x33: {  	[tilespmem:s18], [sflag:$0x2] =	stream.indirect.gather [hbm4b:s4+s15], $0x80, s28, s15, $0xb8;
	[tilespmem:$0x1FB00] =	vst v63  }
0x34: {  	s28 =	smov.u32 s26  }
0x35: {  	p0 =	sne.s32 s26, $0x9680;
	s26 =	sadd.s32 $0x380, s26;
	_ =	swait.ge [sflag:s19], $0x3800  }
0x36: {  	s28 =	sshra.s32 s28, $0x2;
	[sflag:s19] =	ssyncset.done $0x0  }
0x37: {  	s29 =	sadd.s32 $0x1D380, s28;
	[sflag:s19] =	ssyncadd.s32 $0xFFFFC800  }
0x38: {  	[spmem:s2] =	stream.indirect.scatter.add.f32 [tilespmem:s16], [sflag:$0x3], $0x80, s29, s15, $0xb8;
	[tilespmem:$0x1FB00] =	vst v63  }
0x39: {  	_ =	swait.ge [sflag:s20], $0x3800  }
0x3a: {  	[sflag:s20] =	ssyncset.done $0x0  }
0x3b: {  	s29 =	sadd.s32 $0x1D3F0, s28;
	[sflag:s20] =	ssyncadd.s32 $0xFFFFC800  }
0x3c: {  	[spmem:s2] =	stream.indirect.scatter.add.f32 [tilespmem:s18], [sflag:$0x4], $0x80, s29, s15, $0xb8;
	[tilespmem:$0x1FB00] =	vst v63  }
0x3d: {  	_ =	swait.ge [sflag:s21], $0x3800  }
0x3e: {  	[sflag:s21] =	ssyncset.done $0x0  }
.Ltmp0:
0x3f: {  	s29 =	sadd.s32 $0x1ACE0, s28;
	[sflag:s21] =	ssyncadd.s32 $0xFFFFC800;
	(pc) =	sbr.rel @p0 .LBB2_2-.Ltmp0, $4  }
0x40: {  	[tilespmem:s16], [sflag:$0x1] =	stream.indirect.gather [hbm4b:s4+s15], $0x80, s29, s15, $0xb8;
	[tilespmem:$0x1FB00] =	vst v63  }
0x41: {  	_ =	swait.ge [sflag:s22], $0x3800  }
0x42: {  	[sflag:s22] =	ssyncset.done $0x0  }
0x43: {  	s28 =	sadd.s32 $0x1AD50, s28;
	[sflag:s22] =	ssyncadd.s32 $0xFFFFC800  }
0x44: {  	[tilespmem:s18], [sflag:$0x2] =	stream.indirect.gather [hbm4b:s4+s15], $0x80, s28, s15, $0xb8;
	[tilespmem:$0x1FB00] =	vst v63  }
0x45: {  	_ =	swait.ge [sflag:s19], $0x3800  }
0x46: {  	[sflag:s19] =	ssyncset.done $0x0  }
0x47: {  	[sflag:s19] =	ssyncadd.s32 $0xFFFFC800  }
0x48: {  	[spmem:s2] =	stream.indirect.scatter.add.f32 [tilespmem:s16], [sflag:$0x3], $0x80, s23, s15, $0xb8;
	[tilespmem:$0x1FB00] =	vst v63  }
0x49: {  	_ =	swait.ge [sflag:s20], $0x3800  }
0x4a: {  	[sflag:s20] =	ssyncset.done $0x0  }
0x4b: {  	[sflag:s20] =	ssyncadd.s32 $0xFFFFC800  }
0x4c: {  	[spmem:s2] =	stream.indirect.scatter.add.f32 [tilespmem:s18], [sflag:$0x4], $0x80, s24, s15, $0xb8;
	[tilespmem:$0x1FB00] =	vst v63  }
0x4d: {  	_ =	swait.ge [sflag:s21], $0x3800  }
0x4e: {  	[sflag:s21] =	ssyncset.done $0x0  }
0x4f: {  	[sflag:s21] =	ssyncadd.s32 $0xFFFFC800  }
0x50: {  	_ =	swait.ge [sflag:s22], $0x3800  }
0x51: {  	s25 =	sadd.s32 $0x1, s25;
	[sflag:s22] =	ssyncset.done $0x0  }
0x52: {  	p0 =	sne.s32 s25, s9;
	[sflag:s22] =	ssyncadd.s32 $0xFFFFC800  }
.Ltmp1:
0x53: {  	[bflag:$0x0] =	sbarrier.arrive $0xFFFF;
	(pc) =	sbr.rel @p0 .LBB2_1-.Ltmp1, $4  }
0x54: {  	[hbm:s8], [sflag:s13] =	dma.local [spmem:s14], $0x2780  }
0x55: {  	_ =	swait.ge [sflag:s11], $0x2780  }
0x56: {  	[sflag:s11] =	ssyncset.done $0x0  }
0x57: {  	[sflag:s11] =	ssyncadd.s32 $0xFFFFD880  }
0x58: {  	_ =	sfence.sel $0x180000  }
0x59: {  	[bflag:$0x0] =	sbarrier.arrive $0xFFFF  }
0x5a: {  	p0 =	sne.s32 s1, $0x0;
	_ =	strace $0x90000053  }
0x5b: {  	s0 =	sadd.s32 @!p0 $0x100000, s0;
	[bflag:$0x2] =	sbarrier.arrive $0xFFFF  }
0x5c: {  	[sflag:s0] =	ssyncadd.tile.s32 @!p0 $0x1;
	_ =	shalt  }
.Lfunc_end2:
_tile_overlayer_lowered:
.L_overlay_start_2:
0x5d: {  	(tag) =	ssettag $0x2  }
0x5e: {  	s0 =	rddreg [dreg:$0x0];
	s2 =	stileid.u32  }
0x5f: {  	s1 =	rddreg [dreg:$0x1];
	p0 =	sne.s32 s2, $0x0  }
0x60: {  	s3 =	rddreg [dreg:$0x2];
	[bflag:$0x3] =	sbarrier.arrive $0xFFFF;
	s2 =	simm.s32 @!p0 $0x1C05  }
0x61: {  	[timem:s3], [sflag:s2] =	dma.local @!p0 [hbm:s0], s1  }
0x62: {  	s0 =	simm.s32 @!p0 $0x5  }
0x63: {  	_ =	swait.ge @!p0 [sflag:s0], s1  }
0x64: {  	s1 =	ssub.s32 @!p0 $0x0, s1;
	[sflag:s0] =	ssyncset.done @!p0 $0x0  }
0x65: {  	[sflag:s0] =	ssyncadd.s32 @!p0 s1  }
0x66: {  	[bflag:$0x3] =	sbarrier.arrive $0xFFFF  }
0x67: {  	_ =	shalt  }

// kernel: kernel.29.cloned.1.call-start
scs
__scs_entry_jumppad:
0x0: {  	(pc) =	sbr.rel $0x88, $3  }
0x1: {  	(tag) =	ssettag $0x0;
	lr =	simm.s32 $0x1  }
0x2: {  	[smem:$0x3F96] =	sst lr;
	_ =	strace $0xD0000000  }
0x3: {  	_ = 	snop  }
0x4: {  	_ = 	snop  }
0x5: {  	_ = 	snop  }
0x6: {  	_ = 	snop  }
0x7: {  	_ = 	snop  }
__scs_overlays_trampoline_lowered:
0x8: {  	[smem:$0x3FA5] =	sst s0  }
0x9: {  	[smem:$0x3FA6] =	sst s1  }
0xa: {  	[smem:$0x3FA7] =	sst s2  }
0xb: {  	[smem:$0x3FA8] =	sst s3  }
0xc: {  	[smem:$0x3FA9] =	sst s4  }
0xd: {  	[smem:$0x3FAA] =	sst s5  }
0xe: {  	[smem:$0x3FAB] =	sst s6  }
0xf: {  	[smem:$0x3FAC] =	sst s7  }
0x10: {  	[smem:$0x3FAD] =	sst s8  }
0x11: {  	[smem:$0x3FAE] =	sst s9;
	s0 =	simm.s32 @!p0 $0x0  }
0x12: {  	s1 =	sld [smem:$0x3F94];
	s0 =	simm.s32 @p0 $0x1  }
0x13: {  	[smem:$0x3FAF] =	sst s0;
	s0 =	simm.s32 @!p1 $0x0  }
0x14: {  	s2 =	sld [smem:$0x3F93];
	s0 =	simm.s32 @p1 $0x1  }
0x15: {  	[smem:$0x3FB0] =	sst s0;
	s0 =	simm.s32 @!p2 $0x0  }
0x16: {  	s3 =	sld [smem:$0x3FDB];
	s0 =	simm.s32 @p2 $0x1  }
0x17: {  	s4 =	simm.s32 $0x1BF5;
	[smem:$0x3FB2] =	sst s0  }
0x18: {  	s0 =	sld [smem:$0x3F95];
	_ =	swait.ge [sflag:s4], $0x0  }
0x19: {  	s7 =	sld [smem:$0x3F96]  }
0x1a: {  	s8 =	sadd.s32 $0xFFFFE003, lr  }
0x1b: {  	s9 =	sadd.s32 $0xFFFFFEF7, lr;
	s5 =	simm.s32 $0xFFFFFFFF;
	p2 =	slt.u32 s8, $0xFFFFF086  }
0x1c: {  	p1 =	slt.u32 s9, $0xF7A;
	s5 =	simm.s32 @!p2 $0x0  }
0x1d: {  	s5 =	simm.s32 @p1 $0x1;
	p0 =	seq.s32 s7, s2  }
0x1e: {  	s7 =	smul.u32 @!p0 $0xF7A, s2;
	p2 =	seq.s32 @!p0 s5, $0x0  }
0x1f: {  	s9 =	smul.u32 $0xF7A, s1;
	s8 =	simm.s32 @!p0 $0x1BF5;
	p2 =	por !p2, p0  }
0x20: {  	[sflag:s8] =	ssyncset.s32 @!p0 $0xFFFFF086;
	s6 =	sadd.s32 @!p0 s3, s7;
	s7 =	simm.s32 @!p0 $0x108  }
0x21: {  	s3 =	sadd.s32 s3, s9;
	s6 =	sadd.s32 @!p0 $0x88, s6;
	s7 =	simm.s32 @p2 $0x1082  }
0x22: {  	[simem:s7], [sflag:s8] =	dma.local @!p0 [hbm:s6], $0xF7A  }
0x23: {  	s9 =	sor.u32 $0xD0000000, s2;
	s6 =	simm.s32 $0x108;
	_ =	swait.ge @!p0 [sflag:s8], $0x0  }
0x24: {  	s3 =	sadd.s32 $0x88, s3;
	s6 =	simm.s32 @!p1 $0x1082;
	[sflag:s4] =	ssyncset.s32 $0xFFFFF086  }
0x25: {  	[simem:s6], [sflag:s4] =	dma.local [hbm:s3], $0xF7A  }
0x26: {  	[smem:$0x3F96] =	sst s1;
	(tag) =	ssettag s2;
	_ =	strace s9  }
0x27: {  	s1 =	sld [smem:$0x3FA6]  }
0x28: {  	s2 =	sld [smem:$0x3FA7]  }
0x29: {  	s4 =	sld [smem:$0x3FA9]  }
0x2a: {  	p0 =	seq.s32 s5, $0x0;
	s5 =	sld [smem:$0x3FAA]  }
0x2b: {  	s6 =	sld [smem:$0x3FAB]  }
0x2c: {  	s7 =	sld [smem:$0x3FAC]  }
0x2d: {  	s3 =	simm.s32 $0x108;
	s8 =	sld [smem:$0x3FAD]  }
0x2e: {  	s3 =	simm.s32 @!p0 $0x1082;
	s9 =	sld [smem:$0x3FAE]  }
0x2f: {  	lr =	sadd.s32 s0, s3;
	s0 =	sld [smem:$0x3FA5]  }
0x30: {  	s3 =	sld [smem:$0x3FA8]  }
0x31: {  	[smem:$0x3FB1] =	sst s10  }
0x32: {  	s10 =	sld [smem:$0x3FAF];
	_ =	sdelay $0x3  }
0x33: {  	p0 =	seq.s32 s10, $0x1;
	s10 =	sld [smem:$0x3FB1];
	_ =	sdelay $0x3  }
0x34: {  	[smem:$0x3FB1] =	sst s10  }
0x35: {  	s10 =	sld [smem:$0x3FB0];
	_ =	sdelay $0x3  }
0x36: {  	p1 =	seq.s32 s10, $0x1;
	s10 =	sld [smem:$0x3FB1];
	_ =	sdelay $0x3  }
0x37: {  	[smem:$0x3FB1] =	sst s10  }
0x38: {  	s10 =	sld [smem:$0x3FB2]  }
0x39: {  	_ = 	snop;
	(pc) =	sbr.ind lr, $3  }
0x3a: {  	_ = 	snop  }
0x3b: {  	_ = 	snop  }
0x3c: {  	p2 =	seq.s32 s10, $0x1;
	s10 =	sld [smem:$0x3FB1]  }
0x3d: {  	_ =	shalt  }
0x3e: {  	_ =	shalt  }
0x3f: {  	_ =	shalt  }
0x40: {  	_ =	shalt  }
0x41: {  	_ =	shalt  }
0x42: {  	_ =	shalt  }
0x43: {  	_ =	shalt  }
0x44: {  	_ =	shalt  }
0x45: {  	_ =	shalt  }
0x46: {  	_ =	shalt  }
0x47: {  	_ =	shalt  }
0x48: {  	_ =	shalt  }
0x49: {  	_ =	shalt  }
0x4a: {  	_ =	shalt  }
0x4b: {  	_ =	shalt  }
0x4c: {  	_ =	shalt  }
0x4d: {  	_ =	shalt  }
0x4e: {  	_ =	shalt  }
0x4f: {  	_ =	shalt  }
0x50: {  	_ =	shalt  }
0x51: {  	_ =	shalt  }
0x52: {  	_ =	shalt  }
0x53: {  	_ =	shalt  }
0x54: {  	_ =	shalt  }
0x55: {  	_ =	shalt  }
0x56: {  	_ =	shalt  }
0x57: {  	_ =	shalt  }
0x58: {  	_ =	shalt  }
0x59: {  	_ =	shalt  }
0x5a: {  	_ =	shalt  }
0x5b: {  	_ =	shalt  }
0x5c: {  	_ =	shalt  }
0x5d: {  	_ =	shalt  }
0x5e: {  	_ =	shalt  }
0x5f: {  	_ =	shalt  }
0x60: {  	_ =	shalt  }
0x61: {  	_ =	shalt  }
0x62: {  	_ =	shalt  }
0x63: {  	_ =	shalt  }
0x64: {  	_ =	shalt  }
0x65: {  	_ =	shalt  }
0x66: {  	_ =	shalt  }
0x67: {  	_ =	shalt  }
0x68: {  	_ =	shalt  }
0x69: {  	_ =	shalt  }
0x6a: {  	_ =	shalt  }
0x6b: {  	_ =	shalt  }
0x6c: {  	_ =	shalt  }
0x6d: {  	_ =	shalt  }
0x6e: {  	_ =	shalt  }
0x6f: {  	_ =	shalt  }
0x70: {  	_ =	shalt  }
0x71: {  	_ =	shalt  }
0x72: {  	_ =	shalt  }
0x73: {  	_ =	shalt  }
0x74: {  	_ =	shalt  }
0x75: {  	_ =	shalt  }
0x76: {  	_ =	shalt  }
0x77: {  	_ =	shalt  }
0x78: {  	_ =	shalt  }
0x79: {  	_ =	shalt  }
0x7a: {  	_ =	shalt  }
0x7b: {  	_ =	shalt  }
0x7c: {  	_ =	shalt  }
0x7d: {  	_ =	shalt  }
0x7e: {  	_ =	shalt  }
0x7f: {  	_ =	shalt  }
0x80: {  	_ =	shalt  }
0x81: {  	_ =	shalt  }
0x82: {  	_ =	shalt  }
0x83: {  	_ =	shalt  }
0x84: {  	_ =	shalt  }
0x85: {  	_ =	shalt  }
0x86: {  	_ =	shalt  }
0x87: {  	_ =	shalt  }
.Lfunc_end0:
.L_simem_size_0:
called_computation.5_lowered:
.L_overlay_start_0:
0x88: {  	s2 =	sld [smem:$0x3FD9]  }
0x89: {  	s3 =	sld [smem:$0x3FFE];
	_ =	sdelay $0x1  }
0x8a: {  	s1 =	srdreg.scid  }
0x8b: {  	s0 =	sand.u32 $0x1, s1  }
0x8c: {  	s14 =	sshll.u32 s0, $0xA;
	s2 =	sadd.s32 s3, s2  }
0x8d: {  	s2 =	sadd.s32 s2, s14  }
0x8e: {  	[smem:$0x3FBD] =	sst s2  }
0x8f: {  	_ = 	snop  }
0x90: {  	s2 =	sld [smem:$0x3FD0];
	_ =	sdelay $0x2  }
0x91: {  	s15 =	simm.s32 $0xA;
	s4 =	simm.s32 $0x10  }
0x92: {  	[smem:s4], [sflag:s15] =	dma.local [hbm:s2], $0x1  }
0x93: {  	_ =	swait.eq [sflag:s15], $0x1  }
0x94: {  	[sflag:s15] =	ssyncset.done $0x0  }
0x95: {  	s16 =	sld [smem:$0x10];
	[sflag:s15] =	ssyncadd.s32 $0xFFFFFFFF  }
0x96: {  	s17 =	sld [smem:$0x11];
	(tm) =	ssettm $0x1  }
0x97: {  	s18 =	sld [smem:$0x3FFB];
	_ =	sdelay $0x3  }
0x98: {  	_ =	strace s18  }
0x99: {  	s4 =	sld [smem:$0x3FFC];
	_ =	sdelay $0x3  }
0x9a: {  	_ =	strace s4  }
0x9b: {  	s4 =	sld [smem:$0x3FFD];
	_ =	sdelay $0x3  }
0x9c: {  	_ =	strace s4  }
0x9d: {  	_ =	strace $0x8FFFFFFF  }
0x9e: {  	s19 =	sld [smem:$0x3FDB];
	_ =	sdelay $0x1  }
0x9f: {  	s5 =	simm.s32 $_scs_section_size  }
0xa0: {  	s6 =	simm.s32 $_size__tile_overlayer_lowered;
	s7 =	simm.s32 $_tile_overlayer_lowered  }
0xa1: {  	s22 =	simm.s32 $0x1BFF;
	s21 =	sshll.u32 s7, $0x1;
	s4 =	sadd.s32 s5, s19  }
0xa2: {  	s8 =	simm.s32 $0x0;
	s20 =	sshll.u32 s6, $0x1;
	s6 =	sadd.s32 s21, s4  }
0xa3: {  	[timem:s8], [sflag:s22] =	dma.local [hbm:s6], s20  }
0xa4: {  	_ =	swait.ge [sflag:s22], s20  }
0xa5: {  	s5 =	ssub.s32 $0x0, s20;
	[sflag:s22] =	ssyncset.done $0x0  }
0xa6: {  	[sflag:s22] =	ssyncadd.s32 s5;
	_ =	sdelay $0x1  }
0xa7: {  	s23 =	simm.s32 $0x1B8B  }
0xa8: {  	_ =	swait.ge [sflag:s23], $0x1  }
0xa9: {  	[sflag:s23] =	ssyncset.done $0x0  }
0xaa: {  	s25 =	simm.s32 $0x1B8E;
	s24 =	sld [smem:$0x3FFE];
	[sflag:s23] =	ssyncadd.s32 $0xFFFFFFFF  }
0xab: {  	s26 =	simm.s32 $execute0_lowered;
	[smem:$0x3FD2] =	sst s25  }
0xac: {  	s6 =	sshll.u32 s26, $0x1;
	_ =	strace $0x80000055;
	[dreg:$0x1] =	wrdreg $0xFFFFFFFF  }
0xad: {  	s28 =	simm.s32 $_size_execute0_lowered;
	s4 =	sadd.s32 s4, s6;
	[dreg:$0x0] =	wrdreg $0x0  }
0xae: {  	s6 =	sshll.u32 s28, $0x1;
	[dreg:$0x2] =	wrdreg s4  }
0xaf: {  	[dreg:$0x3] =	wrdreg s6  }
0xb0: {  	[dreg:$0x4] =	wrdreg $0xC0  }
0xb1: {  	_ =	task [dreg:s8], $0x5FFFF  }
0xb2: {  	[dreg:$0x1] =	wrdreg $0xFFFFFFFF  }
0xb3: {  	[dreg:$0x0] =	wrdreg $0x60  }
0xb4: {  	[dreg:$0x2] =	wrdreg s24  }
0xb5: {  	[dreg:$0x3] =	wrdreg s17  }
0xb6: {  	[dreg:$0x4] =	wrdreg s16  }
0xb7: {  	[dreg:$0x5] =	wrdreg $0x0  }
0xb8: {  	[dreg:$0x6] =	wrdreg $0x9  }
0xb9: {  	_ =	task.clear_ibuf [dreg:s8], $0x7FFFF;
	_ =	strace $0x90000055  }
0xba: {  	s29 =	simm.s32 $0x9;
	_ =	strace $0x80000057  }
0xbb: {  	_ =	swait.ge [sflag:s29], $0x1  }
0xbc: {  	[sflag:s29] =	ssyncadd.s32 $0xFFFFFFFF  }
0xbd: {  	_ =	strace $0x90000057  }
0xbe: {  	_ =	sfence  }
0xbf: {  	s30 =	sld [smem:$0x0];
	_ =	sdelay $0x2  }
0xc0: {  	s31 =	sshll.u32 s1, $0xD;
	s1 =	sshrl.u32 s1, $0x2  }
0xc1: {  	s3 =	sand.u32 $0x4000, s31;
	s1 =	sadd.s32 s1, s30  }
0xc2: {  	s0 =	sor.u32 s3, s0;
	s1 =	sshll.u32 s1, $0x11  }
0xc3: {  	s0 =	sor.u32 s1, s0  }
0xc4: {  	s0 =	sadd.s32 $0x8F2B, s0  }
0xc5: {  	[sflag:s0] =	ssyncadd.remote.s32 $0x1  }
0xc6: {  	_ =	sfence.sel $0xFFFF  }
0xc7: {  	[dreg:$0x0] =	wrdreg $0xFFFFFFFF;
	(pc) =	sbr.abs _section_cstart, $3  }
0xc8: {  	[dreg:$0x1] =	wrdreg $0xFFFFFFFF  }
0xc9: {  	_ =	task.clear_ibuf [dreg:s8], $0x2FFFF;
	_ =	strace $0x9FFFFFFF  }
0xca: {  	(tm) =	ssettm $0x7FFFFFFF  }
0xcb: {  	_ =	shalt  }
tec
execute0_lowered:
.L_overlay_start_1:
0x0: {  	(tag) =	ssettag $0x1  }
0x1: {  	s7 =	rddreg [dreg:$0x0]  }
0x2: {  	s8 =	rddreg [dreg:$0x1]  }
0x3: {  	s9 =	rddreg [dreg:$0x2]  }
0x4: {  	s2 =	rddreg [dreg:$0x3]  }
0x5: {  	s0 =	rddreg [dreg:$0x4];
	s4 =	srdreg.scid  }
0x6: {  	s3 =	simm.s32 $0x0;
	s1 =	stileid.u32;
	s17 =	simm.s32 $0x70  }
0x7: {  	s18 =	simm.s32 $0x13C00;
	s19 =	simm.s32 $0x1AC70;
	s20 =	simm.s32 $0x17400  }
0x8: {  	s21 =	simm.s32 $0x1;
	s22 =	simm.s32 $0x2;
	s23 =	simm.s32 $0x3  }
0x9: {  	s24 =	simm.s32 $0x4;
	s25 =	simm.s32 $0x1FA00;
	s26 =	simm.s32 $0x1FA70  }
0xa: {  	s28 =	simm.s32 $0x0;
	s6 =	sand.u32 $0x1, s4;
	s10 =	smul.u32 $0x278, s1  }
0xb: {  	[smem:$0x7FF] =	sst s3;
	s5 =	sadd.s32 $0xA7400, s7;
	s13 =	smul.u32 $0x4EC, s1  }
0xc: {  	s15 =	smul.u32 $0x4F000, s1;
	s31 =	sshll.u32 s1, $0x6;
	s4 =	sshll.u32 s6, $0x4  }
0xd: {  	_ =	strace $0x80000056;
	s11 =	smul.u32 $0x2800, s6;
	s29 =	ssub.s32 $0x2, s6  }
0xe: {  	s6 =	sadd.s32 $0x54C00, s7;
	s12 =	sor.u32 s1, s4;
	s4 =	sadd.s32 $0x4C00, s7  }
0xf: {  	s14 =	sshrl.u32 s29, $0x1;
	s30 =	sshrl.u32 s15, $0x2;
	s15 =	sor.u32 $0x1C05, s31  }
0x10: {  	s12 =	smul.u32 $0x4EC, s12;
	s10 =	sadd.s32 s10, s11;
	s11 =	ssub.s32 s29, s14  }
0x11: {  	s16 =	sadd.s32 s30, s2;
	s14 =	simm.s32 $0x1D380;
	s10 =	sshll.u32 s10, $0x4  }
0x12: {  	s11 =	smax.u32 s11, $0x1;
	s16 =	sshrl.u32 s16, $0x3;
	s10 =	sadd.s32 s10, s7  }
0x13: {  	s7 =	sadd.s32 s8, s12;
	s8 =	sadd.s32 s9, s13;
	s12 =	simm.s32 $0x1AC00  }
0x14: {  	s13 =	simm.s32 $0x5;
	s9 =	sadd.s32 $0x57400, s10;
	s10 =	sadd.s32 $0xF7400, s10  }
.LBB2_1:
0x15: {  	[tilespmem:s12], [sflag:$0x5] =	stream.linear.gather [hbm4b:s7+s3], $0x2760, $0x38;
	[tilespmem:$0x1FB00] =	vst v63  }
0x16: {  	_ =	swait.ge [sflag:s13], $0x2760  }
0x17: {  	[sflag:s13] =	ssyncset.done $0x0  }
0x18: {  	[sflag:s13] =	ssyncadd.s32 $0xFFFFD8A0  }
0x19: {  	[tilespmem:s14], [sflag:$0x5] =	stream.linear.gather [hbm4b:s8+s3], $0x2760, $0x38;
	[tilespmem:$0x1FB00] =	vst v63  }
0x1a: {  	_ =	swait.ge [sflag:s13], $0x2760  }
0x1b: {  	[sflag:s13] =	ssyncset.done $0x0  }
0x1c: {  	[sflag:s13] =	ssyncadd.s32 $0xFFFFD8A0  }
0x1d: {  	[spmem:s16], [sflag:s15] =	dma.local [hbm:s6], $0x2780  }
0x1e: {  	_ =	swait.ge [sflag:s13], $0x2780  }
0x1f: {  	[sflag:s13] =	ssyncset.done $0x0  }
0x20: {  	[sflag:s13] =	ssyncadd.s32 $0xFFFFD880  }
0x21: {  	[bflag:$0x0] =	sbarrier.arrive $0xFFFF  }
0x22: {  	[tilespmem:s18], [sflag:$0x1] =	stream.indirect.gather [hbm4b:s4+s17], $0x80, s12, s17, $0xb8;
	[tilespmem:$0x1FB00] =	vst v63  }
0x23: {  	_ = 	snop  }
0x24: {  	[tilespmem:s20], [sflag:$0x2] =	stream.indirect.gather [hbm4b:s4+s17], $0x80, s19, s17, $0xb8;
	[tilespmem:$0x1FB00] =	vst v63  }
0x25: {  	_ =	swait.ge [sflag:s21], $0x3800  }
0x26: {  	[sflag:s21] =	ssyncset.done $0x0  }
0x27: {  	s29 =	simm.s32 $0x1D380;
	[sflag:s21] =	ssyncadd.s32 $0xFFFFC800  }
0x28: {  	[spmem:s2] =	stream.indirect.scatter.add.f32 [tilespmem:s18], [sflag:$0x3], $0x80, s29, s17, $0xb8;
	[tilespmem:$0x1FB00] =	vst v63  }
0x29: {  	_ =	swait.ge [sflag:s22], $0x3800  }
0x2a: {  	[sflag:s22] =	ssyncset.done $0x0  }
0x2b: {  	s29 =	simm.s32 $0x1D3F0;
	[sflag:s22] =	ssyncadd.s32 $0xFFFFC800  }
0x2c: {  	[spmem:s2] =	stream.indirect.scatter.add.f32 [tilespmem:s20], [sflag:$0x4], $0x80, s29, s17, $0xb8;
	[tilespmem:$0x1FB00] =	vst v63  }
0x2d: {  	_ =	swait.ge [sflag:s23], $0x3800  }
0x2e: {  	[sflag:s23] =	ssyncset.done $0x0  }
0x2f: {  	s29 =	simm.s32 $0x1ACE0;
	[sflag:s23] =	ssyncadd.s32 $0xFFFFC800  }
0x30: {  	[tilespmem:s18], [sflag:$0x1] =	stream.indirect.gather [hbm4b:s4+s17], $0x80, s29, s17, $0xb8;
	[tilespmem:$0x1FB00] =	vst v63  }
0x31: {  	_ =	swait.ge [sflag:s24], $0x3800  }
0x32: {  	[sflag:s24] =	ssyncset.done $0x0  }
0x33: {  	s30 =	simm.s32 $0x1AD50;
	s29 =	simm.s32 $0x380;
	[sflag:s24] =	ssyncadd.s32 $0xFFFFC800  }
.LBB2_2:
0x34: {  	[tilespmem:s20], [sflag:$0x2] =	stream.indirect.gather [hbm4b:s4+s17], $0x80, s30, s17, $0xb8;
	[tilespmem:$0x1FB00] =	vst v63  }
0x35: {  	s30 =	smov.u32 s29  }
0x36: {  	p0 =	sne.s32 s29, $0x9680;
	s29 =	sadd.s32 $0x380, s29;
	_ =	swait.ge [sflag:s21], $0x3800  }
0x37: {  	s30 =	sshra.s32 s30, $0x2;
	[sflag:s21] =	ssyncset.done $0x0  }
0x38: {  	s31 =	sadd.s32 $0x1D380, s30;
	[sflag:s21] =	ssyncadd.s32 $0xFFFFC800  }
0x39: {  	[spmem:s2] =	stream.indirect.scatter.add.f32 [tilespmem:s18], [sflag:$0x3], $0x80, s31, s17, $0xb8;
	[tilespmem:$0x1FB00] =	vst v63  }
0x3a: {  	_ =	swait.ge [sflag:s22], $0x3800  }
0x3b: {  	[sflag:s22] =	ssyncset.done $0x0  }
0x3c: {  	s31 =	sadd.s32 $0x1D3F0, s30;
	[sflag:s22] =	ssyncadd.s32 $0xFFFFC800  }
0x3d: {  	[spmem:s2] =	stream.indirect.scatter.add.f32 [tilespmem:s20], [sflag:$0x4], $0x80, s31, s17, $0xb8;
	[tilespmem:$0x1FB00] =	vst v63  }
0x3e: {  	_ =	swait.ge [sflag:s23], $0x3800  }
0x3f: {  	[sflag:s23] =	ssyncset.done $0x0  }
.Ltmp0:
0x40: {  	s31 =	sadd.s32 $0x1ACE0, s30;
	[sflag:s23] =	ssyncadd.s32 $0xFFFFC800;
	(pc) =	sbr.rel @p0 .LBB2_2-.Ltmp0, $4  }
0x41: {  	[tilespmem:s18], [sflag:$0x1] =	stream.indirect.gather [hbm4b:s4+s17], $0x80, s31, s17, $0xb8;
	[tilespmem:$0x1FB00] =	vst v63  }
0x42: {  	_ =	swait.ge [sflag:s24], $0x3800  }
0x43: {  	[sflag:s24] =	ssyncset.done $0x0  }
0x44: {  	s30 =	sadd.s32 $0x1AD50, s30;
	[sflag:s24] =	ssyncadd.s32 $0xFFFFC800  }
0x45: {  	[tilespmem:s20], [sflag:$0x2] =	stream.indirect.gather [hbm4b:s4+s17], $0x80, s30, s17, $0xb8;
	[tilespmem:$0x1FB00] =	vst v63  }
0x46: {  	_ =	swait.ge [sflag:s21], $0x3800  }
0x47: {  	[sflag:s21] =	ssyncset.done $0x0  }
0x48: {  	[sflag:s21] =	ssyncadd.s32 $0xFFFFC800  }
0x49: {  	[spmem:s2] =	stream.indirect.scatter.add.f32 [tilespmem:s18], [sflag:$0x3], $0x80, s25, s17, $0xb8;
	[tilespmem:$0x1FB00] =	vst v63  }
0x4a: {  	_ =	swait.ge [sflag:s22], $0x3800  }
0x4b: {  	[sflag:s22] =	ssyncset.done $0x0  }
0x4c: {  	[sflag:s22] =	ssyncadd.s32 $0xFFFFC800  }
0x4d: {  	[spmem:s2] =	stream.indirect.scatter.add.f32 [tilespmem:s20], [sflag:$0x4], $0x80, s26, s17, $0xb8;
	[tilespmem:$0x1FB00] =	vst v63  }
0x4e: {  	_ =	swait.ge [sflag:s23], $0x3800  }
0x4f: {  	[sflag:s23] =	ssyncset.done $0x0  }
0x50: {  	[sflag:s23] =	ssyncadd.s32 $0xFFFFC800  }
0x51: {  	_ =	swait.ge [sflag:s24], $0x3800  }
0x52: {  	[sflag:s24] =	ssyncset.done $0x0  }
0x53: {  	[sflag:s24] =	ssyncadd.s32 $0xFFFFC800  }
0x54: {  	[bflag:$0x0] =	sbarrier.arrive $0xFFFF  }
0x55: {  	[hbm:s9], [sflag:s15] =	dma.local [spmem:s16], $0x2780  }
0x56: {  	_ =	swait.ge [sflag:s13], $0x2780  }
0x57: {  	[sflag:s13] =	ssyncset.done $0x0  }
0x58: {  	[sflag:s13] =	ssyncadd.s32 $0xFFFFD880  }
0x59: {  	[bflag:$0x0] =	sbarrier.arrive $0xFFFF  }
0x5a: {  	[spmem:s16], [sflag:s15] =	dma.local [hbm:s6], $0x2780  }
0x5b: {  	_ =	swait.ge [sflag:s13], $0x2780  }
0x5c: {  	[sflag:s13] =	ssyncset.done $0x0  }
0x5d: {  	[sflag:s13] =	ssyncadd.s32 $0xFFFFD880  }
0x5e: {  	[bflag:$0x0] =	sbarrier.arrive $0xFFFF  }
0x5f: {  	[tilespmem:s18], [sflag:$0x1] =	stream.indirect.gather [hbm4b:s5+s17], $0x80, s12, s17, $0xb8;
	[tilespmem:$0x1FB00] =	vst v63  }
0x60: {  	_ = 	snop  }
0x61: {  	[tilespmem:s20], [sflag:$0x2] =	stream.indirect.gather [hbm4b:s5+s17], $0x80, s19, s17, $0xb8;
	[tilespmem:$0x1FB00] =	vst v63  }
0x62: {  	_ =	swait.ge [sflag:s21], $0x3800  }
0x63: {  	[sflag:s21] =	ssyncset.done $0x0  }
0x64: {  	s29 =	simm.s32 $0x1D380;
	[sflag:s21] =	ssyncadd.s32 $0xFFFFC800  }
0x65: {  	[spmem:s2] =	stream.indirect.scatter.add.f32 [tilespmem:s18], [sflag:$0x3], $0x80, s29, s17, $0xb8;
	[tilespmem:$0x1FB00] =	vst v63  }
0x66: {  	_ =	swait.ge [sflag:s22], $0x3800  }
0x67: {  	[sflag:s22] =	ssyncset.done $0x0  }
0x68: {  	s29 =	simm.s32 $0x1D3F0;
	[sflag:s22] =	ssyncadd.s32 $0xFFFFC800  }
0x69: {  	[spmem:s2] =	stream.indirect.scatter.add.f32 [tilespmem:s20], [sflag:$0x4], $0x80, s29, s17, $0xb8;
	[tilespmem:$0x1FB00] =	vst v63  }
0x6a: {  	_ =	swait.ge [sflag:s23], $0x3800  }
0x6b: {  	[sflag:s23] =	ssyncset.done $0x0  }
0x6c: {  	s29 =	simm.s32 $0x1ACE0;
	[sflag:s23] =	ssyncadd.s32 $0xFFFFC800  }
0x6d: {  	[tilespmem:s18], [sflag:$0x1] =	stream.indirect.gather [hbm4b:s5+s17], $0x80, s29, s17, $0xb8;
	[tilespmem:$0x1FB00] =	vst v63  }
0x6e: {  	_ =	swait.ge [sflag:s24], $0x3800  }
0x6f: {  	[sflag:s24] =	ssyncset.done $0x0  }
0x70: {  	s30 =	simm.s32 $0x1AD50;
	s29 =	simm.s32 $0x380;
	[sflag:s24] =	ssyncadd.s32 $0xFFFFC800  }
.LBB2_4:
0x71: {  	[tilespmem:s20], [sflag:$0x2] =	stream.indirect.gather [hbm4b:s5+s17], $0x80, s30, s17, $0xb8;
	[tilespmem:$0x1FB00] =	vst v63  }
0x72: {  	s30 =	smov.u32 s29  }
0x73: {  	p0 =	sne.s32 s29, $0x9680;
	s29 =	sadd.s32 $0x380, s29;
	_ =	swait.ge [sflag:s21], $0x3800  }
0x74: {  	s30 =	sshra.s32 s30, $0x2;
	[sflag:s21] =	ssyncset.done $0x0  }
0x75: {  	s31 =	sadd.s32 $0x1D380, s30;
	[sflag:s21] =	ssyncadd.s32 $0xFFFFC800  }
0x76: {  	[spmem:s2] =	stream.indirect.scatter.add.f32 [tilespmem:s18], [sflag:$0x3], $0x80, s31, s17, $0xb8;
	[tilespmem:$0x1FB00] =	vst v63  }
0x77: {  	_ =	swait.ge [sflag:s22], $0x3800  }
0x78: {  	[sflag:s22] =	ssyncset.done $0x0  }
0x79: {  	s31 =	sadd.s32 $0x1D3F0, s30;
	[sflag:s22] =	ssyncadd.s32 $0xFFFFC800  }
0x7a: {  	[spmem:s2] =	stream.indirect.scatter.add.f32 [tilespmem:s20], [sflag:$0x4], $0x80, s31, s17, $0xb8;
	[tilespmem:$0x1FB00] =	vst v63  }
0x7b: {  	_ =	swait.ge [sflag:s23], $0x3800  }
0x7c: {  	[sflag:s23] =	ssyncset.done $0x0  }
.Ltmp1:
0x7d: {  	s31 =	sadd.s32 $0x1ACE0, s30;
	[sflag:s23] =	ssyncadd.s32 $0xFFFFC800;
	(pc) =	sbr.rel @p0 .LBB2_4-.Ltmp1, $4  }
0x7e: {  	[tilespmem:s18], [sflag:$0x1] =	stream.indirect.gather [hbm4b:s5+s17], $0x80, s31, s17, $0xb8;
	[tilespmem:$0x1FB00] =	vst v63  }
0x7f: {  	_ =	swait.ge [sflag:s24], $0x3800  }
0x80: {  	[sflag:s24] =	ssyncset.done $0x0  }
0x81: {  	s30 =	sadd.s32 $0x1AD50, s30;
	[sflag:s24] =	ssyncadd.s32 $0xFFFFC800  }
0x82: {  	[tilespmem:s20], [sflag:$0x2] =	stream.indirect.gather [hbm4b:s5+s17], $0x80, s30, s17, $0xb8;
	[tilespmem:$0x1FB00] =	vst v63  }
0x83: {  	_ =	swait.ge [sflag:s21], $0x3800  }
0x84: {  	[sflag:s21] =	ssyncset.done $0x0  }
0x85: {  	[sflag:s21] =	ssyncadd.s32 $0xFFFFC800  }
0x86: {  	[spmem:s2] =	stream.indirect.scatter.add.f32 [tilespmem:s18], [sflag:$0x3], $0x80, s25, s17, $0xb8;
	[tilespmem:$0x1FB00] =	vst v63  }
0x87: {  	_ =	swait.ge [sflag:s22], $0x3800  }
0x88: {  	[sflag:s22] =	ssyncset.done $0x0  }
0x89: {  	[sflag:s22] =	ssyncadd.s32 $0xFFFFC800  }
0x8a: {  	[spmem:s2] =	stream.indirect.scatter.add.f32 [tilespmem:s20], [sflag:$0x4], $0x80, s26, s17, $0xb8;
	[tilespmem:$0x1FB00] =	vst v63  }
0x8b: {  	_ =	swait.ge [sflag:s23], $0x3800  }
0x8c: {  	[sflag:s23] =	ssyncset.done $0x0  }
0x8d: {  	[sflag:s23] =	ssyncadd.s32 $0xFFFFC800  }
0x8e: {  	_ =	swait.ge [sflag:s24], $0x3800  }
0x8f: {  	[sflag:s24] =	ssyncset.done $0x0  }
0x90: {  	s28 =	sadd.s32 $0x1, s28;
	[sflag:s24] =	ssyncadd.s32 $0xFFFFC800  }
0x91: {  	p0 =	sne.s32 s28, s11;
	[bflag:$0x0] =	sbarrier.arrive $0xFFFF  }
0x92: {  	[hbm:s10], [sflag:s15] =	dma.local [spmem:s16], $0x2780  }
.Ltmp2:
0x93: {  	_ =	swait.ge [sflag:s13], $0x2780;
	(pc) =	sbr.rel @p0 .LBB2_1-.Ltmp2, $3  }
0x94: {  	[sflag:s13] =	ssyncset.done $0x0  }
0x95: {  	[sflag:s13] =	ssyncadd.s32 $0xFFFFD880  }
0x96: {  	[bflag:$0x0] =	sbarrier.arrive $0xFFFF;
	_ =	sdelay $0x1  }
0x97: {  	_ =	sfence.sel $0x180000  }
0x98: {  	[bflag:$0x0] =	sbarrier.arrive $0xFFFF  }
0x99: {  	p0 =	sne.s32 s1, $0x0;
	_ =	strace $0x90000056  }
0x9a: {  	s0 =	sadd.s32 @!p0 $0x100000, s0;
	[bflag:$0x2] =	sbarrier.arrive $0xFFFF  }
0x9b: {  	[sflag:s0] =	ssyncadd.tile.s32 @!p0 $0x1;
	_ =	shalt  }
.Lfunc_end2:
_tile_overlayer_lowered:
.L_overlay_start_2:
0x9c: {  	(tag) =	ssettag $0x2  }
0x9d: {  	s0 =	rddreg [dreg:$0x0];
	s2 =	stileid.u32  }
0x9e: {  	s1 =	rddreg [dreg:$0x1];
	p0 =	sne.s32 s2, $0x0  }
0x9f: {  	s3 =	rddreg [dreg:$0x2];
	[bflag:$0x3] =	sbarrier.arrive $0xFFFF;
	s2 =	simm.s32 @!p0 $0x1C05  }
0xa0: {  	[timem:s3], [sflag:s2] =	dma.local @!p0 [hbm:s0], s1  }
0xa1: {  	s0 =	simm.s32 @!p0 $0x5  }
0xa2: {  	_ =	swait.ge @!p0 [sflag:s0], s1  }
0xa3: {  	s1 =	ssub.s32 @!p0 $0x0, s1;
	[sflag:s0] =	ssyncset.done @!p0 $0x0  }
0xa4: {  	[sflag:s0] =	ssyncadd.s32 @!p0 s1  }
0xa5: {  	[bflag:$0x3] =	sbarrier.arrive $0xFFFF  }
0xa6: {  	_ =	shalt  }

</sc_bundles>
